<compile_context>
chip_gen: v7x
topology: tpu7x:2x2x1
jax: 0.10.2.dev20260603
libtpu: 0.0.44.dev20260713+nightly
codegen_flags: <defaults>
</compile_context>

<pallas_src>
import dataclasses
import functools

import jax
import jax.numpy as jnp
from jax import lax
from jax.experimental import pallas as pl
from jax.experimental.pallas import tpu as pltpu
from jax.experimental.pallas import tpu_sc as plsc

_N = 10000
_E = 320000
_D_IN = 128
_D_HID = 256
_D_OUT = 128

_NC = 2
_NS = 16
_NW = _NC * _NS
_L = 16

_CH = 128
_SB = 8
_PER_W = 80
_NSB = _PER_W // _SB
_NCHUNK = _PER_W * _NW
_EP = _NCHUNK * _CH
_NP = 10112
_RPS = _NP // _NS


def _sc_agg_call(feat, src2, dst2, zf, zv, compute_deg):
    mesh = plsc.VectorSubcoreMesh(core_axis_name="c", subcore_axis_name="s")

    out_type = [jax.ShapeDtypeStruct((_NC, _NP, 128), jnp.float32)]
    scratch = [
        pltpu.VMEM_SHARED((_NP, 128), jnp.float32),
        pltpu.VMEM((_SB, _CH), jnp.int32),
        pltpu.VMEM((_SB, _CH), jnp.int32),
        pltpu.VMEM((_SB, _CH), jnp.int32),
        pltpu.VMEM((_SB, _CH), jnp.int32),
        pltpu.VMEM((_CH, 128), jnp.float32),
        pltpu.VMEM((_CH, 128), jnp.float32),
        pltpu.SemaphoreType.DMA,
        pltpu.SemaphoreType.DMA,
        pltpu.SemaphoreType.DMA,
        pltpu.SemaphoreType.DMA,
        pltpu.SemaphoreType.DMA,
        pltpu.SemaphoreType.DMA,
        pltpu.SemaphoreType.DMA,
        pltpu.SemaphoreType.DMA,
    ]
    if compute_deg:
        out_type.append(jax.ShapeDtypeStruct((_NW, _NP), jnp.float32))
        scratch.append(pltpu.VMEM((_NP,), jnp.float32))

    cp = pltpu.CompilerParams()
    if compute_deg and (
            "needs_layout_passes" in pltpu.CompilerParams.__dataclass_fields__):
        cp = dataclasses.replace(cp, needs_layout_passes=False)

    @functools.partial(
        pl.kernel,
        out_type=out_type,
        mesh=mesh,
        scratch_types=scratch,
        compiler_params=cp,
    )
    def k(feat_hbm, src_hbm, dst_hbm, zf_hbm, zv_hbm, *rest):
        if compute_deg:
            (agg_out, deg_out, accum, srcA, dstA, srcB, dstB, rows0, rows1,
             ias, iad, ibs, ibd, g0, g1, sc0, sc1, deg_v) = rest
        else:
            (agg_out, accum, srcA, dstA, srcB, dstB, rows0, rows1,
             ias, iad, ibs, ibd, g0, g1, sc0, sc1) = rest
            deg_v = None
        c = lax.axis_index("c")
        s = lax.axis_index("s")
        w = s * _NC + c
        r0 = s * _RPS
        rows = (rows0, rows1)
        gsem = (g0, g1)
        scsem = (sc0, sc1)
        ones16 = jnp.ones((_L,), jnp.float32)

        pltpu.sync_copy(zf_hbm.at[pl.ds(r0, _RPS)], accum.at[pl.ds(r0, _RPS)])
        if compute_deg:
            pltpu.sync_copy(zv_hbm, deg_v)
        plsc.subcore_barrier()

        def sb_row(sb):
            return w * _PER_W + sb * _SB

        def fire_idx(sb, sbuf, dbuf, ssem, dsem):
            pltpu.async_copy(src_hbm.at[pl.ds(sb_row(sb), _SB)], sbuf, ssem)
            pltpu.async_copy(dst_hbm.at[pl.ds(sb_row(sb), _SB)], dbuf, dsem)

        def wait_idx(sb, sbuf, dbuf, ssem, dsem):
            pltpu.make_async_copy(
                src_hbm.at[pl.ds(sb_row(sb), _SB)], sbuf, ssem).wait()
            pltpu.make_async_copy(
                dst_hbm.at[pl.ds(sb_row(sb), _SB)], dbuf, dsem).wait()

        def fire_gather(sbuf, j, rbuf, sem):
            pltpu.async_copy(feat_hbm.at[sbuf.at[j]], rbuf, sem)

        def wait_gather(sbuf, j, rbuf, sem):
            pltpu.make_async_copy(feat_hbm.at[sbuf.at[j]], rbuf, sem).wait()

        def fire_scatter(dbuf, j, par):
            pltpu.async_copy(rows[par], accum.at[dbuf.at[j]], scsem[par],
                             add=True)

        def wait_scatter(dbuf, j, par):
            pltpu.make_async_copy(rows[par], accum.at[dbuf.at[j]],
                                  scsem[par]).wait()

        def inner(sb, sbuf, dbuf, cross, first_wait):
            for j in range(_SB):
                if j < _SB - 1:
                    par = (j + 1) % 2
                    if first_wait is None and j == 0:
                        pass
                    elif j == 0:
                        first_wait(par)
                    else:
                        wait_scatter(dbuf, j - 1, par)
                    fire_gather(sbuf, j + 1, rows[par], gsem[par])
                elif cross is not None:
                    wait_scatter(dbuf, j - 1, 0)
                    cross()
                wait_gather(sbuf, j, rows[j % 2], gsem[j % 2])
                if compute_deg:
                    for l in range(_CH // _L):
                        idx16 = dbuf[j, pl.ds(l * _L, _L)]
                        plsc.addupdate_scatter(deg_v, [idx16], ones16)
                fire_scatter(dbuf, j, j % 2)

        fire_idx(0, srcA, dstA, ias, iad)
        wait_idx(0, srcA, dstA, ias, iad)
        fire_idx(1, srcB, dstB, ibs, ibd)
        fire_gather(srcA, 0, rows0, g0)

        @pl.loop(0, _NSB // 2)
        def _(kk):
            sb_a = 2 * kk
            not_last = kk < _NSB // 2 - 1
            not_first = kk > 0

            def first_wait_a(par):
                @pl.when(not_first)
                def _():
                    wait_scatter(srcB, _SB - 1, par)

            def first_wait_b(par):
                wait_scatter(srcA, _SB - 1, par)

            def cross_a():
                wait_idx(sb_a + 1, srcB, dstB, ibs, ibd)
                fire_gather(srcB, 0, rows0, g0)

            inner(sb_a, srcA, dstA, cross_a, first_wait_a)

            @pl.when(not_last)
            def _():
                fire_idx(sb_a + 2, srcA, dstA, ias, iad)

            def cross_b():
                @pl.when(not_last)
                def _():
                    wait_idx(sb_a + 2, srcA, dstA, ias, iad)
                    fire_gather(srcA, 0, rows0, g0)

            inner(sb_a + 1, srcB, dstB, cross_b, first_wait_b)

            @pl.when(not_last)
            def _():
                fire_idx(sb_a + 3, srcB, dstB, ibs, ibd)

        wait_scatter(srcB, _SB - 1, 1)
        plsc.subcore_barrier()
        pltpu.sync_copy(accum.at[pl.ds(r0, _RPS)], agg_out.at[c, pl.ds(r0, _RPS)])
        if compute_deg:
            pltpu.sync_copy(deg_v, deg_out.at[w])

    res = k(feat, src2, dst2, zf, zv)
    if compute_deg:
        return res[0], res[1]
    return res[0], None


_BLK = 1000


def _dot(a, b):
    return jax.lax.dot_general(
        a, b, (((1,), (0,)), ((), ())),
        preferred_element_type=jnp.float32)


def _deg_col(dp_r):
    return jnp.sum(dp_r[...], axis=1, keepdims=True)


def _dense1_body(x_r, a_r, dp_r, ws1_r, wn1_r, b1_r, ws2_r,
                 wn2_r, b2_r, o1_r, o2_r):
    deginv = 1.0 / jnp.maximum(_deg_col(dp_r), 1.0)
    agg = (a_r[0] + a_r[1]) * deginv
    h1 = _dot(x_r[...], ws1_r[...]) + _dot(agg, wn1_r[...]) + b1_r[...]
    h1 = jnp.maximum(h1, 0.0)
    o1_r[...] = _dot(h1, ws2_r[...]) + b2_r[...]
    o2_r[...] = _dot(h1, wn2_r[...])


def _dense1(x, aggp, dp, Ws1, Wn1, b1, Ws2, Wn2, b2):
    grid = (_N // _BLK,)
    row = lambda r: (r, 0)
    row3 = lambda r: (0, r, 0)
    fixed = lambda r: (0, 0)
    return pl.pallas_call(
        _dense1_body,
        grid=grid,
        in_specs=[
            pl.BlockSpec((_BLK, _D_IN), row),
            pl.BlockSpec((_NC, _BLK, 128), row3),
            pl.BlockSpec((_BLK, _NW), row),
            pl.BlockSpec((_D_IN, _D_HID), fixed),
            pl.BlockSpec((_D_IN, _D_HID), fixed),
            pl.BlockSpec((1, _D_HID), fixed),
            pl.BlockSpec((_D_HID, _D_OUT), fixed),
            pl.BlockSpec((_D_HID, _D_OUT), fixed),
            pl.BlockSpec((1, _D_OUT), fixed),
        ],
        out_specs=[
            pl.BlockSpec((_BLK, _D_OUT), row),
            pl.BlockSpec((_BLK, _D_OUT), row),
        ],
        out_shape=[
            jax.ShapeDtypeStruct((_N, _D_OUT), jnp.float32),
            jax.ShapeDtypeStruct((_N, _D_OUT), jnp.float32),
        ],
    )(x, aggp, dp, Ws1, Wn1, b1, Ws2, Wn2, b2)


def _dense2_body(o1_r, a_r, dp_r, out_r):
    deginv = 1.0 / jnp.maximum(_deg_col(dp_r), 1.0)
    h2 = o1_r[...] + (a_r[0] + a_r[1]) * deginv
    h2 = jnp.maximum(h2, 0.0)
    norm = jnp.sqrt(jnp.sum(h2 * h2, axis=1, keepdims=True))
    out_r[...] = h2 / jnp.maximum(norm, 1e-12)


def _dense2(o1, aggp, dp):
    grid = (_N // _BLK,)
    row = lambda r: (r, 0)
    row3 = lambda r: (0, r, 0)
    return pl.pallas_call(
        _dense2_body,
        grid=grid,
        in_specs=[
            pl.BlockSpec((_BLK, _D_OUT), row),
            pl.BlockSpec((_NC, _BLK, 128), row3),
            pl.BlockSpec((_BLK, _NW), row),
        ],
        out_specs=pl.BlockSpec((_BLK, _D_OUT), row),
        out_shape=jax.ShapeDtypeStruct((_N, _D_OUT), jnp.float32),
    )(o1, aggp, dp)


def kernel(in_feat, edge_index, W_self1, W_neigh1, b1, W_self2, W_neigh2, b2):
    src = edge_index[0]
    dst = edge_index[1]
    pad = _EP - _E
    pad_src = jnp.arange(pad, dtype=jnp.int32) % _N
    pad_dst = _N + (jnp.arange(pad, dtype=jnp.int32) % (_NP - _N))
    src2 = jnp.concatenate([src, pad_src]).reshape(_NCHUNK, _CH)
    dst2 = jnp.concatenate([dst, pad_dst]).reshape(_NCHUNK, _CH)
    zf = jnp.zeros((_NP, 128), jnp.float32)
    zv = jnp.zeros((_NP,), jnp.float32)

    agg1, degp = _sc_agg_call(in_feat, src2, dst2, zf, zv, True)
    dp = degp[:, :_N].T
    o1, m2 = _dense1(in_feat, agg1, dp, W_self1, W_neigh1,
                     b1.reshape(1, -1), W_self2, W_neigh2, b2.reshape(1, -1))
    agg2, _ = _sc_agg_call(m2, src2, dst2, zf, zv, False)
    return _dense2(o1, agg2, dp)

# --- scband reference (transcript-rebuilt; emitter-appended) ---
"""Pipeline reference for scband-graph-sage-18906446037603 (READ-ONLY COPY).

The authoritative reference and input builder live on the scoring server;
editing this copy changes nothing except your own understanding.
"""

import jax, jax.numpy as jnp
import numpy as np

N = 10000
E = 320000
D_IN = 128
D_HID = 256
D_OUT = 128


def setup_inputs(seed: int = 0) -> dict:
    key = jax.random.key(seed)
    ks = jax.random.split(key, 9)
    x = jax.random.normal(ks[0], (N, D_IN), dtype=jnp.float32)
    edge_index = jax.random.randint(ks[1], (2, E), 0, N, dtype=jnp.int32)
    s1 = 1.0 / np.sqrt(D_IN)
    s2 = 1.0 / np.sqrt(D_HID)
    W_self1 = jax.random.normal(ks[2], (D_IN, D_HID), dtype=jnp.float32) * s1
    W_neigh1 = jax.random.normal(ks[3], (D_IN, D_HID), dtype=jnp.float32) * s1
    b1 = jnp.zeros((D_HID,), dtype=jnp.float32)
    W_self2 = jax.random.normal(ks[4], (D_HID, D_OUT), dtype=jnp.float32) * s2
    W_neigh2 = jax.random.normal(ks[5], (D_HID, D_OUT), dtype=jnp.float32) * s2
    b2 = jnp.zeros((D_OUT,), dtype=jnp.float32)
    return {"in_feat": x, "edge_index": edge_index, "W_self1": W_self1,
            "W_neigh1": W_neigh1, "b1": b1, "W_self2": W_self2,
            "W_neigh2": W_neigh2, "b2": b2}


def _sage_conv(h, src, dst, deg_inv, W_self, W_neigh, b):
    # DGL SAGEConv(aggregator='mean'): fc_self(h) + fc_neigh(mean_{u in N(v)} h_u) + bias
    msg = jnp.take(h, src, axis=0)                       # gather over edges
    agg = jax.ops.segment_sum(msg, dst, num_segments=N)  # scatter-add by dst
    h_neigh = agg * deg_inv
    return h @ W_self + h_neigh @ W_neigh + b


def reference(in_feat, edge_index, W_self1, W_neigh1, b1, W_self2, W_neigh2, b2):
    src = edge_index[0]
    dst = edge_index[1]
    deg = jax.ops.segment_sum(jnp.ones((E,), dtype=jnp.float32), dst, num_segments=N)
    deg_inv = (1.0 / jnp.clip(deg, 1.0, None))[:, None]
    h = _sage_conv(in_feat, src, dst, deg_inv, W_self1, W_neigh1, b1)
    h = jax.nn.relu(h)
    h = _sage_conv(h, src, dst, deg_inv, W_self2, W_neigh2, b2)
    h = jax.nn.relu(h)
    # F.normalize(h, dim=1) with default p=2, eps=1e-12
    norm = jnp.linalg.norm(h, axis=1, keepdims=True)
    h = h / jnp.clip(norm, 1e-12, None)
    return h

if __name__ == "__main__":
    import jax
    _d = setup_inputs()
    print(jax.jit(kernel)(*tuple(_d.values())))

</pallas_src>

<mosaic_0001>
#map = affine_map<(d0, d1) -> (0, 0)>
#map1 = affine_map<(d0, d1) -> (0)>
#map2 = affine_map<(d0, d1) -> (0, 0, 0)>
module attributes {stable_mosaic.version = 14 : i64} {
  func.func @k(%arg0: i32, %arg1: i32, %arg2: memref<10000x128xf32, #tpu.memory_space<hbm>>, %arg3: memref<2560x128xi32, #tpu.memory_space<hbm>>, %arg4: memref<2560x128xi32, #tpu.memory_space<hbm>>, %arg5: memref<10112x128xf32, #tpu.memory_space<hbm>>, %arg6: memref<10112xf32, #tpu.memory_space<hbm>>, %arg7: memref<2x10112x128xf32, #tpu.memory_space<hbm>>, %arg8: memref<32x10112xf32, #tpu.memory_space<hbm>>, %arg9: memref<10112x128xf32, #tpu.memory_space<vmem_shared>>, %arg10: memref<8x128xi32, #tpu.memory_space<vmem>>, %arg11: memref<8x128xi32, #tpu.memory_space<vmem>>, %arg12: memref<8x128xi32, #tpu.memory_space<vmem>>, %arg13: memref<8x128xi32, #tpu.memory_space<vmem>>, %arg14: memref<128x128xf32, #tpu.memory_space<vmem>>, %arg15: memref<128x128xf32, #tpu.memory_space<vmem>>, %arg16: memref<!tpu.dma_semaphore, #tpu.memory_space<semaphore_mem>>, %arg17: memref<!tpu.dma_semaphore, #tpu.memory_space<semaphore_mem>>, %arg18: memref<!tpu.dma_semaphore, #tpu.memory_space<semaphore_mem>>, %arg19: memref<!tpu.dma_semaphore, #tpu.memory_space<semaphore_mem>>, %arg20: memref<!tpu.dma_semaphore, #tpu.memory_space<semaphore_mem>>, %arg21: memref<!tpu.dma_semaphore, #tpu.memory_space<semaphore_mem>>, %arg22: memref<!tpu.dma_semaphore, #tpu.memory_space<semaphore_mem>>, %arg23: memref<!tpu.dma_semaphore, #tpu.memory_space<semaphore_mem>>, %arg24: memref<10112xf32, #tpu.memory_space<vmem>>) attributes {dimension_semantics = [#tpu.dimension_semantics<core_parallel>, #tpu.dimension_semantics<subcore_parallel>], iteration_bounds = array<i64: 2, 16>, scalar_prefetch = 0 : i64, scratch_operands = 16 : i64, tpu.core_type = #tpu.core_type<sc_vector_subcore>, window_params = [{transform_indices = #map}, {transform_indices = #map}, {transform_indices = #map}, {transform_indices = #map}, {transform_indices = #map1}, {transform_indices = #map2}, {transform_indices = #map}]} {
    %mul3A = arith.constant 2 : i32
    %mul3A_0 = arith.muli %arg1, %mul3A : i32
    %add3A = arith.addi %mul3A_0, %arg0 : i32
    %mul3A_1 = arith.constant 632 : i32
    %mul3A_2 = arith.muli %arg1, %mul3A_1 : i32
    %broadcast_in_dim3A = arith.constant 1.000000e+00 : f32
    %broadcast_in_dim3A_3 = vector.broadcast %broadcast_in_dim3A : f32 to vector<16xf32>
    "tpu.region"() ({
      %run_scoped3A = tpu.sem_alloc : memref<!tpu.dma_semaphore, #tpu.memory_space<semaphore_mem>>
      %dma_start3A_69 = arith.constant 0 : i32
      %dma_start3A_70 = tpu.memref_slice %arg9[%mul3A_2, %dma_start3A_69] : memref<10112x128xf32, #tpu.memory_space<vmem_shared>> -> memref<632x128xf32, #tpu.memory_space<vmem_shared>>
      %dma_start3A_71 = arith.constant 0 : i32
      %dma_start3A_72 = tpu.memref_slice %arg5[%mul3A_2, %dma_start3A_71] : memref<10112x128xf32, #tpu.memory_space<hbm>> -> memref<632x128xf32, #tpu.memory_space<hbm>>
      tpu.enqueue_dma source(%dma_start3A_72 : memref<632x128xf32, #tpu.memory_space<hbm>>) target(%dma_start3A_70 : memref<632x128xf32, #tpu.memory_space<vmem_shared>>) target_semaphore(%run_scoped3A : memref<!tpu.dma_semaphore, #tpu.memory_space<semaphore_mem>>)
      %dma_wait3A_73 = arith.constant 0 : i32
      %dma_wait3A_74 = tpu.memref_slice %arg9[%mul3A_2, %dma_wait3A_73] : memref<10112x128xf32, #tpu.memory_space<vmem_shared>> -> memref<632x128xf32, #tpu.memory_space<vmem_shared>>
      %dma_wait3A_75 = arith.constant 0 : i32
      %dma_wait3A_76 = tpu.memref_slice %arg5[%mul3A_2, %dma_wait3A_75] : memref<10112x128xf32, #tpu.memory_space<hbm>> -> memref<632x128xf32, #tpu.memory_space<hbm>>
      tpu.wait_dma2 semaphore(%run_scoped3A : memref<!tpu.dma_semaphore, #tpu.memory_space<semaphore_mem>>) src(%dma_wait3A_76 : memref<632x128xf32, #tpu.memory_space<hbm>>) dst(%dma_wait3A_74 : memref<632x128xf32, #tpu.memory_space<vmem_shared>>)
      tpu.yield
    }) : () -> ()
    "tpu.region"() ({
      %run_scoped3A = tpu.sem_alloc : memref<!tpu.dma_semaphore, #tpu.memory_space<semaphore_mem>>
      tpu.enqueue_dma source(%arg6 : memref<10112xf32, #tpu.memory_space<hbm>>) target(%arg24 : memref<10112xf32, #tpu.memory_space<vmem>>) target_semaphore(%run_scoped3A : memref<!tpu.dma_semaphore, #tpu.memory_space<semaphore_mem>>)
      tpu.wait_dma2 semaphore(%run_scoped3A : memref<!tpu.dma_semaphore, #tpu.memory_space<semaphore_mem>>) src(%arg6 : memref<10112xf32, #tpu.memory_space<hbm>>) dst(%arg24 : memref<10112xf32, #tpu.memory_space<vmem>>)
      tpu.yield
    }) : () -> ()
    %barrier3A = arith.constant 0 : index
    tpu.barrier barrier_id(%barrier3A)
    %mul3A_4 = arith.constant 80 : i32
    %mul3A_5 = arith.muli %add3A, %mul3A_4 : i32
    %add3A_6 = arith.constant 0 : i32
    %add3A_7 = arith.addi %mul3A_5, %add3A_6 : i32
    %dma_start3A = arith.constant 0 : i32
    %dma_start3A_8 = tpu.memref_slice %arg3[%add3A_7, %dma_start3A] : memref<2560x128xi32, #tpu.memory_space<hbm>> -> memref<8x128xi32, #tpu.memory_space<hbm>>
    %dma_start3A_9 = arith.constant 0 : i32
    %dma_start3A_10 = tpu.memref_slice %arg3[%add3A_7, %dma_start3A_9] : memref<2560x128xi32, #tpu.memory_space<hbm>> -> memref<8x128xi32, #tpu.memory_space<hbm>>
    tpu.enqueue_dma source(%dma_start3A_10 : memref<8x128xi32, #tpu.memory_space<hbm>>) target(%arg10 : memref<8x128xi32, #tpu.memory_space<vmem>>) target_semaphore(%arg16 : memref<!tpu.dma_semaphore, #tpu.memory_space<semaphore_mem>>)
    %mul3A_11 = arith.constant 80 : i32
    %mul3A_12 = arith.muli %add3A, %mul3A_11 : i32
    %add3A_13 = arith.constant 0 : i32
    %add3A_14 = arith.addi %mul3A_12, %add3A_13 : i32
    %dma_start3A_15 = arith.constant 0 : i32
    %dma_start3A_16 = tpu.memref_slice %arg4[%add3A_14, %dma_start3A_15] : memref<2560x128xi32, #tpu.memory_space<hbm>> -> memref<8x128xi32, #tpu.memory_space<hbm>>
    %dma_start3A_17 = arith.constant 0 : i32
    %dma_start3A_18 = tpu.memref_slice %arg4[%add3A_14, %dma_start3A_17] : memref<2560x128xi32, #tpu.memory_space<hbm>> -> memref<8x128xi32, #tpu.memory_space<hbm>>
    tpu.enqueue_dma source(%dma_start3A_18 : memref<8x128xi32, #tpu.memory_space<hbm>>) target(%arg11 : memref<8x128xi32, #tpu.memory_space<vmem>>) target_semaphore(%arg17 : memref<!tpu.dma_semaphore, #tpu.memory_space<semaphore_mem>>)
    %mul3A_19 = arith.constant 80 : i32
    %mul3A_20 = arith.muli %add3A, %mul3A_19 : i32
    %add3A_21 = arith.constant 0 : i32
    %add3A_22 = arith.addi %mul3A_20, %add3A_21 : i32
    %dma_wait3A = arith.constant 0 : i32
    %dma_wait3A_23 = tpu.memref_slice %arg3[%add3A_22, %dma_wait3A] : memref<2560x128xi32, #tpu.memory_space<hbm>> -> memref<8x128xi32, #tpu.memory_space<hbm>>
    %dma_wait3A_24 = arith.constant 0 : i32
    %dma_wait3A_25 = tpu.memref_slice %arg3[%add3A_22, %dma_wait3A_24] : memref<2560x128xi32, #tpu.memory_space<hbm>> -> memref<8x128xi32, #tpu.memory_space<hbm>>
    tpu.wait_dma2 semaphore(%arg16 : memref<!tpu.dma_semaphore, #tpu.memory_space<semaphore_mem>>) src(%dma_wait3A_25 : memref<8x128xi32, #tpu.memory_space<hbm>>) dst(%arg10 : memref<8x128xi32, #tpu.memory_space<vmem>>)
    %mul3A_26 = arith.constant 80 : i32
    %mul3A_27 = arith.muli %add3A, %mul3A_26 : i32
    %add3A_28 = arith.constant 0 : i32
    %add3A_29 = arith.addi %mul3A_27, %add3A_28 : i32
    %dma_wait3A_30 = arith.constant 0 : i32
    %dma_wait3A_31 = tpu.memref_slice %arg4[%add3A_29, %dma_wait3A_30] : memref<2560x128xi32, #tpu.memory_space<hbm>> -> memref<8x128xi32, #tpu.memory_space<hbm>>
    %dma_wait3A_32 = arith.constant 0 : i32
    %dma_wait3A_33 = tpu.memref_slice %arg4[%add3A_29, %dma_wait3A_32] : memref<2560x128xi32, #tpu.memory_space<hbm>> -> memref<8x128xi32, #tpu.memory_space<hbm>>
    tpu.wait_dma2 semaphore(%arg17 : memref<!tpu.dma_semaphore, #tpu.memory_space<semaphore_mem>>) src(%dma_wait3A_33 : memref<8x128xi32, #tpu.memory_space<hbm>>) dst(%arg11 : memref<8x128xi32, #tpu.memory_space<vmem>>)
    %mul3A_34 = arith.constant 80 : i32
    %mul3A_35 = arith.muli %add3A, %mul3A_34 : i32
    %add3A_36 = arith.constant 8 : i32
    %add3A_37 = arith.addi %mul3A_35, %add3A_36 : i32
    %dma_start3A_38 = arith.constant 0 : i32
    %dma_start3A_39 = tpu.memref_slice %arg3[%add3A_37, %dma_start3A_38] : memref<2560x128xi32, #tpu.memory_space<hbm>> -> memref<8x128xi32, #tpu.memory_space<hbm>>
    %dma_start3A_40 = arith.constant 0 : i32
    %dma_start3A_41 = tpu.memref_slice %arg3[%add3A_37, %dma_start3A_40] : memref<2560x128xi32, #tpu.memory_space<hbm>> -> memref<8x128xi32, #tpu.memory_space<hbm>>
    tpu.enqueue_dma source(%dma_start3A_41 : memref<8x128xi32, #tpu.memory_space<hbm>>) target(%arg12 : memref<8x128xi32, #tpu.memory_space<vmem>>) target_semaphore(%arg18 : memref<!tpu.dma_semaphore, #tpu.memory_space<semaphore_mem>>)
    %mul3A_42 = arith.constant 80 : i32
    %mul3A_43 = arith.muli %add3A, %mul3A_42 : i32
    %add3A_44 = arith.constant 8 : i32
    %add3A_45 = arith.addi %mul3A_43, %add3A_44 : i32
    %dma_start3A_46 = arith.constant 0 : i32
    %dma_start3A_47 = tpu.memref_slice %arg4[%add3A_45, %dma_start3A_46] : memref<2560x128xi32, #tpu.memory_space<hbm>> -> memref<8x128xi32, #tpu.memory_space<hbm>>
    %dma_start3A_48 = arith.constant 0 : i32
    %dma_start3A_49 = tpu.memref_slice %arg4[%add3A_45, %dma_start3A_48] : memref<2560x128xi32, #tpu.memory_space<hbm>> -> memref<8x128xi32, #tpu.memory_space<hbm>>
    tpu.enqueue_dma source(%dma_start3A_49 : memref<8x128xi32, #tpu.memory_space<hbm>>) target(%arg13 : memref<8x128xi32, #tpu.memory_space<vmem>>) target_semaphore(%arg19 : memref<!tpu.dma_semaphore, #tpu.memory_space<semaphore_mem>>)
    %dma_start3A_50 = arith.constant 0 : i32
    %dma_start3A_51 = arith.constant 0 : i32
    %dma_start3A_52 = tpu.memref_slice %arg10[%dma_start3A_50, %dma_start3A_51] : memref<8x128xi32, #tpu.memory_space<vmem>> -> memref<1x128xi32, #tpu.memory_space<vmem>>
    %dma_start3A_53 = tpu.memref_squeeze %dma_start3A_52 : memref<1x128xi32, #tpu.memory_space<vmem>> -> memref<128xi32, #tpu.memory_space<vmem>>
    %dma_start3A_54 = arith.constant 0 : i32
    %dma_start3A_55 = arith.constant 0 : i32
    %dma_start3A_56 = tpu.memref_slice %arg2[%dma_start3A_54, %dma_start3A_55] : memref<10000x128xf32, #tpu.memory_space<hbm>> -> memref<10000x128xf32, #tpu.memory_space<hbm>>
    tpu.enqueue_indirect_dma source(%dma_start3A_56 : memref<10000x128xf32, #tpu.memory_space<hbm>>) target(%arg14 : memref<128x128xf32, #tpu.memory_space<vmem>>) offsets(%dma_start3A_53 : memref<128xi32, #tpu.memory_space<vmem>>) semaphore(%arg20 : memref<!tpu.dma_semaphore, #tpu.memory_space<semaphore_mem>>)
    %scan3A = arith.constant 0 : i32
    %scan3A_57 = arith.constant 5 : i32
    %scan3A_58 = arith.addi %scan3A, %scan3A_57 : i32
    %scan3A_59 = arith.constant 1 : i32
    scf.for %scan3A_69 = %scan3A to %scan3A_58 step %scan3A_59  : i32 {
      %mul3A_70 = arith.constant 1 : i32
      %mul3A_71 = arith.muli %scan3A_69, %mul3A_70 : i32
      %add3A_72 = arith.constant 0 : i32
      %add3A_73 = arith.addi %add3A_72, %mul3A_71 : i32
      %mul3A_74 = arith.constant 2 : i32
      %mul3A_75 = arith.muli %mul3A_74, %add3A_73 : i32
      %lt3A = arith.constant 4 : i32
      %lt3A_76 = arith.cmpi slt, %add3A_73, %lt3A : i32
      %gt3A = arith.constant 0 : i32
      %gt3A_77 = arith.cmpi sgt, %add3A_73, %gt3A : i32
      %convert_element_type3A = arith.extui %gt3A_77 : i1 to i32
      %cond3A = arith.constant 0 : i32
      %cond3A_78 = arith.cmpi ne, %convert_element_type3A, %cond3A : i32
      scf.if %cond3A_78 {
        %dma_wait3A_1055 = arith.constant 7 : i32
        %dma_wait3A_1056 = arith.constant 0 : i32
        %dma_wait3A_1057 = tpu.memref_slice %arg12[%dma_wait3A_1055, %dma_wait3A_1056] : memref<8x128xi32, #tpu.memory_space<vmem>> -> memref<1x128xi32, #tpu.memory_space<vmem>>
        %dma_wait3A_1058 = tpu.memref_squeeze %dma_wait3A_1057 : memref<1x128xi32, #tpu.memory_space<vmem>> -> memref<128xi32, #tpu.memory_space<vmem>>
        %dma_wait3A_1059 = arith.constant 0 : i32
        %dma_wait3A_1060 = arith.constant 0 : i32
        %dma_wait3A_1061 = tpu.memref_slice %arg9[%dma_wait3A_1059, %dma_wait3A_1060] : memref<10112x128xf32, #tpu.memory_space<vmem_shared>> -> memref<10112x128xf32, #tpu.memory_space<vmem_shared>>
        tpu.wait_indirect_dma semaphore(%arg23 : memref<!tpu.dma_semaphore, #tpu.memory_space<semaphore_mem>>) src(%arg15 : memref<128x128xf32, #tpu.memory_space<vmem>>) dst(%dma_wait3A_1061 : memref<10112x128xf32, #tpu.memory_space<vmem_shared>>)
      } else {
      }
      %dma_start3A_79 = arith.constant 1 : i32
      %dma_start3A_80 = arith.constant 0 : i32
      %dma_start3A_81 = tpu.memref_slice %arg10[%dma_start3A_79, %dma_start3A_80] : memref<8x128xi32, #tpu.memory_space<vmem>> -> memref<1x128xi32, #tpu.memory_space<vmem>>
      %dma_start3A_82 = tpu.memref_squeeze %dma_start3A_81 : memref<1x128xi32, #tpu.memory_space<vmem>> -> memref<128xi32, #tpu.memory_space<vmem>>
      %dma_start3A_83 = arith.constant 0 : i32
      %dma_start3A_84 = arith.constant 0 : i32
      %dma_start3A_85 = tpu.memref_slice %arg2[%dma_start3A_83, %dma_start3A_84] : memref<10000x128xf32, #tpu.memory_space<hbm>> -> memref<10000x128xf32, #tpu.memory_space<hbm>>
      tpu.enqueue_indirect_dma source(%dma_start3A_85 : memref<10000x128xf32, #tpu.memory_space<hbm>>) target(%arg15 : memref<128x128xf32, #tpu.memory_space<vmem>>) offsets(%dma_start3A_82 : memref<128xi32, #tpu.memory_space<vmem>>) semaphore(%arg21 : memref<!tpu.dma_semaphore, #tpu.memory_space<semaphore_mem>>)
      %dma_wait3A_86 = arith.constant 0 : i32
      %dma_wait3A_87 = arith.constant 0 : i32
      %dma_wait3A_88 = tpu.memref_slice %arg10[%dma_wait3A_86, %dma_wait3A_87] : memref<8x128xi32, #tpu.memory_space<vmem>> -> memref<1x128xi32, #tpu.memory_space<vmem>>
      %dma_wait3A_89 = tpu.memref_squeeze %dma_wait3A_88 : memref<1x128xi32, #tpu.memory_space<vmem>> -> memref<128xi32, #tpu.memory_space<vmem>>
      %dma_wait3A_90 = arith.constant 0 : i32
      %dma_wait3A_91 = arith.constant 0 : i32
      %dma_wait3A_92 = tpu.memref_slice %arg2[%dma_wait3A_90, %dma_wait3A_91] : memref<10000x128xf32, #tpu.memory_space<hbm>> -> memref<10000x128xf32, #tpu.memory_space<hbm>>
      tpu.wait_indirect_dma semaphore(%arg20 : memref<!tpu.dma_semaphore, #tpu.memory_space<semaphore_mem>>) src(%dma_wait3A_92 : memref<10000x128xf32, #tpu.memory_space<hbm>>) dst(%arg14 : memref<128x128xf32, #tpu.memory_space<vmem>>)
      %get3A = arith.constant 0 : i32
      %get3A_93 = arith.index_cast %get3A : i32 to index
      %get3A_94 = arith.constant 0 : index
      %get3A_95 = tpu.vector_load %arg11[%get3A_93, %get3A_94] {strides = array<i32>} : memref<8x128xi32, #tpu.memory_space<vmem>>, vector<16xi32>,
      tpu.vector_store_idx %arg24[%get3A_95], %broadcast_in_dim3A_3 {add = true} : memref<10112xf32, #tpu.memory_space<vmem>>[vector<16xi32>], vector<16xf32>,
      %get3A_96 = arith.constant 0 : i32
      %get3A_97 = arith.index_cast %get3A_96 : i32 to index
      %get3A_98 = arith.constant 16 : index
      %get3A_99 = tpu.vector_load %arg11[%get3A_97, %get3A_98] {strides = array<i32>} : memref<8x128xi32, #tpu.memory_space<vmem>>, vector<16xi32>,
      tpu.vector_store_idx %arg24[%get3A_99], %broadcast_in_dim3A_3 {add = true} : memref<10112xf32, #tpu.memory_space<vmem>>[vector<16xi32>], vector<16xf32>,
      %get3A_100 = arith.constant 0 : i32
      %get3A_101 = arith.index_cast %get3A_100 : i32 to index
      %get3A_102 = arith.constant 32 : index
      %get3A_103 = tpu.vector_load %arg11[%get3A_101, %get3A_102] {strides = array<i32>} : memref<8x128xi32, #tpu.memory_space<vmem>>, vector<16xi32>,
      tpu.vector_store_idx %arg24[%get3A_103], %broadcast_in_dim3A_3 {add = true} : memref<10112xf32, #tpu.memory_space<vmem>>[vector<16xi32>], vector<16xf32>,
      %get3A_104 = arith.constant 0 : i32
      %get3A_105 = arith.index_cast %get3A_104 : i32 to index
      %get3A_106 = arith.constant 48 : index
      %get3A_107 = tpu.vector_load %arg11[%get3A_105, %get3A_106] {strides = array<i32>} : memref<8x128xi32, #tpu.memory_space<vmem>>, vector<16xi32>,
      tpu.vector_store_idx %arg24[%get3A_107], %broadcast_in_dim3A_3 {add = true} : memref<10112xf32, #tpu.memory_space<vmem>>[vector<16xi32>], vector<16xf32>,
      %get3A_108 = arith.constant 0 : i32
      %get3A_109 = arith.index_cast %get3A_108 : i32 to index
      %get3A_110 = arith.constant 64 : index
      %get3A_111 = tpu.vector_load %arg11[%get3A_109, %get3A_110] {strides = array<i32>} : memref<8x128xi32, #tpu.memory_space<vmem>>, vector<16xi32>,
      tpu.vector_store_idx %arg24[%get3A_111], %broadcast_in_dim3A_3 {add = true} : memref<10112xf32, #tpu.memory_space<vmem>>[vector<16xi32>], vector<16xf32>,
      %get3A_112 = arith.constant 0 : i32
      %get3A_113 = arith.index_cast %get3A_112 : i32 to index
      %get3A_114 = arith.constant 80 : index
      %get3A_115 = tpu.vector_load %arg11[%get3A_113, %get3A_114] {strides = array<i32>} : memref<8x128xi32, #tpu.memory_space<vmem>>, vector<16xi32>,
      tpu.vector_store_idx %arg24[%get3A_115], %broadcast_in_dim3A_3 {add = true} : memref<10112xf32, #tpu.memory_space<vmem>>[vector<16xi32>], vector<16xf32>,
      %get3A_116 = arith.constant 0 : i32
      %get3A_117 = arith.index_cast %get3A_116 : i32 to index
      %get3A_118 = arith.constant 96 : index
      %get3A_119 = tpu.vector_load %arg11[%get3A_117, %get3A_118] {strides = array<i32>} : memref<8x128xi32, #tpu.memory_space<vmem>>, vector<16xi32>,
      tpu.vector_store_idx %arg24[%get3A_119], %broadcast_in_dim3A_3 {add = true} : memref<10112xf32, #tpu.memory_space<vmem>>[vector<16xi32>], vector<16xf32>,
      %get3A_120 = arith.constant 0 : i32
      %get3A_121 = arith.index_cast %get3A_120 : i32 to index
      %get3A_122 = arith.constant 112 : index
      %get3A_123 = tpu.vector_load %arg11[%get3A_121, %get3A_122] {strides = array<i32>} : memref<8x128xi32, #tpu.memory_space<vmem>>, vector<16xi32>,
      tpu.vector_store_idx %arg24[%get3A_123], %broadcast_in_dim3A_3 {add = true} : memref<10112xf32, #tpu.memory_space<vmem>>[vector<16xi32>], vector<16xf32>,
      %dma_start3A_124 = arith.constant 0 : i32
      %dma_start3A_125 = arith.constant 0 : i32
      %dma_start3A_126 = tpu.memref_slice %arg11[%dma_start3A_124, %dma_start3A_125] : memref<8x128xi32, #tpu.memory_space<vmem>> -> memref<1x128xi32, #tpu.memory_space<vmem>>
      %dma_start3A_127 = tpu.memref_squeeze %dma_start3A_126 : memref<1x128xi32, #tpu.memory_space<vmem>> -> memref<128xi32, #tpu.memory_space<vmem>>
      %dma_start3A_128 = arith.constant 0 : i32
      %dma_start3A_129 = arith.constant 0 : i32
      %dma_start3A_130 = tpu.memref_slice %arg9[%dma_start3A_128, %dma_start3A_129] : memref<10112x128xf32, #tpu.memory_space<vmem_shared>> -> memref<10112x128xf32, #tpu.memory_space<vmem_shared>>
      tpu.enqueue_indirect_dma source(%arg14 : memref<128x128xf32, #tpu.memory_space<vmem>>) target(%dma_start3A_130 : memref<10112x128xf32, #tpu.memory_space<vmem_shared>>) offsets(%dma_start3A_127 : memref<128xi32, #tpu.memory_space<vmem>>) semaphore(%arg22 : memref<!tpu.dma_semaphore, #tpu.memory_space<semaphore_mem>>) {add = true}
      %dma_wait3A_131 = arith.constant 0 : i32
      %dma_wait3A_132 = arith.constant 0 : i32
      %dma_wait3A_133 = tpu.memref_slice %arg11[%dma_wait3A_131, %dma_wait3A_132] : memref<8x128xi32, #tpu.memory_space<vmem>> -> memref<1x128xi32, #tpu.memory_space<vmem>>
      %dma_wait3A_134 = tpu.memref_squeeze %dma_wait3A_133 : memref<1x128xi32, #tpu.memory_space<vmem>> -> memref<128xi32, #tpu.memory_space<vmem>>
      %dma_wait3A_135 = arith.constant 0 : i32
      %dma_wait3A_136 = arith.constant 0 : i32
      %dma_wait3A_137 = tpu.memref_slice %arg9[%dma_wait3A_135, %dma_wait3A_136] : memref<10112x128xf32, #tpu.memory_space<vmem_shared>> -> memref<10112x128xf32, #tpu.memory_space<vmem_shared>>
      tpu.wait_indirect_dma semaphore(%arg22 : memref<!tpu.dma_semaphore, #tpu.memory_space<semaphore_mem>>) src(%arg14 : memref<128x128xf32, #tpu.memory_space<vmem>>) dst(%dma_wait3A_137 : memref<10112x128xf32, #tpu.memory_space<vmem_shared>>)
      %dma_start3A_138 = arith.constant 2 : i32
      %dma_start3A_139 = arith.constant 0 : i32
      %dma_start3A_140 = tpu.memref_slice %arg10[%dma_start3A_138, %dma_start3A_139] : memref<8x128xi32, #tpu.memory_space<vmem>> -> memref<1x128xi32, #tpu.memory_space<vmem>>
      %dma_start3A_141 = tpu.memref_squeeze %dma_start3A_140 : memref<1x128xi32, #tpu.memory_space<vmem>> -> memref<128xi32, #tpu.memory_space<vmem>>
      %dma_start3A_142 = arith.constant 0 : i32
      %dma_start3A_143 = arith.constant 0 : i32
      %dma_start3A_144 = tpu.memref_slice %arg2[%dma_start3A_142, %dma_start3A_143] : memref<10000x128xf32, #tpu.memory_space<hbm>> -> memref<10000x128xf32, #tpu.memory_space<hbm>>
      tpu.enqueue_indirect_dma source(%dma_start3A_144 : memref<10000x128xf32, #tpu.memory_space<hbm>>) target(%arg14 : memref<128x128xf32, #tpu.memory_space<vmem>>) offsets(%dma_start3A_141 : memref<128xi32, #tpu.memory_space<vmem>>) semaphore(%arg20 : memref<!tpu.dma_semaphore, #tpu.memory_space<semaphore_mem>>)
      %dma_wait3A_145 = arith.constant 1 : i32
      %dma_wait3A_146 = arith.constant 0 : i32
      %dma_wait3A_147 = tpu.memref_slice %arg10[%dma_wait3A_145, %dma_wait3A_146] : memref<8x128xi32, #tpu.memory_space<vmem>> -> memref<1x128xi32, #tpu.memory_space<vmem>>
      %dma_wait3A_148 = tpu.memref_squeeze %dma_wait3A_147 : memref<1x128xi32, #tpu.memory_space<vmem>> -> memref<128xi32, #tpu.memory_space<vmem>>
      %dma_wait3A_149 = arith.constant 0 : i32
      %dma_wait3A_150 = arith.constant 0 : i32
      %dma_wait3A_151 = tpu.memref_slice %arg2[%dma_wait3A_149, %dma_wait3A_150] : memref<10000x128xf32, #tpu.memory_space<hbm>> -> memref<10000x128xf32, #tpu.memory_space<hbm>>
      tpu.wait_indirect_dma semaphore(%arg21 : memref<!tpu.dma_semaphore, #tpu.memory_space<semaphore_mem>>) src(%dma_wait3A_151 : memref<10000x128xf32, #tpu.memory_space<hbm>>) dst(%arg15 : memref<128x128xf32, #tpu.memory_space<vmem>>)
      %get3A_152 = arith.constant 1 : i32
      %get3A_153 = arith.index_cast %get3A_152 : i32 to index
      %get3A_154 = arith.constant 0 : index
      %get3A_155 = tpu.vector_load %arg11[%get3A_153, %get3A_154] {strides = array<i32>} : memref<8x128xi32, #tpu.memory_space<vmem>>, vector<16xi32>,
      tpu.vector_store_idx %arg24[%get3A_155], %broadcast_in_dim3A_3 {add = true} : memref<10112xf32, #tpu.memory_space<vmem>>[vector<16xi32>], vector<16xf32>,
      %get3A_156 = arith.constant 1 : i32
      %get3A_157 = arith.index_cast %get3A_156 : i32 to index
      %get3A_158 = arith.constant 16 : index
      %get3A_159 = tpu.vector_load %arg11[%get3A_157, %get3A_158] {strides = array<i32>} : memref<8x128xi32, #tpu.memory_space<vmem>>, vector<16xi32>,
      tpu.vector_store_idx %arg24[%get3A_159], %broadcast_in_dim3A_3 {add = true} : memref<10112xf32, #tpu.memory_space<vmem>>[vector<16xi32>], vector<16xf32>,
      %get3A_160 = arith.constant 1 : i32
      %get3A_161 = arith.index_cast %get3A_160 : i32 to index
      %get3A_162 = arith.constant 32 : index
      %get3A_163 = tpu.vector_load %arg11[%get3A_161, %get3A_162] {strides = array<i32>} : memref<8x128xi32, #tpu.memory_space<vmem>>, vector<16xi32>,
      tpu.vector_store_idx %arg24[%get3A_163], %broadcast_in_dim3A_3 {add = true} : memref<10112xf32, #tpu.memory_space<vmem>>[vector<16xi32>], vector<16xf32>,
      %get3A_164 = arith.constant 1 : i32
      %get3A_165 = arith.index_cast %get3A_164 : i32 to index
      %get3A_166 = arith.constant 48 : index
      %get3A_167 = tpu.vector_load %arg11[%get3A_165, %get3A_166] {strides = array<i32>} : memref<8x128xi32, #tpu.memory_space<vmem>>, vector<16xi32>,
      tpu.vector_store_idx %arg24[%get3A_167], %broadcast_in_dim3A_3 {add = true} : memref<10112xf32, #tpu.memory_space<vmem>>[vector<16xi32>], vector<16xf32>,
      %get3A_168 = arith.constant 1 : i32
      %get3A_169 = arith.index_cast %get3A_168 : i32 to index
      %get3A_170 = arith.constant 64 : index
      %get3A_171 = tpu.vector_load %arg11[%get3A_169, %get3A_170] {strides = array<i32>} : memref<8x128xi32, #tpu.memory_space<vmem>>, vector<16xi32>,
      tpu.vector_store_idx %arg24[%get3A_171], %broadcast_in_dim3A_3 {add = true} : memref<10112xf32, #tpu.memory_space<vmem>>[vector<16xi32>], vector<16xf32>,
      %get3A_172 = arith.constant 1 : i32
      %get3A_173 = arith.index_cast %get3A_172 : i32 to index
      %get3A_174 = arith.constant 80 : index
      %get3A_175 = tpu.vector_load %arg11[%get3A_173, %get3A_174] {strides = array<i32>} : memref<8x128xi32, #tpu.memory_space<vmem>>, vector<16xi32>,
      tpu.vector_store_idx %arg24[%get3A_175], %broadcast_in_dim3A_3 {add = true} : memref<10112xf32, #tpu.memory_space<vmem>>[vector<16xi32>], vector<16xf32>,
      %get3A_176 = arith.constant 1 : i32
      %get3A_177 = arith.index_cast %get3A_176 : i32 to index
      %get3A_178 = arith.constant 96 : index
      %get3A_179 = tpu.vector_load %arg11[%get3A_177, %get3A_178] {strides = array<i32>} : memref<8x128xi32, #tpu.memory_space<vmem>>, vector<16xi32>,
      tpu.vector_store_idx %arg24[%get3A_179], %broadcast_in_dim3A_3 {add = true} : memref<10112xf32, #tpu.memory_space<vmem>>[vector<16xi32>], vector<16xf32>,
      %get3A_180 = arith.constant 1 : i32
      %get3A_181 = arith.index_cast %get3A_180 : i32 to index
      %get3A_182 = arith.constant 112 : index
      %get3A_183 = tpu.vector_load %arg11[%get3A_181, %get3A_182] {strides = array<i32>} : memref<8x128xi32, #tpu.memory_space<vmem>>, vector<16xi32>,
      tpu.vector_store_idx %arg24[%get3A_183], %broadcast_in_dim3A_3 {add = true} : memref<10112xf32, #tpu.memory_space<vmem>>[vector<16xi32>], vector<16xf32>,
      %dma_start3A_184 = arith.constant 1 : i32
      %dma_start3A_185 = arith.constant 0 : i32
      %dma_start3A_186 = tpu.memref_slice %arg11[%dma_start3A_184, %dma_start3A_185] : memref<8x128xi32, #tpu.memory_space<vmem>> -> memref<1x128xi32, #tpu.memory_space<vmem>>
      %dma_start3A_187 = tpu.memref_squeeze %dma_start3A_186 : memref<1x128xi32, #tpu.memory_space<vmem>> -> memref<128xi32, #tpu.memory_space<vmem>>
      %dma_start3A_188 = arith.constant 0 : i32
      %dma_start3A_189 = arith.constant 0 : i32
      %dma_start3A_190 = tpu.memref_slice %arg9[%dma_start3A_188, %dma_start3A_189] : memref<10112x128xf32, #tpu.memory_space<vmem_shared>> -> memref<10112x128xf32, #tpu.memory_space<vmem_shared>>
      tpu.enqueue_indirect_dma source(%arg15 : memref<128x128xf32, #tpu.memory_space<vmem>>) target(%dma_start3A_190 : memref<10112x128xf32, #tpu.memory_space<vmem_shared>>) offsets(%dma_start3A_187 : memref<128xi32, #tpu.memory_space<vmem>>) semaphore(%arg23 : memref<!tpu.dma_semaphore, #tpu.memory_space<semaphore_mem>>) {add = true}
      %dma_wait3A_191 = arith.constant 1 : i32
      %dma_wait3A_192 = arith.constant 0 : i32
      %dma_wait3A_193 = tpu.memref_slice %arg11[%dma_wait3A_191, %dma_wait3A_192] : memref<8x128xi32, #tpu.memory_space<vmem>> -> memref<1x128xi32, #tpu.memory_space<vmem>>
      %dma_wait3A_194 = tpu.memref_squeeze %dma_wait3A_193 : memref<1x128xi32, #tpu.memory_space<vmem>> -> memref<128xi32, #tpu.memory_space<vmem>>
      %dma_wait3A_195 = arith.constant 0 : i32
      %dma_wait3A_196 = arith.constant 0 : i32
      %dma_wait3A_197 = tpu.memref_slice %arg9[%dma_wait3A_195, %dma_wait3A_196] : memref<10112x128xf32, #tpu.memory_space<vmem_shared>> -> memref<10112x128xf32, #tpu.memory_space<vmem_shared>>
      tpu.wait_indirect_dma semaphore(%arg23 : memref<!tpu.dma_semaphore, #tpu.memory_space<semaphore_mem>>) src(%arg15 : memref<128x128xf32, #tpu.memory_space<vmem>>) dst(%dma_wait3A_197 : memref<10112x128xf32, #tpu.memory_space<vmem_shared>>)
      %dma_start3A_198 = arith.constant 3 : i32
      %dma_start3A_199 = arith.constant 0 : i32
      %dma_start3A_200 = tpu.memref_slice %arg10[%dma_start3A_198, %dma_start3A_199] : memref<8x128xi32, #tpu.memory_space<vmem>> -> memref<1x128xi32, #tpu.memory_space<vmem>>
      %dma_start3A_201 = tpu.memref_squeeze %dma_start3A_200 : memref<1x128xi32, #tpu.memory_space<vmem>> -> memref<128xi32, #tpu.memory_space<vmem>>
      %dma_start3A_202 = arith.constant 0 : i32
      %dma_start3A_203 = arith.constant 0 : i32
      %dma_start3A_204 = tpu.memref_slice %arg2[%dma_start3A_202, %dma_start3A_203] : memref<10000x128xf32, #tpu.memory_space<hbm>> -> memref<10000x128xf32, #tpu.memory_space<hbm>>
      tpu.enqueue_indirect_dma source(%dma_start3A_204 : memref<10000x128xf32, #tpu.memory_space<hbm>>) target(%arg15 : memref<128x128xf32, #tpu.memory_space<vmem>>) offsets(%dma_start3A_201 : memref<128xi32, #tpu.memory_space<vmem>>) semaphore(%arg21 : memref<!tpu.dma_semaphore, #tpu.memory_space<semaphore_mem>>)
      %dma_wait3A_205 = arith.constant 2 : i32
      %dma_wait3A_206 = arith.constant 0 : i32
      %dma_wait3A_207 = tpu.memref_slice %arg10[%dma_wait3A_205, %dma_wait3A_206] : memref<8x128xi32, #tpu.memory_space<vmem>> -> memref<1x128xi32, #tpu.memory_space<vmem>>
      %dma_wait3A_208 = tpu.memref_squeeze %dma_wait3A_207 : memref<1x128xi32, #tpu.memory_space<vmem>> -> memref<128xi32, #tpu.memory_space<vmem>>
      %dma_wait3A_209 = arith.constant 0 : i32
      %dma_wait3A_210 = arith.constant 0 : i32
      %dma_wait3A_211 = tpu.memref_slice %arg2[%dma_wait3A_209, %dma_wait3A_210] : memref<10000x128xf32, #tpu.memory_space<hbm>> -> memref<10000x128xf32, #tpu.memory_space<hbm>>
      tpu.wait_indirect_dma semaphore(%arg20 : memref<!tpu.dma_semaphore, #tpu.memory_space<semaphore_mem>>) src(%dma_wait3A_211 : memref<10000x128xf32, #tpu.memory_space<hbm>>) dst(%arg14 : memref<128x128xf32, #tpu.memory_space<vmem>>)
      %get3A_212 = arith.constant 2 : i32
      %get3A_213 = arith.index_cast %get3A_212 : i32 to index
      %get3A_214 = arith.constant 0 : index
      %get3A_215 = tpu.vector_load %arg11[%get3A_213, %get3A_214] {strides = array<i32>} : memref<8x128xi32, #tpu.memory_space<vmem>>, vector<16xi32>,
      tpu.vector_store_idx %arg24[%get3A_215], %broadcast_in_dim3A_3 {add = true} : memref<10112xf32, #tpu.memory_space<vmem>>[vector<16xi32>], vector<16xf32>,
      %get3A_216 = arith.constant 2 : i32
      %get3A_217 = arith.index_cast %get3A_216 : i32 to index
      %get3A_218 = arith.constant 16 : index
      %get3A_219 = tpu.vector_load %arg11[%get3A_217, %get3A_218] {strides = array<i32>} : memref<8x128xi32, #tpu.memory_space<vmem>>, vector<16xi32>,
      tpu.vector_store_idx %arg24[%get3A_219], %broadcast_in_dim3A_3 {add = true} : memref<10112xf32, #tpu.memory_space<vmem>>[vector<16xi32>], vector<16xf32>,
      %get3A_220 = arith.constant 2 : i32
      %get3A_221 = arith.index_cast %get3A_220 : i32 to index
      %get3A_222 = arith.constant 32 : index
      %get3A_223 = tpu.vector_load %arg11[%get3A_221, %get3A_222] {strides = array<i32>} : memref<8x128xi32, #tpu.memory_space<vmem>>, vector<16xi32>,
      tpu.vector_store_idx %arg24[%get3A_223], %broadcast_in_dim3A_3 {add = true} : memref<10112xf32, #tpu.memory_space<vmem>>[vector<16xi32>], vector<16xf32>,
      %get3A_224 = arith.constant 2 : i32
      %get3A_225 = arith.index_cast %get3A_224 : i32 to index
      %get3A_226 = arith.constant 48 : index
      %get3A_227 = tpu.vector_load %arg11[%get3A_225, %get3A_226] {strides = array<i32>} : memref<8x128xi32, #tpu.memory_space<vmem>>, vector<16xi32>,
      tpu.vector_store_idx %arg24[%get3A_227], %broadcast_in_dim3A_3 {add = true} : memref<10112xf32, #tpu.memory_space<vmem>>[vector<16xi32>], vector<16xf32>,
      %get3A_228 = arith.constant 2 : i32
      %get3A_229 = arith.index_cast %get3A_228 : i32 to index
      %get3A_230 = arith.constant 64 : index
      %get3A_231 = tpu.vector_load %arg11[%get3A_229, %get3A_230] {strides = array<i32>} : memref<8x128xi32, #tpu.memory_space<vmem>>, vector<16xi32>,
      tpu.vector_store_idx %arg24[%get3A_231], %broadcast_in_dim3A_3 {add = true} : memref<10112xf32, #tpu.memory_space<vmem>>[vector<16xi32>], vector<16xf32>,
      %get3A_232 = arith.constant 2 : i32
      %get3A_233 = arith.index_cast %get3A_232 : i32 to index
      %get3A_234 = arith.constant 80 : index
      %get3A_235 = tpu.vector_load %arg11[%get3A_233, %get3A_234] {strides = array<i32>} : memref<8x128xi32, #tpu.memory_space<vmem>>, vector<16xi32>,
      tpu.vector_store_idx %arg24[%get3A_235], %broadcast_in_dim3A_3 {add = true} : memref<10112xf32, #tpu.memory_space<vmem>>[vector<16xi32>], vector<16xf32>,
      %get3A_236 = arith.constant 2 : i32
      %get3A_237 = arith.index_cast %get3A_236 : i32 to index
      %get3A_238 = arith.constant 96 : index
      %get3A_239 = tpu.vector_load %arg11[%get3A_237, %get3A_238] {strides = array<i32>} : memref<8x128xi32, #tpu.memory_space<vmem>>, vector<16xi32>,
      tpu.vector_store_idx %arg24[%get3A_239], %broadcast_in_dim3A_3 {add = true} : memref<10112xf32, #tpu.memory_space<vmem>>[vector<16xi32>], vector<16xf32>,
      %get3A_240 = arith.constant 2 : i32
      %get3A_241 = arith.index_cast %get3A_240 : i32 to index
      %get3A_242 = arith.constant 112 : index
      %get3A_243 = tpu.vector_load %arg11[%get3A_241, %get3A_242] {strides = array<i32>} : memref<8x128xi32, #tpu.memory_space<vmem>>, vector<16xi32>,
      tpu.vector_store_idx %arg24[%get3A_243], %broadcast_in_dim3A_3 {add = true} : memref<10112xf32, #tpu.memory_space<vmem>>[vector<16xi32>], vector<16xf32>,
      %dma_start3A_244 = arith.constant 2 : i32
      %dma_start3A_245 = arith.constant 0 : i32
      %dma_start3A_246 = tpu.memref_slice %arg11[%dma_start3A_244, %dma_start3A_245] : memref<8x128xi32, #tpu.memory_space<vmem>> -> memref<1x128xi32, #tpu.memory_space<vmem>>
      %dma_start3A_247 = tpu.memref_squeeze %dma_start3A_246 : memref<1x128xi32, #tpu.memory_space<vmem>> -> memref<128xi32, #tpu.memory_space<vmem>>
      %dma_start3A_248 = arith.constant 0 : i32
      %dma_start3A_249 = arith.constant 0 : i32
      %dma_start3A_250 = tpu.memref_slice %arg9[%dma_start3A_248, %dma_start3A_249] : memref<10112x128xf32, #tpu.memory_space<vmem_shared>> -> memref<10112x128xf32, #tpu.memory_space<vmem_shared>>
      tpu.enqueue_indirect_dma source(%arg14 : memref<128x128xf32, #tpu.memory_space<vmem>>) target(%dma_start3A_250 : memref<10112x128xf32, #tpu.memory_space<vmem_shared>>) offsets(%dma_start3A_247 : memref<128xi32, #tpu.memory_space<vmem>>) semaphore(%arg22 : memref<!tpu.dma_semaphore, #tpu.memory_space<semaphore_mem>>) {add = true}
      %dma_wait3A_251 = arith.constant 2 : i32
      %dma_wait3A_252 = arith.constant 0 : i32
      %dma_wait3A_253 = tpu.memref_slice %arg11[%dma_wait3A_251, %dma_wait3A_252] : memref<8x128xi32, #tpu.memory_space<vmem>> -> memref<1x128xi32, #tpu.memory_space<vmem>>
      %dma_wait3A_254 = tpu.memref_squeeze %dma_wait3A_253 : memref<1x128xi32, #tpu.memory_space<vmem>> -> memref<128xi32, #tpu.memory_space<vmem>>
      %dma_wait3A_255 = arith.constant 0 : i32
      %dma_wait3A_256 = arith.constant 0 : i32
      %dma_wait3A_257 = tpu.memref_slice %arg9[%dma_wait3A_255, %dma_wait3A_256] : memref<10112x128xf32, #tpu.memory_space<vmem_shared>> -> memref<10112x128xf32, #tpu.memory_space<vmem_shared>>
      tpu.wait_indirect_dma semaphore(%arg22 : memref<!tpu.dma_semaphore, #tpu.memory_space<semaphore_mem>>) src(%arg14 : memref<128x128xf32, #tpu.memory_space<vmem>>) dst(%dma_wait3A_257 : memref<10112x128xf32, #tpu.memory_space<vmem_shared>>)
      %dma_start3A_258 = arith.constant 4 : i32
      %dma_start3A_259 = arith.constant 0 : i32
      %dma_start3A_260 = tpu.memref_slice %arg10[%dma_start3A_258, %dma_start3A_259] : memref<8x128xi32, #tpu.memory_space<vmem>> -> memref<1x128xi32, #tpu.memory_space<vmem>>
      %dma_start3A_261 = tpu.memref_squeeze %dma_start3A_260 : memref<1x128xi32, #tpu.memory_space<vmem>> -> memref<128xi32, #tpu.memory_space<vmem>>
      %dma_start3A_262 = arith.constant 0 : i32
      %dma_start3A_263 = arith.constant 0 : i32
      %dma_start3A_264 = tpu.memref_slice %arg2[%dma_start3A_262, %dma_start3A_263] : memref<10000x128xf32, #tpu.memory_space<hbm>> -> memref<10000x128xf32, #tpu.memory_space<hbm>>
      tpu.enqueue_indirect_dma source(%dma_start3A_264 : memref<10000x128xf32, #tpu.memory_space<hbm>>) target(%arg14 : memref<128x128xf32, #tpu.memory_space<vmem>>) offsets(%dma_start3A_261 : memref<128xi32, #tpu.memory_space<vmem>>) semaphore(%arg20 : memref<!tpu.dma_semaphore, #tpu.memory_space<semaphore_mem>>)
      %dma_wait3A_265 = arith.constant 3 : i32
      %dma_wait3A_266 = arith.constant 0 : i32
      %dma_wait3A_267 = tpu.memref_slice %arg10[%dma_wait3A_265, %dma_wait3A_266] : memref<8x128xi32, #tpu.memory_space<vmem>> -> memref<1x128xi32, #tpu.memory_space<vmem>>
      %dma_wait3A_268 = tpu.memref_squeeze %dma_wait3A_267 : memref<1x128xi32, #tpu.memory_space<vmem>> -> memref<128xi32, #tpu.memory_space<vmem>>
      %dma_wait3A_269 = arith.constant 0 : i32
      %dma_wait3A_270 = arith.constant 0 : i32
      %dma_wait3A_271 = tpu.memref_slice %arg2[%dma_wait3A_269, %dma_wait3A_270] : memref<10000x128xf32, #tpu.memory_space<hbm>> -> memref<10000x128xf32, #tpu.memory_space<hbm>>
      tpu.wait_indirect_dma semaphore(%arg21 : memref<!tpu.dma_semaphore, #tpu.memory_space<semaphore_mem>>) src(%dma_wait3A_271 : memref<10000x128xf32, #tpu.memory_space<hbm>>) dst(%arg15 : memref<128x128xf32, #tpu.memory_space<vmem>>)
      %get3A_272 = arith.constant 3 : i32
      %get3A_273 = arith.index_cast %get3A_272 : i32 to index
      %get3A_274 = arith.constant 0 : index
      %get3A_275 = tpu.vector_load %arg11[%get3A_273, %get3A_274] {strides = array<i32>} : memref<8x128xi32, #tpu.memory_space<vmem>>, vector<16xi32>,
      tpu.vector_store_idx %arg24[%get3A_275], %broadcast_in_dim3A_3 {add = true} : memref<10112xf32, #tpu.memory_space<vmem>>[vector<16xi32>], vector<16xf32>,
      %get3A_276 = arith.constant 3 : i32
      %get3A_277 = arith.index_cast %get3A_276 : i32 to index
      %get3A_278 = arith.constant 16 : index
      %get3A_279 = tpu.vector_load %arg11[%get3A_277, %get3A_278] {strides = array<i32>} : memref<8x128xi32, #tpu.memory_space<vmem>>, vector<16xi32>,
      tpu.vector_store_idx %arg24[%get3A_279], %broadcast_in_dim3A_3 {add = true} : memref<10112xf32, #tpu.memory_space<vmem>>[vector<16xi32>], vector<16xf32>,
      %get3A_280 = arith.constant 3 : i32
      %get3A_281 = arith.index_cast %get3A_280 : i32 to index
      %get3A_282 = arith.constant 32 : index
      %get3A_283 = tpu.vector_load %arg11[%get3A_281, %get3A_282] {strides = array<i32>} : memref<8x128xi32, #tpu.memory_space<vmem>>, vector<16xi32>,
      tpu.vector_store_idx %arg24[%get3A_283], %broadcast_in_dim3A_3 {add = true} : memref<10112xf32, #tpu.memory_space<vmem>>[vector<16xi32>], vector<16xf32>,
      %get3A_284 = arith.constant 3 : i32
      %get3A_285 = arith.index_cast %get3A_284 : i32 to index
      %get3A_286 = arith.constant 48 : index
      %get3A_287 = tpu.vector_load %arg11[%get3A_285, %get3A_286] {strides = array<i32>} : memref<8x128xi32, #tpu.memory_space<vmem>>, vector<16xi32>,
      tpu.vector_store_idx %arg24[%get3A_287], %broadcast_in_dim3A_3 {add = true} : memref<10112xf32, #tpu.memory_space<vmem>>[vector<16xi32>], vector<16xf32>,
      %get3A_288 = arith.constant 3 : i32
      %get3A_289 = arith.index_cast %get3A_288 : i32 to index
      %get3A_290 = arith.constant 64 : index
      %get3A_291 = tpu.vector_load %arg11[%get3A_289, %get3A_290] {strides = array<i32>} : memref<8x128xi32, #tpu.memory_space<vmem>>, vector<16xi32>,
      tpu.vector_store_idx %arg24[%get3A_291], %broadcast_in_dim3A_3 {add = true} : memref<10112xf32, #tpu.memory_space<vmem>>[vector<16xi32>], vector<16xf32>,
      %get3A_292 = arith.constant 3 : i32
      %get3A_293 = arith.index_cast %get3A_292 : i32 to index
      %get3A_294 = arith.constant 80 : index
      %get3A_295 = tpu.vector_load %arg11[%get3A_293, %get3A_294] {strides = array<i32>} : memref<8x128xi32, #tpu.memory_space<vmem>>, vector<16xi32>,
      tpu.vector_store_idx %arg24[%get3A_295], %broadcast_in_dim3A_3 {add = true} : memref<10112xf32, #tpu.memory_space<vmem>>[vector<16xi32>], vector<16xf32>,
      %get3A_296 = arith.constant 3 : i32
      %get3A_297 = arith.index_cast %get3A_296 : i32 to index
      %get3A_298 = arith.constant 96 : index
      %get3A_299 = tpu.vector_load %arg11[%get3A_297, %get3A_298] {strides = array<i32>} : memref<8x128xi32, #tpu.memory_space<vmem>>, vector<16xi32>,
      tpu.vector_store_idx %arg24[%get3A_299], %broadcast_in_dim3A_3 {add = true} : memref<10112xf32, #tpu.memory_space<vmem>>[vector<16xi32>], vector<16xf32>,
      %get3A_300 = arith.constant 3 : i32
      %get3A_301 = arith.index_cast %get3A_300 : i32 to index
      %get3A_302 = arith.constant 112 : index
      %get3A_303 = tpu.vector_load %arg11[%get3A_301, %get3A_302] {strides = array<i32>} : memref<8x128xi32, #tpu.memory_space<vmem>>, vector<16xi32>,
      tpu.vector_store_idx %arg24[%get3A_303], %broadcast_in_dim3A_3 {add = true} : memref<10112xf32, #tpu.memory_space<vmem>>[vector<16xi32>], vector<16xf32>,
      %dma_start3A_304 = arith.constant 3 : i32
      %dma_start3A_305 = arith.constant 0 : i32
      %dma_start3A_306 = tpu.memref_slice %arg11[%dma_start3A_304, %dma_start3A_305] : memref<8x128xi32, #tpu.memory_space<vmem>> -> memref<1x128xi32, #tpu.memory_space<vmem>>
      %dma_start3A_307 = tpu.memref_squeeze %dma_start3A_306 : memref<1x128xi32, #tpu.memory_space<vmem>> -> memref<128xi32, #tpu.memory_space<vmem>>
      %dma_start3A_308 = arith.constant 0 : i32
      %dma_start3A_309 = arith.constant 0 : i32
      %dma_start3A_310 = tpu.memref_slice %arg9[%dma_start3A_308, %dma_start3A_309] : memref<10112x128xf32, #tpu.memory_space<vmem_shared>> -> memref<10112x128xf32, #tpu.memory_space<vmem_shared>>
      tpu.enqueue_indirect_dma source(%arg15 : memref<128x128xf32, #tpu.memory_space<vmem>>) target(%dma_start3A_310 : memref<10112x128xf32, #tpu.memory_space<vmem_shared>>) offsets(%dma_start3A_307 : memref<128xi32, #tpu.memory_space<vmem>>) semaphore(%arg23 : memref<!tpu.dma_semaphore, #tpu.memory_space<semaphore_mem>>) {add = true}
      %dma_wait3A_311 = arith.constant 3 : i32
      %dma_wait3A_312 = arith.constant 0 : i32
      %dma_wait3A_313 = tpu.memref_slice %arg11[%dma_wait3A_311, %dma_wait3A_312] : memref<8x128xi32, #tpu.memory_space<vmem>> -> memref<1x128xi32, #tpu.memory_space<vmem>>
      %dma_wait3A_314 = tpu.memref_squeeze %dma_wait3A_313 : memref<1x128xi32, #tpu.memory_space<vmem>> -> memref<128xi32, #tpu.memory_space<vmem>>
      %dma_wait3A_315 = arith.constant 0 : i32
      %dma_wait3A_316 = arith.constant 0 : i32
      %dma_wait3A_317 = tpu.memref_slice %arg9[%dma_wait3A_315, %dma_wait3A_316] : memref<10112x128xf32, #tpu.memory_space<vmem_shared>> -> memref<10112x128xf32, #tpu.memory_space<vmem_shared>>
      tpu.wait_indirect_dma semaphore(%arg23 : memref<!tpu.dma_semaphore, #tpu.memory_space<semaphore_mem>>) src(%arg15 : memref<128x128xf32, #tpu.memory_space<vmem>>) dst(%dma_wait3A_317 : memref<10112x128xf32, #tpu.memory_space<vmem_shared>>)
      %dma_start3A_318 = arith.constant 5 : i32
      %dma_start3A_319 = arith.constant 0 : i32
      %dma_start3A_320 = tpu.memref_slice %arg10[%dma_start3A_318, %dma_start3A_319] : memref<8x128xi32, #tpu.memory_space<vmem>> -> memref<1x128xi32, #tpu.memory_space<vmem>>
      %dma_start3A_321 = tpu.memref_squeeze %dma_start3A_320 : memref<1x128xi32, #tpu.memory_space<vmem>> -> memref<128xi32, #tpu.memory_space<vmem>>
      %dma_start3A_322 = arith.constant 0 : i32
      %dma_start3A_323 = arith.constant 0 : i32
      %dma_start3A_324 = tpu.memref_slice %arg2[%dma_start3A_322, %dma_start3A_323] : memref<10000x128xf32, #tpu.memory_space<hbm>> -> memref<10000x128xf32, #tpu.memory_space<hbm>>
      tpu.enqueue_indirect_dma source(%dma_start3A_324 : memref<10000x128xf32, #tpu.memory_space<hbm>>) target(%arg15 : memref<128x128xf32, #tpu.memory_space<vmem>>) offsets(%dma_start3A_321 : memref<128xi32, #tpu.memory_space<vmem>>) semaphore(%arg21 : memref<!tpu.dma_semaphore, #tpu.memory_space<semaphore_mem>>)
      %dma_wait3A_325 = arith.constant 4 : i32
      %dma_wait3A_326 = arith.constant 0 : i32
      %dma_wait3A_327 = tpu.memref_slice %arg10[%dma_wait3A_325, %dma_wait3A_326] : memref<8x128xi32, #tpu.memory_space<vmem>> -> memref<1x128xi32, #tpu.memory_space<vmem>>
      %dma_wait3A_328 = tpu.memref_squeeze %dma_wait3A_327 : memref<1x128xi32, #tpu.memory_space<vmem>> -> memref<128xi32, #tpu.memory_space<vmem>>
      %dma_wait3A_329 = arith.constant 0 : i32
      %dma_wait3A_330 = arith.constant 0 : i32
      %dma_wait3A_331 = tpu.memref_slice %arg2[%dma_wait3A_329, %dma_wait3A_330] : memref<10000x128xf32, #tpu.memory_space<hbm>> -> memref<10000x128xf32, #tpu.memory_space<hbm>>
      tpu.wait_indirect_dma semaphore(%arg20 : memref<!tpu.dma_semaphore, #tpu.memory_space<semaphore_mem>>) src(%dma_wait3A_331 : memref<10000x128xf32, #tpu.memory_space<hbm>>) dst(%arg14 : memref<128x128xf32, #tpu.memory_space<vmem>>)
      %get3A_332 = arith.constant 4 : i32
      %get3A_333 = arith.index_cast %get3A_332 : i32 to index
      %get3A_334 = arith.constant 0 : index
      %get3A_335 = tpu.vector_load %arg11[%get3A_333, %get3A_334] {strides = array<i32>} : memref<8x128xi32, #tpu.memory_space<vmem>>, vector<16xi32>,
      tpu.vector_store_idx %arg24[%get3A_335], %broadcast_in_dim3A_3 {add = true} : memref<10112xf32, #tpu.memory_space<vmem>>[vector<16xi32>], vector<16xf32>,
      %get3A_336 = arith.constant 4 : i32
      %get3A_337 = arith.index_cast %get3A_336 : i32 to index
      %get3A_338 = arith.constant 16 : index
      %get3A_339 = tpu.vector_load %arg11[%get3A_337, %get3A_338] {strides = array<i32>} : memref<8x128xi32, #tpu.memory_space<vmem>>, vector<16xi32>,
      tpu.vector_store_idx %arg24[%get3A_339], %broadcast_in_dim3A_3 {add = true} : memref<10112xf32, #tpu.memory_space<vmem>>[vector<16xi32>], vector<16xf32>,
      %get3A_340 = arith.constant 4 : i32
      %get3A_341 = arith.index_cast %get3A_340 : i32 to index
      %get3A_342 = arith.constant 32 : index
      %get3A_343 = tpu.vector_load %arg11[%get3A_341, %get3A_342] {strides = array<i32>} : memref<8x128xi32, #tpu.memory_space<vmem>>, vector<16xi32>,
      tpu.vector_store_idx %arg24[%get3A_343], %broadcast_in_dim3A_3 {add = true} : memref<10112xf32, #tpu.memory_space<vmem>>[vector<16xi32>], vector<16xf32>,
      %get3A_344 = arith.constant 4 : i32
      %get3A_345 = arith.index_cast %get3A_344 : i32 to index
      %get3A_346 = arith.constant 48 : index
      %get3A_347 = tpu.vector_load %arg11[%get3A_345, %get3A_346] {strides = array<i32>} : memref<8x128xi32, #tpu.memory_space<vmem>>, vector<16xi32>,
      tpu.vector_store_idx %arg24[%get3A_347], %broadcast_in_dim3A_3 {add = true} : memref<10112xf32, #tpu.memory_space<vmem>>[vector<16xi32>], vector<16xf32>,
      %get3A_348 = arith.constant 4 : i32
      %get3A_349 = arith.index_cast %get3A_348 : i32 to index
      %get3A_350 = arith.constant 64 : index
      %get3A_351 = tpu.vector_load %arg11[%get3A_349, %get3A_350] {strides = array<i32>} : memref<8x128xi32, #tpu.memory_space<vmem>>, vector<16xi32>,
      tpu.vector_store_idx %arg24[%get3A_351], %broadcast_in_dim3A_3 {add = true} : memref<10112xf32, #tpu.memory_space<vmem>>[vector<16xi32>], vector<16xf32>,
      %get3A_352 = arith.constant 4 : i32
      %get3A_353 = arith.index_cast %get3A_352 : i32 to index
      %get3A_354 = arith.constant 80 : index
      %get3A_355 = tpu.vector_load %arg11[%get3A_353, %get3A_354] {strides = array<i32>} : memref<8x128xi32, #tpu.memory_space<vmem>>, vector<16xi32>,
      tpu.vector_store_idx %arg24[%get3A_355], %broadcast_in_dim3A_3 {add = true} : memref<10112xf32, #tpu.memory_space<vmem>>[vector<16xi32>], vector<16xf32>,
      %get3A_356 = arith.constant 4 : i32
      %get3A_357 = arith.index_cast %get3A_356 : i32 to index
      %get3A_358 = arith.constant 96 : index
      %get3A_359 = tpu.vector_load %arg11[%get3A_357, %get3A_358] {strides = array<i32>} : memref<8x128xi32, #tpu.memory_space<vmem>>, vector<16xi32>,
      tpu.vector_store_idx %arg24[%get3A_359], %broadcast_in_dim3A_3 {add = true} : memref<10112xf32, #tpu.memory_space<vmem>>[vector<16xi32>], vector<16xf32>,
      %get3A_360 = arith.constant 4 : i32
      %get3A_361 = arith.index_cast %get3A_360 : i32 to index
      %get3A_362 = arith.constant 112 : index
      %get3A_363 = tpu.vector_load %arg11[%get3A_361, %get3A_362] {strides = array<i32>} : memref<8x128xi32, #tpu.memory_space<vmem>>, vector<16xi32>,
      tpu.vector_store_idx %arg24[%get3A_363], %broadcast_in_dim3A_3 {add = true} : memref<10112xf32, #tpu.memory_space<vmem>>[vector<16xi32>], vector<16xf32>,
      %dma_start3A_364 = arith.constant 4 : i32
      %dma_start3A_365 = arith.constant 0 : i32
      %dma_start3A_366 = tpu.memref_slice %arg11[%dma_start3A_364, %dma_start3A_365] : memref<8x128xi32, #tpu.memory_space<vmem>> -> memref<1x128xi32, #tpu.memory_space<vmem>>
      %dma_start3A_367 = tpu.memref_squeeze %dma_start3A_366 : memref<1x128xi32, #tpu.memory_space<vmem>> -> memref<128xi32, #tpu.memory_space<vmem>>
      %dma_start3A_368 = arith.constant 0 : i32
      %dma_start3A_369 = arith.constant 0 : i32
      %dma_start3A_370 = tpu.memref_slice %arg9[%dma_start3A_368, %dma_start3A_369] : memref<10112x128xf32, #tpu.memory_space<vmem_shared>> -> memref<10112x128xf32, #tpu.memory_space<vmem_shared>>
      tpu.enqueue_indirect_dma source(%arg14 : memref<128x128xf32, #tpu.memory_space<vmem>>) target(%dma_start3A_370 : memref<10112x128xf32, #tpu.memory_space<vmem_shared>>) offsets(%dma_start3A_367 : memref<128xi32, #tpu.memory_space<vmem>>) semaphore(%arg22 : memref<!tpu.dma_semaphore, #tpu.memory_space<semaphore_mem>>) {add = true}
      %dma_wait3A_371 = arith.constant 4 : i32
      %dma_wait3A_372 = arith.constant 0 : i32
      %dma_wait3A_373 = tpu.memref_slice %arg11[%dma_wait3A_371, %dma_wait3A_372] : memref<8x128xi32, #tpu.memory_space<vmem>> -> memref<1x128xi32, #tpu.memory_space<vmem>>
      %dma_wait3A_374 = tpu.memref_squeeze %dma_wait3A_373 : memref<1x128xi32, #tpu.memory_space<vmem>> -> memref<128xi32, #tpu.memory_space<vmem>>
      %dma_wait3A_375 = arith.constant 0 : i32
      %dma_wait3A_376 = arith.constant 0 : i32
      %dma_wait3A_377 = tpu.memref_slice %arg9[%dma_wait3A_375, %dma_wait3A_376] : memref<10112x128xf32, #tpu.memory_space<vmem_shared>> -> memref<10112x128xf32, #tpu.memory_space<vmem_shared>>
      tpu.wait_indirect_dma semaphore(%arg22 : memref<!tpu.dma_semaphore, #tpu.memory_space<semaphore_mem>>) src(%arg14 : memref<128x128xf32, #tpu.memory_space<vmem>>) dst(%dma_wait3A_377 : memref<10112x128xf32, #tpu.memory_space<vmem_shared>>)
      %dma_start3A_378 = arith.constant 6 : i32
      %dma_start3A_379 = arith.constant 0 : i32
      %dma_start3A_380 = tpu.memref_slice %arg10[%dma_start3A_378, %dma_start3A_379] : memref<8x128xi32, #tpu.memory_space<vmem>> -> memref<1x128xi32, #tpu.memory_space<vmem>>
      %dma_start3A_381 = tpu.memref_squeeze %dma_start3A_380 : memref<1x128xi32, #tpu.memory_space<vmem>> -> memref<128xi32, #tpu.memory_space<vmem>>
      %dma_start3A_382 = arith.constant 0 : i32
      %dma_start3A_383 = arith.constant 0 : i32
      %dma_start3A_384 = tpu.memref_slice %arg2[%dma_start3A_382, %dma_start3A_383] : memref<10000x128xf32, #tpu.memory_space<hbm>> -> memref<10000x128xf32, #tpu.memory_space<hbm>>
      tpu.enqueue_indirect_dma source(%dma_start3A_384 : memref<10000x128xf32, #tpu.memory_space<hbm>>) target(%arg14 : memref<128x128xf32, #tpu.memory_space<vmem>>) offsets(%dma_start3A_381 : memref<128xi32, #tpu.memory_space<vmem>>) semaphore(%arg20 : memref<!tpu.dma_semaphore, #tpu.memory_space<semaphore_mem>>)
      %dma_wait3A_385 = arith.constant 5 : i32
      %dma_wait3A_386 = arith.constant 0 : i32
      %dma_wait3A_387 = tpu.memref_slice %arg10[%dma_wait3A_385, %dma_wait3A_386] : memref<8x128xi32, #tpu.memory_space<vmem>> -> memref<1x128xi32, #tpu.memory_space<vmem>>
      %dma_wait3A_388 = tpu.memref_squeeze %dma_wait3A_387 : memref<1x128xi32, #tpu.memory_space<vmem>> -> memref<128xi32, #tpu.memory_space<vmem>>
      %dma_wait3A_389 = arith.constant 0 : i32
      %dma_wait3A_390 = arith.constant 0 : i32
      %dma_wait3A_391 = tpu.memref_slice %arg2[%dma_wait3A_389, %dma_wait3A_390] : memref<10000x128xf32, #tpu.memory_space<hbm>> -> memref<10000x128xf32, #tpu.memory_space<hbm>>
      tpu.wait_indirect_dma semaphore(%arg21 : memref<!tpu.dma_semaphore, #tpu.memory_space<semaphore_mem>>) src(%dma_wait3A_391 : memref<10000x128xf32, #tpu.memory_space<hbm>>) dst(%arg15 : memref<128x128xf32, #tpu.memory_space<vmem>>)
      %get3A_392 = arith.constant 5 : i32
      %get3A_393 = arith.index_cast %get3A_392 : i32 to index
      %get3A_394 = arith.constant 0 : index
      %get3A_395 = tpu.vector_load %arg11[%get3A_393, %get3A_394] {strides = array<i32>} : memref<8x128xi32, #tpu.memory_space<vmem>>, vector<16xi32>,
      tpu.vector_store_idx %arg24[%get3A_395], %broadcast_in_dim3A_3 {add = true} : memref<10112xf32, #tpu.memory_space<vmem>>[vector<16xi32>], vector<16xf32>,
      %get3A_396 = arith.constant 5 : i32
      %get3A_397 = arith.index_cast %get3A_396 : i32 to index
      %get3A_398 = arith.constant 16 : index
      %get3A_399 = tpu.vector_load %arg11[%get3A_397, %get3A_398] {strides = array<i32>} : memref<8x128xi32, #tpu.memory_space<vmem>>, vector<16xi32>,
      tpu.vector_store_idx %arg24[%get3A_399], %broadcast_in_dim3A_3 {add = true} : memref<10112xf32, #tpu.memory_space<vmem>>[vector<16xi32>], vector<16xf32>,
      %get3A_400 = arith.constant 5 : i32
      %get3A_401 = arith.index_cast %get3A_400 : i32 to index
      %get3A_402 = arith.constant 32 : index
      %get3A_403 = tpu.vector_load %arg11[%get3A_401, %get3A_402] {strides = array<i32>} : memref<8x128xi32, #tpu.memory_space<vmem>>, vector<16xi32>,
      tpu.vector_store_idx %arg24[%get3A_403], %broadcast_in_dim3A_3 {add = true} : memref<10112xf32, #tpu.memory_space<vmem>>[vector<16xi32>], vector<16xf32>,
      %get3A_404 = arith.constant 5 : i32
      %get3A_405 = arith.index_cast %get3A_404 : i32 to index
      %get3A_406 = arith.constant 48 : index
      %get3A_407 = tpu.vector_load %arg11[%get3A_405, %get3A_406] {strides = array<i32>} : memref<8x128xi32, #tpu.memory_space<vmem>>, vector<16xi32>,
      tpu.vector_store_idx %arg24[%get3A_407], %broadcast_in_dim3A_3 {add = true} : memref<10112xf32, #tpu.memory_space<vmem>>[vector<16xi32>], vector<16xf32>,
      %get3A_408 = arith.constant 5 : i32
      %get3A_409 = arith.index_cast %get3A_408 : i32 to index
      %get3A_410 = arith.constant 64 : index
      %get3A_411 = tpu.vector_load %arg11[%get3A_409, %get3A_410] {strides = array<i32>} : memref<8x128xi32, #tpu.memory_space<vmem>>, vector<16xi32>,
      tpu.vector_store_idx %arg24[%get3A_411], %broadcast_in_dim3A_3 {add = true} : memref<10112xf32, #tpu.memory_space<vmem>>[vector<16xi32>], vector<16xf32>,
      %get3A_412 = arith.constant 5 : i32
      %get3A_413 = arith.index_cast %get3A_412 : i32 to index
      %get3A_414 = arith.constant 80 : index
      %get3A_415 = tpu.vector_load %arg11[%get3A_413, %get3A_414] {strides = array<i32>} : memref<8x128xi32, #tpu.memory_space<vmem>>, vector<16xi32>,
      tpu.vector_store_idx %arg24[%get3A_415], %broadcast_in_dim3A_3 {add = true} : memref<10112xf32, #tpu.memory_space<vmem>>[vector<16xi32>], vector<16xf32>,
      %get3A_416 = arith.constant 5 : i32
      %get3A_417 = arith.index_cast %get3A_416 : i32 to index
      %get3A_418 = arith.constant 96 : index
      %get3A_419 = tpu.vector_load %arg11[%get3A_417, %get3A_418] {strides = array<i32>} : memref<8x128xi32, #tpu.memory_space<vmem>>, vector<16xi32>,
      tpu.vector_store_idx %arg24[%get3A_419], %broadcast_in_dim3A_3 {add = true} : memref<10112xf32, #tpu.memory_space<vmem>>[vector<16xi32>], vector<16xf32>,
      %get3A_420 = arith.constant 5 : i32
      %get3A_421 = arith.index_cast %get3A_420 : i32 to index
      %get3A_422 = arith.constant 112 : index
      %get3A_423 = tpu.vector_load %arg11[%get3A_421, %get3A_422] {strides = array<i32>} : memref<8x128xi32, #tpu.memory_space<vmem>>, vector<16xi32>,
      tpu.vector_store_idx %arg24[%get3A_423], %broadcast_in_dim3A_3 {add = true} : memref<10112xf32, #tpu.memory_space<vmem>>[vector<16xi32>], vector<16xf32>,
      %dma_start3A_424 = arith.constant 5 : i32
      %dma_start3A_425 = arith.constant 0 : i32
      %dma_start3A_426 = tpu.memref_slice %arg11[%dma_start3A_424, %dma_start3A_425] : memref<8x128xi32, #tpu.memory_space<vmem>> -> memref<1x128xi32, #tpu.memory_space<vmem>>
      %dma_start3A_427 = tpu.memref_squeeze %dma_start3A_426 : memref<1x128xi32, #tpu.memory_space<vmem>> -> memref<128xi32, #tpu.memory_space<vmem>>
      %dma_start3A_428 = arith.constant 0 : i32
      %dma_start3A_429 = arith.constant 0 : i32
      %dma_start3A_430 = tpu.memref_slice %arg9[%dma_start3A_428, %dma_start3A_429] : memref<10112x128xf32, #tpu.memory_space<vmem_shared>> -> memref<10112x128xf32, #tpu.memory_space<vmem_shared>>
      tpu.enqueue_indirect_dma source(%arg15 : memref<128x128xf32, #tpu.memory_space<vmem>>) target(%dma_start3A_430 : memref<10112x128xf32, #tpu.memory_space<vmem_shared>>) offsets(%dma_start3A_427 : memref<128xi32, #tpu.memory_space<vmem>>) semaphore(%arg23 : memref<!tpu.dma_semaphore, #tpu.memory_space<semaphore_mem>>) {add = true}
      %dma_wait3A_431 = arith.constant 5 : i32
      %dma_wait3A_432 = arith.constant 0 : i32
      %dma_wait3A_433 = tpu.memref_slice %arg11[%dma_wait3A_431, %dma_wait3A_432] : memref<8x128xi32, #tpu.memory_space<vmem>> -> memref<1x128xi32, #tpu.memory_space<vmem>>
      %dma_wait3A_434 = tpu.memref_squeeze %dma_wait3A_433 : memref<1x128xi32, #tpu.memory_space<vmem>> -> memref<128xi32, #tpu.memory_space<vmem>>
      %dma_wait3A_435 = arith.constant 0 : i32
      %dma_wait3A_436 = arith.constant 0 : i32
      %dma_wait3A_437 = tpu.memref_slice %arg9[%dma_wait3A_435, %dma_wait3A_436] : memref<10112x128xf32, #tpu.memory_space<vmem_shared>> -> memref<10112x128xf32, #tpu.memory_space<vmem_shared>>
      tpu.wait_indirect_dma semaphore(%arg23 : memref<!tpu.dma_semaphore, #tpu.memory_space<semaphore_mem>>) src(%arg15 : memref<128x128xf32, #tpu.memory_space<vmem>>) dst(%dma_wait3A_437 : memref<10112x128xf32, #tpu.memory_space<vmem_shared>>)
      %dma_start3A_438 = arith.constant 7 : i32
      %dma_start3A_439 = arith.constant 0 : i32
      %dma_start3A_440 = tpu.memref_slice %arg10[%dma_start3A_438, %dma_start3A_439] : memref<8x128xi32, #tpu.memory_space<vmem>> -> memref<1x128xi32, #tpu.memory_space<vmem>>
      %dma_start3A_441 = tpu.memref_squeeze %dma_start3A_440 : memref<1x128xi32, #tpu.memory_space<vmem>> -> memref<128xi32, #tpu.memory_space<vmem>>
      %dma_start3A_442 = arith.constant 0 : i32
      %dma_start3A_443 = arith.constant 0 : i32
      %dma_start3A_444 = tpu.memref_slice %arg2[%dma_start3A_442, %dma_start3A_443] : memref<10000x128xf32, #tpu.memory_space<hbm>> -> memref<10000x128xf32, #tpu.memory_space<hbm>>
      tpu.enqueue_indirect_dma source(%dma_start3A_444 : memref<10000x128xf32, #tpu.memory_space<hbm>>) target(%arg15 : memref<128x128xf32, #tpu.memory_space<vmem>>) offsets(%dma_start3A_441 : memref<128xi32, #tpu.memory_space<vmem>>) semaphore(%arg21 : memref<!tpu.dma_semaphore, #tpu.memory_space<semaphore_mem>>)
      %dma_wait3A_445 = arith.constant 6 : i32
      %dma_wait3A_446 = arith.constant 0 : i32
      %dma_wait3A_447 = tpu.memref_slice %arg10[%dma_wait3A_445, %dma_wait3A_446] : memref<8x128xi32, #tpu.memory_space<vmem>> -> memref<1x128xi32, #tpu.memory_space<vmem>>
      %dma_wait3A_448 = tpu.memref_squeeze %dma_wait3A_447 : memref<1x128xi32, #tpu.memory_space<vmem>> -> memref<128xi32, #tpu.memory_space<vmem>>
      %dma_wait3A_449 = arith.constant 0 : i32
      %dma_wait3A_450 = arith.constant 0 : i32
      %dma_wait3A_451 = tpu.memref_slice %arg2[%dma_wait3A_449, %dma_wait3A_450] : memref<10000x128xf32, #tpu.memory_space<hbm>> -> memref<10000x128xf32, #tpu.memory_space<hbm>>
      tpu.wait_indirect_dma semaphore(%arg20 : memref<!tpu.dma_semaphore, #tpu.memory_space<semaphore_mem>>) src(%dma_wait3A_451 : memref<10000x128xf32, #tpu.memory_space<hbm>>) dst(%arg14 : memref<128x128xf32, #tpu.memory_space<vmem>>)
      %get3A_452 = arith.constant 6 : i32
      %get3A_453 = arith.index_cast %get3A_452 : i32 to index
      %get3A_454 = arith.constant 0 : index
      %get3A_455 = tpu.vector_load %arg11[%get3A_453, %get3A_454] {strides = array<i32>} : memref<8x128xi32, #tpu.memory_space<vmem>>, vector<16xi32>,
      tpu.vector_store_idx %arg24[%get3A_455], %broadcast_in_dim3A_3 {add = true} : memref<10112xf32, #tpu.memory_space<vmem>>[vector<16xi32>], vector<16xf32>,
      %get3A_456 = arith.constant 6 : i32
      %get3A_457 = arith.index_cast %get3A_456 : i32 to index
      %get3A_458 = arith.constant 16 : index
      %get3A_459 = tpu.vector_load %arg11[%get3A_457, %get3A_458] {strides = array<i32>} : memref<8x128xi32, #tpu.memory_space<vmem>>, vector<16xi32>,
      tpu.vector_store_idx %arg24[%get3A_459], %broadcast_in_dim3A_3 {add = true} : memref<10112xf32, #tpu.memory_space<vmem>>[vector<16xi32>], vector<16xf32>,
      %get3A_460 = arith.constant 6 : i32
      %get3A_461 = arith.index_cast %get3A_460 : i32 to index
      %get3A_462 = arith.constant 32 : index
      %get3A_463 = tpu.vector_load %arg11[%get3A_461, %get3A_462] {strides = array<i32>} : memref<8x128xi32, #tpu.memory_space<vmem>>, vector<16xi32>,
      tpu.vector_store_idx %arg24[%get3A_463], %broadcast_in_dim3A_3 {add = true} : memref<10112xf32, #tpu.memory_space<vmem>>[vector<16xi32>], vector<16xf32>,
      %get3A_464 = arith.constant 6 : i32
      %get3A_465 = arith.index_cast %get3A_464 : i32 to index
      %get3A_466 = arith.constant 48 : index
      %get3A_467 = tpu.vector_load %arg11[%get3A_465, %get3A_466] {strides = array<i32>} : memref<8x128xi32, #tpu.memory_space<vmem>>, vector<16xi32>,
      tpu.vector_store_idx %arg24[%get3A_467], %broadcast_in_dim3A_3 {add = true} : memref<10112xf32, #tpu.memory_space<vmem>>[vector<16xi32>], vector<16xf32>,
      %get3A_468 = arith.constant 6 : i32
      %get3A_469 = arith.index_cast %get3A_468 : i32 to index
      %get3A_470 = arith.constant 64 : index
      %get3A_471 = tpu.vector_load %arg11[%get3A_469, %get3A_470] {strides = array<i32>} : memref<8x128xi32, #tpu.memory_space<vmem>>, vector<16xi32>,
      tpu.vector_store_idx %arg24[%get3A_471], %broadcast_in_dim3A_3 {add = true} : memref<10112xf32, #tpu.memory_space<vmem>>[vector<16xi32>], vector<16xf32>,
      %get3A_472 = arith.constant 6 : i32
      %get3A_473 = arith.index_cast %get3A_472 : i32 to index
      %get3A_474 = arith.constant 80 : index
      %get3A_475 = tpu.vector_load %arg11[%get3A_473, %get3A_474] {strides = array<i32>} : memref<8x128xi32, #tpu.memory_space<vmem>>, vector<16xi32>,
      tpu.vector_store_idx %arg24[%get3A_475], %broadcast_in_dim3A_3 {add = true} : memref<10112xf32, #tpu.memory_space<vmem>>[vector<16xi32>], vector<16xf32>,
      %get3A_476 = arith.constant 6 : i32
      %get3A_477 = arith.index_cast %get3A_476 : i32 to index
      %get3A_478 = arith.constant 96 : index
      %get3A_479 = tpu.vector_load %arg11[%get3A_477, %get3A_478] {strides = array<i32>} : memref<8x128xi32, #tpu.memory_space<vmem>>, vector<16xi32>,
      tpu.vector_store_idx %arg24[%get3A_479], %broadcast_in_dim3A_3 {add = true} : memref<10112xf32, #tpu.memory_space<vmem>>[vector<16xi32>], vector<16xf32>,
      %get3A_480 = arith.constant 6 : i32
      %get3A_481 = arith.index_cast %get3A_480 : i32 to index
      %get3A_482 = arith.constant 112 : index
      %get3A_483 = tpu.vector_load %arg11[%get3A_481, %get3A_482] {strides = array<i32>} : memref<8x128xi32, #tpu.memory_space<vmem>>, vector<16xi32>,
      tpu.vector_store_idx %arg24[%get3A_483], %broadcast_in_dim3A_3 {add = true} : memref<10112xf32, #tpu.memory_space<vmem>>[vector<16xi32>], vector<16xf32>,
      %dma_start3A_484 = arith.constant 6 : i32
      %dma_start3A_485 = arith.constant 0 : i32
      %dma_start3A_486 = tpu.memref_slice %arg11[%dma_start3A_484, %dma_start3A_485] : memref<8x128xi32, #tpu.memory_space<vmem>> -> memref<1x128xi32, #tpu.memory_space<vmem>>
      %dma_start3A_487 = tpu.memref_squeeze %dma_start3A_486 : memref<1x128xi32, #tpu.memory_space<vmem>> -> memref<128xi32, #tpu.memory_space<vmem>>
      %dma_start3A_488 = arith.constant 0 : i32
      %dma_start3A_489 = arith.constant 0 : i32
      %dma_start3A_490 = tpu.memref_slice %arg9[%dma_start3A_488, %dma_start3A_489] : memref<10112x128xf32, #tpu.memory_space<vmem_shared>> -> memref<10112x128xf32, #tpu.memory_space<vmem_shared>>
      tpu.enqueue_indirect_dma source(%arg14 : memref<128x128xf32, #tpu.memory_space<vmem>>) target(%dma_start3A_490 : memref<10112x128xf32, #tpu.memory_space<vmem_shared>>) offsets(%dma_start3A_487 : memref<128xi32, #tpu.memory_space<vmem>>) semaphore(%arg22 : memref<!tpu.dma_semaphore, #tpu.memory_space<semaphore_mem>>) {add = true}
      %dma_wait3A_491 = arith.constant 6 : i32
      %dma_wait3A_492 = arith.constant 0 : i32
      %dma_wait3A_493 = tpu.memref_slice %arg11[%dma_wait3A_491, %dma_wait3A_492] : memref<8x128xi32, #tpu.memory_space<vmem>> -> memref<1x128xi32, #tpu.memory_space<vmem>>
      %dma_wait3A_494 = tpu.memref_squeeze %dma_wait3A_493 : memref<1x128xi32, #tpu.memory_space<vmem>> -> memref<128xi32, #tpu.memory_space<vmem>>
      %dma_wait3A_495 = arith.constant 0 : i32
      %dma_wait3A_496 = arith.constant 0 : i32
      %dma_wait3A_497 = tpu.memref_slice %arg9[%dma_wait3A_495, %dma_wait3A_496] : memref<10112x128xf32, #tpu.memory_space<vmem_shared>> -> memref<10112x128xf32, #tpu.memory_space<vmem_shared>>
      tpu.wait_indirect_dma semaphore(%arg22 : memref<!tpu.dma_semaphore, #tpu.memory_space<semaphore_mem>>) src(%arg14 : memref<128x128xf32, #tpu.memory_space<vmem>>) dst(%dma_wait3A_497 : memref<10112x128xf32, #tpu.memory_space<vmem_shared>>)
      %add3A_498 = arith.constant 1 : i32
      %add3A_499 = arith.addi %mul3A_75, %add3A_498 : i32
      %mul3A_500 = arith.constant 80 : i32
      %mul3A_501 = arith.muli %add3A, %mul3A_500 : i32
      %mul3A_502 = arith.constant 8 : i32
      %mul3A_503 = arith.muli %add3A_499, %mul3A_502 : i32
      %add3A_504 = arith.addi %mul3A_501, %mul3A_503 : i32
      %dma_wait3A_505 = arith.constant 0 : i32
      %dma_wait3A_506 = tpu.memref_slice %arg3[%add3A_504, %dma_wait3A_505] : memref<2560x128xi32, #tpu.memory_space<hbm>> -> memref<8x128xi32, #tpu.memory_space<hbm>>
      %dma_wait3A_507 = arith.constant 0 : i32
      %dma_wait3A_508 = tpu.memref_slice %arg3[%add3A_504, %dma_wait3A_507] : memref<2560x128xi32, #tpu.memory_space<hbm>> -> memref<8x128xi32, #tpu.memory_space<hbm>>
      tpu.wait_dma2 semaphore(%arg18 : memref<!tpu.dma_semaphore, #tpu.memory_space<semaphore_mem>>) src(%dma_wait3A_508 : memref<8x128xi32, #tpu.memory_space<hbm>>) dst(%arg12 : memref<8x128xi32, #tpu.memory_space<vmem>>)
      %mul3A_509 = arith.constant 80 : i32
      %mul3A_510 = arith.muli %add3A, %mul3A_509 : i32
      %mul3A_511 = arith.constant 8 : i32
      %mul3A_512 = arith.muli %add3A_499, %mul3A_511 : i32
      %add3A_513 = arith.addi %mul3A_510, %mul3A_512 : i32
      %dma_wait3A_514 = arith.constant 0 : i32
      %dma_wait3A_515 = tpu.memref_slice %arg4[%add3A_513, %dma_wait3A_514] : memref<2560x128xi32, #tpu.memory_space<hbm>> -> memref<8x128xi32, #tpu.memory_space<hbm>>
      %dma_wait3A_516 = arith.constant 0 : i32
      %dma_wait3A_517 = tpu.memref_slice %arg4[%add3A_513, %dma_wait3A_516] : memref<2560x128xi32, #tpu.memory_space<hbm>> -> memref<8x128xi32, #tpu.memory_space<hbm>>
      tpu.wait_dma2 semaphore(%arg19 : memref<!tpu.dma_semaphore, #tpu.memory_space<semaphore_mem>>) src(%dma_wait3A_517 : memref<8x128xi32, #tpu.memory_space<hbm>>) dst(%arg13 : memref<8x128xi32, #tpu.memory_space<vmem>>)
      %dma_start3A_518 = arith.constant 0 : i32
      %dma_start3A_519 = arith.constant 0 : i32
      %dma_start3A_520 = tpu.memref_slice %arg12[%dma_start3A_518, %dma_start3A_519] : memref<8x128xi32, #tpu.memory_space<vmem>> -> memref<1x128xi32, #tpu.memory_space<vmem>>
      %dma_start3A_521 = tpu.memref_squeeze %dma_start3A_520 : memref<1x128xi32, #tpu.memory_space<vmem>> -> memref<128xi32, #tpu.memory_space<vmem>>
      %dma_start3A_522 = arith.constant 0 : i32
      %dma_start3A_523 = arith.constant 0 : i32
      %dma_start3A_524 = tpu.memref_slice %arg2[%dma_start3A_522, %dma_start3A_523] : memref<10000x128xf32, #tpu.memory_space<hbm>> -> memref<10000x128xf32, #tpu.memory_space<hbm>>
      tpu.enqueue_indirect_dma source(%dma_start3A_524 : memref<10000x128xf32, #tpu.memory_space<hbm>>) target(%arg14 : memref<128x128xf32, #tpu.memory_space<vmem>>) offsets(%dma_start3A_521 : memref<128xi32, #tpu.memory_space<vmem>>) semaphore(%arg20 : memref<!tpu.dma_semaphore, #tpu.memory_space<semaphore_mem>>)
      %dma_wait3A_525 = arith.constant 7 : i32
      %dma_wait3A_526 = arith.constant 0 : i32
      %dma_wait3A_527 = tpu.memref_slice %arg10[%dma_wait3A_525, %dma_wait3A_526] : memref<8x128xi32, #tpu.memory_space<vmem>> -> memref<1x128xi32, #tpu.memory_space<vmem>>
      %dma_wait3A_528 = tpu.memref_squeeze %dma_wait3A_527 : memref<1x128xi32, #tpu.memory_space<vmem>> -> memref<128xi32, #tpu.memory_space<vmem>>
      %dma_wait3A_529 = arith.constant 0 : i32
      %dma_wait3A_530 = arith.constant 0 : i32
      %dma_wait3A_531 = tpu.memref_slice %arg2[%dma_wait3A_529, %dma_wait3A_530] : memref<10000x128xf32, #tpu.memory_space<hbm>> -> memref<10000x128xf32, #tpu.memory_space<hbm>>
      tpu.wait_indirect_dma semaphore(%arg21 : memref<!tpu.dma_semaphore, #tpu.memory_space<semaphore_mem>>) src(%dma_wait3A_531 : memref<10000x128xf32, #tpu.memory_space<hbm>>) dst(%arg15 : memref<128x128xf32, #tpu.memory_space<vmem>>)
      %get3A_532 = arith.constant 7 : i32
      %get3A_533 = arith.index_cast %get3A_532 : i32 to index
      %get3A_534 = arith.constant 0 : index
      %get3A_535 = tpu.vector_load %arg11[%get3A_533, %get3A_534] {strides = array<i32>} : memref<8x128xi32, #tpu.memory_space<vmem>>, vector<16xi32>,
      tpu.vector_store_idx %arg24[%get3A_535], %broadcast_in_dim3A_3 {add = true} : memref<10112xf32, #tpu.memory_space<vmem>>[vector<16xi32>], vector<16xf32>,
      %get3A_536 = arith.constant 7 : i32
      %get3A_537 = arith.index_cast %get3A_536 : i32 to index
      %get3A_538 = arith.constant 16 : index
      %get3A_539 = tpu.vector_load %arg11[%get3A_537, %get3A_538] {strides = array<i32>} : memref<8x128xi32, #tpu.memory_space<vmem>>, vector<16xi32>,
      tpu.vector_store_idx %arg24[%get3A_539], %broadcast_in_dim3A_3 {add = true} : memref<10112xf32, #tpu.memory_space<vmem>>[vector<16xi32>], vector<16xf32>,
      %get3A_540 = arith.constant 7 : i32
      %get3A_541 = arith.index_cast %get3A_540 : i32 to index
      %get3A_542 = arith.constant 32 : index
      %get3A_543 = tpu.vector_load %arg11[%get3A_541, %get3A_542] {strides = array<i32>} : memref<8x128xi32, #tpu.memory_space<vmem>>, vector<16xi32>,
      tpu.vector_store_idx %arg24[%get3A_543], %broadcast_in_dim3A_3 {add = true} : memref<10112xf32, #tpu.memory_space<vmem>>[vector<16xi32>], vector<16xf32>,
      %get3A_544 = arith.constant 7 : i32
      %get3A_545 = arith.index_cast %get3A_544 : i32 to index
      %get3A_546 = arith.constant 48 : index
      %get3A_547 = tpu.vector_load %arg11[%get3A_545, %get3A_546] {strides = array<i32>} : memref<8x128xi32, #tpu.memory_space<vmem>>, vector<16xi32>,
      tpu.vector_store_idx %arg24[%get3A_547], %broadcast_in_dim3A_3 {add = true} : memref<10112xf32, #tpu.memory_space<vmem>>[vector<16xi32>], vector<16xf32>,
      %get3A_548 = arith.constant 7 : i32
      %get3A_549 = arith.index_cast %get3A_548 : i32 to index
      %get3A_550 = arith.constant 64 : index
      %get3A_551 = tpu.vector_load %arg11[%get3A_549, %get3A_550] {strides = array<i32>} : memref<8x128xi32, #tpu.memory_space<vmem>>, vector<16xi32>,
      tpu.vector_store_idx %arg24[%get3A_551], %broadcast_in_dim3A_3 {add = true} : memref<10112xf32, #tpu.memory_space<vmem>>[vector<16xi32>], vector<16xf32>,
      %get3A_552 = arith.constant 7 : i32
      %get3A_553 = arith.index_cast %get3A_552 : i32 to index
      %get3A_554 = arith.constant 80 : index
      %get3A_555 = tpu.vector_load %arg11[%get3A_553, %get3A_554] {strides = array<i32>} : memref<8x128xi32, #tpu.memory_space<vmem>>, vector<16xi32>,
      tpu.vector_store_idx %arg24[%get3A_555], %broadcast_in_dim3A_3 {add = true} : memref<10112xf32, #tpu.memory_space<vmem>>[vector<16xi32>], vector<16xf32>,
      %get3A_556 = arith.constant 7 : i32
      %get3A_557 = arith.index_cast %get3A_556 : i32 to index
      %get3A_558 = arith.constant 96 : index
      %get3A_559 = tpu.vector_load %arg11[%get3A_557, %get3A_558] {strides = array<i32>} : memref<8x128xi32, #tpu.memory_space<vmem>>, vector<16xi32>,
      tpu.vector_store_idx %arg24[%get3A_559], %broadcast_in_dim3A_3 {add = true} : memref<10112xf32, #tpu.memory_space<vmem>>[vector<16xi32>], vector<16xf32>,
      %get3A_560 = arith.constant 7 : i32
      %get3A_561 = arith.index_cast %get3A_560 : i32 to index
      %get3A_562 = arith.constant 112 : index
      %get3A_563 = tpu.vector_load %arg11[%get3A_561, %get3A_562] {strides = array<i32>} : memref<8x128xi32, #tpu.memory_space<vmem>>, vector<16xi32>,
      tpu.vector_store_idx %arg24[%get3A_563], %broadcast_in_dim3A_3 {add = true} : memref<10112xf32, #tpu.memory_space<vmem>>[vector<16xi32>], vector<16xf32>,
      %dma_start3A_564 = arith.constant 7 : i32
      %dma_start3A_565 = arith.constant 0 : i32
      %dma_start3A_566 = tpu.memref_slice %arg11[%dma_start3A_564, %dma_start3A_565] : memref<8x128xi32, #tpu.memory_space<vmem>> -> memref<1x128xi32, #tpu.memory_space<vmem>>
      %dma_start3A_567 = tpu.memref_squeeze %dma_start3A_566 : memref<1x128xi32, #tpu.memory_space<vmem>> -> memref<128xi32, #tpu.memory_space<vmem>>
      %dma_start3A_568 = arith.constant 0 : i32
      %dma_start3A_569 = arith.constant 0 : i32
      %dma_start3A_570 = tpu.memref_slice %arg9[%dma_start3A_568, %dma_start3A_569] : memref<10112x128xf32, #tpu.memory_space<vmem_shared>> -> memref<10112x128xf32, #tpu.memory_space<vmem_shared>>
      tpu.enqueue_indirect_dma source(%arg15 : memref<128x128xf32, #tpu.memory_space<vmem>>) target(%dma_start3A_570 : memref<10112x128xf32, #tpu.memory_space<vmem_shared>>) offsets(%dma_start3A_567 : memref<128xi32, #tpu.memory_space<vmem>>) semaphore(%arg23 : memref<!tpu.dma_semaphore, #tpu.memory_space<semaphore_mem>>) {add = true}
      %convert_element_type3A_571 = arith.extui %lt3A_76 : i1 to i32
      %cond3A_572 = arith.constant 0 : i32
      %cond3A_573 = arith.cmpi ne, %convert_element_type3A_571, %cond3A_572 : i32
      scf.if %cond3A_573 {
        %add3A_1055 = arith.constant 2 : i32
        %add3A_1056 = arith.addi %mul3A_75, %add3A_1055 : i32
        %mul3A_1057 = arith.constant 80 : i32
        %mul3A_1058 = arith.muli %add3A, %mul3A_1057 : i32
        %mul3A_1059 = arith.constant 8 : i32
        %mul3A_1060 = arith.muli %add3A_1056, %mul3A_1059 : i32
        %add3A_1061 = arith.addi %mul3A_1058, %mul3A_1060 : i32
        %dma_start3A_1062 = arith.constant 0 : i32
        %dma_start3A_1063 = tpu.memref_slice %arg3[%add3A_1061, %dma_start3A_1062] : memref<2560x128xi32, #tpu.memory_space<hbm>> -> memref<8x128xi32, #tpu.memory_space<hbm>>
        %dma_start3A_1064 = arith.constant 0 : i32
        %dma_start3A_1065 = tpu.memref_slice %arg3[%add3A_1061, %dma_start3A_1064] : memref<2560x128xi32, #tpu.memory_space<hbm>> -> memref<8x128xi32, #tpu.memory_space<hbm>>
        tpu.enqueue_dma source(%dma_start3A_1065 : memref<8x128xi32, #tpu.memory_space<hbm>>) target(%arg10 : memref<8x128xi32, #tpu.memory_space<vmem>>) target_semaphore(%arg16 : memref<!tpu.dma_semaphore, #tpu.memory_space<semaphore_mem>>)
        %mul3A_1066 = arith.constant 80 : i32
        %mul3A_1067 = arith.muli %add3A, %mul3A_1066 : i32
        %mul3A_1068 = arith.constant 8 : i32
        %mul3A_1069 = arith.muli %add3A_1056, %mul3A_1068 : i32
        %add3A_1070 = arith.addi %mul3A_1067, %mul3A_1069 : i32
        %dma_start3A_1071 = arith.constant 0 : i32
        %dma_start3A_1072 = tpu.memref_slice %arg4[%add3A_1070, %dma_start3A_1071] : memref<2560x128xi32, #tpu.memory_space<hbm>> -> memref<8x128xi32, #tpu.memory_space<hbm>>
        %dma_start3A_1073 = arith.constant 0 : i32
        %dma_start3A_1074 = tpu.memref_slice %arg4[%add3A_1070, %dma_start3A_1073] : memref<2560x128xi32, #tpu.memory_space<hbm>> -> memref<8x128xi32, #tpu.memory_space<hbm>>
        tpu.enqueue_dma source(%dma_start3A_1074 : memref<8x128xi32, #tpu.memory_space<hbm>>) target(%arg11 : memref<8x128xi32, #tpu.memory_space<vmem>>) target_semaphore(%arg17 : memref<!tpu.dma_semaphore, #tpu.memory_space<semaphore_mem>>)
      } else {
      }
      %add3A_574 = arith.constant 1 : i32
      %add3A_575 = arith.addi %mul3A_75, %add3A_574 : i32
      %dma_wait3A_576 = arith.constant 7 : i32
      %dma_wait3A_577 = arith.constant 0 : i32
      %dma_wait3A_578 = tpu.memref_slice %arg10[%dma_wait3A_576, %dma_wait3A_577] : memref<8x128xi32, #tpu.memory_space<vmem>> -> memref<1x128xi32, #tpu.memory_space<vmem>>
      %dma_wait3A_579 = tpu.memref_squeeze %dma_wait3A_578 : memref<1x128xi32, #tpu.memory_space<vmem>> -> memref<128xi32, #tpu.memory_space<vmem>>
      %dma_wait3A_580 = arith.constant 0 : i32
      %dma_wait3A_581 = arith.constant 0 : i32
      %dma_wait3A_582 = tpu.memref_slice %arg9[%dma_wait3A_580, %dma_wait3A_581] : memref<10112x128xf32, #tpu.memory_space<vmem_shared>> -> memref<10112x128xf32, #tpu.memory_space<vmem_shared>>
      tpu.wait_indirect_dma semaphore(%arg23 : memref<!tpu.dma_semaphore, #tpu.memory_space<semaphore_mem>>) src(%arg15 : memref<128x128xf32, #tpu.memory_space<vmem>>) dst(%dma_wait3A_582 : memref<10112x128xf32, #tpu.memory_space<vmem_shared>>)
      %dma_start3A_583 = arith.constant 1 : i32
      %dma_start3A_584 = arith.constant 0 : i32
      %dma_start3A_585 = tpu.memref_slice %arg12[%dma_start3A_583, %dma_start3A_584] : memref<8x128xi32, #tpu.memory_space<vmem>> -> memref<1x128xi32, #tpu.memory_space<vmem>>
      %dma_start3A_586 = tpu.memref_squeeze %dma_start3A_585 : memref<1x128xi32, #tpu.memory_space<vmem>> -> memref<128xi32, #tpu.memory_space<vmem>>
      %dma_start3A_587 = arith.constant 0 : i32
      %dma_start3A_588 = arith.constant 0 : i32
      %dma_start3A_589 = tpu.memref_slice %arg2[%dma_start3A_587, %dma_start3A_588] : memref<10000x128xf32, #tpu.memory_space<hbm>> -> memref<10000x128xf32, #tpu.memory_space<hbm>>
      tpu.enqueue_indirect_dma source(%dma_start3A_589 : memref<10000x128xf32, #tpu.memory_space<hbm>>) target(%arg15 : memref<128x128xf32, #tpu.memory_space<vmem>>) offsets(%dma_start3A_586 : memref<128xi32, #tpu.memory_space<vmem>>) semaphore(%arg21 : memref<!tpu.dma_semaphore, #tpu.memory_space<semaphore_mem>>)
      %dma_wait3A_590 = arith.constant 0 : i32
      %dma_wait3A_591 = arith.constant 0 : i32
      %dma_wait3A_592 = tpu.memref_slice %arg12[%dma_wait3A_590, %dma_wait3A_591] : memref<8x128xi32, #tpu.memory_space<vmem>> -> memref<1x128xi32, #tpu.memory_space<vmem>>
      %dma_wait3A_593 = tpu.memref_squeeze %dma_wait3A_592 : memref<1x128xi32, #tpu.memory_space<vmem>> -> memref<128xi32, #tpu.memory_space<vmem>>
      %dma_wait3A_594 = arith.constant 0 : i32
      %dma_wait3A_595 = arith.constant 0 : i32
      %dma_wait3A_596 = tpu.memref_slice %arg2[%dma_wait3A_594, %dma_wait3A_595] : memref<10000x128xf32, #tpu.memory_space<hbm>> -> memref<10000x128xf32, #tpu.memory_space<hbm>>
      tpu.wait_indirect_dma semaphore(%arg20 : memref<!tpu.dma_semaphore, #tpu.memory_space<semaphore_mem>>) src(%dma_wait3A_596 : memref<10000x128xf32, #tpu.memory_space<hbm>>) dst(%arg14 : memref<128x128xf32, #tpu.memory_space<vmem>>)
      %get3A_597 = arith.constant 0 : i32
      %get3A_598 = arith.index_cast %get3A_597 : i32 to index
      %get3A_599 = arith.constant 0 : index
      %get3A_600 = tpu.vector_load %arg13[%get3A_598, %get3A_599] {strides = array<i32>} : memref<8x128xi32, #tpu.memory_space<vmem>>, vector<16xi32>,
      tpu.vector_store_idx %arg24[%get3A_600], %broadcast_in_dim3A_3 {add = true} : memref<10112xf32, #tpu.memory_space<vmem>>[vector<16xi32>], vector<16xf32>,
      %get3A_601 = arith.constant 0 : i32
      %get3A_602 = arith.index_cast %get3A_601 : i32 to index
      %get3A_603 = arith.constant 16 : index
      %get3A_604 = tpu.vector_load %arg13[%get3A_602, %get3A_603] {strides = array<i32>} : memref<8x128xi32, #tpu.memory_space<vmem>>, vector<16xi32>,
      tpu.vector_store_idx %arg24[%get3A_604], %broadcast_in_dim3A_3 {add = true} : memref<10112xf32, #tpu.memory_space<vmem>>[vector<16xi32>], vector<16xf32>,
      %get3A_605 = arith.constant 0 : i32
      %get3A_606 = arith.index_cast %get3A_605 : i32 to index
      %get3A_607 = arith.constant 32 : index
      %get3A_608 = tpu.vector_load %arg13[%get3A_606, %get3A_607] {strides = array<i32>} : memref<8x128xi32, #tpu.memory_space<vmem>>, vector<16xi32>,
      tpu.vector_store_idx %arg24[%get3A_608], %broadcast_in_dim3A_3 {add = true} : memref<10112xf32, #tpu.memory_space<vmem>>[vector<16xi32>], vector<16xf32>,
      %get3A_609 = arith.constant 0 : i32
      %get3A_610 = arith.index_cast %get3A_609 : i32 to index
      %get3A_611 = arith.constant 48 : index
      %get3A_612 = tpu.vector_load %arg13[%get3A_610, %get3A_611] {strides = array<i32>} : memref<8x128xi32, #tpu.memory_space<vmem>>, vector<16xi32>,
      tpu.vector_store_idx %arg24[%get3A_612], %broadcast_in_dim3A_3 {add = true} : memref<10112xf32, #tpu.memory_space<vmem>>[vector<16xi32>], vector<16xf32>,
      %get3A_613 = arith.constant 0 : i32
      %get3A_614 = arith.index_cast %get3A_613 : i32 to index
      %get3A_615 = arith.constant 64 : index
      %get3A_616 = tpu.vector_load %arg13[%get3A_614, %get3A_615] {strides = array<i32>} : memref<8x128xi32, #tpu.memory_space<vmem>>, vector<16xi32>,
      tpu.vector_store_idx %arg24[%get3A_616], %broadcast_in_dim3A_3 {add = true} : memref<10112xf32, #tpu.memory_space<vmem>>[vector<16xi32>], vector<16xf32>,
      %get3A_617 = arith.constant 0 : i32
      %get3A_618 = arith.index_cast %get3A_617 : i32 to index
      %get3A_619 = arith.constant 80 : index
      %get3A_620 = tpu.vector_load %arg13[%get3A_618, %get3A_619] {strides = array<i32>} : memref<8x128xi32, #tpu.memory_space<vmem>>, vector<16xi32>,
      tpu.vector_store_idx %arg24[%get3A_620], %broadcast_in_dim3A_3 {add = true} : memref<10112xf32, #tpu.memory_space<vmem>>[vector<16xi32>], vector<16xf32>,
      %get3A_621 = arith.constant 0 : i32
      %get3A_622 = arith.index_cast %get3A_621 : i32 to index
      %get3A_623 = arith.constant 96 : index
      %get3A_624 = tpu.vector_load %arg13[%get3A_622, %get3A_623] {strides = array<i32>} : memref<8x128xi32, #tpu.memory_space<vmem>>, vector<16xi32>,
      tpu.vector_store_idx %arg24[%get3A_624], %broadcast_in_dim3A_3 {add = true} : memref<10112xf32, #tpu.memory_space<vmem>>[vector<16xi32>], vector<16xf32>,
      %get3A_625 = arith.constant 0 : i32
      %get3A_626 = arith.index_cast %get3A_625 : i32 to index
      %get3A_627 = arith.constant 112 : index
      %get3A_628 = tpu.vector_load %arg13[%get3A_626, %get3A_627] {strides = array<i32>} : memref<8x128xi32, #tpu.memory_space<vmem>>, vector<16xi32>,
      tpu.vector_store_idx %arg24[%get3A_628], %broadcast_in_dim3A_3 {add = true} : memref<10112xf32, #tpu.memory_space<vmem>>[vector<16xi32>], vector<16xf32>,
      %dma_start3A_629 = arith.constant 0 : i32
      %dma_start3A_630 = arith.constant 0 : i32
      %dma_start3A_631 = tpu.memref_slice %arg13[%dma_start3A_629, %dma_start3A_630] : memref<8x128xi32, #tpu.memory_space<vmem>> -> memref<1x128xi32, #tpu.memory_space<vmem>>
      %dma_start3A_632 = tpu.memref_squeeze %dma_start3A_631 : memref<1x128xi32, #tpu.memory_space<vmem>> -> memref<128xi32, #tpu.memory_space<vmem>>
      %dma_start3A_633 = arith.constant 0 : i32
      %dma_start3A_634 = arith.constant 0 : i32
      %dma_start3A_635 = tpu.memref_slice %arg9[%dma_start3A_633, %dma_start3A_634] : memref<10112x128xf32, #tpu.memory_space<vmem_shared>> -> memref<10112x128xf32, #tpu.memory_space<vmem_shared>>
      tpu.enqueue_indirect_dma source(%arg14 : memref<128x128xf32, #tpu.memory_space<vmem>>) target(%dma_start3A_635 : memref<10112x128xf32, #tpu.memory_space<vmem_shared>>) offsets(%dma_start3A_632 : memref<128xi32, #tpu.memory_space<vmem>>) semaphore(%arg22 : memref<!tpu.dma_semaphore, #tpu.memory_space<semaphore_mem>>) {add = true}
      %dma_wait3A_636 = arith.constant 0 : i32
      %dma_wait3A_637 = arith.constant 0 : i32
      %dma_wait3A_638 = tpu.memref_slice %arg13[%dma_wait3A_636, %dma_wait3A_637] : memref<8x128xi32, #tpu.memory_space<vmem>> -> memref<1x128xi32, #tpu.memory_space<vmem>>
      %dma_wait3A_639 = tpu.memref_squeeze %dma_wait3A_638 : memref<1x128xi32, #tpu.memory_space<vmem>> -> memref<128xi32, #tpu.memory_space<vmem>>
      %dma_wait3A_640 = arith.constant 0 : i32
      %dma_wait3A_641 = arith.constant 0 : i32
      %dma_wait3A_642 = tpu.memref_slice %arg9[%dma_wait3A_640, %dma_wait3A_641] : memref<10112x128xf32, #tpu.memory_space<vmem_shared>> -> memref<10112x128xf32, #tpu.memory_space<vmem_shared>>
      tpu.wait_indirect_dma semaphore(%arg22 : memref<!tpu.dma_semaphore, #tpu.memory_space<semaphore_mem>>) src(%arg14 : memref<128x128xf32, #tpu.memory_space<vmem>>) dst(%dma_wait3A_642 : memref<10112x128xf32, #tpu.memory_space<vmem_shared>>)
      %dma_start3A_643 = arith.constant 2 : i32
      %dma_start3A_644 = arith.constant 0 : i32
      %dma_start3A_645 = tpu.memref_slice %arg12[%dma_start3A_643, %dma_start3A_644] : memref<8x128xi32, #tpu.memory_space<vmem>> -> memref<1x128xi32, #tpu.memory_space<vmem>>
      %dma_start3A_646 = tpu.memref_squeeze %dma_start3A_645 : memref<1x128xi32, #tpu.memory_space<vmem>> -> memref<128xi32, #tpu.memory_space<vmem>>
      %dma_start3A_647 = arith.constant 0 : i32
      %dma_start3A_648 = arith.constant 0 : i32
      %dma_start3A_649 = tpu.memref_slice %arg2[%dma_start3A_647, %dma_start3A_648] : memref<10000x128xf32, #tpu.memory_space<hbm>> -> memref<10000x128xf32, #tpu.memory_space<hbm>>
      tpu.enqueue_indirect_dma source(%dma_start3A_649 : memref<10000x128xf32, #tpu.memory_space<hbm>>) target(%arg14 : memref<128x128xf32, #tpu.memory_space<vmem>>) offsets(%dma_start3A_646 : memref<128xi32, #tpu.memory_space<vmem>>) semaphore(%arg20 : memref<!tpu.dma_semaphore, #tpu.memory_space<semaphore_mem>>)
      %dma_wait3A_650 = arith.constant 1 : i32
      %dma_wait3A_651 = arith.constant 0 : i32
      %dma_wait3A_652 = tpu.memref_slice %arg12[%dma_wait3A_650, %dma_wait3A_651] : memref<8x128xi32, #tpu.memory_space<vmem>> -> memref<1x128xi32, #tpu.memory_space<vmem>>
      %dma_wait3A_653 = tpu.memref_squeeze %dma_wait3A_652 : memref<1x128xi32, #tpu.memory_space<vmem>> -> memref<128xi32, #tpu.memory_space<vmem>>
      %dma_wait3A_654 = arith.constant 0 : i32
      %dma_wait3A_655 = arith.constant 0 : i32
      %dma_wait3A_656 = tpu.memref_slice %arg2[%dma_wait3A_654, %dma_wait3A_655] : memref<10000x128xf32, #tpu.memory_space<hbm>> -> memref<10000x128xf32, #tpu.memory_space<hbm>>
      tpu.wait_indirect_dma semaphore(%arg21 : memref<!tpu.dma_semaphore, #tpu.memory_space<semaphore_mem>>) src(%dma_wait3A_656 : memref<10000x128xf32, #tpu.memory_space<hbm>>) dst(%arg15 : memref<128x128xf32, #tpu.memory_space<vmem>>)
      %get3A_657 = arith.constant 1 : i32
      %get3A_658 = arith.index_cast %get3A_657 : i32 to index
      %get3A_659 = arith.constant 0 : index
      %get3A_660 = tpu.vector_load %arg13[%get3A_658, %get3A_659] {strides = array<i32>} : memref<8x128xi32, #tpu.memory_space<vmem>>, vector<16xi32>,
      tpu.vector_store_idx %arg24[%get3A_660], %broadcast_in_dim3A_3 {add = true} : memref<10112xf32, #tpu.memory_space<vmem>>[vector<16xi32>], vector<16xf32>,
      %get3A_661 = arith.constant 1 : i32
      %get3A_662 = arith.index_cast %get3A_661 : i32 to index
      %get3A_663 = arith.constant 16 : index
      %get3A_664 = tpu.vector_load %arg13[%get3A_662, %get3A_663] {strides = array<i32>} : memref<8x128xi32, #tpu.memory_space<vmem>>, vector<16xi32>,
      tpu.vector_store_idx %arg24[%get3A_664], %broadcast_in_dim3A_3 {add = true} : memref<10112xf32, #tpu.memory_space<vmem>>[vector<16xi32>], vector<16xf32>,
      %get3A_665 = arith.constant 1 : i32
      %get3A_666 = arith.index_cast %get3A_665 : i32 to index
      %get3A_667 = arith.constant 32 : index
      %get3A_668 = tpu.vector_load %arg13[%get3A_666, %get3A_667] {strides = array<i32>} : memref<8x128xi32, #tpu.memory_space<vmem>>, vector<16xi32>,
      tpu.vector_store_idx %arg24[%get3A_668], %broadcast_in_dim3A_3 {add = true} : memref<10112xf32, #tpu.memory_space<vmem>>[vector<16xi32>], vector<16xf32>,
      %get3A_669 = arith.constant 1 : i32
      %get3A_670 = arith.index_cast %get3A_669 : i32 to index
      %get3A_671 = arith.constant 48 : index
      %get3A_672 = tpu.vector_load %arg13[%get3A_670, %get3A_671] {strides = array<i32>} : memref<8x128xi32, #tpu.memory_space<vmem>>, vector<16xi32>,
      tpu.vector_store_idx %arg24[%get3A_672], %broadcast_in_dim3A_3 {add = true} : memref<10112xf32, #tpu.memory_space<vmem>>[vector<16xi32>], vector<16xf32>,
      %get3A_673 = arith.constant 1 : i32
      %get3A_674 = arith.index_cast %get3A_673 : i32 to index
      %get3A_675 = arith.constant 64 : index
      %get3A_676 = tpu.vector_load %arg13[%get3A_674, %get3A_675] {strides = array<i32>} : memref<8x128xi32, #tpu.memory_space<vmem>>, vector<16xi32>,
      tpu.vector_store_idx %arg24[%get3A_676], %broadcast_in_dim3A_3 {add = true} : memref<10112xf32, #tpu.memory_space<vmem>>[vector<16xi32>], vector<16xf32>,
      %get3A_677 = arith.constant 1 : i32
      %get3A_678 = arith.index_cast %get3A_677 : i32 to index
      %get3A_679 = arith.constant 80 : index
      %get3A_680 = tpu.vector_load %arg13[%get3A_678, %get3A_679] {strides = array<i32>} : memref<8x128xi32, #tpu.memory_space<vmem>>, vector<16xi32>,
      tpu.vector_store_idx %arg24[%get3A_680], %broadcast_in_dim3A_3 {add = true} : memref<10112xf32, #tpu.memory_space<vmem>>[vector<16xi32>], vector<16xf32>,
      %get3A_681 = arith.constant 1 : i32
      %get3A_682 = arith.index_cast %get3A_681 : i32 to index
      %get3A_683 = arith.constant 96 : index
      %get3A_684 = tpu.vector_load %arg13[%get3A_682, %get3A_683] {strides = array<i32>} : memref<8x128xi32, #tpu.memory_space<vmem>>, vector<16xi32>,
      tpu.vector_store_idx %arg24[%get3A_684], %broadcast_in_dim3A_3 {add = true} : memref<10112xf32, #tpu.memory_space<vmem>>[vector<16xi32>], vector<16xf32>,
      %get3A_685 = arith.constant 1 : i32
      %get3A_686 = arith.index_cast %get3A_685 : i32 to index
      %get3A_687 = arith.constant 112 : index
      %get3A_688 = tpu.vector_load %arg13[%get3A_686, %get3A_687] {strides = array<i32>} : memref<8x128xi32, #tpu.memory_space<vmem>>, vector<16xi32>,
      tpu.vector_store_idx %arg24[%get3A_688], %broadcast_in_dim3A_3 {add = true} : memref<10112xf32, #tpu.memory_space<vmem>>[vector<16xi32>], vector<16xf32>,
      %dma_start3A_689 = arith.constant 1 : i32
      %dma_start3A_690 = arith.constant 0 : i32
      %dma_start3A_691 = tpu.memref_slice %arg13[%dma_start3A_689, %dma_start3A_690] : memref<8x128xi32, #tpu.memory_space<vmem>> -> memref<1x128xi32, #tpu.memory_space<vmem>>
      %dma_start3A_692 = tpu.memref_squeeze %dma_start3A_691 : memref<1x128xi32, #tpu.memory_space<vmem>> -> memref<128xi32, #tpu.memory_space<vmem>>
      %dma_start3A_693 = arith.constant 0 : i32
      %dma_start3A_694 = arith.constant 0 : i32
      %dma_start3A_695 = tpu.memref_slice %arg9[%dma_start3A_693, %dma_start3A_694] : memref<10112x128xf32, #tpu.memory_space<vmem_shared>> -> memref<10112x128xf32, #tpu.memory_space<vmem_shared>>
      tpu.enqueue_indirect_dma source(%arg15 : memref<128x128xf32, #tpu.memory_space<vmem>>) target(%dma_start3A_695 : memref<10112x128xf32, #tpu.memory_space<vmem_shared>>) offsets(%dma_start3A_692 : memref<128xi32, #tpu.memory_space<vmem>>) semaphore(%arg23 : memref<!tpu.dma_semaphore, #tpu.memory_space<semaphore_mem>>) {add = true}
      %dma_wait3A_696 = arith.constant 1 : i32
      %dma_wait3A_697 = arith.constant 0 : i32
      %dma_wait3A_698 = tpu.memref_slice %arg13[%dma_wait3A_696, %dma_wait3A_697] : memref<8x128xi32, #tpu.memory_space<vmem>> -> memref<1x128xi32, #tpu.memory_space<vmem>>
      %dma_wait3A_699 = tpu.memref_squeeze %dma_wait3A_698 : memref<1x128xi32, #tpu.memory_space<vmem>> -> memref<128xi32, #tpu.memory_space<vmem>>
      %dma_wait3A_700 = arith.constant 0 : i32
      %dma_wait3A_701 = arith.constant 0 : i32
      %dma_wait3A_702 = tpu.memref_slice %arg9[%dma_wait3A_700, %dma_wait3A_701] : memref<10112x128xf32, #tpu.memory_space<vmem_shared>> -> memref<10112x128xf32, #tpu.memory_space<vmem_shared>>
      tpu.wait_indirect_dma semaphore(%arg23 : memref<!tpu.dma_semaphore, #tpu.memory_space<semaphore_mem>>) src(%arg15 : memref<128x128xf32, #tpu.memory_space<vmem>>) dst(%dma_wait3A_702 : memref<10112x128xf32, #tpu.memory_space<vmem_shared>>)
      %dma_start3A_703 = arith.constant 3 : i32
      %dma_start3A_704 = arith.constant 0 : i32
      %dma_start3A_705 = tpu.memref_slice %arg12[%dma_start3A_703, %dma_start3A_704] : memref<8x128xi32, #tpu.memory_space<vmem>> -> memref<1x128xi32, #tpu.memory_space<vmem>>
      %dma_start3A_706 = tpu.memref_squeeze %dma_start3A_705 : memref<1x128xi32, #tpu.memory_space<vmem>> -> memref<128xi32, #tpu.memory_space<vmem>>
      %dma_start3A_707 = arith.constant 0 : i32
      %dma_start3A_708 = arith.constant 0 : i32
      %dma_start3A_709 = tpu.memref_slice %arg2[%dma_start3A_707, %dma_start3A_708] : memref<10000x128xf32, #tpu.memory_space<hbm>> -> memref<10000x128xf32, #tpu.memory_space<hbm>>
      tpu.enqueue_indirect_dma source(%dma_start3A_709 : memref<10000x128xf32, #tpu.memory_space<hbm>>) target(%arg15 : memref<128x128xf32, #tpu.memory_space<vmem>>) offsets(%dma_start3A_706 : memref<128xi32, #tpu.memory_space<vmem>>) semaphore(%arg21 : memref<!tpu.dma_semaphore, #tpu.memory_space<semaphore_mem>>)
      %dma_wait3A_710 = arith.constant 2 : i32
      %dma_wait3A_711 = arith.constant 0 : i32
      %dma_wait3A_712 = tpu.memref_slice %arg12[%dma_wait3A_710, %dma_wait3A_711] : memref<8x128xi32, #tpu.memory_space<vmem>> -> memref<1x128xi32, #tpu.memory_space<vmem>>
      %dma_wait3A_713 = tpu.memref_squeeze %dma_wait3A_712 : memref<1x128xi32, #tpu.memory_space<vmem>> -> memref<128xi32, #tpu.memory_space<vmem>>
      %dma_wait3A_714 = arith.constant 0 : i32
      %dma_wait3A_715 = arith.constant 0 : i32
      %dma_wait3A_716 = tpu.memref_slice %arg2[%dma_wait3A_714, %dma_wait3A_715] : memref<10000x128xf32, #tpu.memory_space<hbm>> -> memref<10000x128xf32, #tpu.memory_space<hbm>>
      tpu.wait_indirect_dma semaphore(%arg20 : memref<!tpu.dma_semaphore, #tpu.memory_space<semaphore_mem>>) src(%dma_wait3A_716 : memref<10000x128xf32, #tpu.memory_space<hbm>>) dst(%arg14 : memref<128x128xf32, #tpu.memory_space<vmem>>)
      %get3A_717 = arith.constant 2 : i32
      %get3A_718 = arith.index_cast %get3A_717 : i32 to index
      %get3A_719 = arith.constant 0 : index
      %get3A_720 = tpu.vector_load %arg13[%get3A_718, %get3A_719] {strides = array<i32>} : memref<8x128xi32, #tpu.memory_space<vmem>>, vector<16xi32>,
      tpu.vector_store_idx %arg24[%get3A_720], %broadcast_in_dim3A_3 {add = true} : memref<10112xf32, #tpu.memory_space<vmem>>[vector<16xi32>], vector<16xf32>,
      %get3A_721 = arith.constant 2 : i32
      %get3A_722 = arith.index_cast %get3A_721 : i32 to index
      %get3A_723 = arith.constant 16 : index
      %get3A_724 = tpu.vector_load %arg13[%get3A_722, %get3A_723] {strides = array<i32>} : memref<8x128xi32, #tpu.memory_space<vmem>>, vector<16xi32>,
      tpu.vector_store_idx %arg24[%get3A_724], %broadcast_in_dim3A_3 {add = true} : memref<10112xf32, #tpu.memory_space<vmem>>[vector<16xi32>], vector<16xf32>,
      %get3A_725 = arith.constant 2 : i32
      %get3A_726 = arith.index_cast %get3A_725 : i32 to index
      %get3A_727 = arith.constant 32 : index
      %get3A_728 = tpu.vector_load %arg13[%get3A_726, %get3A_727] {strides = array<i32>} : memref<8x128xi32, #tpu.memory_space<vmem>>, vector<16xi32>,
      tpu.vector_store_idx %arg24[%get3A_728], %broadcast_in_dim3A_3 {add = true} : memref<10112xf32, #tpu.memory_space<vmem>>[vector<16xi32>], vector<16xf32>,
      %get3A_729 = arith.constant 2 : i32
      %get3A_730 = arith.index_cast %get3A_729 : i32 to index
      %get3A_731 = arith.constant 48 : index
      %get3A_732 = tpu.vector_load %arg13[%get3A_730, %get3A_731] {strides = array<i32>} : memref<8x128xi32, #tpu.memory_space<vmem>>, vector<16xi32>,
      tpu.vector_store_idx %arg24[%get3A_732], %broadcast_in_dim3A_3 {add = true} : memref<10112xf32, #tpu.memory_space<vmem>>[vector<16xi32>], vector<16xf32>,
      %get3A_733 = arith.constant 2 : i32
      %get3A_734 = arith.index_cast %get3A_733 : i32 to index
      %get3A_735 = arith.constant 64 : index
      %get3A_736 = tpu.vector_load %arg13[%get3A_734, %get3A_735] {strides = array<i32>} : memref<8x128xi32, #tpu.memory_space<vmem>>, vector<16xi32>,
      tpu.vector_store_idx %arg24[%get3A_736], %broadcast_in_dim3A_3 {add = true} : memref<10112xf32, #tpu.memory_space<vmem>>[vector<16xi32>], vector<16xf32>,
      %get3A_737 = arith.constant 2 : i32
      %get3A_738 = arith.index_cast %get3A_737 : i32 to index
      %get3A_739 = arith.constant 80 : index
      %get3A_740 = tpu.vector_load %arg13[%get3A_738, %get3A_739] {strides = array<i32>} : memref<8x128xi32, #tpu.memory_space<vmem>>, vector<16xi32>,
      tpu.vector_store_idx %arg24[%get3A_740], %broadcast_in_dim3A_3 {add = true} : memref<10112xf32, #tpu.memory_space<vmem>>[vector<16xi32>], vector<16xf32>,
      %get3A_741 = arith.constant 2 : i32
      %get3A_742 = arith.index_cast %get3A_741 : i32 to index
      %get3A_743 = arith.constant 96 : index
      %get3A_744 = tpu.vector_load %arg13[%get3A_742, %get3A_743] {strides = array<i32>} : memref<8x128xi32, #tpu.memory_space<vmem>>, vector<16xi32>,
      tpu.vector_store_idx %arg24[%get3A_744], %broadcast_in_dim3A_3 {add = true} : memref<10112xf32, #tpu.memory_space<vmem>>[vector<16xi32>], vector<16xf32>,
      %get3A_745 = arith.constant 2 : i32
      %get3A_746 = arith.index_cast %get3A_745 : i32 to index
      %get3A_747 = arith.constant 112 : index
      %get3A_748 = tpu.vector_load %arg13[%get3A_746, %get3A_747] {strides = array<i32>} : memref<8x128xi32, #tpu.memory_space<vmem>>, vector<16xi32>,
      tpu.vector_store_idx %arg24[%get3A_748], %broadcast_in_dim3A_3 {add = true} : memref<10112xf32, #tpu.memory_space<vmem>>[vector<16xi32>], vector<16xf32>,
      %dma_start3A_749 = arith.constant 2 : i32
      %dma_start3A_750 = arith.constant 0 : i32
      %dma_start3A_751 = tpu.memref_slice %arg13[%dma_start3A_749, %dma_start3A_750] : memref<8x128xi32, #tpu.memory_space<vmem>> -> memref<1x128xi32, #tpu.memory_space<vmem>>
      %dma_start3A_752 = tpu.memref_squeeze %dma_start3A_751 : memref<1x128xi32, #tpu.memory_space<vmem>> -> memref<128xi32, #tpu.memory_space<vmem>>
      %dma_start3A_753 = arith.constant 0 : i32
      %dma_start3A_754 = arith.constant 0 : i32
      %dma_start3A_755 = tpu.memref_slice %arg9[%dma_start3A_753, %dma_start3A_754] : memref<10112x128xf32, #tpu.memory_space<vmem_shared>> -> memref<10112x128xf32, #tpu.memory_space<vmem_shared>>
      tpu.enqueue_indirect_dma source(%arg14 : memref<128x128xf32, #tpu.memory_space<vmem>>) target(%dma_start3A_755 : memref<10112x128xf32, #tpu.memory_space<vmem_shared>>) offsets(%dma_start3A_752 : memref<128xi32, #tpu.memory_space<vmem>>) semaphore(%arg22 : memref<!tpu.dma_semaphore, #tpu.memory_space<semaphore_mem>>) {add = true}
      %dma_wait3A_756 = arith.constant 2 : i32
      %dma_wait3A_757 = arith.constant 0 : i32
      %dma_wait3A_758 = tpu.memref_slice %arg13[%dma_wait3A_756, %dma_wait3A_757] : memref<8x128xi32, #tpu.memory_space<vmem>> -> memref<1x128xi32, #tpu.memory_space<vmem>>
      %dma_wait3A_759 = tpu.memref_squeeze %dma_wait3A_758 : memref<1x128xi32, #tpu.memory_space<vmem>> -> memref<128xi32, #tpu.memory_space<vmem>>
      %dma_wait3A_760 = arith.constant 0 : i32
      %dma_wait3A_761 = arith.constant 0 : i32
      %dma_wait3A_762 = tpu.memref_slice %arg9[%dma_wait3A_760, %dma_wait3A_761] : memref<10112x128xf32, #tpu.memory_space<vmem_shared>> -> memref<10112x128xf32, #tpu.memory_space<vmem_shared>>
      tpu.wait_indirect_dma semaphore(%arg22 : memref<!tpu.dma_semaphore, #tpu.memory_space<semaphore_mem>>) src(%arg14 : memref<128x128xf32, #tpu.memory_space<vmem>>) dst(%dma_wait3A_762 : memref<10112x128xf32, #tpu.memory_space<vmem_shared>>)
      %dma_start3A_763 = arith.constant 4 : i32
      %dma_start3A_764 = arith.constant 0 : i32
      %dma_start3A_765 = tpu.memref_slice %arg12[%dma_start3A_763, %dma_start3A_764] : memref<8x128xi32, #tpu.memory_space<vmem>> -> memref<1x128xi32, #tpu.memory_space<vmem>>
      %dma_start3A_766 = tpu.memref_squeeze %dma_start3A_765 : memref<1x128xi32, #tpu.memory_space<vmem>> -> memref<128xi32, #tpu.memory_space<vmem>>
      %dma_start3A_767 = arith.constant 0 : i32
      %dma_start3A_768 = arith.constant 0 : i32
      %dma_start3A_769 = tpu.memref_slice %arg2[%dma_start3A_767, %dma_start3A_768] : memref<10000x128xf32, #tpu.memory_space<hbm>> -> memref<10000x128xf32, #tpu.memory_space<hbm>>
      tpu.enqueue_indirect_dma source(%dma_start3A_769 : memref<10000x128xf32, #tpu.memory_space<hbm>>) target(%arg14 : memref<128x128xf32, #tpu.memory_space<vmem>>) offsets(%dma_start3A_766 : memref<128xi32, #tpu.memory_space<vmem>>) semaphore(%arg20 : memref<!tpu.dma_semaphore, #tpu.memory_space<semaphore_mem>>)
      %dma_wait3A_770 = arith.constant 3 : i32
      %dma_wait3A_771 = arith.constant 0 : i32
      %dma_wait3A_772 = tpu.memref_slice %arg12[%dma_wait3A_770, %dma_wait3A_771] : memref<8x128xi32, #tpu.memory_space<vmem>> -> memref<1x128xi32, #tpu.memory_space<vmem>>
      %dma_wait3A_773 = tpu.memref_squeeze %dma_wait3A_772 : memref<1x128xi32, #tpu.memory_space<vmem>> -> memref<128xi32, #tpu.memory_space<vmem>>
      %dma_wait3A_774 = arith.constant 0 : i32
      %dma_wait3A_775 = arith.constant 0 : i32
      %dma_wait3A_776 = tpu.memref_slice %arg2[%dma_wait3A_774, %dma_wait3A_775] : memref<10000x128xf32, #tpu.memory_space<hbm>> -> memref<10000x128xf32, #tpu.memory_space<hbm>>
      tpu.wait_indirect_dma semaphore(%arg21 : memref<!tpu.dma_semaphore, #tpu.memory_space<semaphore_mem>>) src(%dma_wait3A_776 : memref<10000x128xf32, #tpu.memory_space<hbm>>) dst(%arg15 : memref<128x128xf32, #tpu.memory_space<vmem>>)
      %get3A_777 = arith.constant 3 : i32
      %get3A_778 = arith.index_cast %get3A_777 : i32 to index
      %get3A_779 = arith.constant 0 : index
      %get3A_780 = tpu.vector_load %arg13[%get3A_778, %get3A_779] {strides = array<i32>} : memref<8x128xi32, #tpu.memory_space<vmem>>, vector<16xi32>,
      tpu.vector_store_idx %arg24[%get3A_780], %broadcast_in_dim3A_3 {add = true} : memref<10112xf32, #tpu.memory_space<vmem>>[vector<16xi32>], vector<16xf32>,
      %get3A_781 = arith.constant 3 : i32
      %get3A_782 = arith.index_cast %get3A_781 : i32 to index
      %get3A_783 = arith.constant 16 : index
      %get3A_784 = tpu.vector_load %arg13[%get3A_782, %get3A_783] {strides = array<i32>} : memref<8x128xi32, #tpu.memory_space<vmem>>, vector<16xi32>,
      tpu.vector_store_idx %arg24[%get3A_784], %broadcast_in_dim3A_3 {add = true} : memref<10112xf32, #tpu.memory_space<vmem>>[vector<16xi32>], vector<16xf32>,
      %get3A_785 = arith.constant 3 : i32
      %get3A_786 = arith.index_cast %get3A_785 : i32 to index
      %get3A_787 = arith.constant 32 : index
      %get3A_788 = tpu.vector_load %arg13[%get3A_786, %get3A_787] {strides = array<i32>} : memref<8x128xi32, #tpu.memory_space<vmem>>, vector<16xi32>,
      tpu.vector_store_idx %arg24[%get3A_788], %broadcast_in_dim3A_3 {add = true} : memref<10112xf32, #tpu.memory_space<vmem>>[vector<16xi32>], vector<16xf32>,
      %get3A_789 = arith.constant 3 : i32
      %get3A_790 = arith.index_cast %get3A_789 : i32 to index
      %get3A_791 = arith.constant 48 : index
      %get3A_792 = tpu.vector_load %arg13[%get3A_790, %get3A_791] {strides = array<i32>} : memref<8x128xi32, #tpu.memory_space<vmem>>, vector<16xi32>,
      tpu.vector_store_idx %arg24[%get3A_792], %broadcast_in_dim3A_3 {add = true} : memref<10112xf32, #tpu.memory_space<vmem>>[vector<16xi32>], vector<16xf32>,
      %get3A_793 = arith.constant 3 : i32
      %get3A_794 = arith.index_cast %get3A_793 : i32 to index
      %get3A_795 = arith.constant 64 : index
      %get3A_796 = tpu.vector_load %arg13[%get3A_794, %get3A_795] {strides = array<i32>} : memref<8x128xi32, #tpu.memory_space<vmem>>, vector<16xi32>,
      tpu.vector_store_idx %arg24[%get3A_796], %broadcast_in_dim3A_3 {add = true} : memref<10112xf32, #tpu.memory_space<vmem>>[vector<16xi32>], vector<16xf32>,
      %get3A_797 = arith.constant 3 : i32
      %get3A_798 = arith.index_cast %get3A_797 : i32 to index
      %get3A_799 = arith.constant 80 : index
      %get3A_800 = tpu.vector_load %arg13[%get3A_798, %get3A_799] {strides = array<i32>} : memref<8x128xi32, #tpu.memory_space<vmem>>, vector<16xi32>,
      tpu.vector_store_idx %arg24[%get3A_800], %broadcast_in_dim3A_3 {add = true} : memref<10112xf32, #tpu.memory_space<vmem>>[vector<16xi32>], vector<16xf32>,
      %get3A_801 = arith.constant 3 : i32
      %get3A_802 = arith.index_cast %get3A_801 : i32 to index
      %get3A_803 = arith.constant 96 : index
      %get3A_804 = tpu.vector_load %arg13[%get3A_802, %get3A_803] {strides = array<i32>} : memref<8x128xi32, #tpu.memory_space<vmem>>, vector<16xi32>,
      tpu.vector_store_idx %arg24[%get3A_804], %broadcast_in_dim3A_3 {add = true} : memref<10112xf32, #tpu.memory_space<vmem>>[vector<16xi32>], vector<16xf32>,
      %get3A_805 = arith.constant 3 : i32
      %get3A_806 = arith.index_cast %get3A_805 : i32 to index
      %get3A_807 = arith.constant 112 : index
      %get3A_808 = tpu.vector_load %arg13[%get3A_806, %get3A_807] {strides = array<i32>} : memref<8x128xi32, #tpu.memory_space<vmem>>, vector<16xi32>,
      tpu.vector_store_idx %arg24[%get3A_808], %broadcast_in_dim3A_3 {add = true} : memref<10112xf32, #tpu.memory_space<vmem>>[vector<16xi32>], vector<16xf32>,
      %dma_start3A_809 = arith.constant 3 : i32
      %dma_start3A_810 = arith.constant 0 : i32
      %dma_start3A_811 = tpu.memref_slice %arg13[%dma_start3A_809, %dma_start3A_810] : memref<8x128xi32, #tpu.memory_space<vmem>> -> memref<1x128xi32, #tpu.memory_space<vmem>>
      %dma_start3A_812 = tpu.memref_squeeze %dma_start3A_811 : memref<1x128xi32, #tpu.memory_space<vmem>> -> memref<128xi32, #tpu.memory_space<vmem>>
      %dma_start3A_813 = arith.constant 0 : i32
      %dma_start3A_814 = arith.constant 0 : i32
      %dma_start3A_815 = tpu.memref_slice %arg9[%dma_start3A_813, %dma_start3A_814] : memref<10112x128xf32, #tpu.memory_space<vmem_shared>> -> memref<10112x128xf32, #tpu.memory_space<vmem_shared>>
      tpu.enqueue_indirect_dma source(%arg15 : memref<128x128xf32, #tpu.memory_space<vmem>>) target(%dma_start3A_815 : memref<10112x128xf32, #tpu.memory_space<vmem_shared>>) offsets(%dma_start3A_812 : memref<128xi32, #tpu.memory_space<vmem>>) semaphore(%arg23 : memref<!tpu.dma_semaphore, #tpu.memory_space<semaphore_mem>>) {add = true}
      %dma_wait3A_816 = arith.constant 3 : i32
      %dma_wait3A_817 = arith.constant 0 : i32
      %dma_wait3A_818 = tpu.memref_slice %arg13[%dma_wait3A_816, %dma_wait3A_817] : memref<8x128xi32, #tpu.memory_space<vmem>> -> memref<1x128xi32, #tpu.memory_space<vmem>>
      %dma_wait3A_819 = tpu.memref_squeeze %dma_wait3A_818 : memref<1x128xi32, #tpu.memory_space<vmem>> -> memref<128xi32, #tpu.memory_space<vmem>>
      %dma_wait3A_820 = arith.constant 0 : i32
      %dma_wait3A_821 = arith.constant 0 : i32
      %dma_wait3A_822 = tpu.memref_slice %arg9[%dma_wait3A_820, %dma_wait3A_821] : memref<10112x128xf32, #tpu.memory_space<vmem_shared>> -> memref<10112x128xf32, #tpu.memory_space<vmem_shared>>
      tpu.wait_indirect_dma semaphore(%arg23 : memref<!tpu.dma_semaphore, #tpu.memory_space<semaphore_mem>>) src(%arg15 : memref<128x128xf32, #tpu.memory_space<vmem>>) dst(%dma_wait3A_822 : memref<10112x128xf32, #tpu.memory_space<vmem_shared>>)
      %dma_start3A_823 = arith.constant 5 : i32
      %dma_start3A_824 = arith.constant 0 : i32
      %dma_start3A_825 = tpu.memref_slice %arg12[%dma_start3A_823, %dma_start3A_824] : memref<8x128xi32, #tpu.memory_space<vmem>> -> memref<1x128xi32, #tpu.memory_space<vmem>>
      %dma_start3A_826 = tpu.memref_squeeze %dma_start3A_825 : memref<1x128xi32, #tpu.memory_space<vmem>> -> memref<128xi32, #tpu.memory_space<vmem>>
      %dma_start3A_827 = arith.constant 0 : i32
      %dma_start3A_828 = arith.constant 0 : i32
      %dma_start3A_829 = tpu.memref_slice %arg2[%dma_start3A_827, %dma_start3A_828] : memref<10000x128xf32, #tpu.memory_space<hbm>> -> memref<10000x128xf32, #tpu.memory_space<hbm>>
      tpu.enqueue_indirect_dma source(%dma_start3A_829 : memref<10000x128xf32, #tpu.memory_space<hbm>>) target(%arg15 : memref<128x128xf32, #tpu.memory_space<vmem>>) offsets(%dma_start3A_826 : memref<128xi32, #tpu.memory_space<vmem>>) semaphore(%arg21 : memref<!tpu.dma_semaphore, #tpu.memory_space<semaphore_mem>>)
      %dma_wait3A_830 = arith.constant 4 : i32
      %dma_wait3A_831 = arith.constant 0 : i32
      %dma_wait3A_832 = tpu.memref_slice %arg12[%dma_wait3A_830, %dma_wait3A_831] : memref<8x128xi32, #tpu.memory_space<vmem>> -> memref<1x128xi32, #tpu.memory_space<vmem>>
      %dma_wait3A_833 = tpu.memref_squeeze %dma_wait3A_832 : memref<1x128xi32, #tpu.memory_space<vmem>> -> memref<128xi32, #tpu.memory_space<vmem>>
      %dma_wait3A_834 = arith.constant 0 : i32
      %dma_wait3A_835 = arith.constant 0 : i32
      %dma_wait3A_836 = tpu.memref_slice %arg2[%dma_wait3A_834, %dma_wait3A_835] : memref<10000x128xf32, #tpu.memory_space<hbm>> -> memref<10000x128xf32, #tpu.memory_space<hbm>>
      tpu.wait_indirect_dma semaphore(%arg20 : memref<!tpu.dma_semaphore, #tpu.memory_space<semaphore_mem>>) src(%dma_wait3A_836 : memref<10000x128xf32, #tpu.memory_space<hbm>>) dst(%arg14 : memref<128x128xf32, #tpu.memory_space<vmem>>)
      %get3A_837 = arith.constant 4 : i32
      %get3A_838 = arith.index_cast %get3A_837 : i32 to index
      %get3A_839 = arith.constant 0 : index
      %get3A_840 = tpu.vector_load %arg13[%get3A_838, %get3A_839] {strides = array<i32>} : memref<8x128xi32, #tpu.memory_space<vmem>>, vector<16xi32>,
      tpu.vector_store_idx %arg24[%get3A_840], %broadcast_in_dim3A_3 {add = true} : memref<10112xf32, #tpu.memory_space<vmem>>[vector<16xi32>], vector<16xf32>,
      %get3A_841 = arith.constant 4 : i32
      %get3A_842 = arith.index_cast %get3A_841 : i32 to index
      %get3A_843 = arith.constant 16 : index
      %get3A_844 = tpu.vector_load %arg13[%get3A_842, %get3A_843] {strides = array<i32>} : memref<8x128xi32, #tpu.memory_space<vmem>>, vector<16xi32>,
      tpu.vector_store_idx %arg24[%get3A_844], %broadcast_in_dim3A_3 {add = true} : memref<10112xf32, #tpu.memory_space<vmem>>[vector<16xi32>], vector<16xf32>,
      %get3A_845 = arith.constant 4 : i32
      %get3A_846 = arith.index_cast %get3A_845 : i32 to index
      %get3A_847 = arith.constant 32 : index
      %get3A_848 = tpu.vector_load %arg13[%get3A_846, %get3A_847] {strides = array<i32>} : memref<8x128xi32, #tpu.memory_space<vmem>>, vector<16xi32>,
      tpu.vector_store_idx %arg24[%get3A_848], %broadcast_in_dim3A_3 {add = true} : memref<10112xf32, #tpu.memory_space<vmem>>[vector<16xi32>], vector<16xf32>,
      %get3A_849 = arith.constant 4 : i32
      %get3A_850 = arith.index_cast %get3A_849 : i32 to index
      %get3A_851 = arith.constant 48 : index
      %get3A_852 = tpu.vector_load %arg13[%get3A_850, %get3A_851] {strides = array<i32>} : memref<8x128xi32, #tpu.memory_space<vmem>>, vector<16xi32>,
      tpu.vector_store_idx %arg24[%get3A_852], %broadcast_in_dim3A_3 {add = true} : memref<10112xf32, #tpu.memory_space<vmem>>[vector<16xi32>], vector<16xf32>,
      %get3A_853 = arith.constant 4 : i32
      %get3A_854 = arith.index_cast %get3A_853 : i32 to index
      %get3A_855 = arith.constant 64 : index
      %get3A_856 = tpu.vector_load %arg13[%get3A_854, %get3A_855] {strides = array<i32>} : memref<8x128xi32, #tpu.memory_space<vmem>>, vector<16xi32>,
      tpu.vector_store_idx %arg24[%get3A_856], %broadcast_in_dim3A_3 {add = true} : memref<10112xf32, #tpu.memory_space<vmem>>[vector<16xi32>], vector<16xf32>,
      %get3A_857 = arith.constant 4 : i32
      %get3A_858 = arith.index_cast %get3A_857 : i32 to index
      %get3A_859 = arith.constant 80 : index
      %get3A_860 = tpu.vector_load %arg13[%get3A_858, %get3A_859] {strides = array<i32>} : memref<8x128xi32, #tpu.memory_space<vmem>>, vector<16xi32>,
      tpu.vector_store_idx %arg24[%get3A_860], %broadcast_in_dim3A_3 {add = true} : memref<10112xf32, #tpu.memory_space<vmem>>[vector<16xi32>], vector<16xf32>,
      %get3A_861 = arith.constant 4 : i32
      %get3A_862 = arith.index_cast %get3A_861 : i32 to index
      %get3A_863 = arith.constant 96 : index
      %get3A_864 = tpu.vector_load %arg13[%get3A_862, %get3A_863] {strides = array<i32>} : memref<8x128xi32, #tpu.memory_space<vmem>>, vector<16xi32>,
      tpu.vector_store_idx %arg24[%get3A_864], %broadcast_in_dim3A_3 {add = true} : memref<10112xf32, #tpu.memory_space<vmem>>[vector<16xi32>], vector<16xf32>,
      %get3A_865 = arith.constant 4 : i32
      %get3A_866 = arith.index_cast %get3A_865 : i32 to index
      %get3A_867 = arith.constant 112 : index
      %get3A_868 = tpu.vector_load %arg13[%get3A_866, %get3A_867] {strides = array<i32>} : memref<8x128xi32, #tpu.memory_space<vmem>>, vector<16xi32>,
      tpu.vector_store_idx %arg24[%get3A_868], %broadcast_in_dim3A_3 {add = true} : memref<10112xf32, #tpu.memory_space<vmem>>[vector<16xi32>], vector<16xf32>,
      %dma_start3A_869 = arith.constant 4 : i32
      %dma_start3A_870 = arith.constant 0 : i32
      %dma_start3A_871 = tpu.memref_slice %arg13[%dma_start3A_869, %dma_start3A_870] : memref<8x128xi32, #tpu.memory_space<vmem>> -> memref<1x128xi32, #tpu.memory_space<vmem>>
      %dma_start3A_872 = tpu.memref_squeeze %dma_start3A_871 : memref<1x128xi32, #tpu.memory_space<vmem>> -> memref<128xi32, #tpu.memory_space<vmem>>
      %dma_start3A_873 = arith.constant 0 : i32
      %dma_start3A_874 = arith.constant 0 : i32
      %dma_start3A_875 = tpu.memref_slice %arg9[%dma_start3A_873, %dma_start3A_874] : memref<10112x128xf32, #tpu.memory_space<vmem_shared>> -> memref<10112x128xf32, #tpu.memory_space<vmem_shared>>
      tpu.enqueue_indirect_dma source(%arg14 : memref<128x128xf32, #tpu.memory_space<vmem>>) target(%dma_start3A_875 : memref<10112x128xf32, #tpu.memory_space<vmem_shared>>) offsets(%dma_start3A_872 : memref<128xi32, #tpu.memory_space<vmem>>) semaphore(%arg22 : memref<!tpu.dma_semaphore, #tpu.memory_space<semaphore_mem>>) {add = true}
      %dma_wait3A_876 = arith.constant 4 : i32
      %dma_wait3A_877 = arith.constant 0 : i32
      %dma_wait3A_878 = tpu.memref_slice %arg13[%dma_wait3A_876, %dma_wait3A_877] : memref<8x128xi32, #tpu.memory_space<vmem>> -> memref<1x128xi32, #tpu.memory_space<vmem>>
      %dma_wait3A_879 = tpu.memref_squeeze %dma_wait3A_878 : memref<1x128xi32, #tpu.memory_space<vmem>> -> memref<128xi32, #tpu.memory_space<vmem>>
      %dma_wait3A_880 = arith.constant 0 : i32
      %dma_wait3A_881 = arith.constant 0 : i32
      %dma_wait3A_882 = tpu.memref_slice %arg9[%dma_wait3A_880, %dma_wait3A_881] : memref<10112x128xf32, #tpu.memory_space<vmem_shared>> -> memref<10112x128xf32, #tpu.memory_space<vmem_shared>>
      tpu.wait_indirect_dma semaphore(%arg22 : memref<!tpu.dma_semaphore, #tpu.memory_space<semaphore_mem>>) src(%arg14 : memref<128x128xf32, #tpu.memory_space<vmem>>) dst(%dma_wait3A_882 : memref<10112x128xf32, #tpu.memory_space<vmem_shared>>)
      %dma_start3A_883 = arith.constant 6 : i32
      %dma_start3A_884 = arith.constant 0 : i32
      %dma_start3A_885 = tpu.memref_slice %arg12[%dma_start3A_883, %dma_start3A_884] : memref<8x128xi32, #tpu.memory_space<vmem>> -> memref<1x128xi32, #tpu.memory_space<vmem>>
      %dma_start3A_886 = tpu.memref_squeeze %dma_start3A_885 : memref<1x128xi32, #tpu.memory_space<vmem>> -> memref<128xi32, #tpu.memory_space<vmem>>
      %dma_start3A_887 = arith.constant 0 : i32
      %dma_start3A_888 = arith.constant 0 : i32
      %dma_start3A_889 = tpu.memref_slice %arg2[%dma_start3A_887, %dma_start3A_888] : memref<10000x128xf32, #tpu.memory_space<hbm>> -> memref<10000x128xf32, #tpu.memory_space<hbm>>
      tpu.enqueue_indirect_dma source(%dma_start3A_889 : memref<10000x128xf32, #tpu.memory_space<hbm>>) target(%arg14 : memref<128x128xf32, #tpu.memory_space<vmem>>) offsets(%dma_start3A_886 : memref<128xi32, #tpu.memory_space<vmem>>) semaphore(%arg20 : memref<!tpu.dma_semaphore, #tpu.memory_space<semaphore_mem>>)
      %dma_wait3A_890 = arith.constant 5 : i32
      %dma_wait3A_891 = arith.constant 0 : i32
      %dma_wait3A_892 = tpu.memref_slice %arg12[%dma_wait3A_890, %dma_wait3A_891] : memref<8x128xi32, #tpu.memory_space<vmem>> -> memref<1x128xi32, #tpu.memory_space<vmem>>
      %dma_wait3A_893 = tpu.memref_squeeze %dma_wait3A_892 : memref<1x128xi32, #tpu.memory_space<vmem>> -> memref<128xi32, #tpu.memory_space<vmem>>
      %dma_wait3A_894 = arith.constant 0 : i32
      %dma_wait3A_895 = arith.constant 0 : i32
      %dma_wait3A_896 = tpu.memref_slice %arg2[%dma_wait3A_894, %dma_wait3A_895] : memref<10000x128xf32, #tpu.memory_space<hbm>> -> memref<10000x128xf32, #tpu.memory_space<hbm>>
      tpu.wait_indirect_dma semaphore(%arg21 : memref<!tpu.dma_semaphore, #tpu.memory_space<semaphore_mem>>) src(%dma_wait3A_896 : memref<10000x128xf32, #tpu.memory_space<hbm>>) dst(%arg15 : memref<128x128xf32, #tpu.memory_space<vmem>>)
      %get3A_897 = arith.constant 5 : i32
      %get3A_898 = arith.index_cast %get3A_897 : i32 to index
      %get3A_899 = arith.constant 0 : index
      %get3A_900 = tpu.vector_load %arg13[%get3A_898, %get3A_899] {strides = array<i32>} : memref<8x128xi32, #tpu.memory_space<vmem>>, vector<16xi32>,
      tpu.vector_store_idx %arg24[%get3A_900], %broadcast_in_dim3A_3 {add = true} : memref<10112xf32, #tpu.memory_space<vmem>>[vector<16xi32>], vector<16xf32>,
      %get3A_901 = arith.constant 5 : i32
      %get3A_902 = arith.index_cast %get3A_901 : i32 to index
      %get3A_903 = arith.constant 16 : index
      %get3A_904 = tpu.vector_load %arg13[%get3A_902, %get3A_903] {strides = array<i32>} : memref<8x128xi32, #tpu.memory_space<vmem>>, vector<16xi32>,
      tpu.vector_store_idx %arg24[%get3A_904], %broadcast_in_dim3A_3 {add = true} : memref<10112xf32, #tpu.memory_space<vmem>>[vector<16xi32>], vector<16xf32>,
      %get3A_905 = arith.constant 5 : i32
      %get3A_906 = arith.index_cast %get3A_905 : i32 to index
      %get3A_907 = arith.constant 32 : index
      %get3A_908 = tpu.vector_load %arg13[%get3A_906, %get3A_907] {strides = array<i32>} : memref<8x128xi32, #tpu.memory_space<vmem>>, vector<16xi32>,
      tpu.vector_store_idx %arg24[%get3A_908], %broadcast_in_dim3A_3 {add = true} : memref<10112xf32, #tpu.memory_space<vmem>>[vector<16xi32>], vector<16xf32>,
      %get3A_909 = arith.constant 5 : i32
      %get3A_910 = arith.index_cast %get3A_909 : i32 to index
      %get3A_911 = arith.constant 48 : index
      %get3A_912 = tpu.vector_load %arg13[%get3A_910, %get3A_911] {strides = array<i32>} : memref<8x128xi32, #tpu.memory_space<vmem>>, vector<16xi32>,
      tpu.vector_store_idx %arg24[%get3A_912], %broadcast_in_dim3A_3 {add = true} : memref<10112xf32, #tpu.memory_space<vmem>>[vector<16xi32>], vector<16xf32>,
      %get3A_913 = arith.constant 5 : i32
      %get3A_914 = arith.index_cast %get3A_913 : i32 to index
      %get3A_915 = arith.constant 64 : index
      %get3A_916 = tpu.vector_load %arg13[%get3A_914, %get3A_915] {strides = array<i32>} : memref<8x128xi32, #tpu.memory_space<vmem>>, vector<16xi32>,
      tpu.vector_store_idx %arg24[%get3A_916], %broadcast_in_dim3A_3 {add = true} : memref<10112xf32, #tpu.memory_space<vmem>>[vector<16xi32>], vector<16xf32>,
      %get3A_917 = arith.constant 5 : i32
      %get3A_918 = arith.index_cast %get3A_917 : i32 to index
      %get3A_919 = arith.constant 80 : index
      %get3A_920 = tpu.vector_load %arg13[%get3A_918, %get3A_919] {strides = array<i32>} : memref<8x128xi32, #tpu.memory_space<vmem>>, vector<16xi32>,
      tpu.vector_store_idx %arg24[%get3A_920], %broadcast_in_dim3A_3 {add = true} : memref<10112xf32, #tpu.memory_space<vmem>>[vector<16xi32>], vector<16xf32>,
      %get3A_921 = arith.constant 5 : i32
      %get3A_922 = arith.index_cast %get3A_921 : i32 to index
      %get3A_923 = arith.constant 96 : index
      %get3A_924 = tpu.vector_load %arg13[%get3A_922, %get3A_923] {strides = array<i32>} : memref<8x128xi32, #tpu.memory_space<vmem>>, vector<16xi32>,
      tpu.vector_store_idx %arg24[%get3A_924], %broadcast_in_dim3A_3 {add = true} : memref<10112xf32, #tpu.memory_space<vmem>>[vector<16xi32>], vector<16xf32>,
      %get3A_925 = arith.constant 5 : i32
      %get3A_926 = arith.index_cast %get3A_925 : i32 to index
      %get3A_927 = arith.constant 112 : index
      %get3A_928 = tpu.vector_load %arg13[%get3A_926, %get3A_927] {strides = array<i32>} : memref<8x128xi32, #tpu.memory_space<vmem>>, vector<16xi32>,
      tpu.vector_store_idx %arg24[%get3A_928], %broadcast_in_dim3A_3 {add = true} : memref<10112xf32, #tpu.memory_space<vmem>>[vector<16xi32>], vector<16xf32>,
      %dma_start3A_929 = arith.constant 5 : i32
      %dma_start3A_930 = arith.constant 0 : i32
      %dma_start3A_931 = tpu.memref_slice %arg13[%dma_start3A_929, %dma_start3A_930] : memref<8x128xi32, #tpu.memory_space<vmem>> -> memref<1x128xi32, #tpu.memory_space<vmem>>
      %dma_start3A_932 = tpu.memref_squeeze %dma_start3A_931 : memref<1x128xi32, #tpu.memory_space<vmem>> -> memref<128xi32, #tpu.memory_space<vmem>>
      %dma_start3A_933 = arith.constant 0 : i32
      %dma_start3A_934 = arith.constant 0 : i32
      %dma_start3A_935 = tpu.memref_slice %arg9[%dma_start3A_933, %dma_start3A_934] : memref<10112x128xf32, #tpu.memory_space<vmem_shared>> -> memref<10112x128xf32, #tpu.memory_space<vmem_shared>>
      tpu.enqueue_indirect_dma source(%arg15 : memref<128x128xf32, #tpu.memory_space<vmem>>) target(%dma_start3A_935 : memref<10112x128xf32, #tpu.memory_space<vmem_shared>>) offsets(%dma_start3A_932 : memref<128xi32, #tpu.memory_space<vmem>>) semaphore(%arg23 : memref<!tpu.dma_semaphore, #tpu.memory_space<semaphore_mem>>) {add = true}
      %dma_wait3A_936 = arith.constant 5 : i32
      %dma_wait3A_937 = arith.constant 0 : i32
      %dma_wait3A_938 = tpu.memref_slice %arg13[%dma_wait3A_936, %dma_wait3A_937] : memref<8x128xi32, #tpu.memory_space<vmem>> -> memref<1x128xi32, #tpu.memory_space<vmem>>
      %dma_wait3A_939 = tpu.memref_squeeze %dma_wait3A_938 : memref<1x128xi32, #tpu.memory_space<vmem>> -> memref<128xi32, #tpu.memory_space<vmem>>
      %dma_wait3A_940 = arith.constant 0 : i32
      %dma_wait3A_941 = arith.constant 0 : i32
      %dma_wait3A_942 = tpu.memref_slice %arg9[%dma_wait3A_940, %dma_wait3A_941] : memref<10112x128xf32, #tpu.memory_space<vmem_shared>> -> memref<10112x128xf32, #tpu.memory_space<vmem_shared>>
      tpu.wait_indirect_dma semaphore(%arg23 : memref<!tpu.dma_semaphore, #tpu.memory_space<semaphore_mem>>) src(%arg15 : memref<128x128xf32, #tpu.memory_space<vmem>>) dst(%dma_wait3A_942 : memref<10112x128xf32, #tpu.memory_space<vmem_shared>>)
      %dma_start3A_943 = arith.constant 7 : i32
      %dma_start3A_944 = arith.constant 0 : i32
      %dma_start3A_945 = tpu.memref_slice %arg12[%dma_start3A_943, %dma_start3A_944] : memref<8x128xi32, #tpu.memory_space<vmem>> -> memref<1x128xi32, #tpu.memory_space<vmem>>
      %dma_start3A_946 = tpu.memref_squeeze %dma_start3A_945 : memref<1x128xi32, #tpu.memory_space<vmem>> -> memref<128xi32, #tpu.memory_space<vmem>>
      %dma_start3A_947 = arith.constant 0 : i32
      %dma_start3A_948 = arith.constant 0 : i32
      %dma_start3A_949 = tpu.memref_slice %arg2[%dma_start3A_947, %dma_start3A_948] : memref<10000x128xf32, #tpu.memory_space<hbm>> -> memref<10000x128xf32, #tpu.memory_space<hbm>>
      tpu.enqueue_indirect_dma source(%dma_start3A_949 : memref<10000x128xf32, #tpu.memory_space<hbm>>) target(%arg15 : memref<128x128xf32, #tpu.memory_space<vmem>>) offsets(%dma_start3A_946 : memref<128xi32, #tpu.memory_space<vmem>>) semaphore(%arg21 : memref<!tpu.dma_semaphore, #tpu.memory_space<semaphore_mem>>)
      %dma_wait3A_950 = arith.constant 6 : i32
      %dma_wait3A_951 = arith.constant 0 : i32
      %dma_wait3A_952 = tpu.memref_slice %arg12[%dma_wait3A_950, %dma_wait3A_951] : memref<8x128xi32, #tpu.memory_space<vmem>> -> memref<1x128xi32, #tpu.memory_space<vmem>>
      %dma_wait3A_953 = tpu.memref_squeeze %dma_wait3A_952 : memref<1x128xi32, #tpu.memory_space<vmem>> -> memref<128xi32, #tpu.memory_space<vmem>>
      %dma_wait3A_954 = arith.constant 0 : i32
      %dma_wait3A_955 = arith.constant 0 : i32
      %dma_wait3A_956 = tpu.memref_slice %arg2[%dma_wait3A_954, %dma_wait3A_955] : memref<10000x128xf32, #tpu.memory_space<hbm>> -> memref<10000x128xf32, #tpu.memory_space<hbm>>
      tpu.wait_indirect_dma semaphore(%arg20 : memref<!tpu.dma_semaphore, #tpu.memory_space<semaphore_mem>>) src(%dma_wait3A_956 : memref<10000x128xf32, #tpu.memory_space<hbm>>) dst(%arg14 : memref<128x128xf32, #tpu.memory_space<vmem>>)
      %get3A_957 = arith.constant 6 : i32
      %get3A_958 = arith.index_cast %get3A_957 : i32 to index
      %get3A_959 = arith.constant 0 : index
      %get3A_960 = tpu.vector_load %arg13[%get3A_958, %get3A_959] {strides = array<i32>} : memref<8x128xi32, #tpu.memory_space<vmem>>, vector<16xi32>,
      tpu.vector_store_idx %arg24[%get3A_960], %broadcast_in_dim3A_3 {add = true} : memref<10112xf32, #tpu.memory_space<vmem>>[vector<16xi32>], vector<16xf32>,
      %get3A_961 = arith.constant 6 : i32
      %get3A_962 = arith.index_cast %get3A_961 : i32 to index
      %get3A_963 = arith.constant 16 : index
      %get3A_964 = tpu.vector_load %arg13[%get3A_962, %get3A_963] {strides = array<i32>} : memref<8x128xi32, #tpu.memory_space<vmem>>, vector<16xi32>,
      tpu.vector_store_idx %arg24[%get3A_964], %broadcast_in_dim3A_3 {add = true} : memref<10112xf32, #tpu.memory_space<vmem>>[vector<16xi32>], vector<16xf32>,
      %get3A_965 = arith.constant 6 : i32
      %get3A_966 = arith.index_cast %get3A_965 : i32 to index
      %get3A_967 = arith.constant 32 : index
      %get3A_968 = tpu.vector_load %arg13[%get3A_966, %get3A_967] {strides = array<i32>} : memref<8x128xi32, #tpu.memory_space<vmem>>, vector<16xi32>,
      tpu.vector_store_idx %arg24[%get3A_968], %broadcast_in_dim3A_3 {add = true} : memref<10112xf32, #tpu.memory_space<vmem>>[vector<16xi32>], vector<16xf32>,
      %get3A_969 = arith.constant 6 : i32
      %get3A_970 = arith.index_cast %get3A_969 : i32 to index
      %get3A_971 = arith.constant 48 : index
      %get3A_972 = tpu.vector_load %arg13[%get3A_970, %get3A_971] {strides = array<i32>} : memref<8x128xi32, #tpu.memory_space<vmem>>, vector<16xi32>,
      tpu.vector_store_idx %arg24[%get3A_972], %broadcast_in_dim3A_3 {add = true} : memref<10112xf32, #tpu.memory_space<vmem>>[vector<16xi32>], vector<16xf32>,
      %get3A_973 = arith.constant 6 : i32
      %get3A_974 = arith.index_cast %get3A_973 : i32 to index
      %get3A_975 = arith.constant 64 : index
      %get3A_976 = tpu.vector_load %arg13[%get3A_974, %get3A_975] {strides = array<i32>} : memref<8x128xi32, #tpu.memory_space<vmem>>, vector<16xi32>,
      tpu.vector_store_idx %arg24[%get3A_976], %broadcast_in_dim3A_3 {add = true} : memref<10112xf32, #tpu.memory_space<vmem>>[vector<16xi32>], vector<16xf32>,
      %get3A_977 = arith.constant 6 : i32
      %get3A_978 = arith.index_cast %get3A_977 : i32 to index
      %get3A_979 = arith.constant 80 : index
      %get3A_980 = tpu.vector_load %arg13[%get3A_978, %get3A_979] {strides = array<i32>} : memref<8x128xi32, #tpu.memory_space<vmem>>, vector<16xi32>,
      tpu.vector_store_idx %arg24[%get3A_980], %broadcast_in_dim3A_3 {add = true} : memref<10112xf32, #tpu.memory_space<vmem>>[vector<16xi32>], vector<16xf32>,
      %get3A_981 = arith.constant 6 : i32
      %get3A_982 = arith.index_cast %get3A_981 : i32 to index
      %get3A_983 = arith.constant 96 : index
      %get3A_984 = tpu.vector_load %arg13[%get3A_982, %get3A_983] {strides = array<i32>} : memref<8x128xi32, #tpu.memory_space<vmem>>, vector<16xi32>,
      tpu.vector_store_idx %arg24[%get3A_984], %broadcast_in_dim3A_3 {add = true} : memref<10112xf32, #tpu.memory_space<vmem>>[vector<16xi32>], vector<16xf32>,
      %get3A_985 = arith.constant 6 : i32
      %get3A_986 = arith.index_cast %get3A_985 : i32 to index
      %get3A_987 = arith.constant 112 : index
      %get3A_988 = tpu.vector_load %arg13[%get3A_986, %get3A_987] {strides = array<i32>} : memref<8x128xi32, #tpu.memory_space<vmem>>, vector<16xi32>,
      tpu.vector_store_idx %arg24[%get3A_988], %broadcast_in_dim3A_3 {add = true} : memref<10112xf32, #tpu.memory_space<vmem>>[vector<16xi32>], vector<16xf32>,
      %dma_start3A_989 = arith.constant 6 : i32
      %dma_start3A_990 = arith.constant 0 : i32
      %dma_start3A_991 = tpu.memref_slice %arg13[%dma_start3A_989, %dma_start3A_990] : memref<8x128xi32, #tpu.memory_space<vmem>> -> memref<1x128xi32, #tpu.memory_space<vmem>>
      %dma_start3A_992 = tpu.memref_squeeze %dma_start3A_991 : memref<1x128xi32, #tpu.memory_space<vmem>> -> memref<128xi32, #tpu.memory_space<vmem>>
      %dma_start3A_993 = arith.constant 0 : i32
      %dma_start3A_994 = arith.constant 0 : i32
      %dma_start3A_995 = tpu.memref_slice %arg9[%dma_start3A_993, %dma_start3A_994] : memref<10112x128xf32, #tpu.memory_space<vmem_shared>> -> memref<10112x128xf32, #tpu.memory_space<vmem_shared>>
      tpu.enqueue_indirect_dma source(%arg14 : memref<128x128xf32, #tpu.memory_space<vmem>>) target(%dma_start3A_995 : memref<10112x128xf32, #tpu.memory_space<vmem_shared>>) offsets(%dma_start3A_992 : memref<128xi32, #tpu.memory_space<vmem>>) semaphore(%arg22 : memref<!tpu.dma_semaphore, #tpu.memory_space<semaphore_mem>>) {add = true}
      %dma_wait3A_996 = arith.constant 6 : i32
      %dma_wait3A_997 = arith.constant 0 : i32
      %dma_wait3A_998 = tpu.memref_slice %arg13[%dma_wait3A_996, %dma_wait3A_997] : memref<8x128xi32, #tpu.memory_space<vmem>> -> memref<1x128xi32, #tpu.memory_space<vmem>>
      %dma_wait3A_999 = tpu.memref_squeeze %dma_wait3A_998 : memref<1x128xi32, #tpu.memory_space<vmem>> -> memref<128xi32, #tpu.memory_space<vmem>>
      %dma_wait3A_1000 = arith.constant 0 : i32
      %dma_wait3A_1001 = arith.constant 0 : i32
      %dma_wait3A_1002 = tpu.memref_slice %arg9[%dma_wait3A_1000, %dma_wait3A_1001] : memref<10112x128xf32, #tpu.memory_space<vmem_shared>> -> memref<10112x128xf32, #tpu.memory_space<vmem_shared>>
      tpu.wait_indirect_dma semaphore(%arg22 : memref<!tpu.dma_semaphore, #tpu.memory_space<semaphore_mem>>) src(%arg14 : memref<128x128xf32, #tpu.memory_space<vmem>>) dst(%dma_wait3A_1002 : memref<10112x128xf32, #tpu.memory_space<vmem_shared>>)
      %convert_element_type3A_1003 = arith.extui %lt3A_76 : i1 to i32
      %cond3A_1004 = arith.constant 0 : i32
      %cond3A_1005 = arith.cmpi ne, %convert_element_type3A_1003, %cond3A_1004 : i32
      scf.if %cond3A_1005 {
        %add3A_1055 = arith.constant 2 : i32
        %add3A_1056 = arith.addi %mul3A_75, %add3A_1055 : i32
        %mul3A_1057 = arith.constant 80 : i32
        %mul3A_1058 = arith.muli %add3A, %mul3A_1057 : i32
        %mul3A_1059 = arith.constant 8 : i32
        %mul3A_1060 = arith.muli %add3A_1056, %mul3A_1059 : i32
        %add3A_1061 = arith.addi %mul3A_1058, %mul3A_1060 : i32
        %dma_wait3A_1062 = arith.constant 0 : i32
        %dma_wait3A_1063 = tpu.memref_slice %arg3[%add3A_1061, %dma_wait3A_1062] : memref<2560x128xi32, #tpu.memory_space<hbm>> -> memref<8x128xi32, #tpu.memory_space<hbm>>
        %dma_wait3A_1064 = arith.constant 0 : i32
        %dma_wait3A_1065 = tpu.memref_slice %arg3[%add3A_1061, %dma_wait3A_1064] : memref<2560x128xi32, #tpu.memory_space<hbm>> -> memref<8x128xi32, #tpu.memory_space<hbm>>
        tpu.wait_dma2 semaphore(%arg16 : memref<!tpu.dma_semaphore, #tpu.memory_space<semaphore_mem>>) src(%dma_wait3A_1065 : memref<8x128xi32, #tpu.memory_space<hbm>>) dst(%arg10 : memref<8x128xi32, #tpu.memory_space<vmem>>)
        %mul3A_1066 = arith.constant 80 : i32
        %mul3A_1067 = arith.muli %add3A, %mul3A_1066 : i32
        %mul3A_1068 = arith.constant 8 : i32
        %mul3A_1069 = arith.muli %add3A_1056, %mul3A_1068 : i32
        %add3A_1070 = arith.addi %mul3A_1067, %mul3A_1069 : i32
        %dma_wait3A_1071 = arith.constant 0 : i32
        %dma_wait3A_1072 = tpu.memref_slice %arg4[%add3A_1070, %dma_wait3A_1071] : memref<2560x128xi32, #tpu.memory_space<hbm>> -> memref<8x128xi32, #tpu.memory_space<hbm>>
        %dma_wait3A_1073 = arith.constant 0 : i32
        %dma_wait3A_1074 = tpu.memref_slice %arg4[%add3A_1070, %dma_wait3A_1073] : memref<2560x128xi32, #tpu.memory_space<hbm>> -> memref<8x128xi32, #tpu.memory_space<hbm>>
        tpu.wait_dma2 semaphore(%arg17 : memref<!tpu.dma_semaphore, #tpu.memory_space<semaphore_mem>>) src(%dma_wait3A_1074 : memref<8x128xi32, #tpu.memory_space<hbm>>) dst(%arg11 : memref<8x128xi32, #tpu.memory_space<vmem>>)
        %dma_start3A_1075 = arith.constant 0 : i32
        %dma_start3A_1076 = arith.constant 0 : i32
        %dma_start3A_1077 = tpu.memref_slice %arg10[%dma_start3A_1075, %dma_start3A_1076] : memref<8x128xi32, #tpu.memory_space<vmem>> -> memref<1x128xi32, #tpu.memory_space<vmem>>
        %dma_start3A_1078 = tpu.memref_squeeze %dma_start3A_1077 : memref<1x128xi32, #tpu.memory_space<vmem>> -> memref<128xi32, #tpu.memory_space<vmem>>
        %dma_start3A_1079 = arith.constant 0 : i32
        %dma_start3A_1080 = arith.constant 0 : i32
        %dma_start3A_1081 = tpu.memref_slice %arg2[%dma_start3A_1079, %dma_start3A_1080] : memref<10000x128xf32, #tpu.memory_space<hbm>> -> memref<10000x128xf32, #tpu.memory_space<hbm>>
        tpu.enqueue_indirect_dma source(%dma_start3A_1081 : memref<10000x128xf32, #tpu.memory_space<hbm>>) target(%arg14 : memref<128x128xf32, #tpu.memory_space<vmem>>) offsets(%dma_start3A_1078 : memref<128xi32, #tpu.memory_space<vmem>>) semaphore(%arg20 : memref<!tpu.dma_semaphore, #tpu.memory_space<semaphore_mem>>)
      } else {
      }
      %dma_wait3A_1006 = arith.constant 7 : i32
      %dma_wait3A_1007 = arith.constant 0 : i32
      %dma_wait3A_1008 = tpu.memref_slice %arg12[%dma_wait3A_1006, %dma_wait3A_1007] : memref<8x128xi32, #tpu.memory_space<vmem>> -> memref<1x128xi32, #tpu.memory_space<vmem>>
      %dma_wait3A_1009 = tpu.memref_squeeze %dma_wait3A_1008 : memref<1x128xi32, #tpu.memory_space<vmem>> -> memref<128xi32, #tpu.memory_space<vmem>>
      %dma_wait3A_1010 = arith.constant 0 : i32
      %dma_wait3A_1011 = arith.constant 0 : i32
      %dma_wait3A_1012 = tpu.memref_slice %arg2[%dma_wait3A_1010, %dma_wait3A_1011] : memref<10000x128xf32, #tpu.memory_space<hbm>> -> memref<10000x128xf32, #tpu.memory_space<hbm>>
      tpu.wait_indirect_dma semaphore(%arg21 : memref<!tpu.dma_semaphore, #tpu.memory_space<semaphore_mem>>) src(%dma_wait3A_1012 : memref<10000x128xf32, #tpu.memory_space<hbm>>) dst(%arg15 : memref<128x128xf32, #tpu.memory_space<vmem>>)
      %get3A_1013 = arith.constant 7 : i32
      %get3A_1014 = arith.index_cast %get3A_1013 : i32 to index
      %get3A_1015 = arith.constant 0 : index
      %get3A_1016 = tpu.vector_load %arg13[%get3A_1014, %get3A_1015] {strides = array<i32>} : memref<8x128xi32, #tpu.memory_space<vmem>>, vector<16xi32>,
      tpu.vector_store_idx %arg24[%get3A_1016], %broadcast_in_dim3A_3 {add = true} : memref<10112xf32, #tpu.memory_space<vmem>>[vector<16xi32>], vector<16xf32>,
      %get3A_1017 = arith.constant 7 : i32
      %get3A_1018 = arith.index_cast %get3A_1017 : i32 to index
      %get3A_1019 = arith.constant 16 : index
      %get3A_1020 = tpu.vector_load %arg13[%get3A_1018, %get3A_1019] {strides = array<i32>} : memref<8x128xi32, #tpu.memory_space<vmem>>, vector<16xi32>,
      tpu.vector_store_idx %arg24[%get3A_1020], %broadcast_in_dim3A_3 {add = true} : memref<10112xf32, #tpu.memory_space<vmem>>[vector<16xi32>], vector<16xf32>,
      %get3A_1021 = arith.constant 7 : i32
      %get3A_1022 = arith.index_cast %get3A_1021 : i32 to index
      %get3A_1023 = arith.constant 32 : index
      %get3A_1024 = tpu.vector_load %arg13[%get3A_1022, %get3A_1023] {strides = array<i32>} : memref<8x128xi32, #tpu.memory_space<vmem>>, vector<16xi32>,
      tpu.vector_store_idx %arg24[%get3A_1024], %broadcast_in_dim3A_3 {add = true} : memref<10112xf32, #tpu.memory_space<vmem>>[vector<16xi32>], vector<16xf32>,
      %get3A_1025 = arith.constant 7 : i32
      %get3A_1026 = arith.index_cast %get3A_1025 : i32 to index
      %get3A_1027 = arith.constant 48 : index
      %get3A_1028 = tpu.vector_load %arg13[%get3A_1026, %get3A_1027] {strides = array<i32>} : memref<8x128xi32, #tpu.memory_space<vmem>>, vector<16xi32>,
      tpu.vector_store_idx %arg24[%get3A_1028], %broadcast_in_dim3A_3 {add = true} : memref<10112xf32, #tpu.memory_space<vmem>>[vector<16xi32>], vector<16xf32>,
      %get3A_1029 = arith.constant 7 : i32
      %get3A_1030 = arith.index_cast %get3A_1029 : i32 to index
      %get3A_1031 = arith.constant 64 : index
      %get3A_1032 = tpu.vector_load %arg13[%get3A_1030, %get3A_1031] {strides = array<i32>} : memref<8x128xi32, #tpu.memory_space<vmem>>, vector<16xi32>,
      tpu.vector_store_idx %arg24[%get3A_1032], %broadcast_in_dim3A_3 {add = true} : memref<10112xf32, #tpu.memory_space<vmem>>[vector<16xi32>], vector<16xf32>,
      %get3A_1033 = arith.constant 7 : i32
      %get3A_1034 = arith.index_cast %get3A_1033 : i32 to index
      %get3A_1035 = arith.constant 80 : index
      %get3A_1036 = tpu.vector_load %arg13[%get3A_1034, %get3A_1035] {strides = array<i32>} : memref<8x128xi32, #tpu.memory_space<vmem>>, vector<16xi32>,
      tpu.vector_store_idx %arg24[%get3A_1036], %broadcast_in_dim3A_3 {add = true} : memref<10112xf32, #tpu.memory_space<vmem>>[vector<16xi32>], vector<16xf32>,
      %get3A_1037 = arith.constant 7 : i32
      %get3A_1038 = arith.index_cast %get3A_1037 : i32 to index
      %get3A_1039 = arith.constant 96 : index
      %get3A_1040 = tpu.vector_load %arg13[%get3A_1038, %get3A_1039] {strides = array<i32>} : memref<8x128xi32, #tpu.memory_space<vmem>>, vector<16xi32>,
      tpu.vector_store_idx %arg24[%get3A_1040], %broadcast_in_dim3A_3 {add = true} : memref<10112xf32, #tpu.memory_space<vmem>>[vector<16xi32>], vector<16xf32>,
      %get3A_1041 = arith.constant 7 : i32
      %get3A_1042 = arith.index_cast %get3A_1041 : i32 to index
      %get3A_1043 = arith.constant 112 : index
      %get3A_1044 = tpu.vector_load %arg13[%get3A_1042, %get3A_1043] {strides = array<i32>} : memref<8x128xi32, #tpu.memory_space<vmem>>, vector<16xi32>,
      tpu.vector_store_idx %arg24[%get3A_1044], %broadcast_in_dim3A_3 {add = true} : memref<10112xf32, #tpu.memory_space<vmem>>[vector<16xi32>], vector<16xf32>,
      %dma_start3A_1045 = arith.constant 7 : i32
      %dma_start3A_1046 = arith.constant 0 : i32
      %dma_start3A_1047 = tpu.memref_slice %arg13[%dma_start3A_1045, %dma_start3A_1046] : memref<8x128xi32, #tpu.memory_space<vmem>> -> memref<1x128xi32, #tpu.memory_space<vmem>>
      %dma_start3A_1048 = tpu.memref_squeeze %dma_start3A_1047 : memref<1x128xi32, #tpu.memory_space<vmem>> -> memref<128xi32, #tpu.memory_space<vmem>>
      %dma_start3A_1049 = arith.constant 0 : i32
      %dma_start3A_1050 = arith.constant 0 : i32
      %dma_start3A_1051 = tpu.memref_slice %arg9[%dma_start3A_1049, %dma_start3A_1050] : memref<10112x128xf32, #tpu.memory_space<vmem_shared>> -> memref<10112x128xf32, #tpu.memory_space<vmem_shared>>
      tpu.enqueue_indirect_dma source(%arg15 : memref<128x128xf32, #tpu.memory_space<vmem>>) target(%dma_start3A_1051 : memref<10112x128xf32, #tpu.memory_space<vmem_shared>>) offsets(%dma_start3A_1048 : memref<128xi32, #tpu.memory_space<vmem>>) semaphore(%arg23 : memref<!tpu.dma_semaphore, #tpu.memory_space<semaphore_mem>>) {add = true}
      %convert_element_type3A_1052 = arith.extui %lt3A_76 : i1 to i32
      %cond3A_1053 = arith.constant 0 : i32
      %cond3A_1054 = arith.cmpi ne, %convert_element_type3A_1052, %cond3A_1053 : i32
      scf.if %cond3A_1054 {
        %add3A_1055 = arith.constant 3 : i32
        %add3A_1056 = arith.addi %mul3A_75, %add3A_1055 : i32
        %mul3A_1057 = arith.constant 80 : i32
        %mul3A_1058 = arith.muli %add3A, %mul3A_1057 : i32
        %mul3A_1059 = arith.constant 8 : i32
        %mul3A_1060 = arith.muli %add3A_1056, %mul3A_1059 : i32
        %add3A_1061 = arith.addi %mul3A_1058, %mul3A_1060 : i32
        %dma_start3A_1062 = arith.constant 0 : i32
        %dma_start3A_1063 = tpu.memref_slice %arg3[%add3A_1061, %dma_start3A_1062] : memref<2560x128xi32, #tpu.memory_space<hbm>> -> memref<8x128xi32, #tpu.memory_space<hbm>>
        %dma_start3A_1064 = arith.constant 0 : i32
        %dma_start3A_1065 = tpu.memref_slice %arg3[%add3A_1061, %dma_start3A_1064] : memref<2560x128xi32, #tpu.memory_space<hbm>> -> memref<8x128xi32, #tpu.memory_space<hbm>>
        tpu.enqueue_dma source(%dma_start3A_1065 : memref<8x128xi32, #tpu.memory_space<hbm>>) target(%arg12 : memref<8x128xi32, #tpu.memory_space<vmem>>) target_semaphore(%arg18 : memref<!tpu.dma_semaphore, #tpu.memory_space<semaphore_mem>>)
        %mul3A_1066 = arith.constant 80 : i32
        %mul3A_1067 = arith.muli %add3A, %mul3A_1066 : i32
        %mul3A_1068 = arith.constant 8 : i32
        %mul3A_1069 = arith.muli %add3A_1056, %mul3A_1068 : i32
        %add3A_1070 = arith.addi %mul3A_1067, %mul3A_1069 : i32
        %dma_start3A_1071 = arith.constant 0 : i32
        %dma_start3A_1072 = tpu.memref_slice %arg4[%add3A_1070, %dma_start3A_1071] : memref<2560x128xi32, #tpu.memory_space<hbm>> -> memref<8x128xi32, #tpu.memory_space<hbm>>
        %dma_start3A_1073 = arith.constant 0 : i32
        %dma_start3A_1074 = tpu.memref_slice %arg4[%add3A_1070, %dma_start3A_1073] : memref<2560x128xi32, #tpu.memory_space<hbm>> -> memref<8x128xi32, #tpu.memory_space<hbm>>
        tpu.enqueue_dma source(%dma_start3A_1074 : memref<8x128xi32, #tpu.memory_space<hbm>>) target(%arg13 : memref<8x128xi32, #tpu.memory_space<vmem>>) target_semaphore(%arg19 : memref<!tpu.dma_semaphore, #tpu.memory_space<semaphore_mem>>)
      } else {
      }
    }
    %scan3A_60 = arith.constant 5 : i32
    %dma_wait3A_61 = arith.constant 7 : i32
    %dma_wait3A_62 = arith.constant 0 : i32
    %dma_wait3A_63 = tpu.memref_slice %arg12[%dma_wait3A_61, %dma_wait3A_62] : memref<8x128xi32, #tpu.memory_space<vmem>> -> memref<1x128xi32, #tpu.memory_space<vmem>>
    %dma_wait3A_64 = tpu.memref_squeeze %dma_wait3A_63 : memref<1x128xi32, #tpu.memory_space<vmem>> -> memref<128xi32, #tpu.memory_space<vmem>>
    %dma_wait3A_65 = arith.constant 0 : i32
    %dma_wait3A_66 = arith.constant 0 : i32
    %dma_wait3A_67 = tpu.memref_slice %arg9[%dma_wait3A_65, %dma_wait3A_66] : memref<10112x128xf32, #tpu.memory_space<vmem_shared>> -> memref<10112x128xf32, #tpu.memory_space<vmem_shared>>
    tpu.wait_indirect_dma semaphore(%arg23 : memref<!tpu.dma_semaphore, #tpu.memory_space<semaphore_mem>>) src(%arg15 : memref<128x128xf32, #tpu.memory_space<vmem>>) dst(%dma_wait3A_67 : memref<10112x128xf32, #tpu.memory_space<vmem_shared>>)
    %barrier3A_68 = arith.constant 0 : index
    tpu.barrier barrier_id(%barrier3A_68)
    "tpu.region"() ({
      %run_scoped3A = tpu.sem_alloc : memref<!tpu.dma_semaphore, #tpu.memory_space<semaphore_mem>>
      %dma_start3A_69 = arith.constant 0 : i32
      %dma_start3A_70 = tpu.memref_slice %arg7[%arg0, %mul3A_2, %dma_start3A_69] : memref<2x10112x128xf32, #tpu.memory_space<hbm>> -> memref<1x632x128xf32, #tpu.memory_space<hbm>>
      %dma_start3A_71 = tpu.memref_squeeze %dma_start3A_70 : memref<1x632x128xf32, #tpu.memory_space<hbm>> -> memref<632x128xf32, #tpu.memory_space<hbm>>
      %dma_start3A_72 = arith.constant 0 : i32
      %dma_start3A_73 = tpu.memref_slice %arg9[%mul3A_2, %dma_start3A_72] : memref<10112x128xf32, #tpu.memory_space<vmem_shared>> -> memref<632x128xf32, #tpu.memory_space<vmem_shared>>
      tpu.enqueue_dma source(%dma_start3A_73 : memref<632x128xf32, #tpu.memory_space<vmem_shared>>) target(%dma_start3A_71 : memref<632x128xf32, #tpu.memory_space<hbm>>) target_semaphore(%run_scoped3A : memref<!tpu.dma_semaphore, #tpu.memory_space<semaphore_mem>>)
      %dma_wait3A_74 = arith.constant 0 : i32
      %dma_wait3A_75 = tpu.memref_slice %arg7[%arg0, %mul3A_2, %dma_wait3A_74] : memref<2x10112x128xf32, #tpu.memory_space<hbm>> -> memref<1x632x128xf32, #tpu.memory_space<hbm>>
      %dma_wait3A_76 = tpu.memref_squeeze %dma_wait3A_75 : memref<1x632x128xf32, #tpu.memory_space<hbm>> -> memref<632x128xf32, #tpu.memory_space<hbm>>
      %dma_wait3A_77 = arith.constant 0 : i32
      %dma_wait3A_78 = tpu.memref_slice %arg9[%mul3A_2, %dma_wait3A_77] : memref<10112x128xf32, #tpu.memory_space<vmem_shared>> -> memref<632x128xf32, #tpu.memory_space<vmem_shared>>
      tpu.wait_dma2 semaphore(%run_scoped3A : memref<!tpu.dma_semaphore, #tpu.memory_space<semaphore_mem>>) src(%dma_wait3A_78 : memref<632x128xf32, #tpu.memory_space<vmem_shared>>) dst(%dma_wait3A_76 : memref<632x128xf32, #tpu.memory_space<hbm>>)
      tpu.yield
    }) : () -> ()
    "tpu.region"() ({
      %run_scoped3A = tpu.sem_alloc : memref<!tpu.dma_semaphore, #tpu.memory_space<semaphore_mem>>
      %dma_start3A_69 = arith.constant 0 : i32
      %dma_start3A_70 = tpu.memref_slice %arg8[%add3A, %dma_start3A_69] : memref<32x10112xf32, #tpu.memory_space<hbm>> -> memref<1x10112xf32, #tpu.memory_space<hbm>>
      %dma_start3A_71 = tpu.memref_squeeze %dma_start3A_70 : memref<1x10112xf32, #tpu.memory_space<hbm>> -> memref<10112xf32, #tpu.memory_space<hbm>>
      %dma_start3A_72 = arith.constant 0 : i32
      %dma_start3A_73 = tpu.memref_slice %arg8[%add3A, %dma_start3A_72] : memref<32x10112xf32, #tpu.memory_space<hbm>> -> memref<1x10112xf32, #tpu.memory_space<hbm>>
      %dma_start3A_74 = tpu.memref_squeeze %dma_start3A_73 : memref<1x10112xf32, #tpu.memory_space<hbm>> -> memref<10112xf32, #tpu.memory_space<hbm>>
      tpu.enqueue_dma source(%arg24 : memref<10112xf32, #tpu.memory_space<vmem>>) target(%dma_start3A_74 : memref<10112xf32, #tpu.memory_space<hbm>>) target_semaphore(%run_scoped3A : memref<!tpu.dma_semaphore, #tpu.memory_space<semaphore_mem>>)
      %dma_wait3A_75 = arith.constant 0 : i32
      %dma_wait3A_76 = tpu.memref_slice %arg8[%add3A, %dma_wait3A_75] : memref<32x10112xf32, #tpu.memory_space<hbm>> -> memref<1x10112xf32, #tpu.memory_space<hbm>>
      %dma_wait3A_77 = tpu.memref_squeeze %dma_wait3A_76 : memref<1x10112xf32, #tpu.memory_space<hbm>> -> memref<10112xf32, #tpu.memory_space<hbm>>
      %dma_wait3A_78 = arith.constant 0 : i32
      %dma_wait3A_79 = tpu.memref_slice %arg8[%add3A, %dma_wait3A_78] : memref<32x10112xf32, #tpu.memory_space<hbm>> -> memref<1x10112xf32, #tpu.memory_space<hbm>>
      %dma_wait3A_80 = tpu.memref_squeeze %dma_wait3A_79 : memref<1x10112xf32, #tpu.memory_space<hbm>> -> memref<10112xf32, #tpu.memory_space<hbm>>
      tpu.wait_dma2 semaphore(%run_scoped3A : memref<!tpu.dma_semaphore, #tpu.memory_space<semaphore_mem>>) src(%arg24 : memref<10112xf32, #tpu.memory_space<vmem>>) dst(%dma_wait3A_80 : memref<10112xf32, #tpu.memory_space<hbm>>)
      tpu.yield
    }) : () -> ()
    return
  }
}

#map = affine_map<(d0, d1) -> (0, 0)>
#map1 = affine_map<(d0, d1) -> (0)>
#map2 = affine_map<(d0, d1) -> (0, 0, 0)>
module attributes {stable_mosaic.version = 14 : i64} {
  func.func @k(%arg0: i32, %arg1: i32, %arg2: memref<10000x128xf32, #tpu.memory_space<hbm>>, %arg3: memref<2560x128xi32, #tpu.memory_space<hbm>>, %arg4: memref<2560x128xi32, #tpu.memory_space<hbm>>, %arg5: memref<10112x128xf32, #tpu.memory_space<hbm>>, %arg6: memref<10112xf32, #tpu.memory_space<hbm>>, %arg7: memref<2x10112x128xf32, #tpu.memory_space<hbm>>, %arg8: memref<10112x128xf32, #tpu.memory_space<vmem_shared>>, %arg9: memref<8x128xi32, #tpu.memory_space<vmem>>, %arg10: memref<8x128xi32, #tpu.memory_space<vmem>>, %arg11: memref<8x128xi32, #tpu.memory_space<vmem>>, %arg12: memref<8x128xi32, #tpu.memory_space<vmem>>, %arg13: memref<128x128xf32, #tpu.memory_space<vmem>>, %arg14: memref<128x128xf32, #tpu.memory_space<vmem>>, %arg15: memref<!tpu.dma_semaphore, #tpu.memory_space<semaphore_mem>>, %arg16: memref<!tpu.dma_semaphore, #tpu.memory_space<semaphore_mem>>, %arg17: memref<!tpu.dma_semaphore, #tpu.memory_space<semaphore_mem>>, %arg18: memref<!tpu.dma_semaphore, #tpu.memory_space<semaphore_mem>>, %arg19: memref<!tpu.dma_semaphore, #tpu.memory_space<semaphore_mem>>, %arg20: memref<!tpu.dma_semaphore, #tpu.memory_space<semaphore_mem>>, %arg21: memref<!tpu.dma_semaphore, #tpu.memory_space<semaphore_mem>>, %arg22: memref<!tpu.dma_semaphore, #tpu.memory_space<semaphore_mem>>) attributes {dimension_semantics = [#tpu.dimension_semantics<core_parallel>, #tpu.dimension_semantics<subcore_parallel>], iteration_bounds = array<i64: 2, 16>, scalar_prefetch = 0 : i64, scratch_operands = 15 : i64, tpu.core_type = #tpu.core_type<sc_vector_subcore>, window_params = [{transform_indices = #map}, {transform_indices = #map}, {transform_indices = #map}, {transform_indices = #map}, {transform_indices = #map1}, {transform_indices = #map2}]} {
    %mul3A = arith.constant 2 : i32
    %mul3A_0 = arith.muli %arg1, %mul3A : i32
    %add3A = arith.addi %mul3A_0, %arg0 : i32
    %mul3A_1 = arith.constant 632 : i32
    %mul3A_2 = arith.muli %arg1, %mul3A_1 : i32
    %broadcast_in_dim3A = arith.constant 1.000000e+00 : f32
    %broadcast_in_dim3A_3 = vector.broadcast %broadcast_in_dim3A : f32 to vector<16xf32>
    "tpu.region"() ({
      %run_scoped3A = tpu.sem_alloc : memref<!tpu.dma_semaphore, #tpu.memory_space<semaphore_mem>>
      %dma_start3A_69 = arith.constant 0 : i32
      %dma_start3A_70 = tpu.memref_slice %arg8[%mul3A_2, %dma_start3A_69] : memref<10112x128xf32, #tpu.memory_space<vmem_shared>> -> memref<632x128xf32, #tpu.memory_space<vmem_shared>>
      %dma_start3A_71 = arith.constant 0 : i32
      %dma_start3A_72 = tpu.memref_slice %arg5[%mul3A_2, %dma_start3A_71] : memref<10112x128xf32, #tpu.memory_space<hbm>> -> memref<632x128xf32, #tpu.memory_space<hbm>>
      tpu.enqueue_dma source(%dma_start3A_72 : memref<632x128xf32, #tpu.memory_space<hbm>>) target(%dma_start3A_70 : memref<632x128xf32, #tpu.memory_space<vmem_shared>>) target_semaphore(%run_scoped3A : memref<!tpu.dma_semaphore, #tpu.memory_space<semaphore_mem>>)
      %dma_wait3A_73 = arith.constant 0 : i32
      %dma_wait3A_74 = tpu.memref_slice %arg8[%mul3A_2, %dma_wait3A_73] : memref<10112x128xf32, #tpu.memory_space<vmem_shared>> -> memref<632x128xf32, #tpu.memory_space<vmem_shared>>
      %dma_wait3A_75 = arith.constant 0 : i32
      %dma_wait3A_76 = tpu.memref_slice %arg5[%mul3A_2, %dma_wait3A_75] : memref<10112x128xf32, #tpu.memory_space<hbm>> -> memref<632x128xf32, #tpu.memory_space<hbm>>
      tpu.wait_dma2 semaphore(%run_scoped3A : memref<!tpu.dma_semaphore, #tpu.memory_space<semaphore_mem>>) src(%dma_wait3A_76 : memref<632x128xf32, #tpu.memory_space<hbm>>) dst(%dma_wait3A_74 : memref<632x128xf32, #tpu.memory_space<vmem_shared>>)
      tpu.yield
    }) : () -> ()
    %barrier3A = arith.constant 0 : index
    tpu.barrier barrier_id(%barrier3A)
    %mul3A_4 = arith.constant 80 : i32
    %mul3A_5 = arith.muli %add3A, %mul3A_4 : i32
    %add3A_6 = arith.constant 0 : i32
    %add3A_7 = arith.addi %mul3A_5, %add3A_6 : i32
    %dma_start3A = arith.constant 0 : i32
    %dma_start3A_8 = tpu.memref_slice %arg3[%add3A_7, %dma_start3A] : memref<2560x128xi32, #tpu.memory_space<hbm>> -> memref<8x128xi32, #tpu.memory_space<hbm>>
    %dma_start3A_9 = arith.constant 0 : i32
    %dma_start3A_10 = tpu.memref_slice %arg3[%add3A_7, %dma_start3A_9] : memref<2560x128xi32, #tpu.memory_space<hbm>> -> memref<8x128xi32, #tpu.memory_space<hbm>>
    tpu.enqueue_dma source(%dma_start3A_10 : memref<8x128xi32, #tpu.memory_space<hbm>>) target(%arg9 : memref<8x128xi32, #tpu.memory_space<vmem>>) target_semaphore(%arg15 : memref<!tpu.dma_semaphore, #tpu.memory_space<semaphore_mem>>)
    %mul3A_11 = arith.constant 80 : i32
    %mul3A_12 = arith.muli %add3A, %mul3A_11 : i32
    %add3A_13 = arith.constant 0 : i32
    %add3A_14 = arith.addi %mul3A_12, %add3A_13 : i32
    %dma_start3A_15 = arith.constant 0 : i32
    %dma_start3A_16 = tpu.memref_slice %arg4[%add3A_14, %dma_start3A_15] : memref<2560x128xi32, #tpu.memory_space<hbm>> -> memref<8x128xi32, #tpu.memory_space<hbm>>
    %dma_start3A_17 = arith.constant 0 : i32
    %dma_start3A_18 = tpu.memref_slice %arg4[%add3A_14, %dma_start3A_17] : memref<2560x128xi32, #tpu.memory_space<hbm>> -> memref<8x128xi32, #tpu.memory_space<hbm>>
    tpu.enqueue_dma source(%dma_start3A_18 : memref<8x128xi32, #tpu.memory_space<hbm>>) target(%arg10 : memref<8x128xi32, #tpu.memory_space<vmem>>) target_semaphore(%arg16 : memref<!tpu.dma_semaphore, #tpu.memory_space<semaphore_mem>>)
    %mul3A_19 = arith.constant 80 : i32
    %mul3A_20 = arith.muli %add3A, %mul3A_19 : i32
    %add3A_21 = arith.constant 0 : i32
    %add3A_22 = arith.addi %mul3A_20, %add3A_21 : i32
    %dma_wait3A = arith.constant 0 : i32
    %dma_wait3A_23 = tpu.memref_slice %arg3[%add3A_22, %dma_wait3A] : memref<2560x128xi32, #tpu.memory_space<hbm>> -> memref<8x128xi32, #tpu.memory_space<hbm>>
    %dma_wait3A_24 = arith.constant 0 : i32
    %dma_wait3A_25 = tpu.memref_slice %arg3[%add3A_22, %dma_wait3A_24] : memref<2560x128xi32, #tpu.memory_space<hbm>> -> memref<8x128xi32, #tpu.memory_space<hbm>>
    tpu.wait_dma2 semaphore(%arg15 : memref<!tpu.dma_semaphore, #tpu.memory_space<semaphore_mem>>) src(%dma_wait3A_25 : memref<8x128xi32, #tpu.memory_space<hbm>>) dst(%arg9 : memref<8x128xi32, #tpu.memory_space<vmem>>)
    %mul3A_26 = arith.constant 80 : i32
    %mul3A_27 = arith.muli %add3A, %mul3A_26 : i32
    %add3A_28 = arith.constant 0 : i32
    %add3A_29 = arith.addi %mul3A_27, %add3A_28 : i32
    %dma_wait3A_30 = arith.constant 0 : i32
    %dma_wait3A_31 = tpu.memref_slice %arg4[%add3A_29, %dma_wait3A_30] : memref<2560x128xi32, #tpu.memory_space<hbm>> -> memref<8x128xi32, #tpu.memory_space<hbm>>
    %dma_wait3A_32 = arith.constant 0 : i32
    %dma_wait3A_33 = tpu.memref_slice %arg4[%add3A_29, %dma_wait3A_32] : memref<2560x128xi32, #tpu.memory_space<hbm>> -> memref<8x128xi32, #tpu.memory_space<hbm>>
    tpu.wait_dma2 semaphore(%arg16 : memref<!tpu.dma_semaphore, #tpu.memory_space<semaphore_mem>>) src(%dma_wait3A_33 : memref<8x128xi32, #tpu.memory_space<hbm>>) dst(%arg10 : memref<8x128xi32, #tpu.memory_space<vmem>>)
    %mul3A_34 = arith.constant 80 : i32
    %mul3A_35 = arith.muli %add3A, %mul3A_34 : i32
    %add3A_36 = arith.constant 8 : i32
    %add3A_37 = arith.addi %mul3A_35, %add3A_36 : i32
    %dma_start3A_38 = arith.constant 0 : i32
    %dma_start3A_39 = tpu.memref_slice %arg3[%add3A_37, %dma_start3A_38] : memref<2560x128xi32, #tpu.memory_space<hbm>> -> memref<8x128xi32, #tpu.memory_space<hbm>>
    %dma_start3A_40 = arith.constant 0 : i32
    %dma_start3A_41 = tpu.memref_slice %arg3[%add3A_37, %dma_start3A_40] : memref<2560x128xi32, #tpu.memory_space<hbm>> -> memref<8x128xi32, #tpu.memory_space<hbm>>
    tpu.enqueue_dma source(%dma_start3A_41 : memref<8x128xi32, #tpu.memory_space<hbm>>) target(%arg11 : memref<8x128xi32, #tpu.memory_space<vmem>>) target_semaphore(%arg17 : memref<!tpu.dma_semaphore, #tpu.memory_space<semaphore_mem>>)
    %mul3A_42 = arith.constant 80 : i32
    %mul3A_43 = arith.muli %add3A, %mul3A_42 : i32
    %add3A_44 = arith.constant 8 : i32
    %add3A_45 = arith.addi %mul3A_43, %add3A_44 : i32
    %dma_start3A_46 = arith.constant 0 : i32
    %dma_start3A_47 = tpu.memref_slice %arg4[%add3A_45, %dma_start3A_46] : memref<2560x128xi32, #tpu.memory_space<hbm>> -> memref<8x128xi32, #tpu.memory_space<hbm>>
    %dma_start3A_48 = arith.constant 0 : i32
    %dma_start3A_49 = tpu.memref_slice %arg4[%add3A_45, %dma_start3A_48] : memref<2560x128xi32, #tpu.memory_space<hbm>> -> memref<8x128xi32, #tpu.memory_space<hbm>>
    tpu.enqueue_dma source(%dma_start3A_49 : memref<8x128xi32, #tpu.memory_space<hbm>>) target(%arg12 : memref<8x128xi32, #tpu.memory_space<vmem>>) target_semaphore(%arg18 : memref<!tpu.dma_semaphore, #tpu.memory_space<semaphore_mem>>)
    %dma_start3A_50 = arith.constant 0 : i32
    %dma_start3A_51 = arith.constant 0 : i32
    %dma_start3A_52 = tpu.memref_slice %arg9[%dma_start3A_50, %dma_start3A_51] : memref<8x128xi32, #tpu.memory_space<vmem>> -> memref<1x128xi32, #tpu.memory_space<vmem>>
    %dma_start3A_53 = tpu.memref_squeeze %dma_start3A_52 : memref<1x128xi32, #tpu.memory_space<vmem>> -> memref<128xi32, #tpu.memory_space<vmem>>
    %dma_start3A_54 = arith.constant 0 : i32
    %dma_start3A_55 = arith.constant 0 : i32
    %dma_start3A_56 = tpu.memref_slice %arg2[%dma_start3A_54, %dma_start3A_55] : memref<10000x128xf32, #tpu.memory_space<hbm>> -> memref<10000x128xf32, #tpu.memory_space<hbm>>
    tpu.enqueue_indirect_dma source(%dma_start3A_56 : memref<10000x128xf32, #tpu.memory_space<hbm>>) target(%arg13 : memref<128x128xf32, #tpu.memory_space<vmem>>) offsets(%dma_start3A_53 : memref<128xi32, #tpu.memory_space<vmem>>) semaphore(%arg19 : memref<!tpu.dma_semaphore, #tpu.memory_space<semaphore_mem>>)
    %scan3A = arith.constant 0 : i32
    %scan3A_57 = arith.constant 5 : i32
    %scan3A_58 = arith.addi %scan3A, %scan3A_57 : i32
    %scan3A_59 = arith.constant 1 : i32
    scf.for %scan3A_69 = %scan3A to %scan3A_58 step %scan3A_59  : i32 {
      %mul3A_70 = arith.constant 1 : i32
      %mul3A_71 = arith.muli %scan3A_69, %mul3A_70 : i32
      %add3A_72 = arith.constant 0 : i32
      %add3A_73 = arith.addi %add3A_72, %mul3A_71 : i32
      %mul3A_74 = arith.constant 2 : i32
      %mul3A_75 = arith.muli %mul3A_74, %add3A_73 : i32
      %lt3A = arith.constant 4 : i32
      %lt3A_76 = arith.cmpi slt, %add3A_73, %lt3A : i32
      %gt3A = arith.constant 0 : i32
      %gt3A_77 = arith.cmpi sgt, %add3A_73, %gt3A : i32
      %convert_element_type3A = arith.extui %gt3A_77 : i1 to i32
      %cond3A = arith.constant 0 : i32
      %cond3A_78 = arith.cmpi ne, %convert_element_type3A, %cond3A : i32
      scf.if %cond3A_78 {
        %dma_wait3A_544 = arith.constant 7 : i32
        %dma_wait3A_545 = arith.constant 0 : i32
        %dma_wait3A_546 = tpu.memref_slice %arg11[%dma_wait3A_544, %dma_wait3A_545] : memref<8x128xi32, #tpu.memory_space<vmem>> -> memref<1x128xi32, #tpu.memory_space<vmem>>
        %dma_wait3A_547 = tpu.memref_squeeze %dma_wait3A_546 : memref<1x128xi32, #tpu.memory_space<vmem>> -> memref<128xi32, #tpu.memory_space<vmem>>
        %dma_wait3A_548 = arith.constant 0 : i32
        %dma_wait3A_549 = arith.constant 0 : i32
        %dma_wait3A_550 = tpu.memref_slice %arg8[%dma_wait3A_548, %dma_wait3A_549] : memref<10112x128xf32, #tpu.memory_space<vmem_shared>> -> memref<10112x128xf32, #tpu.memory_space<vmem_shared>>
        tpu.wait_indirect_dma semaphore(%arg22 : memref<!tpu.dma_semaphore, #tpu.memory_space<semaphore_mem>>) src(%arg14 : memref<128x128xf32, #tpu.memory_space<vmem>>) dst(%dma_wait3A_550 : memref<10112x128xf32, #tpu.memory_space<vmem_shared>>)
      } else {
      }
      %dma_start3A_79 = arith.constant 1 : i32
      %dma_start3A_80 = arith.constant 0 : i32
      %dma_start3A_81 = tpu.memref_slice %arg9[%dma_start3A_79, %dma_start3A_80] : memref<8x128xi32, #tpu.memory_space<vmem>> -> memref<1x128xi32, #tpu.memory_space<vmem>>
      %dma_start3A_82 = tpu.memref_squeeze %dma_start3A_81 : memref<1x128xi32, #tpu.memory_space<vmem>> -> memref<128xi32, #tpu.memory_space<vmem>>
      %dma_start3A_83 = arith.constant 0 : i32
      %dma_start3A_84 = arith.constant 0 : i32
      %dma_start3A_85 = tpu.memref_slice %arg2[%dma_start3A_83, %dma_start3A_84] : memref<10000x128xf32, #tpu.memory_space<hbm>> -> memref<10000x128xf32, #tpu.memory_space<hbm>>
      tpu.enqueue_indirect_dma source(%dma_start3A_85 : memref<10000x128xf32, #tpu.memory_space<hbm>>) target(%arg14 : memref<128x128xf32, #tpu.memory_space<vmem>>) offsets(%dma_start3A_82 : memref<128xi32, #tpu.memory_space<vmem>>) semaphore(%arg20 : memref<!tpu.dma_semaphore, #tpu.memory_space<semaphore_mem>>)
      %dma_wait3A_86 = arith.constant 0 : i32
      %dma_wait3A_87 = arith.constant 0 : i32
      %dma_wait3A_88 = tpu.memref_slice %arg9[%dma_wait3A_86, %dma_wait3A_87] : memref<8x128xi32, #tpu.memory_space<vmem>> -> memref<1x128xi32, #tpu.memory_space<vmem>>
      %dma_wait3A_89 = tpu.memref_squeeze %dma_wait3A_88 : memref<1x128xi32, #tpu.memory_space<vmem>> -> memref<128xi32, #tpu.memory_space<vmem>>
      %dma_wait3A_90 = arith.constant 0 : i32
      %dma_wait3A_91 = arith.constant 0 : i32
      %dma_wait3A_92 = tpu.memref_slice %arg2[%dma_wait3A_90, %dma_wait3A_91] : memref<10000x128xf32, #tpu.memory_space<hbm>> -> memref<10000x128xf32, #tpu.memory_space<hbm>>
      tpu.wait_indirect_dma semaphore(%arg19 : memref<!tpu.dma_semaphore, #tpu.memory_space<semaphore_mem>>) src(%dma_wait3A_92 : memref<10000x128xf32, #tpu.memory_space<hbm>>) dst(%arg13 : memref<128x128xf32, #tpu.memory_space<vmem>>)
      %dma_start3A_93 = arith.constant 0 : i32
      %dma_start3A_94 = arith.constant 0 : i32
      %dma_start3A_95 = tpu.memref_slice %arg10[%dma_start3A_93, %dma_start3A_94] : memref<8x128xi32, #tpu.memory_space<vmem>> -> memref<1x128xi32, #tpu.memory_space<vmem>>
      %dma_start3A_96 = tpu.memref_squeeze %dma_start3A_95 : memref<1x128xi32, #tpu.memory_space<vmem>> -> memref<128xi32, #tpu.memory_space<vmem>>
      %dma_start3A_97 = arith.constant 0 : i32
      %dma_start3A_98 = arith.constant 0 : i32
      %dma_start3A_99 = tpu.memref_slice %arg8[%dma_start3A_97, %dma_start3A_98] : memref<10112x128xf32, #tpu.memory_space<vmem_shared>> -> memref<10112x128xf32, #tpu.memory_space<vmem_shared>>
      tpu.enqueue_indirect_dma source(%arg13 : memref<128x128xf32, #tpu.memory_space<vmem>>) target(%dma_start3A_99 : memref<10112x128xf32, #tpu.memory_space<vmem_shared>>) offsets(%dma_start3A_96 : memref<128xi32, #tpu.memory_space<vmem>>) semaphore(%arg21 : memref<!tpu.dma_semaphore, #tpu.memory_space<semaphore_mem>>) {add = true}
      %dma_wait3A_100 = arith.constant 0 : i32
      %dma_wait3A_101 = arith.constant 0 : i32
      %dma_wait3A_102 = tpu.memref_slice %arg10[%dma_wait3A_100, %dma_wait3A_101] : memref<8x128xi32, #tpu.memory_space<vmem>> -> memref<1x128xi32, #tpu.memory_space<vmem>>
      %dma_wait3A_103 = tpu.memref_squeeze %dma_wait3A_102 : memref<1x128xi32, #tpu.memory_space<vmem>> -> memref<128xi32, #tpu.memory_space<vmem>>
      %dma_wait3A_104 = arith.constant 0 : i32
      %dma_wait3A_105 = arith.constant 0 : i32
      %dma_wait3A_106 = tpu.memref_slice %arg8[%dma_wait3A_104, %dma_wait3A_105] : memref<10112x128xf32, #tpu.memory_space<vmem_shared>> -> memref<10112x128xf32, #tpu.memory_space<vmem_shared>>
      tpu.wait_indirect_dma semaphore(%arg21 : memref<!tpu.dma_semaphore, #tpu.memory_space<semaphore_mem>>) src(%arg13 : memref<128x128xf32, #tpu.memory_space<vmem>>) dst(%dma_wait3A_106 : memref<10112x128xf32, #tpu.memory_space<vmem_shared>>)
      %dma_start3A_107 = arith.constant 2 : i32
      %dma_start3A_108 = arith.constant 0 : i32
      %dma_start3A_109 = tpu.memref_slice %arg9[%dma_start3A_107, %dma_start3A_108] : memref<8x128xi32, #tpu.memory_space<vmem>> -> memref<1x128xi32, #tpu.memory_space<vmem>>
      %dma_start3A_110 = tpu.memref_squeeze %dma_start3A_109 : memref<1x128xi32, #tpu.memory_space<vmem>> -> memref<128xi32, #tpu.memory_space<vmem>>
      %dma_start3A_111 = arith.constant 0 : i32
      %dma_start3A_112 = arith.constant 0 : i32
      %dma_start3A_113 = tpu.memref_slice %arg2[%dma_start3A_111, %dma_start3A_112] : memref<10000x128xf32, #tpu.memory_space<hbm>> -> memref<10000x128xf32, #tpu.memory_space<hbm>>
      tpu.enqueue_indirect_dma source(%dma_start3A_113 : memref<10000x128xf32, #tpu.memory_space<hbm>>) target(%arg13 : memref<128x128xf32, #tpu.memory_space<vmem>>) offsets(%dma_start3A_110 : memref<128xi32, #tpu.memory_space<vmem>>) semaphore(%arg19 : memref<!tpu.dma_semaphore, #tpu.memory_space<semaphore_mem>>)
      %dma_wait3A_114 = arith.constant 1 : i32
      %dma_wait3A_115 = arith.constant 0 : i32
      %dma_wait3A_116 = tpu.memref_slice %arg9[%dma_wait3A_114, %dma_wait3A_115] : memref<8x128xi32, #tpu.memory_space<vmem>> -> memref<1x128xi32, #tpu.memory_space<vmem>>
      %dma_wait3A_117 = tpu.memref_squeeze %dma_wait3A_116 : memref<1x128xi32, #tpu.memory_space<vmem>> -> memref<128xi32, #tpu.memory_space<vmem>>
      %dma_wait3A_118 = arith.constant 0 : i32
      %dma_wait3A_119 = arith.constant 0 : i32
      %dma_wait3A_120 = tpu.memref_slice %arg2[%dma_wait3A_118, %dma_wait3A_119] : memref<10000x128xf32, #tpu.memory_space<hbm>> -> memref<10000x128xf32, #tpu.memory_space<hbm>>
      tpu.wait_indirect_dma semaphore(%arg20 : memref<!tpu.dma_semaphore, #tpu.memory_space<semaphore_mem>>) src(%dma_wait3A_120 : memref<10000x128xf32, #tpu.memory_space<hbm>>) dst(%arg14 : memref<128x128xf32, #tpu.memory_space<vmem>>)
      %dma_start3A_121 = arith.constant 1 : i32
      %dma_start3A_122 = arith.constant 0 : i32
      %dma_start3A_123 = tpu.memref_slice %arg10[%dma_start3A_121, %dma_start3A_122] : memref<8x128xi32, #tpu.memory_space<vmem>> -> memref<1x128xi32, #tpu.memory_space<vmem>>
      %dma_start3A_124 = tpu.memref_squeeze %dma_start3A_123 : memref<1x128xi32, #tpu.memory_space<vmem>> -> memref<128xi32, #tpu.memory_space<vmem>>
      %dma_start3A_125 = arith.constant 0 : i32
      %dma_start3A_126 = arith.constant 0 : i32
      %dma_start3A_127 = tpu.memref_slice %arg8[%dma_start3A_125, %dma_start3A_126] : memref<10112x128xf32, #tpu.memory_space<vmem_shared>> -> memref<10112x128xf32, #tpu.memory_space<vmem_shared>>
      tpu.enqueue_indirect_dma source(%arg14 : memref<128x128xf32, #tpu.memory_space<vmem>>) target(%dma_start3A_127 : memref<10112x128xf32, #tpu.memory_space<vmem_shared>>) offsets(%dma_start3A_124 : memref<128xi32, #tpu.memory_space<vmem>>) semaphore(%arg22 : memref<!tpu.dma_semaphore, #tpu.memory_space<semaphore_mem>>) {add = true}
      %dma_wait3A_128 = arith.constant 1 : i32
      %dma_wait3A_129 = arith.constant 0 : i32
      %dma_wait3A_130 = tpu.memref_slice %arg10[%dma_wait3A_128, %dma_wait3A_129] : memref<8x128xi32, #tpu.memory_space<vmem>> -> memref<1x128xi32, #tpu.memory_space<vmem>>
      %dma_wait3A_131 = tpu.memref_squeeze %dma_wait3A_130 : memref<1x128xi32, #tpu.memory_space<vmem>> -> memref<128xi32, #tpu.memory_space<vmem>>
      %dma_wait3A_132 = arith.constant 0 : i32
      %dma_wait3A_133 = arith.constant 0 : i32
      %dma_wait3A_134 = tpu.memref_slice %arg8[%dma_wait3A_132, %dma_wait3A_133] : memref<10112x128xf32, #tpu.memory_space<vmem_shared>> -> memref<10112x128xf32, #tpu.memory_space<vmem_shared>>
      tpu.wait_indirect_dma semaphore(%arg22 : memref<!tpu.dma_semaphore, #tpu.memory_space<semaphore_mem>>) src(%arg14 : memref<128x128xf32, #tpu.memory_space<vmem>>) dst(%dma_wait3A_134 : memref<10112x128xf32, #tpu.memory_space<vmem_shared>>)
      %dma_start3A_135 = arith.constant 3 : i32
      %dma_start3A_136 = arith.constant 0 : i32
      %dma_start3A_137 = tpu.memref_slice %arg9[%dma_start3A_135, %dma_start3A_136] : memref<8x128xi32, #tpu.memory_space<vmem>> -> memref<1x128xi32, #tpu.memory_space<vmem>>
      %dma_start3A_138 = tpu.memref_squeeze %dma_start3A_137 : memref<1x128xi32, #tpu.memory_space<vmem>> -> memref<128xi32, #tpu.memory_space<vmem>>
      %dma_start3A_139 = arith.constant 0 : i32
      %dma_start3A_140 = arith.constant 0 : i32
      %dma_start3A_141 = tpu.memref_slice %arg2[%dma_start3A_139, %dma_start3A_140] : memref<10000x128xf32, #tpu.memory_space<hbm>> -> memref<10000x128xf32, #tpu.memory_space<hbm>>
      tpu.enqueue_indirect_dma source(%dma_start3A_141 : memref<10000x128xf32, #tpu.memory_space<hbm>>) target(%arg14 : memref<128x128xf32, #tpu.memory_space<vmem>>) offsets(%dma_start3A_138 : memref<128xi32, #tpu.memory_space<vmem>>) semaphore(%arg20 : memref<!tpu.dma_semaphore, #tpu.memory_space<semaphore_mem>>)
      %dma_wait3A_142 = arith.constant 2 : i32
      %dma_wait3A_143 = arith.constant 0 : i32
      %dma_wait3A_144 = tpu.memref_slice %arg9[%dma_wait3A_142, %dma_wait3A_143] : memref<8x128xi32, #tpu.memory_space<vmem>> -> memref<1x128xi32, #tpu.memory_space<vmem>>
      %dma_wait3A_145 = tpu.memref_squeeze %dma_wait3A_144 : memref<1x128xi32, #tpu.memory_space<vmem>> -> memref<128xi32, #tpu.memory_space<vmem>>
      %dma_wait3A_146 = arith.constant 0 : i32
      %dma_wait3A_147 = arith.constant 0 : i32
      %dma_wait3A_148 = tpu.memref_slice %arg2[%dma_wait3A_146, %dma_wait3A_147] : memref<10000x128xf32, #tpu.memory_space<hbm>> -> memref<10000x128xf32, #tpu.memory_space<hbm>>
      tpu.wait_indirect_dma semaphore(%arg19 : memref<!tpu.dma_semaphore, #tpu.memory_space<semaphore_mem>>) src(%dma_wait3A_148 : memref<10000x128xf32, #tpu.memory_space<hbm>>) dst(%arg13 : memref<128x128xf32, #tpu.memory_space<vmem>>)
      %dma_start3A_149 = arith.constant 2 : i32
      %dma_start3A_150 = arith.constant 0 : i32
      %dma_start3A_151 = tpu.memref_slice %arg10[%dma_start3A_149, %dma_start3A_150] : memref<8x128xi32, #tpu.memory_space<vmem>> -> memref<1x128xi32, #tpu.memory_space<vmem>>
      %dma_start3A_152 = tpu.memref_squeeze %dma_start3A_151 : memref<1x128xi32, #tpu.memory_space<vmem>> -> memref<128xi32, #tpu.memory_space<vmem>>
      %dma_start3A_153 = arith.constant 0 : i32
      %dma_start3A_154 = arith.constant 0 : i32
      %dma_start3A_155 = tpu.memref_slice %arg8[%dma_start3A_153, %dma_start3A_154] : memref<10112x128xf32, #tpu.memory_space<vmem_shared>> -> memref<10112x128xf32, #tpu.memory_space<vmem_shared>>
      tpu.enqueue_indirect_dma source(%arg13 : memref<128x128xf32, #tpu.memory_space<vmem>>) target(%dma_start3A_155 : memref<10112x128xf32, #tpu.memory_space<vmem_shared>>) offsets(%dma_start3A_152 : memref<128xi32, #tpu.memory_space<vmem>>) semaphore(%arg21 : memref<!tpu.dma_semaphore, #tpu.memory_space<semaphore_mem>>) {add = true}
      %dma_wait3A_156 = arith.constant 2 : i32
      %dma_wait3A_157 = arith.constant 0 : i32
      %dma_wait3A_158 = tpu.memref_slice %arg10[%dma_wait3A_156, %dma_wait3A_157] : memref<8x128xi32, #tpu.memory_space<vmem>> -> memref<1x128xi32, #tpu.memory_space<vmem>>
      %dma_wait3A_159 = tpu.memref_squeeze %dma_wait3A_158 : memref<1x128xi32, #tpu.memory_space<vmem>> -> memref<128xi32, #tpu.memory_space<vmem>>
      %dma_wait3A_160 = arith.constant 0 : i32
      %dma_wait3A_161 = arith.constant 0 : i32
      %dma_wait3A_162 = tpu.memref_slice %arg8[%dma_wait3A_160, %dma_wait3A_161] : memref<10112x128xf32, #tpu.memory_space<vmem_shared>> -> memref<10112x128xf32, #tpu.memory_space<vmem_shared>>
      tpu.wait_indirect_dma semaphore(%arg21 : memref<!tpu.dma_semaphore, #tpu.memory_space<semaphore_mem>>) src(%arg13 : memref<128x128xf32, #tpu.memory_space<vmem>>) dst(%dma_wait3A_162 : memref<10112x128xf32, #tpu.memory_space<vmem_shared>>)
      %dma_start3A_163 = arith.constant 4 : i32
      %dma_start3A_164 = arith.constant 0 : i32
      %dma_start3A_165 = tpu.memref_slice %arg9[%dma_start3A_163, %dma_start3A_164] : memref<8x128xi32, #tpu.memory_space<vmem>> -> memref<1x128xi32, #tpu.memory_space<vmem>>
      %dma_start3A_166 = tpu.memref_squeeze %dma_start3A_165 : memref<1x128xi32, #tpu.memory_space<vmem>> -> memref<128xi32, #tpu.memory_space<vmem>>
      %dma_start3A_167 = arith.constant 0 : i32
      %dma_start3A_168 = arith.constant 0 : i32
      %dma_start3A_169 = tpu.memref_slice %arg2[%dma_start3A_167, %dma_start3A_168] : memref<10000x128xf32, #tpu.memory_space<hbm>> -> memref<10000x128xf32, #tpu.memory_space<hbm>>
      tpu.enqueue_indirect_dma source(%dma_start3A_169 : memref<10000x128xf32, #tpu.memory_space<hbm>>) target(%arg13 : memref<128x128xf32, #tpu.memory_space<vmem>>) offsets(%dma_start3A_166 : memref<128xi32, #tpu.memory_space<vmem>>) semaphore(%arg19 : memref<!tpu.dma_semaphore, #tpu.memory_space<semaphore_mem>>)
      %dma_wait3A_170 = arith.constant 3 : i32
      %dma_wait3A_171 = arith.constant 0 : i32
      %dma_wait3A_172 = tpu.memref_slice %arg9[%dma_wait3A_170, %dma_wait3A_171] : memref<8x128xi32, #tpu.memory_space<vmem>> -> memref<1x128xi32, #tpu.memory_space<vmem>>
      %dma_wait3A_173 = tpu.memref_squeeze %dma_wait3A_172 : memref<1x128xi32, #tpu.memory_space<vmem>> -> memref<128xi32, #tpu.memory_space<vmem>>
      %dma_wait3A_174 = arith.constant 0 : i32
      %dma_wait3A_175 = arith.constant 0 : i32
      %dma_wait3A_176 = tpu.memref_slice %arg2[%dma_wait3A_174, %dma_wait3A_175] : memref<10000x128xf32, #tpu.memory_space<hbm>> -> memref<10000x128xf32, #tpu.memory_space<hbm>>
      tpu.wait_indirect_dma semaphore(%arg20 : memref<!tpu.dma_semaphore, #tpu.memory_space<semaphore_mem>>) src(%dma_wait3A_176 : memref<10000x128xf32, #tpu.memory_space<hbm>>) dst(%arg14 : memref<128x128xf32, #tpu.memory_space<vmem>>)
      %dma_start3A_177 = arith.constant 3 : i32
      %dma_start3A_178 = arith.constant 0 : i32
      %dma_start3A_179 = tpu.memref_slice %arg10[%dma_start3A_177, %dma_start3A_178] : memref<8x128xi32, #tpu.memory_space<vmem>> -> memref<1x128xi32, #tpu.memory_space<vmem>>
      %dma_start3A_180 = tpu.memref_squeeze %dma_start3A_179 : memref<1x128xi32, #tpu.memory_space<vmem>> -> memref<128xi32, #tpu.memory_space<vmem>>
      %dma_start3A_181 = arith.constant 0 : i32
      %dma_start3A_182 = arith.constant 0 : i32
      %dma_start3A_183 = tpu.memref_slice %arg8[%dma_start3A_181, %dma_start3A_182] : memref<10112x128xf32, #tpu.memory_space<vmem_shared>> -> memref<10112x128xf32, #tpu.memory_space<vmem_shared>>
      tpu.enqueue_indirect_dma source(%arg14 : memref<128x128xf32, #tpu.memory_space<vmem>>) target(%dma_start3A_183 : memref<10112x128xf32, #tpu.memory_space<vmem_shared>>) offsets(%dma_start3A_180 : memref<128xi32, #tpu.memory_space<vmem>>) semaphore(%arg22 : memref<!tpu.dma_semaphore, #tpu.memory_space<semaphore_mem>>) {add = true}
      %dma_wait3A_184 = arith.constant 3 : i32
      %dma_wait3A_185 = arith.constant 0 : i32
      %dma_wait3A_186 = tpu.memref_slice %arg10[%dma_wait3A_184, %dma_wait3A_185] : memref<8x128xi32, #tpu.memory_space<vmem>> -> memref<1x128xi32, #tpu.memory_space<vmem>>
      %dma_wait3A_187 = tpu.memref_squeeze %dma_wait3A_186 : memref<1x128xi32, #tpu.memory_space<vmem>> -> memref<128xi32, #tpu.memory_space<vmem>>
      %dma_wait3A_188 = arith.constant 0 : i32
      %dma_wait3A_189 = arith.constant 0 : i32
      %dma_wait3A_190 = tpu.memref_slice %arg8[%dma_wait3A_188, %dma_wait3A_189] : memref<10112x128xf32, #tpu.memory_space<vmem_shared>> -> memref<10112x128xf32, #tpu.memory_space<vmem_shared>>
      tpu.wait_indirect_dma semaphore(%arg22 : memref<!tpu.dma_semaphore, #tpu.memory_space<semaphore_mem>>) src(%arg14 : memref<128x128xf32, #tpu.memory_space<vmem>>) dst(%dma_wait3A_190 : memref<10112x128xf32, #tpu.memory_space<vmem_shared>>)
      %dma_start3A_191 = arith.constant 5 : i32
      %dma_start3A_192 = arith.constant 0 : i32
      %dma_start3A_193 = tpu.memref_slice %arg9[%dma_start3A_191, %dma_start3A_192] : memref<8x128xi32, #tpu.memory_space<vmem>> -> memref<1x128xi32, #tpu.memory_space<vmem>>
      %dma_start3A_194 = tpu.memref_squeeze %dma_start3A_193 : memref<1x128xi32, #tpu.memory_space<vmem>> -> memref<128xi32, #tpu.memory_space<vmem>>
      %dma_start3A_195 = arith.constant 0 : i32
      %dma_start3A_196 = arith.constant 0 : i32
      %dma_start3A_197 = tpu.memref_slice %arg2[%dma_start3A_195, %dma_start3A_196] : memref<10000x128xf32, #tpu.memory_space<hbm>> -> memref<10000x128xf32, #tpu.memory_space<hbm>>
      tpu.enqueue_indirect_dma source(%dma_start3A_197 : memref<10000x128xf32, #tpu.memory_space<hbm>>) target(%arg14 : memref<128x128xf32, #tpu.memory_space<vmem>>) offsets(%dma_start3A_194 : memref<128xi32, #tpu.memory_space<vmem>>) semaphore(%arg20 : memref<!tpu.dma_semaphore, #tpu.memory_space<semaphore_mem>>)
      %dma_wait3A_198 = arith.constant 4 : i32
      %dma_wait3A_199 = arith.constant 0 : i32
      %dma_wait3A_200 = tpu.memref_slice %arg9[%dma_wait3A_198, %dma_wait3A_199] : memref<8x128xi32, #tpu.memory_space<vmem>> -> memref<1x128xi32, #tpu.memory_space<vmem>>
      %dma_wait3A_201 = tpu.memref_squeeze %dma_wait3A_200 : memref<1x128xi32, #tpu.memory_space<vmem>> -> memref<128xi32, #tpu.memory_space<vmem>>
      %dma_wait3A_202 = arith.constant 0 : i32
      %dma_wait3A_203 = arith.constant 0 : i32
      %dma_wait3A_204 = tpu.memref_slice %arg2[%dma_wait3A_202, %dma_wait3A_203] : memref<10000x128xf32, #tpu.memory_space<hbm>> -> memref<10000x128xf32, #tpu.memory_space<hbm>>
      tpu.wait_indirect_dma semaphore(%arg19 : memref<!tpu.dma_semaphore, #tpu.memory_space<semaphore_mem>>) src(%dma_wait3A_204 : memref<10000x128xf32, #tpu.memory_space<hbm>>) dst(%arg13 : memref<128x128xf32, #tpu.memory_space<vmem>>)
      %dma_start3A_205 = arith.constant 4 : i32
      %dma_start3A_206 = arith.constant 0 : i32
      %dma_start3A_207 = tpu.memref_slice %arg10[%dma_start3A_205, %dma_start3A_206] : memref<8x128xi32, #tpu.memory_space<vmem>> -> memref<1x128xi32, #tpu.memory_space<vmem>>
      %dma_start3A_208 = tpu.memref_squeeze %dma_start3A_207 : memref<1x128xi32, #tpu.memory_space<vmem>> -> memref<128xi32, #tpu.memory_space<vmem>>
      %dma_start3A_209 = arith.constant 0 : i32
      %dma_start3A_210 = arith.constant 0 : i32
      %dma_start3A_211 = tpu.memref_slice %arg8[%dma_start3A_209, %dma_start3A_210] : memref<10112x128xf32, #tpu.memory_space<vmem_shared>> -> memref<10112x128xf32, #tpu.memory_space<vmem_shared>>
      tpu.enqueue_indirect_dma source(%arg13 : memref<128x128xf32, #tpu.memory_space<vmem>>) target(%dma_start3A_211 : memref<10112x128xf32, #tpu.memory_space<vmem_shared>>) offsets(%dma_start3A_208 : memref<128xi32, #tpu.memory_space<vmem>>) semaphore(%arg21 : memref<!tpu.dma_semaphore, #tpu.memory_space<semaphore_mem>>) {add = true}
      %dma_wait3A_212 = arith.constant 4 : i32
      %dma_wait3A_213 = arith.constant 0 : i32
      %dma_wait3A_214 = tpu.memref_slice %arg10[%dma_wait3A_212, %dma_wait3A_213] : memref<8x128xi32, #tpu.memory_space<vmem>> -> memref<1x128xi32, #tpu.memory_space<vmem>>
      %dma_wait3A_215 = tpu.memref_squeeze %dma_wait3A_214 : memref<1x128xi32, #tpu.memory_space<vmem>> -> memref<128xi32, #tpu.memory_space<vmem>>
      %dma_wait3A_216 = arith.constant 0 : i32
      %dma_wait3A_217 = arith.constant 0 : i32
      %dma_wait3A_218 = tpu.memref_slice %arg8[%dma_wait3A_216, %dma_wait3A_217] : memref<10112x128xf32, #tpu.memory_space<vmem_shared>> -> memref<10112x128xf32, #tpu.memory_space<vmem_shared>>
      tpu.wait_indirect_dma semaphore(%arg21 : memref<!tpu.dma_semaphore, #tpu.memory_space<semaphore_mem>>) src(%arg13 : memref<128x128xf32, #tpu.memory_space<vmem>>) dst(%dma_wait3A_218 : memref<10112x128xf32, #tpu.memory_space<vmem_shared>>)
      %dma_start3A_219 = arith.constant 6 : i32
      %dma_start3A_220 = arith.constant 0 : i32
      %dma_start3A_221 = tpu.memref_slice %arg9[%dma_start3A_219, %dma_start3A_220] : memref<8x128xi32, #tpu.memory_space<vmem>> -> memref<1x128xi32, #tpu.memory_space<vmem>>
      %dma_start3A_222 = tpu.memref_squeeze %dma_start3A_221 : memref<1x128xi32, #tpu.memory_space<vmem>> -> memref<128xi32, #tpu.memory_space<vmem>>
      %dma_start3A_223 = arith.constant 0 : i32
      %dma_start3A_224 = arith.constant 0 : i32
      %dma_start3A_225 = tpu.memref_slice %arg2[%dma_start3A_223, %dma_start3A_224] : memref<10000x128xf32, #tpu.memory_space<hbm>> -> memref<10000x128xf32, #tpu.memory_space<hbm>>
      tpu.enqueue_indirect_dma source(%dma_start3A_225 : memref<10000x128xf32, #tpu.memory_space<hbm>>) target(%arg13 : memref<128x128xf32, #tpu.memory_space<vmem>>) offsets(%dma_start3A_222 : memref<128xi32, #tpu.memory_space<vmem>>) semaphore(%arg19 : memref<!tpu.dma_semaphore, #tpu.memory_space<semaphore_mem>>)
      %dma_wait3A_226 = arith.constant 5 : i32
      %dma_wait3A_227 = arith.constant 0 : i32
      %dma_wait3A_228 = tpu.memref_slice %arg9[%dma_wait3A_226, %dma_wait3A_227] : memref<8x128xi32, #tpu.memory_space<vmem>> -> memref<1x128xi32, #tpu.memory_space<vmem>>
      %dma_wait3A_229 = tpu.memref_squeeze %dma_wait3A_228 : memref<1x128xi32, #tpu.memory_space<vmem>> -> memref<128xi32, #tpu.memory_space<vmem>>
      %dma_wait3A_230 = arith.constant 0 : i32
      %dma_wait3A_231 = arith.constant 0 : i32
      %dma_wait3A_232 = tpu.memref_slice %arg2[%dma_wait3A_230, %dma_wait3A_231] : memref<10000x128xf32, #tpu.memory_space<hbm>> -> memref<10000x128xf32, #tpu.memory_space<hbm>>
      tpu.wait_indirect_dma semaphore(%arg20 : memref<!tpu.dma_semaphore, #tpu.memory_space<semaphore_mem>>) src(%dma_wait3A_232 : memref<10000x128xf32, #tpu.memory_space<hbm>>) dst(%arg14 : memref<128x128xf32, #tpu.memory_space<vmem>>)
      %dma_start3A_233 = arith.constant 5 : i32
      %dma_start3A_234 = arith.constant 0 : i32
      %dma_start3A_235 = tpu.memref_slice %arg10[%dma_start3A_233, %dma_start3A_234] : memref<8x128xi32, #tpu.memory_space<vmem>> -> memref<1x128xi32, #tpu.memory_space<vmem>>
      %dma_start3A_236 = tpu.memref_squeeze %dma_start3A_235 : memref<1x128xi32, #tpu.memory_space<vmem>> -> memref<128xi32, #tpu.memory_space<vmem>>
      %dma_start3A_237 = arith.constant 0 : i32
      %dma_start3A_238 = arith.constant 0 : i32
      %dma_start3A_239 = tpu.memref_slice %arg8[%dma_start3A_237, %dma_start3A_238] : memref<10112x128xf32, #tpu.memory_space<vmem_shared>> -> memref<10112x128xf32, #tpu.memory_space<vmem_shared>>
      tpu.enqueue_indirect_dma source(%arg14 : memref<128x128xf32, #tpu.memory_space<vmem>>) target(%dma_start3A_239 : memref<10112x128xf32, #tpu.memory_space<vmem_shared>>) offsets(%dma_start3A_236 : memref<128xi32, #tpu.memory_space<vmem>>) semaphore(%arg22 : memref<!tpu.dma_semaphore, #tpu.memory_space<semaphore_mem>>) {add = true}
      %dma_wait3A_240 = arith.constant 5 : i32
      %dma_wait3A_241 = arith.constant 0 : i32
      %dma_wait3A_242 = tpu.memref_slice %arg10[%dma_wait3A_240, %dma_wait3A_241] : memref<8x128xi32, #tpu.memory_space<vmem>> -> memref<1x128xi32, #tpu.memory_space<vmem>>
      %dma_wait3A_243 = tpu.memref_squeeze %dma_wait3A_242 : memref<1x128xi32, #tpu.memory_space<vmem>> -> memref<128xi32, #tpu.memory_space<vmem>>
      %dma_wait3A_244 = arith.constant 0 : i32
      %dma_wait3A_245 = arith.constant 0 : i32
      %dma_wait3A_246 = tpu.memref_slice %arg8[%dma_wait3A_244, %dma_wait3A_245] : memref<10112x128xf32, #tpu.memory_space<vmem_shared>> -> memref<10112x128xf32, #tpu.memory_space<vmem_shared>>
      tpu.wait_indirect_dma semaphore(%arg22 : memref<!tpu.dma_semaphore, #tpu.memory_space<semaphore_mem>>) src(%arg14 : memref<128x128xf32, #tpu.memory_space<vmem>>) dst(%dma_wait3A_246 : memref<10112x128xf32, #tpu.memory_space<vmem_shared>>)
      %dma_start3A_247 = arith.constant 7 : i32
      %dma_start3A_248 = arith.constant 0 : i32
      %dma_start3A_249 = tpu.memref_slice %arg9[%dma_start3A_247, %dma_start3A_248] : memref<8x128xi32, #tpu.memory_space<vmem>> -> memref<1x128xi32, #tpu.memory_space<vmem>>
      %dma_start3A_250 = tpu.memref_squeeze %dma_start3A_249 : memref<1x128xi32, #tpu.memory_space<vmem>> -> memref<128xi32, #tpu.memory_space<vmem>>
      %dma_start3A_251 = arith.constant 0 : i32
      %dma_start3A_252 = arith.constant 0 : i32
      %dma_start3A_253 = tpu.memref_slice %arg2[%dma_start3A_251, %dma_start3A_252] : memref<10000x128xf32, #tpu.memory_space<hbm>> -> memref<10000x128xf32, #tpu.memory_space<hbm>>
      tpu.enqueue_indirect_dma source(%dma_start3A_253 : memref<10000x128xf32, #tpu.memory_space<hbm>>) target(%arg14 : memref<128x128xf32, #tpu.memory_space<vmem>>) offsets(%dma_start3A_250 : memref<128xi32, #tpu.memory_space<vmem>>) semaphore(%arg20 : memref<!tpu.dma_semaphore, #tpu.memory_space<semaphore_mem>>)
      %dma_wait3A_254 = arith.constant 6 : i32
      %dma_wait3A_255 = arith.constant 0 : i32
      %dma_wait3A_256 = tpu.memref_slice %arg9[%dma_wait3A_254, %dma_wait3A_255] : memref<8x128xi32, #tpu.memory_space<vmem>> -> memref<1x128xi32, #tpu.memory_space<vmem>>
      %dma_wait3A_257 = tpu.memref_squeeze %dma_wait3A_256 : memref<1x128xi32, #tpu.memory_space<vmem>> -> memref<128xi32, #tpu.memory_space<vmem>>
      %dma_wait3A_258 = arith.constant 0 : i32
      %dma_wait3A_259 = arith.constant 0 : i32
      %dma_wait3A_260 = tpu.memref_slice %arg2[%dma_wait3A_258, %dma_wait3A_259] : memref<10000x128xf32, #tpu.memory_space<hbm>> -> memref<10000x128xf32, #tpu.memory_space<hbm>>
      tpu.wait_indirect_dma semaphore(%arg19 : memref<!tpu.dma_semaphore, #tpu.memory_space<semaphore_mem>>) src(%dma_wait3A_260 : memref<10000x128xf32, #tpu.memory_space<hbm>>) dst(%arg13 : memref<128x128xf32, #tpu.memory_space<vmem>>)
      %dma_start3A_261 = arith.constant 6 : i32
      %dma_start3A_262 = arith.constant 0 : i32
      %dma_start3A_263 = tpu.memref_slice %arg10[%dma_start3A_261, %dma_start3A_262] : memref<8x128xi32, #tpu.memory_space<vmem>> -> memref<1x128xi32, #tpu.memory_space<vmem>>
      %dma_start3A_264 = tpu.memref_squeeze %dma_start3A_263 : memref<1x128xi32, #tpu.memory_space<vmem>> -> memref<128xi32, #tpu.memory_space<vmem>>
      %dma_start3A_265 = arith.constant 0 : i32
      %dma_start3A_266 = arith.constant 0 : i32
      %dma_start3A_267 = tpu.memref_slice %arg8[%dma_start3A_265, %dma_start3A_266] : memref<10112x128xf32, #tpu.memory_space<vmem_shared>> -> memref<10112x128xf32, #tpu.memory_space<vmem_shared>>
      tpu.enqueue_indirect_dma source(%arg13 : memref<128x128xf32, #tpu.memory_space<vmem>>) target(%dma_start3A_267 : memref<10112x128xf32, #tpu.memory_space<vmem_shared>>) offsets(%dma_start3A_264 : memref<128xi32, #tpu.memory_space<vmem>>) semaphore(%arg21 : memref<!tpu.dma_semaphore, #tpu.memory_space<semaphore_mem>>) {add = true}
      %dma_wait3A_268 = arith.constant 6 : i32
      %dma_wait3A_269 = arith.constant 0 : i32
      %dma_wait3A_270 = tpu.memref_slice %arg10[%dma_wait3A_268, %dma_wait3A_269] : memref<8x128xi32, #tpu.memory_space<vmem>> -> memref<1x128xi32, #tpu.memory_space<vmem>>
      %dma_wait3A_271 = tpu.memref_squeeze %dma_wait3A_270 : memref<1x128xi32, #tpu.memory_space<vmem>> -> memref<128xi32, #tpu.memory_space<vmem>>
      %dma_wait3A_272 = arith.constant 0 : i32
      %dma_wait3A_273 = arith.constant 0 : i32
      %dma_wait3A_274 = tpu.memref_slice %arg8[%dma_wait3A_272, %dma_wait3A_273] : memref<10112x128xf32, #tpu.memory_space<vmem_shared>> -> memref<10112x128xf32, #tpu.memory_space<vmem_shared>>
      tpu.wait_indirect_dma semaphore(%arg21 : memref<!tpu.dma_semaphore, #tpu.memory_space<semaphore_mem>>) src(%arg13 : memref<128x128xf32, #tpu.memory_space<vmem>>) dst(%dma_wait3A_274 : memref<10112x128xf32, #tpu.memory_space<vmem_shared>>)
      %add3A_275 = arith.constant 1 : i32
      %add3A_276 = arith.addi %mul3A_75, %add3A_275 : i32
      %mul3A_277 = arith.constant 80 : i32
      %mul3A_278 = arith.muli %add3A, %mul3A_277 : i32
      %mul3A_279 = arith.constant 8 : i32
      %mul3A_280 = arith.muli %add3A_276, %mul3A_279 : i32
      %add3A_281 = arith.addi %mul3A_278, %mul3A_280 : i32
      %dma_wait3A_282 = arith.constant 0 : i32
      %dma_wait3A_283 = tpu.memref_slice %arg3[%add3A_281, %dma_wait3A_282] : memref<2560x128xi32, #tpu.memory_space<hbm>> -> memref<8x128xi32, #tpu.memory_space<hbm>>
      %dma_wait3A_284 = arith.constant 0 : i32
      %dma_wait3A_285 = tpu.memref_slice %arg3[%add3A_281, %dma_wait3A_284] : memref<2560x128xi32, #tpu.memory_space<hbm>> -> memref<8x128xi32, #tpu.memory_space<hbm>>
      tpu.wait_dma2 semaphore(%arg17 : memref<!tpu.dma_semaphore, #tpu.memory_space<semaphore_mem>>) src(%dma_wait3A_285 : memref<8x128xi32, #tpu.memory_space<hbm>>) dst(%arg11 : memref<8x128xi32, #tpu.memory_space<vmem>>)
      %mul3A_286 = arith.constant 80 : i32
      %mul3A_287 = arith.muli %add3A, %mul3A_286 : i32
      %mul3A_288 = arith.constant 8 : i32
      %mul3A_289 = arith.muli %add3A_276, %mul3A_288 : i32
      %add3A_290 = arith.addi %mul3A_287, %mul3A_289 : i32
      %dma_wait3A_291 = arith.constant 0 : i32
      %dma_wait3A_292 = tpu.memref_slice %arg4[%add3A_290, %dma_wait3A_291] : memref<2560x128xi32, #tpu.memory_space<hbm>> -> memref<8x128xi32, #tpu.memory_space<hbm>>
      %dma_wait3A_293 = arith.constant 0 : i32
      %dma_wait3A_294 = tpu.memref_slice %arg4[%add3A_290, %dma_wait3A_293] : memref<2560x128xi32, #tpu.memory_space<hbm>> -> memref<8x128xi32, #tpu.memory_space<hbm>>
      tpu.wait_dma2 semaphore(%arg18 : memref<!tpu.dma_semaphore, #tpu.memory_space<semaphore_mem>>) src(%dma_wait3A_294 : memref<8x128xi32, #tpu.memory_space<hbm>>) dst(%arg12 : memref<8x128xi32, #tpu.memory_space<vmem>>)
      %dma_start3A_295 = arith.constant 0 : i32
      %dma_start3A_296 = arith.constant 0 : i32
      %dma_start3A_297 = tpu.memref_slice %arg11[%dma_start3A_295, %dma_start3A_296] : memref<8x128xi32, #tpu.memory_space<vmem>> -> memref<1x128xi32, #tpu.memory_space<vmem>>
      %dma_start3A_298 = tpu.memref_squeeze %dma_start3A_297 : memref<1x128xi32, #tpu.memory_space<vmem>> -> memref<128xi32, #tpu.memory_space<vmem>>
      %dma_start3A_299 = arith.constant 0 : i32
      %dma_start3A_300 = arith.constant 0 : i32
      %dma_start3A_301 = tpu.memref_slice %arg2[%dma_start3A_299, %dma_start3A_300] : memref<10000x128xf32, #tpu.memory_space<hbm>> -> memref<10000x128xf32, #tpu.memory_space<hbm>>
      tpu.enqueue_indirect_dma source(%dma_start3A_301 : memref<10000x128xf32, #tpu.memory_space<hbm>>) target(%arg13 : memref<128x128xf32, #tpu.memory_space<vmem>>) offsets(%dma_start3A_298 : memref<128xi32, #tpu.memory_space<vmem>>) semaphore(%arg19 : memref<!tpu.dma_semaphore, #tpu.memory_space<semaphore_mem>>)
      %dma_wait3A_302 = arith.constant 7 : i32
      %dma_wait3A_303 = arith.constant 0 : i32
      %dma_wait3A_304 = tpu.memref_slice %arg9[%dma_wait3A_302, %dma_wait3A_303] : memref<8x128xi32, #tpu.memory_space<vmem>> -> memref<1x128xi32, #tpu.memory_space<vmem>>
      %dma_wait3A_305 = tpu.memref_squeeze %dma_wait3A_304 : memref<1x128xi32, #tpu.memory_space<vmem>> -> memref<128xi32, #tpu.memory_space<vmem>>
      %dma_wait3A_306 = arith.constant 0 : i32
      %dma_wait3A_307 = arith.constant 0 : i32
      %dma_wait3A_308 = tpu.memref_slice %arg2[%dma_wait3A_306, %dma_wait3A_307] : memref<10000x128xf32, #tpu.memory_space<hbm>> -> memref<10000x128xf32, #tpu.memory_space<hbm>>
      tpu.wait_indirect_dma semaphore(%arg20 : memref<!tpu.dma_semaphore, #tpu.memory_space<semaphore_mem>>) src(%dma_wait3A_308 : memref<10000x128xf32, #tpu.memory_space<hbm>>) dst(%arg14 : memref<128x128xf32, #tpu.memory_space<vmem>>)
      %dma_start3A_309 = arith.constant 7 : i32
      %dma_start3A_310 = arith.constant 0 : i32
      %dma_start3A_311 = tpu.memref_slice %arg10[%dma_start3A_309, %dma_start3A_310] : memref<8x128xi32, #tpu.memory_space<vmem>> -> memref<1x128xi32, #tpu.memory_space<vmem>>
      %dma_start3A_312 = tpu.memref_squeeze %dma_start3A_311 : memref<1x128xi32, #tpu.memory_space<vmem>> -> memref<128xi32, #tpu.memory_space<vmem>>
      %dma_start3A_313 = arith.constant 0 : i32
      %dma_start3A_314 = arith.constant 0 : i32
      %dma_start3A_315 = tpu.memref_slice %arg8[%dma_start3A_313, %dma_start3A_314] : memref<10112x128xf32, #tpu.memory_space<vmem_shared>> -> memref<10112x128xf32, #tpu.memory_space<vmem_shared>>
      tpu.enqueue_indirect_dma source(%arg14 : memref<128x128xf32, #tpu.memory_space<vmem>>) target(%dma_start3A_315 : memref<10112x128xf32, #tpu.memory_space<vmem_shared>>) offsets(%dma_start3A_312 : memref<128xi32, #tpu.memory_space<vmem>>) semaphore(%arg22 : memref<!tpu.dma_semaphore, #tpu.memory_space<semaphore_mem>>) {add = true}
      %convert_element_type3A_316 = arith.extui %lt3A_76 : i1 to i32
      %cond3A_317 = arith.constant 0 : i32
      %cond3A_318 = arith.cmpi ne, %convert_element_type3A_316, %cond3A_317 : i32
      scf.if %cond3A_318 {
        %add3A_544 = arith.constant 2 : i32
        %add3A_545 = arith.addi %mul3A_75, %add3A_544 : i32
        %mul3A_546 = arith.constant 80 : i32
        %mul3A_547 = arith.muli %add3A, %mul3A_546 : i32
        %mul3A_548 = arith.constant 8 : i32
        %mul3A_549 = arith.muli %add3A_545, %mul3A_548 : i32
        %add3A_550 = arith.addi %mul3A_547, %mul3A_549 : i32
        %dma_start3A_551 = arith.constant 0 : i32
        %dma_start3A_552 = tpu.memref_slice %arg3[%add3A_550, %dma_start3A_551] : memref<2560x128xi32, #tpu.memory_space<hbm>> -> memref<8x128xi32, #tpu.memory_space<hbm>>
        %dma_start3A_553 = arith.constant 0 : i32
        %dma_start3A_554 = tpu.memref_slice %arg3[%add3A_550, %dma_start3A_553] : memref<2560x128xi32, #tpu.memory_space<hbm>> -> memref<8x128xi32, #tpu.memory_space<hbm>>
        tpu.enqueue_dma source(%dma_start3A_554 : memref<8x128xi32, #tpu.memory_space<hbm>>) target(%arg9 : memref<8x128xi32, #tpu.memory_space<vmem>>) target_semaphore(%arg15 : memref<!tpu.dma_semaphore, #tpu.memory_space<semaphore_mem>>)
        %mul3A_555 = arith.constant 80 : i32
        %mul3A_556 = arith.muli %add3A, %mul3A_555 : i32
        %mul3A_557 = arith.constant 8 : i32
        %mul3A_558 = arith.muli %add3A_545, %mul3A_557 : i32
        %add3A_559 = arith.addi %mul3A_556, %mul3A_558 : i32
        %dma_start3A_560 = arith.constant 0 : i32
        %dma_start3A_561 = tpu.memref_slice %arg4[%add3A_559, %dma_start3A_560] : memref<2560x128xi32, #tpu.memory_space<hbm>> -> memref<8x128xi32, #tpu.memory_space<hbm>>
        %dma_start3A_562 = arith.constant 0 : i32
        %dma_start3A_563 = tpu.memref_slice %arg4[%add3A_559, %dma_start3A_562] : memref<2560x128xi32, #tpu.memory_space<hbm>> -> memref<8x128xi32, #tpu.memory_space<hbm>>
        tpu.enqueue_dma source(%dma_start3A_563 : memref<8x128xi32, #tpu.memory_space<hbm>>) target(%arg10 : memref<8x128xi32, #tpu.memory_space<vmem>>) target_semaphore(%arg16 : memref<!tpu.dma_semaphore, #tpu.memory_space<semaphore_mem>>)
      } else {
      }
      %add3A_319 = arith.constant 1 : i32
      %add3A_320 = arith.addi %mul3A_75, %add3A_319 : i32
      %dma_wait3A_321 = arith.constant 7 : i32
      %dma_wait3A_322 = arith.constant 0 : i32
      %dma_wait3A_323 = tpu.memref_slice %arg9[%dma_wait3A_321, %dma_wait3A_322] : memref<8x128xi32, #tpu.memory_space<vmem>> -> memref<1x128xi32, #tpu.memory_space<vmem>>
      %dma_wait3A_324 = tpu.memref_squeeze %dma_wait3A_323 : memref<1x128xi32, #tpu.memory_space<vmem>> -> memref<128xi32, #tpu.memory_space<vmem>>
      %dma_wait3A_325 = arith.constant 0 : i32
      %dma_wait3A_326 = arith.constant 0 : i32
      %dma_wait3A_327 = tpu.memref_slice %arg8[%dma_wait3A_325, %dma_wait3A_326] : memref<10112x128xf32, #tpu.memory_space<vmem_shared>> -> memref<10112x128xf32, #tpu.memory_space<vmem_shared>>
      tpu.wait_indirect_dma semaphore(%arg22 : memref<!tpu.dma_semaphore, #tpu.memory_space<semaphore_mem>>) src(%arg14 : memref<128x128xf32, #tpu.memory_space<vmem>>) dst(%dma_wait3A_327 : memref<10112x128xf32, #tpu.memory_space<vmem_shared>>)
      %dma_start3A_328 = arith.constant 1 : i32
      %dma_start3A_329 = arith.constant 0 : i32
      %dma_start3A_330 = tpu.memref_slice %arg11[%dma_start3A_328, %dma_start3A_329] : memref<8x128xi32, #tpu.memory_space<vmem>> -> memref<1x128xi32, #tpu.memory_space<vmem>>
      %dma_start3A_331 = tpu.memref_squeeze %dma_start3A_330 : memref<1x128xi32, #tpu.memory_space<vmem>> -> memref<128xi32, #tpu.memory_space<vmem>>
      %dma_start3A_332 = arith.constant 0 : i32
      %dma_start3A_333 = arith.constant 0 : i32
      %dma_start3A_334 = tpu.memref_slice %arg2[%dma_start3A_332, %dma_start3A_333] : memref<10000x128xf32, #tpu.memory_space<hbm>> -> memref<10000x128xf32, #tpu.memory_space<hbm>>
      tpu.enqueue_indirect_dma source(%dma_start3A_334 : memref<10000x128xf32, #tpu.memory_space<hbm>>) target(%arg14 : memref<128x128xf32, #tpu.memory_space<vmem>>) offsets(%dma_start3A_331 : memref<128xi32, #tpu.memory_space<vmem>>) semaphore(%arg20 : memref<!tpu.dma_semaphore, #tpu.memory_space<semaphore_mem>>)
      %dma_wait3A_335 = arith.constant 0 : i32
      %dma_wait3A_336 = arith.constant 0 : i32
      %dma_wait3A_337 = tpu.memref_slice %arg11[%dma_wait3A_335, %dma_wait3A_336] : memref<8x128xi32, #tpu.memory_space<vmem>> -> memref<1x128xi32, #tpu.memory_space<vmem>>
      %dma_wait3A_338 = tpu.memref_squeeze %dma_wait3A_337 : memref<1x128xi32, #tpu.memory_space<vmem>> -> memref<128xi32, #tpu.memory_space<vmem>>
      %dma_wait3A_339 = arith.constant 0 : i32
      %dma_wait3A_340 = arith.constant 0 : i32
      %dma_wait3A_341 = tpu.memref_slice %arg2[%dma_wait3A_339, %dma_wait3A_340] : memref<10000x128xf32, #tpu.memory_space<hbm>> -> memref<10000x128xf32, #tpu.memory_space<hbm>>
      tpu.wait_indirect_dma semaphore(%arg19 : memref<!tpu.dma_semaphore, #tpu.memory_space<semaphore_mem>>) src(%dma_wait3A_341 : memref<10000x128xf32, #tpu.memory_space<hbm>>) dst(%arg13 : memref<128x128xf32, #tpu.memory_space<vmem>>)
      %dma_start3A_342 = arith.constant 0 : i32
      %dma_start3A_343 = arith.constant 0 : i32
      %dma_start3A_344 = tpu.memref_slice %arg12[%dma_start3A_342, %dma_start3A_343] : memref<8x128xi32, #tpu.memory_space<vmem>> -> memref<1x128xi32, #tpu.memory_space<vmem>>
      %dma_start3A_345 = tpu.memref_squeeze %dma_start3A_344 : memref<1x128xi32, #tpu.memory_space<vmem>> -> memref<128xi32, #tpu.memory_space<vmem>>
      %dma_start3A_346 = arith.constant 0 : i32
      %dma_start3A_347 = arith.constant 0 : i32
      %dma_start3A_348 = tpu.memref_slice %arg8[%dma_start3A_346, %dma_start3A_347] : memref<10112x128xf32, #tpu.memory_space<vmem_shared>> -> memref<10112x128xf32, #tpu.memory_space<vmem_shared>>
      tpu.enqueue_indirect_dma source(%arg13 : memref<128x128xf32, #tpu.memory_space<vmem>>) target(%dma_start3A_348 : memref<10112x128xf32, #tpu.memory_space<vmem_shared>>) offsets(%dma_start3A_345 : memref<128xi32, #tpu.memory_space<vmem>>) semaphore(%arg21 : memref<!tpu.dma_semaphore, #tpu.memory_space<semaphore_mem>>) {add = true}
      %dma_wait3A_349 = arith.constant 0 : i32
      %dma_wait3A_350 = arith.constant 0 : i32
      %dma_wait3A_351 = tpu.memref_slice %arg12[%dma_wait3A_349, %dma_wait3A_350] : memref<8x128xi32, #tpu.memory_space<vmem>> -> memref<1x128xi32, #tpu.memory_space<vmem>>
      %dma_wait3A_352 = tpu.memref_squeeze %dma_wait3A_351 : memref<1x128xi32, #tpu.memory_space<vmem>> -> memref<128xi32, #tpu.memory_space<vmem>>
      %dma_wait3A_353 = arith.constant 0 : i32
      %dma_wait3A_354 = arith.constant 0 : i32
      %dma_wait3A_355 = tpu.memref_slice %arg8[%dma_wait3A_353, %dma_wait3A_354] : memref<10112x128xf32, #tpu.memory_space<vmem_shared>> -> memref<10112x128xf32, #tpu.memory_space<vmem_shared>>
      tpu.wait_indirect_dma semaphore(%arg21 : memref<!tpu.dma_semaphore, #tpu.memory_space<semaphore_mem>>) src(%arg13 : memref<128x128xf32, #tpu.memory_space<vmem>>) dst(%dma_wait3A_355 : memref<10112x128xf32, #tpu.memory_space<vmem_shared>>)
      %dma_start3A_356 = arith.constant 2 : i32
      %dma_start3A_357 = arith.constant 0 : i32
      %dma_start3A_358 = tpu.memref_slice %arg11[%dma_start3A_356, %dma_start3A_357] : memref<8x128xi32, #tpu.memory_space<vmem>> -> memref<1x128xi32, #tpu.memory_space<vmem>>
      %dma_start3A_359 = tpu.memref_squeeze %dma_start3A_358 : memref<1x128xi32, #tpu.memory_space<vmem>> -> memref<128xi32, #tpu.memory_space<vmem>>
      %dma_start3A_360 = arith.constant 0 : i32
      %dma_start3A_361 = arith.constant 0 : i32
      %dma_start3A_362 = tpu.memref_slice %arg2[%dma_start3A_360, %dma_start3A_361] : memref<10000x128xf32, #tpu.memory_space<hbm>> -> memref<10000x128xf32, #tpu.memory_space<hbm>>
      tpu.enqueue_indirect_dma source(%dma_start3A_362 : memref<10000x128xf32, #tpu.memory_space<hbm>>) target(%arg13 : memref<128x128xf32, #tpu.memory_space<vmem>>) offsets(%dma_start3A_359 : memref<128xi32, #tpu.memory_space<vmem>>) semaphore(%arg19 : memref<!tpu.dma_semaphore, #tpu.memory_space<semaphore_mem>>)
      %dma_wait3A_363 = arith.constant 1 : i32
      %dma_wait3A_364 = arith.constant 0 : i32
      %dma_wait3A_365 = tpu.memref_slice %arg11[%dma_wait3A_363, %dma_wait3A_364] : memref<8x128xi32, #tpu.memory_space<vmem>> -> memref<1x128xi32, #tpu.memory_space<vmem>>
      %dma_wait3A_366 = tpu.memref_squeeze %dma_wait3A_365 : memref<1x128xi32, #tpu.memory_space<vmem>> -> memref<128xi32, #tpu.memory_space<vmem>>
      %dma_wait3A_367 = arith.constant 0 : i32
      %dma_wait3A_368 = arith.constant 0 : i32
      %dma_wait3A_369 = tpu.memref_slice %arg2[%dma_wait3A_367, %dma_wait3A_368] : memref<10000x128xf32, #tpu.memory_space<hbm>> -> memref<10000x128xf32, #tpu.memory_space<hbm>>
      tpu.wait_indirect_dma semaphore(%arg20 : memref<!tpu.dma_semaphore, #tpu.memory_space<semaphore_mem>>) src(%dma_wait3A_369 : memref<10000x128xf32, #tpu.memory_space<hbm>>) dst(%arg14 : memref<128x128xf32, #tpu.memory_space<vmem>>)
      %dma_start3A_370 = arith.constant 1 : i32
      %dma_start3A_371 = arith.constant 0 : i32
      %dma_start3A_372 = tpu.memref_slice %arg12[%dma_start3A_370, %dma_start3A_371] : memref<8x128xi32, #tpu.memory_space<vmem>> -> memref<1x128xi32, #tpu.memory_space<vmem>>
      %dma_start3A_373 = tpu.memref_squeeze %dma_start3A_372 : memref<1x128xi32, #tpu.memory_space<vmem>> -> memref<128xi32, #tpu.memory_space<vmem>>
      %dma_start3A_374 = arith.constant 0 : i32
      %dma_start3A_375 = arith.constant 0 : i32
      %dma_start3A_376 = tpu.memref_slice %arg8[%dma_start3A_374, %dma_start3A_375] : memref<10112x128xf32, #tpu.memory_space<vmem_shared>> -> memref<10112x128xf32, #tpu.memory_space<vmem_shared>>
      tpu.enqueue_indirect_dma source(%arg14 : memref<128x128xf32, #tpu.memory_space<vmem>>) target(%dma_start3A_376 : memref<10112x128xf32, #tpu.memory_space<vmem_shared>>) offsets(%dma_start3A_373 : memref<128xi32, #tpu.memory_space<vmem>>) semaphore(%arg22 : memref<!tpu.dma_semaphore, #tpu.memory_space<semaphore_mem>>) {add = true}
      %dma_wait3A_377 = arith.constant 1 : i32
      %dma_wait3A_378 = arith.constant 0 : i32
      %dma_wait3A_379 = tpu.memref_slice %arg12[%dma_wait3A_377, %dma_wait3A_378] : memref<8x128xi32, #tpu.memory_space<vmem>> -> memref<1x128xi32, #tpu.memory_space<vmem>>
      %dma_wait3A_380 = tpu.memref_squeeze %dma_wait3A_379 : memref<1x128xi32, #tpu.memory_space<vmem>> -> memref<128xi32, #tpu.memory_space<vmem>>
      %dma_wait3A_381 = arith.constant 0 : i32
      %dma_wait3A_382 = arith.constant 0 : i32
      %dma_wait3A_383 = tpu.memref_slice %arg8[%dma_wait3A_381, %dma_wait3A_382] : memref<10112x128xf32, #tpu.memory_space<vmem_shared>> -> memref<10112x128xf32, #tpu.memory_space<vmem_shared>>
      tpu.wait_indirect_dma semaphore(%arg22 : memref<!tpu.dma_semaphore, #tpu.memory_space<semaphore_mem>>) src(%arg14 : memref<128x128xf32, #tpu.memory_space<vmem>>) dst(%dma_wait3A_383 : memref<10112x128xf32, #tpu.memory_space<vmem_shared>>)
      %dma_start3A_384 = arith.constant 3 : i32
      %dma_start3A_385 = arith.constant 0 : i32
      %dma_start3A_386 = tpu.memref_slice %arg11[%dma_start3A_384, %dma_start3A_385] : memref<8x128xi32, #tpu.memory_space<vmem>> -> memref<1x128xi32, #tpu.memory_space<vmem>>
      %dma_start3A_387 = tpu.memref_squeeze %dma_start3A_386 : memref<1x128xi32, #tpu.memory_space<vmem>> -> memref<128xi32, #tpu.memory_space<vmem>>
      %dma_start3A_388 = arith.constant 0 : i32
      %dma_start3A_389 = arith.constant 0 : i32
      %dma_start3A_390 = tpu.memref_slice %arg2[%dma_start3A_388, %dma_start3A_389] : memref<10000x128xf32, #tpu.memory_space<hbm>> -> memref<10000x128xf32, #tpu.memory_space<hbm>>
      tpu.enqueue_indirect_dma source(%dma_start3A_390 : memref<10000x128xf32, #tpu.memory_space<hbm>>) target(%arg14 : memref<128x128xf32, #tpu.memory_space<vmem>>) offsets(%dma_start3A_387 : memref<128xi32, #tpu.memory_space<vmem>>) semaphore(%arg20 : memref<!tpu.dma_semaphore, #tpu.memory_space<semaphore_mem>>)
      %dma_wait3A_391 = arith.constant 2 : i32
      %dma_wait3A_392 = arith.constant 0 : i32
      %dma_wait3A_393 = tpu.memref_slice %arg11[%dma_wait3A_391, %dma_wait3A_392] : memref<8x128xi32, #tpu.memory_space<vmem>> -> memref<1x128xi32, #tpu.memory_space<vmem>>
      %dma_wait3A_394 = tpu.memref_squeeze %dma_wait3A_393 : memref<1x128xi32, #tpu.memory_space<vmem>> -> memref<128xi32, #tpu.memory_space<vmem>>
      %dma_wait3A_395 = arith.constant 0 : i32
      %dma_wait3A_396 = arith.constant 0 : i32
      %dma_wait3A_397 = tpu.memref_slice %arg2[%dma_wait3A_395, %dma_wait3A_396] : memref<10000x128xf32, #tpu.memory_space<hbm>> -> memref<10000x128xf32, #tpu.memory_space<hbm>>
      tpu.wait_indirect_dma semaphore(%arg19 : memref<!tpu.dma_semaphore, #tpu.memory_space<semaphore_mem>>) src(%dma_wait3A_397 : memref<10000x128xf32, #tpu.memory_space<hbm>>) dst(%arg13 : memref<128x128xf32, #tpu.memory_space<vmem>>)
      %dma_start3A_398 = arith.constant 2 : i32
      %dma_start3A_399 = arith.constant 0 : i32
      %dma_start3A_400 = tpu.memref_slice %arg12[%dma_start3A_398, %dma_start3A_399] : memref<8x128xi32, #tpu.memory_space<vmem>> -> memref<1x128xi32, #tpu.memory_space<vmem>>
      %dma_start3A_401 = tpu.memref_squeeze %dma_start3A_400 : memref<1x128xi32, #tpu.memory_space<vmem>> -> memref<128xi32, #tpu.memory_space<vmem>>
      %dma_start3A_402 = arith.constant 0 : i32
      %dma_start3A_403 = arith.constant 0 : i32
      %dma_start3A_404 = tpu.memref_slice %arg8[%dma_start3A_402, %dma_start3A_403] : memref<10112x128xf32, #tpu.memory_space<vmem_shared>> -> memref<10112x128xf32, #tpu.memory_space<vmem_shared>>
      tpu.enqueue_indirect_dma source(%arg13 : memref<128x128xf32, #tpu.memory_space<vmem>>) target(%dma_start3A_404 : memref<10112x128xf32, #tpu.memory_space<vmem_shared>>) offsets(%dma_start3A_401 : memref<128xi32, #tpu.memory_space<vmem>>) semaphore(%arg21 : memref<!tpu.dma_semaphore, #tpu.memory_space<semaphore_mem>>) {add = true}
      %dma_wait3A_405 = arith.constant 2 : i32
      %dma_wait3A_406 = arith.constant 0 : i32
      %dma_wait3A_407 = tpu.memref_slice %arg12[%dma_wait3A_405, %dma_wait3A_406] : memref<8x128xi32, #tpu.memory_space<vmem>> -> memref<1x128xi32, #tpu.memory_space<vmem>>
      %dma_wait3A_408 = tpu.memref_squeeze %dma_wait3A_407 : memref<1x128xi32, #tpu.memory_space<vmem>> -> memref<128xi32, #tpu.memory_space<vmem>>
      %dma_wait3A_409 = arith.constant 0 : i32
      %dma_wait3A_410 = arith.constant 0 : i32
      %dma_wait3A_411 = tpu.memref_slice %arg8[%dma_wait3A_409, %dma_wait3A_410] : memref<10112x128xf32, #tpu.memory_space<vmem_shared>> -> memref<10112x128xf32, #tpu.memory_space<vmem_shared>>
      tpu.wait_indirect_dma semaphore(%arg21 : memref<!tpu.dma_semaphore, #tpu.memory_space<semaphore_mem>>) src(%arg13 : memref<128x128xf32, #tpu.memory_space<vmem>>) dst(%dma_wait3A_411 : memref<10112x128xf32, #tpu.memory_space<vmem_shared>>)
      %dma_start3A_412 = arith.constant 4 : i32
      %dma_start3A_413 = arith.constant 0 : i32
      %dma_start3A_414 = tpu.memref_slice %arg11[%dma_start3A_412, %dma_start3A_413] : memref<8x128xi32, #tpu.memory_space<vmem>> -> memref<1x128xi32, #tpu.memory_space<vmem>>
      %dma_start3A_415 = tpu.memref_squeeze %dma_start3A_414 : memref<1x128xi32, #tpu.memory_space<vmem>> -> memref<128xi32, #tpu.memory_space<vmem>>
      %dma_start3A_416 = arith.constant 0 : i32
      %dma_start3A_417 = arith.constant 0 : i32
      %dma_start3A_418 = tpu.memref_slice %arg2[%dma_start3A_416, %dma_start3A_417] : memref<10000x128xf32, #tpu.memory_space<hbm>> -> memref<10000x128xf32, #tpu.memory_space<hbm>>
      tpu.enqueue_indirect_dma source(%dma_start3A_418 : memref<10000x128xf32, #tpu.memory_space<hbm>>) target(%arg13 : memref<128x128xf32, #tpu.memory_space<vmem>>) offsets(%dma_start3A_415 : memref<128xi32, #tpu.memory_space<vmem>>) semaphore(%arg19 : memref<!tpu.dma_semaphore, #tpu.memory_space<semaphore_mem>>)
      %dma_wait3A_419 = arith.constant 3 : i32
      %dma_wait3A_420 = arith.constant 0 : i32
      %dma_wait3A_421 = tpu.memref_slice %arg11[%dma_wait3A_419, %dma_wait3A_420] : memref<8x128xi32, #tpu.memory_space<vmem>> -> memref<1x128xi32, #tpu.memory_space<vmem>>
      %dma_wait3A_422 = tpu.memref_squeeze %dma_wait3A_421 : memref<1x128xi32, #tpu.memory_space<vmem>> -> memref<128xi32, #tpu.memory_space<vmem>>
      %dma_wait3A_423 = arith.constant 0 : i32
      %dma_wait3A_424 = arith.constant 0 : i32
      %dma_wait3A_425 = tpu.memref_slice %arg2[%dma_wait3A_423, %dma_wait3A_424] : memref<10000x128xf32, #tpu.memory_space<hbm>> -> memref<10000x128xf32, #tpu.memory_space<hbm>>
      tpu.wait_indirect_dma semaphore(%arg20 : memref<!tpu.dma_semaphore, #tpu.memory_space<semaphore_mem>>) src(%dma_wait3A_425 : memref<10000x128xf32, #tpu.memory_space<hbm>>) dst(%arg14 : memref<128x128xf32, #tpu.memory_space<vmem>>)
      %dma_start3A_426 = arith.constant 3 : i32
      %dma_start3A_427 = arith.constant 0 : i32
      %dma_start3A_428 = tpu.memref_slice %arg12[%dma_start3A_426, %dma_start3A_427] : memref<8x128xi32, #tpu.memory_space<vmem>> -> memref<1x128xi32, #tpu.memory_space<vmem>>
      %dma_start3A_429 = tpu.memref_squeeze %dma_start3A_428 : memref<1x128xi32, #tpu.memory_space<vmem>> -> memref<128xi32, #tpu.memory_space<vmem>>
      %dma_start3A_430 = arith.constant 0 : i32
      %dma_start3A_431 = arith.constant 0 : i32
      %dma_start3A_432 = tpu.memref_slice %arg8[%dma_start3A_430, %dma_start3A_431] : memref<10112x128xf32, #tpu.memory_space<vmem_shared>> -> memref<10112x128xf32, #tpu.memory_space<vmem_shared>>
      tpu.enqueue_indirect_dma source(%arg14 : memref<128x128xf32, #tpu.memory_space<vmem>>) target(%dma_start3A_432 : memref<10112x128xf32, #tpu.memory_space<vmem_shared>>) offsets(%dma_start3A_429 : memref<128xi32, #tpu.memory_space<vmem>>) semaphore(%arg22 : memref<!tpu.dma_semaphore, #tpu.memory_space<semaphore_mem>>) {add = true}
      %dma_wait3A_433 = arith.constant 3 : i32
      %dma_wait3A_434 = arith.constant 0 : i32
      %dma_wait3A_435 = tpu.memref_slice %arg12[%dma_wait3A_433, %dma_wait3A_434] : memref<8x128xi32, #tpu.memory_space<vmem>> -> memref<1x128xi32, #tpu.memory_space<vmem>>
      %dma_wait3A_436 = tpu.memref_squeeze %dma_wait3A_435 : memref<1x128xi32, #tpu.memory_space<vmem>> -> memref<128xi32, #tpu.memory_space<vmem>>
      %dma_wait3A_437 = arith.constant 0 : i32
      %dma_wait3A_438 = arith.constant 0 : i32
      %dma_wait3A_439 = tpu.memref_slice %arg8[%dma_wait3A_437, %dma_wait3A_438] : memref<10112x128xf32, #tpu.memory_space<vmem_shared>> -> memref<10112x128xf32, #tpu.memory_space<vmem_shared>>
      tpu.wait_indirect_dma semaphore(%arg22 : memref<!tpu.dma_semaphore, #tpu.memory_space<semaphore_mem>>) src(%arg14 : memref<128x128xf32, #tpu.memory_space<vmem>>) dst(%dma_wait3A_439 : memref<10112x128xf32, #tpu.memory_space<vmem_shared>>)
      %dma_start3A_440 = arith.constant 5 : i32
      %dma_start3A_441 = arith.constant 0 : i32
      %dma_start3A_442 = tpu.memref_slice %arg11[%dma_start3A_440, %dma_start3A_441] : memref<8x128xi32, #tpu.memory_space<vmem>> -> memref<1x128xi32, #tpu.memory_space<vmem>>
      %dma_start3A_443 = tpu.memref_squeeze %dma_start3A_442 : memref<1x128xi32, #tpu.memory_space<vmem>> -> memref<128xi32, #tpu.memory_space<vmem>>
      %dma_start3A_444 = arith.constant 0 : i32
      %dma_start3A_445 = arith.constant 0 : i32
      %dma_start3A_446 = tpu.memref_slice %arg2[%dma_start3A_444, %dma_start3A_445] : memref<10000x128xf32, #tpu.memory_space<hbm>> -> memref<10000x128xf32, #tpu.memory_space<hbm>>
      tpu.enqueue_indirect_dma source(%dma_start3A_446 : memref<10000x128xf32, #tpu.memory_space<hbm>>) target(%arg14 : memref<128x128xf32, #tpu.memory_space<vmem>>) offsets(%dma_start3A_443 : memref<128xi32, #tpu.memory_space<vmem>>) semaphore(%arg20 : memref<!tpu.dma_semaphore, #tpu.memory_space<semaphore_mem>>)
      %dma_wait3A_447 = arith.constant 4 : i32
      %dma_wait3A_448 = arith.constant 0 : i32
      %dma_wait3A_449 = tpu.memref_slice %arg11[%dma_wait3A_447, %dma_wait3A_448] : memref<8x128xi32, #tpu.memory_space<vmem>> -> memref<1x128xi32, #tpu.memory_space<vmem>>
      %dma_wait3A_450 = tpu.memref_squeeze %dma_wait3A_449 : memref<1x128xi32, #tpu.memory_space<vmem>> -> memref<128xi32, #tpu.memory_space<vmem>>
      %dma_wait3A_451 = arith.constant 0 : i32
      %dma_wait3A_452 = arith.constant 0 : i32
      %dma_wait3A_453 = tpu.memref_slice %arg2[%dma_wait3A_451, %dma_wait3A_452] : memref<10000x128xf32, #tpu.memory_space<hbm>> -> memref<10000x128xf32, #tpu.memory_space<hbm>>
      tpu.wait_indirect_dma semaphore(%arg19 : memref<!tpu.dma_semaphore, #tpu.memory_space<semaphore_mem>>) src(%dma_wait3A_453 : memref<10000x128xf32, #tpu.memory_space<hbm>>) dst(%arg13 : memref<128x128xf32, #tpu.memory_space<vmem>>)
      %dma_start3A_454 = arith.constant 4 : i32
      %dma_start3A_455 = arith.constant 0 : i32
      %dma_start3A_456 = tpu.memref_slice %arg12[%dma_start3A_454, %dma_start3A_455] : memref<8x128xi32, #tpu.memory_space<vmem>> -> memref<1x128xi32, #tpu.memory_space<vmem>>
      %dma_start3A_457 = tpu.memref_squeeze %dma_start3A_456 : memref<1x128xi32, #tpu.memory_space<vmem>> -> memref<128xi32, #tpu.memory_space<vmem>>
      %dma_start3A_458 = arith.constant 0 : i32
      %dma_start3A_459 = arith.constant 0 : i32
      %dma_start3A_460 = tpu.memref_slice %arg8[%dma_start3A_458, %dma_start3A_459] : memref<10112x128xf32, #tpu.memory_space<vmem_shared>> -> memref<10112x128xf32, #tpu.memory_space<vmem_shared>>
      tpu.enqueue_indirect_dma source(%arg13 : memref<128x128xf32, #tpu.memory_space<vmem>>) target(%dma_start3A_460 : memref<10112x128xf32, #tpu.memory_space<vmem_shared>>) offsets(%dma_start3A_457 : memref<128xi32, #tpu.memory_space<vmem>>) semaphore(%arg21 : memref<!tpu.dma_semaphore, #tpu.memory_space<semaphore_mem>>) {add = true}
      %dma_wait3A_461 = arith.constant 4 : i32
      %dma_wait3A_462 = arith.constant 0 : i32
      %dma_wait3A_463 = tpu.memref_slice %arg12[%dma_wait3A_461, %dma_wait3A_462] : memref<8x128xi32, #tpu.memory_space<vmem>> -> memref<1x128xi32, #tpu.memory_space<vmem>>
      %dma_wait3A_464 = tpu.memref_squeeze %dma_wait3A_463 : memref<1x128xi32, #tpu.memory_space<vmem>> -> memref<128xi32, #tpu.memory_space<vmem>>
      %dma_wait3A_465 = arith.constant 0 : i32
      %dma_wait3A_466 = arith.constant 0 : i32
      %dma_wait3A_467 = tpu.memref_slice %arg8[%dma_wait3A_465, %dma_wait3A_466] : memref<10112x128xf32, #tpu.memory_space<vmem_shared>> -> memref<10112x128xf32, #tpu.memory_space<vmem_shared>>
      tpu.wait_indirect_dma semaphore(%arg21 : memref<!tpu.dma_semaphore, #tpu.memory_space<semaphore_mem>>) src(%arg13 : memref<128x128xf32, #tpu.memory_space<vmem>>) dst(%dma_wait3A_467 : memref<10112x128xf32, #tpu.memory_space<vmem_shared>>)
      %dma_start3A_468 = arith.constant 6 : i32
      %dma_start3A_469 = arith.constant 0 : i32
      %dma_start3A_470 = tpu.memref_slice %arg11[%dma_start3A_468, %dma_start3A_469] : memref<8x128xi32, #tpu.memory_space<vmem>> -> memref<1x128xi32, #tpu.memory_space<vmem>>
      %dma_start3A_471 = tpu.memref_squeeze %dma_start3A_470 : memref<1x128xi32, #tpu.memory_space<vmem>> -> memref<128xi32, #tpu.memory_space<vmem>>
      %dma_start3A_472 = arith.constant 0 : i32
      %dma_start3A_473 = arith.constant 0 : i32
      %dma_start3A_474 = tpu.memref_slice %arg2[%dma_start3A_472, %dma_start3A_473] : memref<10000x128xf32, #tpu.memory_space<hbm>> -> memref<10000x128xf32, #tpu.memory_space<hbm>>
      tpu.enqueue_indirect_dma source(%dma_start3A_474 : memref<10000x128xf32, #tpu.memory_space<hbm>>) target(%arg13 : memref<128x128xf32, #tpu.memory_space<vmem>>) offsets(%dma_start3A_471 : memref<128xi32, #tpu.memory_space<vmem>>) semaphore(%arg19 : memref<!tpu.dma_semaphore, #tpu.memory_space<semaphore_mem>>)
      %dma_wait3A_475 = arith.constant 5 : i32
      %dma_wait3A_476 = arith.constant 0 : i32
      %dma_wait3A_477 = tpu.memref_slice %arg11[%dma_wait3A_475, %dma_wait3A_476] : memref<8x128xi32, #tpu.memory_space<vmem>> -> memref<1x128xi32, #tpu.memory_space<vmem>>
      %dma_wait3A_478 = tpu.memref_squeeze %dma_wait3A_477 : memref<1x128xi32, #tpu.memory_space<vmem>> -> memref<128xi32, #tpu.memory_space<vmem>>
      %dma_wait3A_479 = arith.constant 0 : i32
      %dma_wait3A_480 = arith.constant 0 : i32
      %dma_wait3A_481 = tpu.memref_slice %arg2[%dma_wait3A_479, %dma_wait3A_480] : memref<10000x128xf32, #tpu.memory_space<hbm>> -> memref<10000x128xf32, #tpu.memory_space<hbm>>
      tpu.wait_indirect_dma semaphore(%arg20 : memref<!tpu.dma_semaphore, #tpu.memory_space<semaphore_mem>>) src(%dma_wait3A_481 : memref<10000x128xf32, #tpu.memory_space<hbm>>) dst(%arg14 : memref<128x128xf32, #tpu.memory_space<vmem>>)
      %dma_start3A_482 = arith.constant 5 : i32
      %dma_start3A_483 = arith.constant 0 : i32
      %dma_start3A_484 = tpu.memref_slice %arg12[%dma_start3A_482, %dma_start3A_483] : memref<8x128xi32, #tpu.memory_space<vmem>> -> memref<1x128xi32, #tpu.memory_space<vmem>>
      %dma_start3A_485 = tpu.memref_squeeze %dma_start3A_484 : memref<1x128xi32, #tpu.memory_space<vmem>> -> memref<128xi32, #tpu.memory_space<vmem>>
      %dma_start3A_486 = arith.constant 0 : i32
      %dma_start3A_487 = arith.constant 0 : i32
      %dma_start3A_488 = tpu.memref_slice %arg8[%dma_start3A_486, %dma_start3A_487] : memref<10112x128xf32, #tpu.memory_space<vmem_shared>> -> memref<10112x128xf32, #tpu.memory_space<vmem_shared>>
      tpu.enqueue_indirect_dma source(%arg14 : memref<128x128xf32, #tpu.memory_space<vmem>>) target(%dma_start3A_488 : memref<10112x128xf32, #tpu.memory_space<vmem_shared>>) offsets(%dma_start3A_485 : memref<128xi32, #tpu.memory_space<vmem>>) semaphore(%arg22 : memref<!tpu.dma_semaphore, #tpu.memory_space<semaphore_mem>>) {add = true}
      %dma_wait3A_489 = arith.constant 5 : i32
      %dma_wait3A_490 = arith.constant 0 : i32
      %dma_wait3A_491 = tpu.memref_slice %arg12[%dma_wait3A_489, %dma_wait3A_490] : memref<8x128xi32, #tpu.memory_space<vmem>> -> memref<1x128xi32, #tpu.memory_space<vmem>>
      %dma_wait3A_492 = tpu.memref_squeeze %dma_wait3A_491 : memref<1x128xi32, #tpu.memory_space<vmem>> -> memref<128xi32, #tpu.memory_space<vmem>>
      %dma_wait3A_493 = arith.constant 0 : i32
      %dma_wait3A_494 = arith.constant 0 : i32
      %dma_wait3A_495 = tpu.memref_slice %arg8[%dma_wait3A_493, %dma_wait3A_494] : memref<10112x128xf32, #tpu.memory_space<vmem_shared>> -> memref<10112x128xf32, #tpu.memory_space<vmem_shared>>
      tpu.wait_indirect_dma semaphore(%arg22 : memref<!tpu.dma_semaphore, #tpu.memory_space<semaphore_mem>>) src(%arg14 : memref<128x128xf32, #tpu.memory_space<vmem>>) dst(%dma_wait3A_495 : memref<10112x128xf32, #tpu.memory_space<vmem_shared>>)
      %dma_start3A_496 = arith.constant 7 : i32
      %dma_start3A_497 = arith.constant 0 : i32
      %dma_start3A_498 = tpu.memref_slice %arg11[%dma_start3A_496, %dma_start3A_497] : memref<8x128xi32, #tpu.memory_space<vmem>> -> memref<1x128xi32, #tpu.memory_space<vmem>>
      %dma_start3A_499 = tpu.memref_squeeze %dma_start3A_498 : memref<1x128xi32, #tpu.memory_space<vmem>> -> memref<128xi32, #tpu.memory_space<vmem>>
      %dma_start3A_500 = arith.constant 0 : i32
      %dma_start3A_501 = arith.constant 0 : i32
      %dma_start3A_502 = tpu.memref_slice %arg2[%dma_start3A_500, %dma_start3A_501] : memref<10000x128xf32, #tpu.memory_space<hbm>> -> memref<10000x128xf32, #tpu.memory_space<hbm>>
      tpu.enqueue_indirect_dma source(%dma_start3A_502 : memref<10000x128xf32, #tpu.memory_space<hbm>>) target(%arg14 : memref<128x128xf32, #tpu.memory_space<vmem>>) offsets(%dma_start3A_499 : memref<128xi32, #tpu.memory_space<vmem>>) semaphore(%arg20 : memref<!tpu.dma_semaphore, #tpu.memory_space<semaphore_mem>>)
      %dma_wait3A_503 = arith.constant 6 : i32
      %dma_wait3A_504 = arith.constant 0 : i32
      %dma_wait3A_505 = tpu.memref_slice %arg11[%dma_wait3A_503, %dma_wait3A_504] : memref<8x128xi32, #tpu.memory_space<vmem>> -> memref<1x128xi32, #tpu.memory_space<vmem>>
      %dma_wait3A_506 = tpu.memref_squeeze %dma_wait3A_505 : memref<1x128xi32, #tpu.memory_space<vmem>> -> memref<128xi32, #tpu.memory_space<vmem>>
      %dma_wait3A_507 = arith.constant 0 : i32
      %dma_wait3A_508 = arith.constant 0 : i32
      %dma_wait3A_509 = tpu.memref_slice %arg2[%dma_wait3A_507, %dma_wait3A_508] : memref<10000x128xf32, #tpu.memory_space<hbm>> -> memref<10000x128xf32, #tpu.memory_space<hbm>>
      tpu.wait_indirect_dma semaphore(%arg19 : memref<!tpu.dma_semaphore, #tpu.memory_space<semaphore_mem>>) src(%dma_wait3A_509 : memref<10000x128xf32, #tpu.memory_space<hbm>>) dst(%arg13 : memref<128x128xf32, #tpu.memory_space<vmem>>)
      %dma_start3A_510 = arith.constant 6 : i32
      %dma_start3A_511 = arith.constant 0 : i32
      %dma_start3A_512 = tpu.memref_slice %arg12[%dma_start3A_510, %dma_start3A_511] : memref<8x128xi32, #tpu.memory_space<vmem>> -> memref<1x128xi32, #tpu.memory_space<vmem>>
      %dma_start3A_513 = tpu.memref_squeeze %dma_start3A_512 : memref<1x128xi32, #tpu.memory_space<vmem>> -> memref<128xi32, #tpu.memory_space<vmem>>
      %dma_start3A_514 = arith.constant 0 : i32
      %dma_start3A_515 = arith.constant 0 : i32
      %dma_start3A_516 = tpu.memref_slice %arg8[%dma_start3A_514, %dma_start3A_515] : memref<10112x128xf32, #tpu.memory_space<vmem_shared>> -> memref<10112x128xf32, #tpu.memory_space<vmem_shared>>
      tpu.enqueue_indirect_dma source(%arg13 : memref<128x128xf32, #tpu.memory_space<vmem>>) target(%dma_start3A_516 : memref<10112x128xf32, #tpu.memory_space<vmem_shared>>) offsets(%dma_start3A_513 : memref<128xi32, #tpu.memory_space<vmem>>) semaphore(%arg21 : memref<!tpu.dma_semaphore, #tpu.memory_space<semaphore_mem>>) {add = true}
      %dma_wait3A_517 = arith.constant 6 : i32
      %dma_wait3A_518 = arith.constant 0 : i32
      %dma_wait3A_519 = tpu.memref_slice %arg12[%dma_wait3A_517, %dma_wait3A_518] : memref<8x128xi32, #tpu.memory_space<vmem>> -> memref<1x128xi32, #tpu.memory_space<vmem>>
      %dma_wait3A_520 = tpu.memref_squeeze %dma_wait3A_519 : memref<1x128xi32, #tpu.memory_space<vmem>> -> memref<128xi32, #tpu.memory_space<vmem>>
      %dma_wait3A_521 = arith.constant 0 : i32
      %dma_wait3A_522 = arith.constant 0 : i32
      %dma_wait3A_523 = tpu.memref_slice %arg8[%dma_wait3A_521, %dma_wait3A_522] : memref<10112x128xf32, #tpu.memory_space<vmem_shared>> -> memref<10112x128xf32, #tpu.memory_space<vmem_shared>>
      tpu.wait_indirect_dma semaphore(%arg21 : memref<!tpu.dma_semaphore, #tpu.memory_space<semaphore_mem>>) src(%arg13 : memref<128x128xf32, #tpu.memory_space<vmem>>) dst(%dma_wait3A_523 : memref<10112x128xf32, #tpu.memory_space<vmem_shared>>)
      %convert_element_type3A_524 = arith.extui %lt3A_76 : i1 to i32
      %cond3A_525 = arith.constant 0 : i32
      %cond3A_526 = arith.cmpi ne, %convert_element_type3A_524, %cond3A_525 : i32
      scf.if %cond3A_526 {
        %add3A_544 = arith.constant 2 : i32
        %add3A_545 = arith.addi %mul3A_75, %add3A_544 : i32
        %mul3A_546 = arith.constant 80 : i32
        %mul3A_547 = arith.muli %add3A, %mul3A_546 : i32
        %mul3A_548 = arith.constant 8 : i32
        %mul3A_549 = arith.muli %add3A_545, %mul3A_548 : i32
        %add3A_550 = arith.addi %mul3A_547, %mul3A_549 : i32
        %dma_wait3A_551 = arith.constant 0 : i32
        %dma_wait3A_552 = tpu.memref_slice %arg3[%add3A_550, %dma_wait3A_551] : memref<2560x128xi32, #tpu.memory_space<hbm>> -> memref<8x128xi32, #tpu.memory_space<hbm>>
        %dma_wait3A_553 = arith.constant 0 : i32
        %dma_wait3A_554 = tpu.memref_slice %arg3[%add3A_550, %dma_wait3A_553] : memref<2560x128xi32, #tpu.memory_space<hbm>> -> memref<8x128xi32, #tpu.memory_space<hbm>>
        tpu.wait_dma2 semaphore(%arg15 : memref<!tpu.dma_semaphore, #tpu.memory_space<semaphore_mem>>) src(%dma_wait3A_554 : memref<8x128xi32, #tpu.memory_space<hbm>>) dst(%arg9 : memref<8x128xi32, #tpu.memory_space<vmem>>)
        %mul3A_555 = arith.constant 80 : i32
        %mul3A_556 = arith.muli %add3A, %mul3A_555 : i32
        %mul3A_557 = arith.constant 8 : i32
        %mul3A_558 = arith.muli %add3A_545, %mul3A_557 : i32
        %add3A_559 = arith.addi %mul3A_556, %mul3A_558 : i32
        %dma_wait3A_560 = arith.constant 0 : i32
        %dma_wait3A_561 = tpu.memref_slice %arg4[%add3A_559, %dma_wait3A_560] : memref<2560x128xi32, #tpu.memory_space<hbm>> -> memref<8x128xi32, #tpu.memory_space<hbm>>
        %dma_wait3A_562 = arith.constant 0 : i32
        %dma_wait3A_563 = tpu.memref_slice %arg4[%add3A_559, %dma_wait3A_562] : memref<2560x128xi32, #tpu.memory_space<hbm>> -> memref<8x128xi32, #tpu.memory_space<hbm>>
        tpu.wait_dma2 semaphore(%arg16 : memref<!tpu.dma_semaphore, #tpu.memory_space<semaphore_mem>>) src(%dma_wait3A_563 : memref<8x128xi32, #tpu.memory_space<hbm>>) dst(%arg10 : memref<8x128xi32, #tpu.memory_space<vmem>>)
        %dma_start3A_564 = arith.constant 0 : i32
        %dma_start3A_565 = arith.constant 0 : i32
        %dma_start3A_566 = tpu.memref_slice %arg9[%dma_start3A_564, %dma_start3A_565] : memref<8x128xi32, #tpu.memory_space<vmem>> -> memref<1x128xi32, #tpu.memory_space<vmem>>
        %dma_start3A_567 = tpu.memref_squeeze %dma_start3A_566 : memref<1x128xi32, #tpu.memory_space<vmem>> -> memref<128xi32, #tpu.memory_space<vmem>>
        %dma_start3A_568 = arith.constant 0 : i32
        %dma_start3A_569 = arith.constant 0 : i32
        %dma_start3A_570 = tpu.memref_slice %arg2[%dma_start3A_568, %dma_start3A_569] : memref<10000x128xf32, #tpu.memory_space<hbm>> -> memref<10000x128xf32, #tpu.memory_space<hbm>>
        tpu.enqueue_indirect_dma source(%dma_start3A_570 : memref<10000x128xf32, #tpu.memory_space<hbm>>) target(%arg13 : memref<128x128xf32, #tpu.memory_space<vmem>>) offsets(%dma_start3A_567 : memref<128xi32, #tpu.memory_space<vmem>>) semaphore(%arg19 : memref<!tpu.dma_semaphore, #tpu.memory_space<semaphore_mem>>)
      } else {
      }
      %dma_wait3A_527 = arith.constant 7 : i32
      %dma_wait3A_528 = arith.constant 0 : i32
      %dma_wait3A_529 = tpu.memref_slice %arg11[%dma_wait3A_527, %dma_wait3A_528] : memref<8x128xi32, #tpu.memory_space<vmem>> -> memref<1x128xi32, #tpu.memory_space<vmem>>
      %dma_wait3A_530 = tpu.memref_squeeze %dma_wait3A_529 : memref<1x128xi32, #tpu.memory_space<vmem>> -> memref<128xi32, #tpu.memory_space<vmem>>
      %dma_wait3A_531 = arith.constant 0 : i32
      %dma_wait3A_532 = arith.constant 0 : i32
      %dma_wait3A_533 = tpu.memref_slice %arg2[%dma_wait3A_531, %dma_wait3A_532] : memref<10000x128xf32, #tpu.memory_space<hbm>> -> memref<10000x128xf32, #tpu.memory_space<hbm>>
      tpu.wait_indirect_dma semaphore(%arg20 : memref<!tpu.dma_semaphore, #tpu.memory_space<semaphore_mem>>) src(%dma_wait3A_533 : memref<10000x128xf32, #tpu.memory_space<hbm>>) dst(%arg14 : memref<128x128xf32, #tpu.memory_space<vmem>>)
      %dma_start3A_534 = arith.constant 7 : i32
      %dma_start3A_535 = arith.constant 0 : i32
      %dma_start3A_536 = tpu.memref_slice %arg12[%dma_start3A_534, %dma_start3A_535] : memref<8x128xi32, #tpu.memory_space<vmem>> -> memref<1x128xi32, #tpu.memory_space<vmem>>
      %dma_start3A_537 = tpu.memref_squeeze %dma_start3A_536 : memref<1x128xi32, #tpu.memory_space<vmem>> -> memref<128xi32, #tpu.memory_space<vmem>>
      %dma_start3A_538 = arith.constant 0 : i32
      %dma_start3A_539 = arith.constant 0 : i32
      %dma_start3A_540 = tpu.memref_slice %arg8[%dma_start3A_538, %dma_start3A_539] : memref<10112x128xf32, #tpu.memory_space<vmem_shared>> -> memref<10112x128xf32, #tpu.memory_space<vmem_shared>>
      tpu.enqueue_indirect_dma source(%arg14 : memref<128x128xf32, #tpu.memory_space<vmem>>) target(%dma_start3A_540 : memref<10112x128xf32, #tpu.memory_space<vmem_shared>>) offsets(%dma_start3A_537 : memref<128xi32, #tpu.memory_space<vmem>>) semaphore(%arg22 : memref<!tpu.dma_semaphore, #tpu.memory_space<semaphore_mem>>) {add = true}
      %convert_element_type3A_541 = arith.extui %lt3A_76 : i1 to i32
      %cond3A_542 = arith.constant 0 : i32
      %cond3A_543 = arith.cmpi ne, %convert_element_type3A_541, %cond3A_542 : i32
      scf.if %cond3A_543 {
        %add3A_544 = arith.constant 3 : i32
        %add3A_545 = arith.addi %mul3A_75, %add3A_544 : i32
        %mul3A_546 = arith.constant 80 : i32
        %mul3A_547 = arith.muli %add3A, %mul3A_546 : i32
        %mul3A_548 = arith.constant 8 : i32
        %mul3A_549 = arith.muli %add3A_545, %mul3A_548 : i32
        %add3A_550 = arith.addi %mul3A_547, %mul3A_549 : i32
        %dma_start3A_551 = arith.constant 0 : i32
        %dma_start3A_552 = tpu.memref_slice %arg3[%add3A_550, %dma_start3A_551] : memref<2560x128xi32, #tpu.memory_space<hbm>> -> memref<8x128xi32, #tpu.memory_space<hbm>>
        %dma_start3A_553 = arith.constant 0 : i32
        %dma_start3A_554 = tpu.memref_slice %arg3[%add3A_550, %dma_start3A_553] : memref<2560x128xi32, #tpu.memory_space<hbm>> -> memref<8x128xi32, #tpu.memory_space<hbm>>
        tpu.enqueue_dma source(%dma_start3A_554 : memref<8x128xi32, #tpu.memory_space<hbm>>) target(%arg11 : memref<8x128xi32, #tpu.memory_space<vmem>>) target_semaphore(%arg17 : memref<!tpu.dma_semaphore, #tpu.memory_space<semaphore_mem>>)
        %mul3A_555 = arith.constant 80 : i32
        %mul3A_556 = arith.muli %add3A, %mul3A_555 : i32
        %mul3A_557 = arith.constant 8 : i32
        %mul3A_558 = arith.muli %add3A_545, %mul3A_557 : i32
        %add3A_559 = arith.addi %mul3A_556, %mul3A_558 : i32
        %dma_start3A_560 = arith.constant 0 : i32
        %dma_start3A_561 = tpu.memref_slice %arg4[%add3A_559, %dma_start3A_560] : memref<2560x128xi32, #tpu.memory_space<hbm>> -> memref<8x128xi32, #tpu.memory_space<hbm>>
        %dma_start3A_562 = arith.constant 0 : i32
        %dma_start3A_563 = tpu.memref_slice %arg4[%add3A_559, %dma_start3A_562] : memref<2560x128xi32, #tpu.memory_space<hbm>> -> memref<8x128xi32, #tpu.memory_space<hbm>>
        tpu.enqueue_dma source(%dma_start3A_563 : memref<8x128xi32, #tpu.memory_space<hbm>>) target(%arg12 : memref<8x128xi32, #tpu.memory_space<vmem>>) target_semaphore(%arg18 : memref<!tpu.dma_semaphore, #tpu.memory_space<semaphore_mem>>)
      } else {
      }
    }
    %scan3A_60 = arith.constant 5 : i32
    %dma_wait3A_61 = arith.constant 7 : i32
    %dma_wait3A_62 = arith.constant 0 : i32
    %dma_wait3A_63 = tpu.memref_slice %arg11[%dma_wait3A_61, %dma_wait3A_62] : memref<8x128xi32, #tpu.memory_space<vmem>> -> memref<1x128xi32, #tpu.memory_space<vmem>>
    %dma_wait3A_64 = tpu.memref_squeeze %dma_wait3A_63 : memref<1x128xi32, #tpu.memory_space<vmem>> -> memref<128xi32, #tpu.memory_space<vmem>>
    %dma_wait3A_65 = arith.constant 0 : i32
    %dma_wait3A_66 = arith.constant 0 : i32
    %dma_wait3A_67 = tpu.memref_slice %arg8[%dma_wait3A_65, %dma_wait3A_66] : memref<10112x128xf32, #tpu.memory_space<vmem_shared>> -> memref<10112x128xf32, #tpu.memory_space<vmem_shared>>
    tpu.wait_indirect_dma semaphore(%arg22 : memref<!tpu.dma_semaphore, #tpu.memory_space<semaphore_mem>>) src(%arg14 : memref<128x128xf32, #tpu.memory_space<vmem>>) dst(%dma_wait3A_67 : memref<10112x128xf32, #tpu.memory_space<vmem_shared>>)
    %barrier3A_68 = arith.constant 0 : index
    tpu.barrier barrier_id(%barrier3A_68)
    "tpu.region"() ({
      %run_scoped3A = tpu.sem_alloc : memref<!tpu.dma_semaphore, #tpu.memory_space<semaphore_mem>>
      %dma_start3A_69 = arith.constant 0 : i32
      %dma_start3A_70 = tpu.memref_slice %arg7[%arg0, %mul3A_2, %dma_start3A_69] : memref<2x10112x128xf32, #tpu.memory_space<hbm>> -> memref<1x632x128xf32, #tpu.memory_space<hbm>>
      %dma_start3A_71 = tpu.memref_squeeze %dma_start3A_70 : memref<1x632x128xf32, #tpu.memory_space<hbm>> -> memref<632x128xf32, #tpu.memory_space<hbm>>
      %dma_start3A_72 = arith.constant 0 : i32
      %dma_start3A_73 = tpu.memref_slice %arg8[%mul3A_2, %dma_start3A_72] : memref<10112x128xf32, #tpu.memory_space<vmem_shared>> -> memref<632x128xf32, #tpu.memory_space<vmem_shared>>
      tpu.enqueue_dma source(%dma_start3A_73 : memref<632x128xf32, #tpu.memory_space<vmem_shared>>) target(%dma_start3A_71 : memref<632x128xf32, #tpu.memory_space<hbm>>) target_semaphore(%run_scoped3A : memref<!tpu.dma_semaphore, #tpu.memory_space<semaphore_mem>>)
      %dma_wait3A_74 = arith.constant 0 : i32
      %dma_wait3A_75 = tpu.memref_slice %arg7[%arg0, %mul3A_2, %dma_wait3A_74] : memref<2x10112x128xf32, #tpu.memory_space<hbm>> -> memref<1x632x128xf32, #tpu.memory_space<hbm>>
      %dma_wait3A_76 = tpu.memref_squeeze %dma_wait3A_75 : memref<1x632x128xf32, #tpu.memory_space<hbm>> -> memref<632x128xf32, #tpu.memory_space<hbm>>
      %dma_wait3A_77 = arith.constant 0 : i32
      %dma_wait3A_78 = tpu.memref_slice %arg8[%mul3A_2, %dma_wait3A_77] : memref<10112x128xf32, #tpu.memory_space<vmem_shared>> -> memref<632x128xf32, #tpu.memory_space<vmem_shared>>
      tpu.wait_dma2 semaphore(%run_scoped3A : memref<!tpu.dma_semaphore, #tpu.memory_space<semaphore_mem>>) src(%dma_wait3A_78 : memref<632x128xf32, #tpu.memory_space<vmem_shared>>) dst(%dma_wait3A_76 : memref<632x128xf32, #tpu.memory_space<hbm>>)
      tpu.yield
    }) : () -> ()
    return
  }
}

module attributes {stable_mosaic.version = 14 : i64} {
  func.func @_dense1_body(%arg0: i32, %arg1: memref<1000x128xf32, #tpu.memory_space<vmem>>, %arg2: memref<2x1000x128xf32, #tpu.memory_space<vmem>>, %arg3: memref<1000x32xf32, #tpu.memory_space<vmem>>, %arg4: memref<128x256xf32, #tpu.memory_space<vmem>>, %arg5: memref<128x256xf32, #tpu.memory_space<vmem>>, %arg6: memref<1x256xf32, #tpu.memory_space<vmem>>, %arg7: memref<256x128xf32, #tpu.memory_space<vmem>>, %arg8: memref<256x128xf32, #tpu.memory_space<vmem>>, %arg9: memref<1x128xf32, #tpu.memory_space<vmem>>, %arg10: memref<1000x128xf32, #tpu.memory_space<vmem>>, %arg11: memref<1000x128xf32, #tpu.memory_space<vmem>>) attributes {dimension_semantics = [#tpu.dimension_semantics<arbitrary>], iteration_bounds = array<i64: 10>, scalar_prefetch = 0 : i64, scratch_operands = 0 : i64, tpu.core_type = #tpu.core_type<tc>, window_params = [{transform_indices = @transform_0, window_bounds = array<i64: 1000, 128>}, {transform_indices = @transform_1, window_bounds = array<i64: 2, 1000, 128>}, {transform_indices = @transform_2, window_bounds = array<i64: 1000, 32>}, {pipeline_mode = #tpu.pipeline_mode<synchronous>, transform_indices = @transform_3, window_bounds = array<i64: 128, 256>}, {pipeline_mode = #tpu.pipeline_mode<synchronous>, transform_indices = @transform_4, window_bounds = array<i64: 128, 256>}, {pipeline_mode = #tpu.pipeline_mode<synchronous>, transform_indices = @transform_5, window_bounds = array<i64: 1, 256>}, {pipeline_mode = #tpu.pipeline_mode<synchronous>, transform_indices = @transform_6, window_bounds = array<i64: 256, 128>}, {pipeline_mode = #tpu.pipeline_mode<synchronous>, transform_indices = @transform_7, window_bounds = array<i64: 256, 128>}, {pipeline_mode = #tpu.pipeline_mode<synchronous>, transform_indices = @transform_8, window_bounds = array<i64: 1, 128>}, {transform_indices = @transform_9, window_bounds = array<i64: 1000, 128>}, {transform_indices = @transform_10, window_bounds = array<i64: 1000, 128>}]} {
    %get3A = arith.constant 0 : index
    %get3A_0 = arith.constant 0 : index
    %get3A_1 = vector.load %arg3[%get3A, %get3A_0] : memref<1000x32xf32, #tpu.memory_space<vmem>>, vector<1000x32xf32>
    %reduce_sum3A = arith.constant dense<0.000000e+00> : vector<1000xf32>
    %reduce_sum3A_2 = vector.multi_reduction <add>, %get3A_1, %reduce_sum3A [1] : vector<1000x32xf32> to vector<1000xf32>
    %broadcast_in_dim3A = vector.shape_cast %reduce_sum3A_2 : vector<1000xf32> to vector<1000x1xf32>
    %max3A = arith.constant 1.000000e+00 : f32
    %max3A_3 = vector.broadcast %max3A : f32 to vector<1000x1xf32>
    %max3A_4 = arith.maximumf %broadcast_in_dim3A, %max3A_3 : vector<1000x1xf32>
    %div3A = arith.constant 1.000000e+00 : f32
    %div3A_5 = vector.broadcast %div3A : f32 to vector<1000x1xf32>
    %div3A_6 = arith.divf %div3A_5, %max3A_4 : vector<1000x1xf32>
    %get3A_7 = arith.constant 0 : index
    %get3A_8 = arith.constant 0 : index
    %get3A_9 = arith.constant 0 : index
    %get3A_10 = vector.load %arg2[%get3A_7, %get3A_8, %get3A_9] : memref<2x1000x128xf32, #tpu.memory_space<vmem>>, vector<1x1000x128xf32>
    %get3A_11 = vector.shape_cast %get3A_10 : vector<1x1000x128xf32> to vector<1000x128xf32>
    %get3A_12 = arith.constant 1 : index
    %get3A_13 = arith.constant 0 : index
    %get3A_14 = arith.constant 0 : index
    %get3A_15 = vector.load %arg2[%get3A_12, %get3A_13, %get3A_14] : memref<2x1000x128xf32, #tpu.memory_space<vmem>>, vector<1x1000x128xf32>
    %get3A_16 = vector.shape_cast %get3A_15 : vector<1x1000x128xf32> to vector<1000x128xf32>
    %add3A = arith.addf %get3A_11, %get3A_16 : vector<1000x128xf32>
    %mul3A = vector.broadcast %div3A_6 : vector<1000x1xf32> to vector<1000x128xf32>
    %mul3A_17 = arith.mulf %add3A, %mul3A : vector<1000x128xf32>
    %get3A_18 = arith.constant 0 : index
    %get3A_19 = arith.constant 0 : index
    %get3A_20 = vector.load %arg1[%get3A_18, %get3A_19] : memref<1000x128xf32, #tpu.memory_space<vmem>>, vector<1000x128xf32>
    %get3A_21 = arith.constant 0 : index
    %get3A_22 = arith.constant 0 : index
    %get3A_23 = vector.load %arg4[%get3A_21, %get3A_22] : memref<128x256xf32, #tpu.memory_space<vmem>>, vector<128x256xf32>
    %dot_general3A = arith.constant dense<0.000000e+00> : vector<1000x256xf32>
    %dot_general3A_24 = tpu.matmul %get3A_20, %get3A_23, %dot_general3A {dimension_numbers = #tpu.dot_dimension_numbers<[1], [0], [0], [1], [0, 0, 1, 1], [], []>, transpose_lhs_hint = false} : vector<1000x128xf32>, vector<128x256xf32>, vector<1000x256xf32> -> vector<1000x256xf32>
    %get3A_25 = arith.constant 0 : index
    %get3A_26 = arith.constant 0 : index
    %get3A_27 = vector.load %arg5[%get3A_25, %get3A_26] : memref<128x256xf32, #tpu.memory_space<vmem>>, vector<128x256xf32>
    %dot_general3A_28 = arith.constant dense<0.000000e+00> : vector<1000x256xf32>
    %dot_general3A_29 = tpu.matmul %mul3A_17, %get3A_27, %dot_general3A_28 {dimension_numbers = #tpu.dot_dimension_numbers<[1], [0], [0], [1], [0, 0, 1, 1], [], []>, transpose_lhs_hint = false} : vector<1000x128xf32>, vector<128x256xf32>, vector<1000x256xf32> -> vector<1000x256xf32>
    %add3A_30 = arith.addf %dot_general3A_24, %dot_general3A_29 : vector<1000x256xf32>
    %get3A_31 = arith.constant 0 : index
    %get3A_32 = arith.constant 0 : index
    %get3A_33 = vector.load %arg6[%get3A_31, %get3A_32] : memref<1x256xf32, #tpu.memory_space<vmem>>, vector<1x256xf32>
    %add3A_34 = vector.broadcast %get3A_33 : vector<1x256xf32> to vector<1000x256xf32>
    %add3A_35 = arith.addf %add3A_30, %add3A_34 : vector<1000x256xf32>
    %max3A_36 = arith.constant 0.000000e+00 : f32
    %max3A_37 = vector.broadcast %max3A_36 : f32 to vector<1000x256xf32>
    %max3A_38 = arith.maximumf %add3A_35, %max3A_37 : vector<1000x256xf32>
    %get3A_39 = arith.constant 0 : index
    %get3A_40 = arith.constant 0 : index
    %get3A_41 = vector.load %arg7[%get3A_39, %get3A_40] : memref<256x128xf32, #tpu.memory_space<vmem>>, vector<256x128xf32>
    %dot_general3A_42 = arith.constant dense<0.000000e+00> : vector<1000x128xf32>
    %dot_general3A_43 = tpu.matmul %max3A_38, %get3A_41, %dot_general3A_42 {dimension_numbers = #tpu.dot_dimension_numbers<[1], [0], [0], [1], [0, 0, 1, 1], [], []>, transpose_lhs_hint = false} : vector<1000x256xf32>, vector<256x128xf32>, vector<1000x128xf32> -> vector<1000x128xf32>
    %get3A_44 = arith.constant 0 : index
    %get3A_45 = arith.constant 0 : index
    %get3A_46 = vector.load %arg9[%get3A_44, %get3A_45] : memref<1x128xf32, #tpu.memory_space<vmem>>, vector<1x128xf32>
    %add3A_47 = vector.broadcast %get3A_46 : vector<1x128xf32> to vector<1000x128xf32>
    %add3A_48 = arith.addf %dot_general3A_43, %add3A_47 : vector<1000x128xf32>
    %swap3A = arith.constant 0 : index
    %swap3A_49 = arith.constant 0 : index
    %swap3A_50 = vector.load %arg10[%swap3A, %swap3A_49] : memref<1000x128xf32, #tpu.memory_space<vmem>>, vector<1000x128xf32>
    tpu.vector_store %arg10[%swap3A, %swap3A_49], %add3A_48 {strides = array<i32>} : memref<1000x128xf32, #tpu.memory_space<vmem>>, vector<1000x128xf32>,
    %get3A_51 = arith.constant 0 : index
    %get3A_52 = arith.constant 0 : index
    %get3A_53 = vector.load %arg8[%get3A_51, %get3A_52] : memref<256x128xf32, #tpu.memory_space<vmem>>, vector<256x128xf32>
    %dot_general3A_54 = arith.constant dense<0.000000e+00> : vector<1000x128xf32>
    %dot_general3A_55 = tpu.matmul %max3A_38, %get3A_53, %dot_general3A_54 {dimension_numbers = #tpu.dot_dimension_numbers<[1], [0], [0], [1], [0, 0, 1, 1], [], []>, transpose_lhs_hint = false} : vector<1000x256xf32>, vector<256x128xf32>, vector<1000x128xf32> -> vector<1000x128xf32>
    %swap3A_56 = arith.constant 0 : index
    %swap3A_57 = arith.constant 0 : index
    %swap3A_58 = vector.load %arg11[%swap3A_56, %swap3A_57] : memref<1000x128xf32, #tpu.memory_space<vmem>>, vector<1000x128xf32>
    tpu.vector_store %arg11[%swap3A_56, %swap3A_57], %dot_general3A_55 {strides = array<i32>} : memref<1000x128xf32, #tpu.memory_space<vmem>>, vector<1000x128xf32>,
    return
  }
  func.func @transform_0(%arg0: i32) -> (i32, i32) {
    %c0_i32 = arith.constant 0 : i32
    %c0_i32_0 = arith.constant 0 : i32
    return %arg0, %c0_i32 : i32, i32
  }
  func.func @transform_1(%arg0: i32) -> (i32, i32, i32) {
    %c0_i32 = arith.constant 0 : i32
    %c0_i32_0 = arith.constant 0 : i32
    %c0_i32_1 = arith.constant 0 : i32
    return %c0_i32, %arg0, %c0_i32_0 : i32, i32, i32
  }
  func.func @transform_2(%arg0: i32) -> (i32, i32) {
    %c0_i32 = arith.constant 0 : i32
    %c0_i32_0 = arith.constant 0 : i32
    return %arg0, %c0_i32 : i32, i32
  }
  func.func @transform_3(%arg0: i32) -> (i32, i32) {
    %c0_i32 = arith.constant 0 : i32
    %c0_i32_0 = arith.constant 0 : i32
    %c0_i32_1 = arith.constant 0 : i32
    return %c0_i32, %c0_i32_0 : i32, i32
  }
  func.func @transform_4(%arg0: i32) -> (i32, i32) {
    %c0_i32 = arith.constant 0 : i32
    %c0_i32_0 = arith.constant 0 : i32
    %c0_i32_1 = arith.constant 0 : i32
    return %c0_i32, %c0_i32_0 : i32, i32
  }
  func.func @transform_5(%arg0: i32) -> (i32, i32) {
    %c0_i32 = arith.constant 0 : i32
    %c0_i32_0 = arith.constant 0 : i32
    %c0_i32_1 = arith.constant 0 : i32
    return %c0_i32, %c0_i32_0 : i32, i32
  }
  func.func @transform_6(%arg0: i32) -> (i32, i32) {
    %c0_i32 = arith.constant 0 : i32
    %c0_i32_0 = arith.constant 0 : i32
    %c0_i32_1 = arith.constant 0 : i32
    return %c0_i32, %c0_i32_0 : i32, i32
  }
  func.func @transform_7(%arg0: i32) -> (i32, i32) {
    %c0_i32 = arith.constant 0 : i32
    %c0_i32_0 = arith.constant 0 : i32
    %c0_i32_1 = arith.constant 0 : i32
    return %c0_i32, %c0_i32_0 : i32, i32
  }
  func.func @transform_8(%arg0: i32) -> (i32, i32) {
    %c0_i32 = arith.constant 0 : i32
    %c0_i32_0 = arith.constant 0 : i32
    %c0_i32_1 = arith.constant 0 : i32
    return %c0_i32, %c0_i32_0 : i32, i32
  }
  func.func @transform_9(%arg0: i32) -> (i32, i32) {
    %c0_i32 = arith.constant 0 : i32
    %c0_i32_0 = arith.constant 0 : i32
    return %arg0, %c0_i32 : i32, i32
  }
  func.func @transform_10(%arg0: i32) -> (i32, i32) {
    %c0_i32 = arith.constant 0 : i32
    %c0_i32_0 = arith.constant 0 : i32
    return %arg0, %c0_i32 : i32, i32
  }
}

module attributes {stable_mosaic.version = 14 : i64} {
  func.func @_dense2_body(%arg0: i32, %arg1: memref<1000x128xf32, #tpu.memory_space<vmem>>, %arg2: memref<2x1000x128xf32, #tpu.memory_space<vmem>>, %arg3: memref<1000x32xf32, #tpu.memory_space<vmem>>, %arg4: memref<1000x128xf32, #tpu.memory_space<vmem>>) attributes {dimension_semantics = [#tpu.dimension_semantics<arbitrary>], iteration_bounds = array<i64: 10>, scalar_prefetch = 0 : i64, scratch_operands = 0 : i64, tpu.core_type = #tpu.core_type<tc>, window_params = [{transform_indices = @transform_0, window_bounds = array<i64: 1000, 128>}, {transform_indices = @transform_1, window_bounds = array<i64: 2, 1000, 128>}, {transform_indices = @transform_2, window_bounds = array<i64: 1000, 32>}, {transform_indices = @transform_3, window_bounds = array<i64: 1000, 128>}]} {
    %get3A = arith.constant 0 : index
    %get3A_0 = arith.constant 0 : index
    %get3A_1 = vector.load %arg3[%get3A, %get3A_0] : memref<1000x32xf32, #tpu.memory_space<vmem>>, vector<1000x32xf32>
    %reduce_sum3A = arith.constant dense<0.000000e+00> : vector<1000xf32>
    %reduce_sum3A_2 = vector.multi_reduction <add>, %get3A_1, %reduce_sum3A [1] : vector<1000x32xf32> to vector<1000xf32>
    %broadcast_in_dim3A = vector.shape_cast %reduce_sum3A_2 : vector<1000xf32> to vector<1000x1xf32>
    %max3A = arith.constant 1.000000e+00 : f32
    %max3A_3 = vector.broadcast %max3A : f32 to vector<1000x1xf32>
    %max3A_4 = arith.maximumf %broadcast_in_dim3A, %max3A_3 : vector<1000x1xf32>
    %div3A = arith.constant 1.000000e+00 : f32
    %div3A_5 = vector.broadcast %div3A : f32 to vector<1000x1xf32>
    %div3A_6 = arith.divf %div3A_5, %max3A_4 : vector<1000x1xf32>
    %get3A_7 = arith.constant 0 : index
    %get3A_8 = arith.constant 0 : index
    %get3A_9 = vector.load %arg1[%get3A_7, %get3A_8] : memref<1000x128xf32, #tpu.memory_space<vmem>>, vector<1000x128xf32>
    %get3A_10 = arith.constant 0 : index
    %get3A_11 = arith.constant 0 : index
    %get3A_12 = arith.constant 0 : index
    %get3A_13 = vector.load %arg2[%get3A_10, %get3A_11, %get3A_12] : memref<2x1000x128xf32, #tpu.memory_space<vmem>>, vector<1x1000x128xf32>
    %get3A_14 = vector.shape_cast %get3A_13 : vector<1x1000x128xf32> to vector<1000x128xf32>
    %get3A_15 = arith.constant 1 : index
    %get3A_16 = arith.constant 0 : index
    %get3A_17 = arith.constant 0 : index
    %get3A_18 = vector.load %arg2[%get3A_15, %get3A_16, %get3A_17] : memref<2x1000x128xf32, #tpu.memory_space<vmem>>, vector<1x1000x128xf32>
    %get3A_19 = vector.shape_cast %get3A_18 : vector<1x1000x128xf32> to vector<1000x128xf32>
    %add3A = arith.addf %get3A_14, %get3A_19 : vector<1000x128xf32>
    %mul3A = vector.broadcast %div3A_6 : vector<1000x1xf32> to vector<1000x128xf32>
    %mul3A_20 = arith.mulf %add3A, %mul3A : vector<1000x128xf32>
    %add3A_21 = arith.addf %get3A_9, %mul3A_20 : vector<1000x128xf32>
    %max3A_22 = arith.constant 0.000000e+00 : f32
    %max3A_23 = vector.broadcast %max3A_22 : f32 to vector<1000x128xf32>
    %max3A_24 = arith.maximumf %add3A_21, %max3A_23 : vector<1000x128xf32>
    %mul3A_25 = arith.mulf %max3A_24, %max3A_24 : vector<1000x128xf32>
    %reduce_sum3A_26 = arith.constant dense<0.000000e+00> : vector<1000xf32>
    %reduce_sum3A_27 = vector.multi_reduction <add>, %mul3A_25, %reduce_sum3A_26 [1] : vector<1000x128xf32> to vector<1000xf32>
    %broadcast_in_dim3A_28 = vector.shape_cast %reduce_sum3A_27 : vector<1000xf32> to vector<1000x1xf32>
    %sqrt3A = math.sqrt %broadcast_in_dim3A_28 : vector<1000x1xf32>
    %max3A_29 = arith.constant 9.99999996E-13 : f32
    %max3A_30 = vector.broadcast %max3A_29 : f32 to vector<1000x1xf32>
    %max3A_31 = arith.maximumf %sqrt3A, %max3A_30 : vector<1000x1xf32>
    %div3A_32 = vector.broadcast %max3A_31 : vector<1000x1xf32> to vector<1000x128xf32>
    %div3A_33 = arith.divf %max3A_24, %div3A_32 : vector<1000x128xf32>
    %swap3A = arith.constant 0 : index
    %swap3A_34 = arith.constant 0 : index
    %swap3A_35 = vector.load %arg4[%swap3A, %swap3A_34] : memref<1000x128xf32, #tpu.memory_space<vmem>>, vector<1000x128xf32>
    tpu.vector_store %arg4[%swap3A, %swap3A_34], %div3A_33 {strides = array<i32>} : memref<1000x128xf32, #tpu.memory_space<vmem>>, vector<1000x128xf32>,
    return
  }
  func.func @transform_0(%arg0: i32) -> (i32, i32) {
    %c0_i32 = arith.constant 0 : i32
    %c0_i32_0 = arith.constant 0 : i32
    return %arg0, %c0_i32 : i32, i32
  }
  func.func @transform_1(%arg0: i32) -> (i32, i32, i32) {
    %c0_i32 = arith.constant 0 : i32
    %c0_i32_0 = arith.constant 0 : i32
    %c0_i32_1 = arith.constant 0 : i32
    return %c0_i32, %arg0, %c0_i32_0 : i32, i32, i32
  }
  func.func @transform_2(%arg0: i32) -> (i32, i32) {
    %c0_i32 = arith.constant 0 : i32
    %c0_i32_0 = arith.constant 0 : i32
    return %arg0, %c0_i32 : i32, i32
  }
  func.func @transform_3(%arg0: i32) -> (i32, i32) {
    %c0_i32 = arith.constant 0 : i32
    %c0_i32_0 = arith.constant 0 : i32
    return %arg0, %c0_i32 : i32, i32
  }
}

</mosaic_0001>

<sc_bundles>
// kernel: kernel.6.cloned.1.call-start
scs
__scs_entry_jumppad:
0x0: {  	(pc) =	sbr.rel $0x88, $3  }
0x1: {  	(tag) =	ssettag $0x0;
	lr =	simm.s32 $0x1  }
0x2: {  	[smem:$0x3F99] =	sst lr;
	_ =	strace $0xD0000000  }
0x3: {  	_ = 	snop  }
0x4: {  	_ = 	snop  }
0x5: {  	_ = 	snop  }
0x6: {  	_ = 	snop  }
0x7: {  	_ = 	snop  }
__scs_overlays_trampoline_lowered:
0x8: {  	[smem:$0x3FA8] =	sst s0  }
0x9: {  	[smem:$0x3FA9] =	sst s1  }
0xa: {  	[smem:$0x3FAA] =	sst s2  }
0xb: {  	[smem:$0x3FAB] =	sst s3  }
0xc: {  	[smem:$0x3FAC] =	sst s4  }
0xd: {  	[smem:$0x3FAD] =	sst s5  }
0xe: {  	[smem:$0x3FAE] =	sst s6  }
0xf: {  	[smem:$0x3FAF] =	sst s7  }
0x10: {  	[smem:$0x3FB0] =	sst s8  }
0x11: {  	[smem:$0x3FB1] =	sst s9;
	s0 =	simm.s32 @!p0 $0x0  }
0x12: {  	s1 =	sld [smem:$0x3F97];
	s0 =	simm.s32 @p0 $0x1  }
0x13: {  	[smem:$0x3FB2] =	sst s0;
	s0 =	simm.s32 @!p1 $0x0  }
0x14: {  	s2 =	sld [smem:$0x3F96];
	s0 =	simm.s32 @p1 $0x1  }
0x15: {  	[smem:$0x3FB3] =	sst s0;
	s0 =	simm.s32 @!p2 $0x0  }
0x16: {  	s3 =	sld [smem:$0x3FDB];
	s0 =	simm.s32 @p2 $0x1  }
0x17: {  	s4 =	simm.s32 $0x1BF5;
	[smem:$0x3FB5] =	sst s0  }
0x18: {  	s0 =	sld [smem:$0x3F98];
	_ =	swait.ge [sflag:s4], $0x0  }
0x19: {  	s7 =	sld [smem:$0x3F99]  }
0x1a: {  	s8 =	sadd.s32 $0xFFFFE003, lr  }
0x1b: {  	s9 =	sadd.s32 $0xFFFFFEF7, lr;
	s5 =	simm.s32 $0xFFFFFFFF;
	p2 =	slt.u32 s8, $0xFFFFF086  }
0x1c: {  	p1 =	slt.u32 s9, $0xF7A;
	s5 =	simm.s32 @!p2 $0x0  }
0x1d: {  	s5 =	simm.s32 @p1 $0x1;
	p0 =	seq.s32 s7, s2  }
0x1e: {  	s7 =	smul.u32 @!p0 $0xF7A, s2;
	p2 =	seq.s32 @!p0 s5, $0x0  }
0x1f: {  	s9 =	smul.u32 $0xF7A, s1;
	s8 =	simm.s32 @!p0 $0x1BF5;
	p2 =	por !p2, p0  }
0x20: {  	[sflag:s8] =	ssyncset.s32 @!p0 $0xFFFFF086;
	s6 =	sadd.s32 @!p0 s3, s7;
	s7 =	simm.s32 @!p0 $0x108  }
0x21: {  	s3 =	sadd.s32 s3, s9;
	s6 =	sadd.s32 @!p0 $0x88, s6;
	s7 =	simm.s32 @p2 $0x1082  }
0x22: {  	[simem:s7], [sflag:s8] =	dma.local @!p0 [hbm:s6], $0xF7A  }
0x23: {  	s9 =	sor.u32 $0xD0000000, s2;
	s6 =	simm.s32 $0x108;
	_ =	swait.ge @!p0 [sflag:s8], $0x0  }
0x24: {  	s3 =	sadd.s32 $0x88, s3;
	s6 =	simm.s32 @!p1 $0x1082;
	[sflag:s4] =	ssyncset.s32 $0xFFFFF086  }
0x25: {  	[simem:s6], [sflag:s4] =	dma.local [hbm:s3], $0xF7A  }
0x26: {  	[smem:$0x3F99] =	sst s1;
	(tag) =	ssettag s2;
	_ =	strace s9  }
0x27: {  	s1 =	sld [smem:$0x3FA9]  }
0x28: {  	s2 =	sld [smem:$0x3FAA]  }
0x29: {  	s4 =	sld [smem:$0x3FAC]  }
0x2a: {  	p0 =	seq.s32 s5, $0x0;
	s5 =	sld [smem:$0x3FAD]  }
0x2b: {  	s6 =	sld [smem:$0x3FAE]  }
0x2c: {  	s7 =	sld [smem:$0x3FAF]  }
0x2d: {  	s3 =	simm.s32 $0x108;
	s8 =	sld [smem:$0x3FB0]  }
0x2e: {  	s3 =	simm.s32 @!p0 $0x1082;
	s9 =	sld [smem:$0x3FB1]  }
0x2f: {  	lr =	sadd.s32 s0, s3;
	s0 =	sld [smem:$0x3FA8]  }
0x30: {  	s3 =	sld [smem:$0x3FAB]  }
0x31: {  	[smem:$0x3FB4] =	sst s10  }
0x32: {  	s10 =	sld [smem:$0x3FB2];
	_ =	sdelay $0x3  }
0x33: {  	p0 =	seq.s32 s10, $0x1;
	s10 =	sld [smem:$0x3FB4];
	_ =	sdelay $0x3  }
0x34: {  	[smem:$0x3FB4] =	sst s10  }
0x35: {  	s10 =	sld [smem:$0x3FB3];
	_ =	sdelay $0x3  }
0x36: {  	p1 =	seq.s32 s10, $0x1;
	s10 =	sld [smem:$0x3FB4];
	_ =	sdelay $0x3  }
0x37: {  	[smem:$0x3FB4] =	sst s10  }
0x38: {  	s10 =	sld [smem:$0x3FB5]  }
0x39: {  	_ = 	snop;
	(pc) =	sbr.ind lr, $3  }
0x3a: {  	_ = 	snop  }
0x3b: {  	_ = 	snop  }
0x3c: {  	p2 =	seq.s32 s10, $0x1;
	s10 =	sld [smem:$0x3FB4]  }
0x3d: {  	_ =	shalt  }
0x3e: {  	_ =	shalt  }
0x3f: {  	_ =	shalt  }
0x40: {  	_ =	shalt  }
0x41: {  	_ =	shalt  }
0x42: {  	_ =	shalt  }
0x43: {  	_ =	shalt  }
0x44: {  	_ =	shalt  }
0x45: {  	_ =	shalt  }
0x46: {  	_ =	shalt  }
0x47: {  	_ =	shalt  }
0x48: {  	_ =	shalt  }
0x49: {  	_ =	shalt  }
0x4a: {  	_ =	shalt  }
0x4b: {  	_ =	shalt  }
0x4c: {  	_ =	shalt  }
0x4d: {  	_ =	shalt  }
0x4e: {  	_ =	shalt  }
0x4f: {  	_ =	shalt  }
0x50: {  	_ =	shalt  }
0x51: {  	_ =	shalt  }
0x52: {  	_ =	shalt  }
0x53: {  	_ =	shalt  }
0x54: {  	_ =	shalt  }
0x55: {  	_ =	shalt  }
0x56: {  	_ =	shalt  }
0x57: {  	_ =	shalt  }
0x58: {  	_ =	shalt  }
0x59: {  	_ =	shalt  }
0x5a: {  	_ =	shalt  }
0x5b: {  	_ =	shalt  }
0x5c: {  	_ =	shalt  }
0x5d: {  	_ =	shalt  }
0x5e: {  	_ =	shalt  }
0x5f: {  	_ =	shalt  }
0x60: {  	_ =	shalt  }
0x61: {  	_ =	shalt  }
0x62: {  	_ =	shalt  }
0x63: {  	_ =	shalt  }
0x64: {  	_ =	shalt  }
0x65: {  	_ =	shalt  }
0x66: {  	_ =	shalt  }
0x67: {  	_ =	shalt  }
0x68: {  	_ =	shalt  }
0x69: {  	_ =	shalt  }
0x6a: {  	_ =	shalt  }
0x6b: {  	_ =	shalt  }
0x6c: {  	_ =	shalt  }
0x6d: {  	_ =	shalt  }
0x6e: {  	_ =	shalt  }
0x6f: {  	_ =	shalt  }
0x70: {  	_ =	shalt  }
0x71: {  	_ =	shalt  }
0x72: {  	_ =	shalt  }
0x73: {  	_ =	shalt  }
0x74: {  	_ =	shalt  }
0x75: {  	_ =	shalt  }
0x76: {  	_ =	shalt  }
0x77: {  	_ =	shalt  }
0x78: {  	_ =	shalt  }
0x79: {  	_ =	shalt  }
0x7a: {  	_ =	shalt  }
0x7b: {  	_ =	shalt  }
0x7c: {  	_ =	shalt  }
0x7d: {  	_ =	shalt  }
0x7e: {  	_ =	shalt  }
0x7f: {  	_ =	shalt  }
0x80: {  	_ =	shalt  }
0x81: {  	_ =	shalt  }
0x82: {  	_ =	shalt  }
0x83: {  	_ =	shalt  }
0x84: {  	_ =	shalt  }
0x85: {  	_ =	shalt  }
0x86: {  	_ =	shalt  }
0x87: {  	_ =	shalt  }
.Lfunc_end0:
.L_simem_size_0:
called_computation_lowered:
.L_overlay_start_0:
0x88: {  	s2 =	sld [smem:$0x3FD9]  }
0x89: {  	s3 =	sld [smem:$0x3FFE];
	_ =	sdelay $0x1  }
0x8a: {  	s1 =	srdreg.scid  }
0x8b: {  	s0 =	sand.u32 $0x1, s1  }
0x8c: {  	s17 =	sshll.u32 s0, $0xA;
	s2 =	sadd.s32 s3, s2  }
0x8d: {  	s2 =	sadd.s32 s2, s17  }
0x8e: {  	[smem:$0x3FC0] =	sst s2  }
0x8f: {  	_ = 	snop  }
0x90: {  	s2 =	sld [smem:$0x3FC9]  }
0x91: {  	s18 =	sld [smem:$0x3FD0];
	(tm) =	ssettm $0x1  }
0x92: {  	s4 =	sld [smem:$0x3FFB];
	_ =	sdelay $0x3  }
0x93: {  	_ =	strace s4  }
0x94: {  	s4 =	sld [smem:$0x3FFC];
	_ =	sdelay $0x3  }
0x95: {  	_ =	strace s4  }
0x96: {  	s4 =	sld [smem:$0x3FFD];
	_ =	sdelay $0x3  }
0x97: {  	_ =	strace s4  }
0x98: {  	_ =	strace $0x8FFFFFFF  }
0x99: {  	s19 =	sld [smem:$0x3FDB];
	_ =	sdelay $0x1  }
0x9a: {  	s5 =	simm.s32 $_scs_section_size  }
0x9b: {  	s6 =	simm.s32 $_size__tile_overlayer_lowered;
	s7 =	simm.s32 $_tile_overlayer_lowered  }
0x9c: {  	s22 =	simm.s32 $0x1BFF;
	s21 =	sshll.u32 s7, $0x1;
	s4 =	sadd.s32 s5, s19  }
0x9d: {  	s8 =	simm.s32 $0x0;
	s20 =	sshll.u32 s6, $0x1;
	s6 =	sadd.s32 s21, s4  }
0x9e: {  	[timem:s8], [sflag:s22] =	dma.local [hbm:s6], s20  }
0x9f: {  	_ =	swait.ge [sflag:s22], s20  }
0xa0: {  	s5 =	ssub.s32 $0x0, s20;
	[sflag:s22] =	ssyncset.done $0x0  }
0xa1: {  	[sflag:s22] =	ssyncadd.s32 s5;
	_ =	sdelay $0x1  }
0xa2: {  	s23 =	simm.s32 $0x1B8B  }
0xa3: {  	_ =	swait.ge [sflag:s23], $0x1  }
0xa4: {  	[sflag:s23] =	ssyncset.done $0x0  }
0xa5: {  	s25 =	simm.s32 $0x1B8E;
	s24 =	sld [smem:$0x3FFE];
	[sflag:s23] =	ssyncadd.s32 $0xFFFFFFFF  }
0xa6: {  	s26 =	simm.s32 $execute0_lowered;
	[smem:$0x3FD2] =	sst s25  }
0xa7: {  	s6 =	sshll.u32 s26, $0x1;
	_ =	strace $0x80000046;
	[dreg:$0x1] =	wrdreg $0xFFFFFFFF  }
0xa8: {  	s28 =	simm.s32 $_size_execute0_lowered;
	s4 =	sadd.s32 s4, s6;
	[dreg:$0x0] =	wrdreg $0x0  }
0xa9: {  	s6 =	sshll.u32 s28, $0x1;
	[dreg:$0x2] =	wrdreg s4  }
0xaa: {  	[dreg:$0x3] =	wrdreg s6  }
0xab: {  	[dreg:$0x4] =	wrdreg $0xC0  }
0xac: {  	_ =	task [dreg:s8], $0x5FFFF  }
0xad: {  	[dreg:$0x1] =	wrdreg $0xFFFFFFFF  }
0xae: {  	[dreg:$0x0] =	wrdreg $0x60  }
0xaf: {  	[dreg:$0x2] =	wrdreg s2  }
0xb0: {  	[dreg:$0x3] =	wrdreg s24  }
0xb1: {  	[dreg:$0x4] =	wrdreg s18  }
0xb2: {  	[dreg:$0x5] =	wrdreg $0x0  }
0xb3: {  	[dreg:$0x6] =	wrdreg $0x9  }
0xb4: {  	_ =	task.clear_ibuf [dreg:s8], $0x7FFFF;
	_ =	strace $0x90000046  }
0xb5: {  	s29 =	simm.s32 $0x9;
	_ =	strace $0x80000048  }
0xb6: {  	_ =	swait.ge [sflag:s29], $0x1  }
0xb7: {  	[sflag:s29] =	ssyncadd.s32 $0xFFFFFFFF  }
0xb8: {  	_ =	strace $0x90000048  }
0xb9: {  	_ =	sfence  }
0xba: {  	s30 =	sld [smem:$0x0];
	_ =	sdelay $0x2  }
0xbb: {  	s31 =	sshll.u32 s1, $0xD;
	s1 =	sshrl.u32 s1, $0x2  }
0xbc: {  	s3 =	sand.u32 $0x4000, s31;
	s1 =	sadd.s32 s1, s30  }
0xbd: {  	s0 =	sor.u32 s3, s0;
	s1 =	sshll.u32 s1, $0x11  }
0xbe: {  	s0 =	sor.u32 s1, s0  }
0xbf: {  	s0 =	sadd.s32 $0x8F2B, s0  }
0xc0: {  	[sflag:s0] =	ssyncadd.remote.s32 $0x1  }
0xc1: {  	_ =	sfence.sel $0xFFFF  }
0xc2: {  	[dreg:$0x0] =	wrdreg $0xFFFFFFFF;
	(pc) =	sbr.abs _section_cstart, $3  }
0xc3: {  	[dreg:$0x1] =	wrdreg $0xFFFFFFFF  }
0xc4: {  	_ =	task.clear_ibuf [dreg:s8], $0x2FFFF;
	_ =	strace $0x9FFFFFFF  }
0xc5: {  	(tm) =	ssettm $0x7FFFFFFF  }
tec
execute0_lowered:
.L_overlay_start_1:
0x0: {  	(tag) =	ssettag $0x1  }
0x1: {  	s1 =	rddreg [dreg:$0x0]  }
0x2: {  	s0 =	rddreg [dreg:$0x1]  }
0x3: {  	s2 =	rddreg [dreg:$0x2]  }
0x4: {  	s3 =	rddreg [dreg:$0x3]  }
0x5: {  	s14 =	stileid.u32;
	s5 =	srdreg.scid;
	s4 =	simm.s32 $0x0  }
0x6: {  	s28 =	simm.s32 $0x14C00;
	s30 =	simm.s32 $0x18C00;
	s31 =	simm.s32 $0x5  }
0x7: {  	s29 =	simm.s32 $0x14B80;
	s6 =	smul.u32 $0x13C00, s14;
	s5 =	sand.u32 $0x1, s5  }
0x8: {  	[smem:$0x7FF] =	sst s4;
	s8 =	sadd.s32 $0x2000, s0;
	s9 =	sadd.s32 $0xC000, s0  }
0x9: {  	s25 =	sadd.s32 $0x16000, s0;
	s11 =	sshll.u32 s14, $0x1;
	s12 =	smul.u32 $0x4F000, s14  }
0xa: {  	s17 =	sshll.u32 s14, $0x6;
	s19 =	sshrl.u32 s14, $0x2;
	s23 =	smul.u32 $0xA00, s14  }
0xb: {  	s14 =	simm.s32 $0x14700;
	s7 =	smul.u32 $0x13C000, s5;
	_ =	strace $0x80000047  }
0xc: {  	[dreg:$0x5] =	wrdreg s25;
	s26 =	ssub.s32 $0x2, s5;
	s11 =	sor.u32 s5, s11  }
0xd: {  	s21 =	sor.u32 $0x1C09, s17;
	s5 =	smul.u32 $0x500, s5;
	s17 =	simm.s32 $0x3  }
0xe: {  	s10 =	sshrl.u32 s6, $0x3;
	s13 =	sshrl.u32 s26, $0x1;
	s15 =	sshrl.u32 s12, $0x2  }
0xf: {  	s16 =	smul.u32 $0x500, s11;
	s11 =	sshll.u32 s11, $0x7;
	s25 =	sadd.s32 s23, s8  }
0x10: {  	[dreg:$0x7] =	wrdreg s21;
	s6 =	sadd.s32 s6, s7;
	s24 =	sadd.s32 s10, s0  }
0x11: {  	s10 =	sadd.s32 s15, s3;
	s11 =	sand.u32 $0x380, s11;
	s15 =	sadd.s32 s5, s25  }
0x12: {  	s25 =	simm.s32 $0x14800;
	s6 =	sshrl.u32 s6, $0x3;
	s7 =	sadd.s32 $0x16600, s24  }
0x13: {  	s18 =	sadd.s32 s8, s16;
	s12 =	sadd.s32 s9, s16;
	[dreg:$0x6] =	wrdreg s7  }
0x14: {  	s0 =	sadd.s32 s6, s0;
	s6 =	ssub.s32 s26, s13;
	[dreg:$0x8] =	wrdreg s18  }
0x15: {  	s13 =	sor.u32 $0x80, s16;
	s7 =	smul.u32 $0x13C00, s19;
	[dreg:$0x9] =	wrdreg s12  }
0x16: {  	s26 =	sadd.s32 s23, s9;
	s19 =	simm.s32 $0x1CC00;
	s18 =	simm.s32 $0x4  }
0x17: {  	s12 =	simm.s32 $0x14980;
	s23 =	simm.s32 $0x14780;
	s20 =	sadd.s32 s8, s13  }
0x18: {  	s22 =	sadd.s32 s9, s13;
	s0 =	sadd.s32 $0x3DE00, s0;
	s6 =	smax.u32 s6, $0x1  }
0x19: {  	s16 =	sadd.s32 s5, s26;
	s9 =	simm.s32 $0x9;
	[dreg:$0xa] =	wrdreg s20  }
0x1a: {  	s26 =	simm.s32 $0x80;
	s5 =	simm.s32 $0x6;
	[dreg:$0xb] =	wrdreg s22  }
0x1b: {  	s8 =	simm.s32 $0x8;
	s13 =	simm.s32 $0x14680;
	[dreg:$0xc] =	wrdreg s0  }
.Ltmp0:
0x1c: {  	s7 =	sor.u32 s7, s11;
	[dreg:$0xe] =	wrdreg s6;
	(pc) =	sbr.rel .LBB2_1-.Ltmp0, $4  }
0x1d: {  	s6 =	sshrl.u32 s10, $0x3;
	s11 =	simm.s32 $0x14600;
	s20 =	simm.s32 $0x14A00  }
0x1e: {  	s22 =	simm.s32 $0x14A80;
	s10 =	simm.s32 $0x0;
	s24 =	sshrl.u32 s7, $0x3  }
0x1f: {  	s7 =	simm.s32 $0x14B00;
	[dreg:$0xf] =	wrdreg s6;
	s0 =	sadd.s32 s2, s24  }
0x20: {  	v0 =	vimm.f32 $1.000000000e+00;
	s24 =	simm.s32 $0x14400;
	[dreg:$0xd] =	wrdreg s0;
	s0 =	simm.s32 $0x7  }
.LBB2_4:
0x21: {  	_ =	swait.ge [sflag:s8], $0x4000  }
0x22: {  	[sflag:s8] =	ssyncset.done $0x0  }
0x23: {  	[sflag:s8] =	ssyncadd.s32 $0xFFFFC000  }
0x24: {  	[bflag:$0x0] =	sbarrier.arrive $0xFFFF  }
0x25: {  	s21 =	rddreg [dreg:$0x7]  }
0x26: {  	s2 =	rddreg [dreg:$0xc]  }
0x27: {  	s9 =	simm.s32 $0x9;
	s6 =	rddreg [dreg:$0xf]  }
0x28: {  	[hbm:s2], [sflag:s21] =	dma.local [spmem:s6], $0x2780  }
0x29: {  	_ =	swait.ge [sflag:s9], $0x2780  }
0x2a: {  	[sflag:s9] =	ssyncset.done $0x0  }
0x2b: {  	s10 =	simm.s32 $0x400;
	s2 =	rddreg [dreg:$0xd];
	[sflag:s9] =	ssyncadd.s32 $0xFFFFD880  }
0x2c: {  	[hbm4b:s2+s26] =	stream.strided.scatter [tilespmem:s19], [sflag:$0x9], $0x2780, s10, s26, $0x38;
	[tilespmem:$0x1F380] =	vst v63  }
0x2d: {  	_ =	swait.ge [sflag:s9], $0x2780  }
0x2e: {  	s2 =	rddreg [dreg:$0x10]  }
0x2f: {  	s10 =	sadd.s32 $0x1, s2;
	s2 =	rddreg [dreg:$0xe]  }
0x30: {  	p0 =	sne.s32 s10, s2  }
.Ltmp1:
0x31: {  	_ = 	snop;
	(pc) =	sbr.rel @!p0 .LBB2_5-.Ltmp1, $3  }
0x32: {  	_ =	sdelay $0x1  }
0x33: {  	[sflag:s9] =	ssyncset.done $0x0  }
0x34: {  	[sflag:s9] =	ssyncadd.s32 $0xFFFFD880  }
.LBB2_1:
0x35: {  	[dreg:$0x10] =	wrdreg s10  }
0x36: {  	s2 =	rddreg [dreg:$0x6]  }
0x37: {  	[spmem:s6], [sflag:s21] =	dma.local [hbm:s2], $0x2780  }
0x38: {  	_ =	swait.ge [sflag:s9], $0x2780  }
0x39: {  	[sflag:s9] =	ssyncset.done $0x0  }
0x3a: {  	s10 =	rddreg [dreg:$0x5];
	[sflag:s9] =	ssyncadd.s32 $0xFFFFD880  }
0x3b: {  	[tilespmem:s19], [sflag:$0x9] =	stream.linear.gather [hbm4b:s10+s4], $0x2780, $0x38;
	[tilespmem:$0x1F380] =	vst v63  }
0x3c: {  	_ =	swait.ge [sflag:s9], $0x2780  }
0x3d: {  	[sflag:s9] =	ssyncset.done $0x0  }
0x3e: {  	[sflag:s9] =	ssyncadd.s32 $0xFFFFD880  }
0x3f: {  	[bflag:$0x0] =	sbarrier.arrive $0xFFFF  }
0x40: {  	s6 =	simm.s32 $0x13C00;
	s21 =	rddreg [dreg:$0x8]  }
0x41: {  	[tilespmem:s6], [sflag:$0x1] =	stream.linear.gather [hbm4b:s21+s4], $0x400, $0x38;
	[tilespmem:$0x1F380] =	vst v63  }
0x42: {  	s10 =	simm.s32 $0x14000;
	s9 =	rddreg [dreg:$0x9];
	s21 =	simm.s32 $0x1  }
0x43: {  	[tilespmem:s10], [sflag:$0x2] =	stream.linear.gather [hbm4b:s9+s4], $0x400, $0x38;
	[tilespmem:$0x1F380] =	vst v63  }
0x44: {  	_ =	swait.ge [sflag:s21], $0x400  }
0x45: {  	[sflag:s21] =	ssyncset.done $0x0  }
0x46: {  	s9 =	simm.s32 $0x2;
	[sflag:s21] =	ssyncadd.s32 $0xFFFFFC00  }
0x47: {  	_ =	swait.ge [sflag:s9], $0x400  }
0x48: {  	[sflag:s9] =	ssyncset.done $0x0  }
0x49: {  	s10 =	rddreg [dreg:$0xa];
	[sflag:s9] =	ssyncadd.s32 $0xFFFFFC00  }
0x4a: {  	[tilespmem:s24], [sflag:$0x3] =	stream.linear.gather [hbm4b:s10+s4], $0x400, $0x38;
	[tilespmem:$0x1F380] =	vst v63  }
0x4b: {  	s21 =	rddreg [dreg:$0xb]  }
0x4c: {  	[tilespmem:s25], [sflag:$0x4] =	stream.linear.gather [hbm4b:s21+s4], $0x400, $0x38;
	[tilespmem:$0x1F380] =	vst v63  }
0x4d: {  	s2 =	simm.s32 $0x0  }
0x4e: {  	[tilespmem:s28], [sflag:$0x5] =	stream.indirect.gather [hbm4b:s1+s26], $0x80, s6, s26, $0xb8;
	[tilespmem:$0x1F380] =	vst v63  }
.LBB2_2:
0x4f: {  	p0 =	seq.s32 s2, $0x0  }
0x50: {  	s6 =	simm.s32 @!p0 $0x8  }
0x51: {  	_ =	swait.ge @!p0 [sflag:s6], $0x4000  }
0x52: {  	[sflag:s6] =	ssyncset.done @!p0 $0x0  }
0x53: {  	s21 =	simm.s32 $0x13C80;
	[sflag:s6] =	ssyncadd.s32 @!p0 $0xFFFFC000  }
0x54: {  	[tilespmem:s30], [sflag:$0x6] =	stream.indirect.gather [hbm4b:s1+s26], $0x80, s21, s26, $0xb8;
	[tilespmem:$0x1F380] =	vst v63  }
0x55: {  	_ =	swait.ge [sflag:s31], $0x4000  }
0x56: {  	[sflag:s31] =	ssyncset.done $0x0  }
0x57: {  	[sflag:s31] =	ssyncadd.s32 $0xFFFFC000  }
0x58: {  	v1 =	vld [tilespmem:$0x14000];
	_ =	sdelay $0x7  }
0x59: {  	[tilespmem:v1+s19+$0x0] =	vst.idx.add.f32.msk $0xffff, v0  }
0x5a: {  	v1 =	vld [tilespmem:$0x14010];
	_ =	sdelay $0x7  }
0x5b: {  	[tilespmem:v1+s19+$0x0] =	vst.idx.add.f32.msk $0xffff, v0  }
0x5c: {  	v1 =	vld [tilespmem:$0x14020];
	_ =	sdelay $0x7  }
0x5d: {  	[tilespmem:v1+s19+$0x0] =	vst.idx.add.f32.msk $0xffff, v0  }
0x5e: {  	v1 =	vld [tilespmem:$0x14030];
	_ =	sdelay $0x7  }
0x5f: {  	[tilespmem:v1+s19+$0x0] =	vst.idx.add.f32.msk $0xffff, v0  }
0x60: {  	v1 =	vld [tilespmem:$0x14040];
	_ =	sdelay $0x7  }
0x61: {  	[tilespmem:v1+s19+$0x0] =	vst.idx.add.f32.msk $0xffff, v0  }
0x62: {  	v1 =	vld [tilespmem:$0x14050];
	_ =	sdelay $0x7  }
0x63: {  	[tilespmem:v1+s19+$0x0] =	vst.idx.add.f32.msk $0xffff, v0  }
0x64: {  	v1 =	vld [tilespmem:$0x14060];
	_ =	sdelay $0x7  }
0x65: {  	[tilespmem:v1+s19+$0x0] =	vst.idx.add.f32.msk $0xffff, v0  }
0x66: {  	v1 =	vld [tilespmem:$0x14070];
	_ =	sdelay $0x7  }
0x67: {  	s9 =	simm.s32 $0x14000;
	[tilespmem:v1+s19+$0x0] =	vst.idx.add.f32.msk $0xffff, v0  }
0x68: {  	[spmem:s3] =	stream.indirect.scatter.add.f32 [tilespmem:s28], [sflag:$0x7], $0x80, s9, s26, $0xb8;
	[tilespmem:$0x1F380] =	vst v63  }
0x69: {  	_ =	swait.ge [sflag:s0], $0x4000  }
0x6a: {  	[sflag:s0] =	ssyncset.done $0x0  }
0x6b: {  	s10 =	simm.s32 $0x13D00;
	[sflag:s0] =	ssyncadd.s32 $0xFFFFC000  }
0x6c: {  	[tilespmem:s28], [sflag:$0x5] =	stream.indirect.gather [hbm4b:s1+s26], $0x80, s10, s26, $0xb8;
	[tilespmem:$0x1F380] =	vst v63  }
0x6d: {  	_ =	swait.ge [sflag:s5], $0x4000  }
0x6e: {  	[sflag:s5] =	ssyncset.done $0x0  }
0x6f: {  	[sflag:s5] =	ssyncadd.s32 $0xFFFFC000  }
0x70: {  	v1 =	vld [tilespmem:$0x14080];
	_ =	sdelay $0x7  }
0x71: {  	[tilespmem:v1+s19+$0x0] =	vst.idx.add.f32.msk $0xffff, v0  }
0x72: {  	v1 =	vld [tilespmem:$0x14090];
	_ =	sdelay $0x7  }
0x73: {  	[tilespmem:v1+s19+$0x0] =	vst.idx.add.f32.msk $0xffff, v0  }
0x74: {  	v1 =	vld [tilespmem:$0x140A0];
	_ =	sdelay $0x7  }
0x75: {  	[tilespmem:v1+s19+$0x0] =	vst.idx.add.f32.msk $0xffff, v0  }
0x76: {  	v1 =	vld [tilespmem:$0x140B0];
	_ =	sdelay $0x7  }
0x77: {  	[tilespmem:v1+s19+$0x0] =	vst.idx.add.f32.msk $0xffff, v0  }
0x78: {  	v1 =	vld [tilespmem:$0x140C0];
	_ =	sdelay $0x7  }
0x79: {  	[tilespmem:v1+s19+$0x0] =	vst.idx.add.f32.msk $0xffff, v0  }
0x7a: {  	v1 =	vld [tilespmem:$0x140D0];
	_ =	sdelay $0x7  }
0x7b: {  	[tilespmem:v1+s19+$0x0] =	vst.idx.add.f32.msk $0xffff, v0  }
0x7c: {  	v1 =	vld [tilespmem:$0x140E0];
	_ =	sdelay $0x7  }
0x7d: {  	[tilespmem:v1+s19+$0x0] =	vst.idx.add.f32.msk $0xffff, v0  }
0x7e: {  	v1 =	vld [tilespmem:$0x140F0];
	_ =	sdelay $0x7  }
0x7f: {  	s21 =	simm.s32 $0x14080;
	[tilespmem:v1+s19+$0x0] =	vst.idx.add.f32.msk $0xffff, v0  }
0x80: {  	[spmem:s3] =	stream.indirect.scatter.add.f32 [tilespmem:s30], [sflag:$0x8], $0x80, s21, s26, $0xb8;
	[tilespmem:$0x1F380] =	vst v63  }
0x81: {  	_ =	swait.ge [sflag:s8], $0x4000  }
0x82: {  	[sflag:s8] =	ssyncset.done $0x0  }
0x83: {  	s9 =	simm.s32 $0x13D80;
	[sflag:s8] =	ssyncadd.s32 $0xFFFFC000  }
0x84: {  	[tilespmem:s30], [sflag:$0x6] =	stream.indirect.gather [hbm4b:s1+s26], $0x80, s9, s26, $0xb8;
	[tilespmem:$0x1F380] =	vst v63  }
0x85: {  	_ =	swait.ge [sflag:s31], $0x4000  }
0x86: {  	[sflag:s31] =	ssyncset.done $0x0  }
0x87: {  	[sflag:s31] =	ssyncadd.s32 $0xFFFFC000  }
0x88: {  	v1 =	vld [tilespmem:$0x14100];
	_ =	sdelay $0x7  }
0x89: {  	[tilespmem:v1+s19+$0x0] =	vst.idx.add.f32.msk $0xffff, v0  }
0x8a: {  	v1 =	vld [tilespmem:$0x14110];
	_ =	sdelay $0x7  }
0x8b: {  	[tilespmem:v1+s19+$0x0] =	vst.idx.add.f32.msk $0xffff, v0  }
0x8c: {  	v1 =	vld [tilespmem:$0x14120];
	_ =	sdelay $0x7  }
0x8d: {  	[tilespmem:v1+s19+$0x0] =	vst.idx.add.f32.msk $0xffff, v0  }
0x8e: {  	v1 =	vld [tilespmem:$0x14130];
	_ =	sdelay $0x7  }
0x8f: {  	[tilespmem:v1+s19+$0x0] =	vst.idx.add.f32.msk $0xffff, v0  }
0x90: {  	v1 =	vld [tilespmem:$0x14140];
	_ =	sdelay $0x7  }
0x91: {  	[tilespmem:v1+s19+$0x0] =	vst.idx.add.f32.msk $0xffff, v0  }
0x92: {  	v1 =	vld [tilespmem:$0x14150];
	_ =	sdelay $0x7  }
0x93: {  	[tilespmem:v1+s19+$0x0] =	vst.idx.add.f32.msk $0xffff, v0  }
0x94: {  	v1 =	vld [tilespmem:$0x14160];
	_ =	sdelay $0x7  }
0x95: {  	[tilespmem:v1+s19+$0x0] =	vst.idx.add.f32.msk $0xffff, v0  }
0x96: {  	v1 =	vld [tilespmem:$0x14170];
	_ =	sdelay $0x7  }
0x97: {  	s10 =	simm.s32 $0x14100;
	[tilespmem:v1+s19+$0x0] =	vst.idx.add.f32.msk $0xffff, v0  }
0x98: {  	[spmem:s3] =	stream.indirect.scatter.add.f32 [tilespmem:s28], [sflag:$0x7], $0x80, s10, s26, $0xb8;
	[tilespmem:$0x1F380] =	vst v63  }
0x99: {  	_ =	swait.ge [sflag:s0], $0x4000  }
0x9a: {  	[sflag:s0] =	ssyncset.done $0x0  }
0x9b: {  	s21 =	simm.s32 $0x13E00;
	[sflag:s0] =	ssyncadd.s32 $0xFFFFC000  }
0x9c: {  	[tilespmem:s28], [sflag:$0x5] =	stream.indirect.gather [hbm4b:s1+s26], $0x80, s21, s26, $0xb8;
	[tilespmem:$0x1F380] =	vst v63  }
0x9d: {  	_ =	swait.ge [sflag:s5], $0x4000  }
0x9e: {  	[sflag:s5] =	ssyncset.done $0x0  }
0x9f: {  	[sflag:s5] =	ssyncadd.s32 $0xFFFFC000  }
0xa0: {  	v1 =	vld [tilespmem:$0x14180];
	_ =	sdelay $0x7  }
0xa1: {  	[tilespmem:v1+s19+$0x0] =	vst.idx.add.f32.msk $0xffff, v0  }
0xa2: {  	v1 =	vld [tilespmem:$0x14190];
	_ =	sdelay $0x7  }
0xa3: {  	[tilespmem:v1+s19+$0x0] =	vst.idx.add.f32.msk $0xffff, v0  }
0xa4: {  	v1 =	vld [tilespmem:$0x141A0];
	_ =	sdelay $0x7  }
0xa5: {  	[tilespmem:v1+s19+$0x0] =	vst.idx.add.f32.msk $0xffff, v0  }
0xa6: {  	v1 =	vld [tilespmem:$0x141B0];
	_ =	sdelay $0x7  }
0xa7: {  	[tilespmem:v1+s19+$0x0] =	vst.idx.add.f32.msk $0xffff, v0  }
0xa8: {  	v1 =	vld [tilespmem:$0x141C0];
	_ =	sdelay $0x7  }
0xa9: {  	[tilespmem:v1+s19+$0x0] =	vst.idx.add.f32.msk $0xffff, v0  }
0xaa: {  	v1 =	vld [tilespmem:$0x141D0];
	_ =	sdelay $0x7  }
0xab: {  	[tilespmem:v1+s19+$0x0] =	vst.idx.add.f32.msk $0xffff, v0  }
0xac: {  	v1 =	vld [tilespmem:$0x141E0];
	_ =	sdelay $0x7  }
0xad: {  	[tilespmem:v1+s19+$0x0] =	vst.idx.add.f32.msk $0xffff, v0  }
0xae: {  	v1 =	vld [tilespmem:$0x141F0];
	_ =	sdelay $0x7  }
0xaf: {  	s9 =	simm.s32 $0x14180;
	[tilespmem:v1+s19+$0x0] =	vst.idx.add.f32.msk $0xffff, v0  }
0xb0: {  	[spmem:s3] =	stream.indirect.scatter.add.f32 [tilespmem:s30], [sflag:$0x8], $0x80, s9, s26, $0xb8;
	[tilespmem:$0x1F380] =	vst v63  }
0xb1: {  	_ =	swait.ge [sflag:s8], $0x4000  }
0xb2: {  	[sflag:s8] =	ssyncset.done $0x0  }
0xb3: {  	s10 =	simm.s32 $0x13E80;
	[sflag:s8] =	ssyncadd.s32 $0xFFFFC000  }
0xb4: {  	[tilespmem:s30], [sflag:$0x6] =	stream.indirect.gather [hbm4b:s1+s26], $0x80, s10, s26, $0xb8;
	[tilespmem:$0x1F380] =	vst v63  }
0xb5: {  	_ =	swait.ge [sflag:s31], $0x4000  }
0xb6: {  	[sflag:s31] =	ssyncset.done $0x0  }
0xb7: {  	[sflag:s31] =	ssyncadd.s32 $0xFFFFC000  }
0xb8: {  	v1 =	vld [tilespmem:$0x14200];
	_ =	sdelay $0x7  }
0xb9: {  	[tilespmem:v1+s19+$0x0] =	vst.idx.add.f32.msk $0xffff, v0  }
0xba: {  	v1 =	vld [tilespmem:$0x14210];
	_ =	sdelay $0x7  }
0xbb: {  	[tilespmem:v1+s19+$0x0] =	vst.idx.add.f32.msk $0xffff, v0  }
0xbc: {  	v1 =	vld [tilespmem:$0x14220];
	_ =	sdelay $0x7  }
0xbd: {  	[tilespmem:v1+s19+$0x0] =	vst.idx.add.f32.msk $0xffff, v0  }
0xbe: {  	v1 =	vld [tilespmem:$0x14230];
	_ =	sdelay $0x7  }
0xbf: {  	[tilespmem:v1+s19+$0x0] =	vst.idx.add.f32.msk $0xffff, v0  }
0xc0: {  	v1 =	vld [tilespmem:$0x14240];
	_ =	sdelay $0x7  }
0xc1: {  	[tilespmem:v1+s19+$0x0] =	vst.idx.add.f32.msk $0xffff, v0  }
0xc2: {  	v1 =	vld [tilespmem:$0x14250];
	_ =	sdelay $0x7  }
0xc3: {  	[tilespmem:v1+s19+$0x0] =	vst.idx.add.f32.msk $0xffff, v0  }
0xc4: {  	v1 =	vld [tilespmem:$0x14260];
	_ =	sdelay $0x7  }
0xc5: {  	[tilespmem:v1+s19+$0x0] =	vst.idx.add.f32.msk $0xffff, v0  }
0xc6: {  	v1 =	vld [tilespmem:$0x14270];
	_ =	sdelay $0x7  }
0xc7: {  	s21 =	simm.s32 $0x14200;
	[tilespmem:v1+s19+$0x0] =	vst.idx.add.f32.msk $0xffff, v0  }
0xc8: {  	[spmem:s3] =	stream.indirect.scatter.add.f32 [tilespmem:s28], [sflag:$0x7], $0x80, s21, s26, $0xb8;
	[tilespmem:$0x1F380] =	vst v63  }
0xc9: {  	_ =	swait.ge [sflag:s0], $0x4000  }
0xca: {  	[sflag:s0] =	ssyncset.done $0x0  }
0xcb: {  	s9 =	simm.s32 $0x13F00;
	[sflag:s0] =	ssyncadd.s32 $0xFFFFC000  }
0xcc: {  	[tilespmem:s28], [sflag:$0x5] =	stream.indirect.gather [hbm4b:s1+s26], $0x80, s9, s26, $0xb8;
	[tilespmem:$0x1F380] =	vst v63  }
0xcd: {  	_ =	swait.ge [sflag:s5], $0x4000  }
0xce: {  	[sflag:s5] =	ssyncset.done $0x0  }
0xcf: {  	[sflag:s5] =	ssyncadd.s32 $0xFFFFC000  }
0xd0: {  	v1 =	vld [tilespmem:$0x14280];
	_ =	sdelay $0x7  }
0xd1: {  	[tilespmem:v1+s19+$0x0] =	vst.idx.add.f32.msk $0xffff, v0  }
0xd2: {  	v1 =	vld [tilespmem:$0x14290];
	_ =	sdelay $0x7  }
0xd3: {  	[tilespmem:v1+s19+$0x0] =	vst.idx.add.f32.msk $0xffff, v0  }
0xd4: {  	v1 =	vld [tilespmem:$0x142A0];
	_ =	sdelay $0x7  }
0xd5: {  	[tilespmem:v1+s19+$0x0] =	vst.idx.add.f32.msk $0xffff, v0  }
0xd6: {  	v1 =	vld [tilespmem:$0x142B0];
	_ =	sdelay $0x7  }
0xd7: {  	[tilespmem:v1+s19+$0x0] =	vst.idx.add.f32.msk $0xffff, v0  }
0xd8: {  	v1 =	vld [tilespmem:$0x142C0];
	_ =	sdelay $0x7  }
0xd9: {  	[tilespmem:v1+s19+$0x0] =	vst.idx.add.f32.msk $0xffff, v0  }
0xda: {  	v1 =	vld [tilespmem:$0x142D0];
	_ =	sdelay $0x7  }
0xdb: {  	[tilespmem:v1+s19+$0x0] =	vst.idx.add.f32.msk $0xffff, v0  }
0xdc: {  	v1 =	vld [tilespmem:$0x142E0];
	_ =	sdelay $0x7  }
0xdd: {  	[tilespmem:v1+s19+$0x0] =	vst.idx.add.f32.msk $0xffff, v0  }
0xde: {  	v1 =	vld [tilespmem:$0x142F0];
	_ =	sdelay $0x7  }
0xdf: {  	s10 =	simm.s32 $0x14280;
	[tilespmem:v1+s19+$0x0] =	vst.idx.add.f32.msk $0xffff, v0  }
0xe0: {  	[spmem:s3] =	stream.indirect.scatter.add.f32 [tilespmem:s30], [sflag:$0x8], $0x80, s10, s26, $0xb8;
	[tilespmem:$0x1F380] =	vst v63  }
0xe1: {  	_ =	swait.ge [sflag:s8], $0x4000  }
0xe2: {  	[sflag:s8] =	ssyncset.done $0x0  }
0xe3: {  	s21 =	simm.s32 $0x13F80;
	[sflag:s8] =	ssyncadd.s32 $0xFFFFC000  }
0xe4: {  	[tilespmem:s30], [sflag:$0x6] =	stream.indirect.gather [hbm4b:s1+s26], $0x80, s21, s26, $0xb8;
	[tilespmem:$0x1F380] =	vst v63  }
0xe5: {  	_ =	swait.ge [sflag:s31], $0x4000  }
0xe6: {  	[sflag:s31] =	ssyncset.done $0x0  }
0xe7: {  	[sflag:s31] =	ssyncadd.s32 $0xFFFFC000  }
0xe8: {  	v1 =	vld [tilespmem:$0x14300];
	_ =	sdelay $0x7  }
0xe9: {  	[tilespmem:v1+s19+$0x0] =	vst.idx.add.f32.msk $0xffff, v0  }
0xea: {  	v1 =	vld [tilespmem:$0x14310];
	_ =	sdelay $0x7  }
0xeb: {  	[tilespmem:v1+s19+$0x0] =	vst.idx.add.f32.msk $0xffff, v0  }
0xec: {  	v1 =	vld [tilespmem:$0x14320];
	_ =	sdelay $0x7  }
0xed: {  	[tilespmem:v1+s19+$0x0] =	vst.idx.add.f32.msk $0xffff, v0  }
0xee: {  	v1 =	vld [tilespmem:$0x14330];
	_ =	sdelay $0x7  }
0xef: {  	[tilespmem:v1+s19+$0x0] =	vst.idx.add.f32.msk $0xffff, v0  }
0xf0: {  	v1 =	vld [tilespmem:$0x14340];
	_ =	sdelay $0x7  }
0xf1: {  	[tilespmem:v1+s19+$0x0] =	vst.idx.add.f32.msk $0xffff, v0  }
0xf2: {  	v1 =	vld [tilespmem:$0x14350];
	_ =	sdelay $0x7  }
0xf3: {  	[tilespmem:v1+s19+$0x0] =	vst.idx.add.f32.msk $0xffff, v0  }
0xf4: {  	v1 =	vld [tilespmem:$0x14360];
	_ =	sdelay $0x7  }
0xf5: {  	[tilespmem:v1+s19+$0x0] =	vst.idx.add.f32.msk $0xffff, v0  }
0xf6: {  	v1 =	vld [tilespmem:$0x14370];
	_ =	sdelay $0x7  }
0xf7: {  	s9 =	simm.s32 $0x14300;
	[tilespmem:v1+s19+$0x0] =	vst.idx.add.f32.msk $0xffff, v0  }
0xf8: {  	[spmem:s3] =	stream.indirect.scatter.add.f32 [tilespmem:s28], [sflag:$0x7], $0x80, s9, s26, $0xb8;
	[tilespmem:$0x1F380] =	vst v63  }
0xf9: {  	_ =	swait.ge [sflag:s0], $0x4000  }
0xfa: {  	[sflag:s0] =	ssyncset.done $0x0  }
0xfb: {  	[sflag:s0] =	ssyncadd.s32 $0xFFFFC000  }
0xfc: {  	_ =	swait.ge [sflag:s17], $0x400  }
0xfd: {  	[sflag:s17] =	ssyncset.done $0x0  }
0xfe: {  	[sflag:s17] =	ssyncadd.s32 $0xFFFFFC00  }
0xff: {  	_ =	swait.ge [sflag:s18], $0x400  }
0x100: {  	[sflag:s18] =	ssyncset.done $0x0  }
0x101: {  	[sflag:s18] =	ssyncadd.s32 $0xFFFFFC00  }
0x102: {  	[tilespmem:s28], [sflag:$0x5] =	stream.indirect.gather [hbm4b:s1+s26], $0x80, s24, s26, $0xb8;
	[tilespmem:$0x1F380] =	vst v63  }
0x103: {  	_ =	swait.ge [sflag:s5], $0x4000  }
0x104: {  	[sflag:s5] =	ssyncset.done $0x0  }
0x105: {  	[sflag:s5] =	ssyncadd.s32 $0xFFFFC000  }
0x106: {  	v1 =	vld [tilespmem:$0x14380];
	_ =	sdelay $0x7  }
0x107: {  	[tilespmem:v1+s19+$0x0] =	vst.idx.add.f32.msk $0xffff, v0  }
0x108: {  	v1 =	vld [tilespmem:$0x14390];
	_ =	sdelay $0x7  }
0x109: {  	[tilespmem:v1+s19+$0x0] =	vst.idx.add.f32.msk $0xffff, v0  }
0x10a: {  	v1 =	vld [tilespmem:$0x143A0];
	_ =	sdelay $0x7  }
0x10b: {  	[tilespmem:v1+s19+$0x0] =	vst.idx.add.f32.msk $0xffff, v0  }
0x10c: {  	v1 =	vld [tilespmem:$0x143B0];
	_ =	sdelay $0x7  }
0x10d: {  	[tilespmem:v1+s19+$0x0] =	vst.idx.add.f32.msk $0xffff, v0  }
0x10e: {  	v1 =	vld [tilespmem:$0x143C0];
	_ =	sdelay $0x7  }
0x10f: {  	[tilespmem:v1+s19+$0x0] =	vst.idx.add.f32.msk $0xffff, v0  }
0x110: {  	v1 =	vld [tilespmem:$0x143D0];
	_ =	sdelay $0x7  }
0x111: {  	[tilespmem:v1+s19+$0x0] =	vst.idx.add.f32.msk $0xffff, v0  }
0x112: {  	v1 =	vld [tilespmem:$0x143E0];
	_ =	sdelay $0x7  }
0x113: {  	[tilespmem:v1+s19+$0x0] =	vst.idx.add.f32.msk $0xffff, v0  }
0x114: {  	v1 =	vld [tilespmem:$0x143F0];
	_ =	sdelay $0x6  }
0x115: {  	p0 =	seq.s32 s2, $0x400  }
0x116: {  	s6 =	sadd.s32 @!p0 s2, s15;
	s10 =	simm.s32 $0x14380;
	[tilespmem:v1+s19+$0x0] =	vst.idx.add.f32.msk $0xffff, v0  }
0x117: {  	[spmem:s3] =	stream.indirect.scatter.add.f32 [tilespmem:s30], [sflag:$0x8], $0x80, s10, s26, $0xb8;
	[tilespmem:$0x1F380] =	vst v63  }
0x118: {  	s9 =	sadd.s32 @!p0 $0x100, s6;
	s6 =	simm.s32 @!p0 $0x13C00;
	s10 =	simm.s32 @!p0 $0x0  }
0x119: {  	[tilespmem:s6], [sflag:$0x1] =	stream.linear.gather @!p0 [hbm4b:s9+s10], $0x400, $0x38;
	[tilespmem:$0x1F380] =	vst v63  }
0x11a: {  	s9 =	sadd.s32 @!p0 s2, s16  }
0x11b: {  	s21 =	simm.s32 @!p0 $0x14000;
	s9 =	sadd.s32 @!p0 $0x100, s9  }
0x11c: {  	[tilespmem:s21], [sflag:$0x2] =	stream.linear.gather @!p0 [hbm4b:s9+s10], $0x400, $0x38;
	[tilespmem:$0x1F380] =	vst v63  }
0x11d: {  	_ =	swait.ge [sflag:s8], $0x4000  }
0x11e: {  	[sflag:s8] =	ssyncset.done $0x0  }
0x11f: {  	s21 =	simm.s32 $0x14480;
	[sflag:s8] =	ssyncadd.s32 $0xFFFFC000  }
0x120: {  	[tilespmem:s30], [sflag:$0x6] =	stream.indirect.gather [hbm4b:s1+s26], $0x80, s21, s26, $0xb8;
	[tilespmem:$0x1F380] =	vst v63  }
0x121: {  	_ =	swait.ge [sflag:s31], $0x4000  }
0x122: {  	[sflag:s31] =	ssyncset.done $0x0  }
0x123: {  	[sflag:s31] =	ssyncadd.s32 $0xFFFFC000  }
0x124: {  	v1 =	vld [tilespmem:$0x14800];
	_ =	sdelay $0x7  }
0x125: {  	[tilespmem:v1+s19+$0x0] =	vst.idx.add.f32.msk $0xffff, v0  }
0x126: {  	v1 =	vld [tilespmem:$0x14810];
	_ =	sdelay $0x7  }
0x127: {  	[tilespmem:v1+s19+$0x0] =	vst.idx.add.f32.msk $0xffff, v0  }
0x128: {  	v1 =	vld [tilespmem:$0x14820];
	_ =	sdelay $0x7  }
0x129: {  	[tilespmem:v1+s19+$0x0] =	vst.idx.add.f32.msk $0xffff, v0  }
0x12a: {  	v1 =	vld [tilespmem:$0x14830];
	_ =	sdelay $0x7  }
0x12b: {  	[tilespmem:v1+s19+$0x0] =	vst.idx.add.f32.msk $0xffff, v0  }
0x12c: {  	v1 =	vld [tilespmem:$0x14840];
	_ =	sdelay $0x7  }
0x12d: {  	[tilespmem:v1+s19+$0x0] =	vst.idx.add.f32.msk $0xffff, v0  }
0x12e: {  	v1 =	vld [tilespmem:$0x14850];
	_ =	sdelay $0x7  }
0x12f: {  	[tilespmem:v1+s19+$0x0] =	vst.idx.add.f32.msk $0xffff, v0  }
0x130: {  	v1 =	vld [tilespmem:$0x14860];
	_ =	sdelay $0x7  }
0x131: {  	[tilespmem:v1+s19+$0x0] =	vst.idx.add.f32.msk $0xffff, v0  }
0x132: {  	v1 =	vld [tilespmem:$0x14870];
	_ =	sdelay $0x7  }
0x133: {  	[tilespmem:v1+s19+$0x0] =	vst.idx.add.f32.msk $0xffff, v0  }
0x134: {  	[spmem:s3] =	stream.indirect.scatter.add.f32 [tilespmem:s28], [sflag:$0x7], $0x80, s25, s26, $0xb8;
	[tilespmem:$0x1F380] =	vst v63  }
0x135: {  	_ =	swait.ge [sflag:s0], $0x4000  }
0x136: {  	[sflag:s0] =	ssyncset.done $0x0  }
0x137: {  	s10 =	simm.s32 $0x14500;
	[sflag:s0] =	ssyncadd.s32 $0xFFFFC000  }
0x138: {  	[tilespmem:s28], [sflag:$0x5] =	stream.indirect.gather [hbm4b:s1+s26], $0x80, s10, s26, $0xb8;
	[tilespmem:$0x1F380] =	vst v63  }
0x139: {  	_ =	swait.ge [sflag:s5], $0x4000  }
0x13a: {  	[sflag:s5] =	ssyncset.done $0x0  }
0x13b: {  	[sflag:s5] =	ssyncadd.s32 $0xFFFFC000  }
0x13c: {  	v1 =	vld [tilespmem:$0x14880];
	_ =	sdelay $0x7  }
0x13d: {  	[tilespmem:v1+s19+$0x0] =	vst.idx.add.f32.msk $0xffff, v0  }
0x13e: {  	v1 =	vld [tilespmem:$0x14890];
	_ =	sdelay $0x7  }
0x13f: {  	[tilespmem:v1+s19+$0x0] =	vst.idx.add.f32.msk $0xffff, v0  }
0x140: {  	v1 =	vld [tilespmem:$0x148A0];
	_ =	sdelay $0x7  }
0x141: {  	[tilespmem:v1+s19+$0x0] =	vst.idx.add.f32.msk $0xffff, v0  }
0x142: {  	v1 =	vld [tilespmem:$0x148B0];
	_ =	sdelay $0x7  }
0x143: {  	[tilespmem:v1+s19+$0x0] =	vst.idx.add.f32.msk $0xffff, v0  }
0x144: {  	v1 =	vld [tilespmem:$0x148C0];
	_ =	sdelay $0x7  }
0x145: {  	[tilespmem:v1+s19+$0x0] =	vst.idx.add.f32.msk $0xffff, v0  }
0x146: {  	v1 =	vld [tilespmem:$0x148D0];
	_ =	sdelay $0x7  }
0x147: {  	[tilespmem:v1+s19+$0x0] =	vst.idx.add.f32.msk $0xffff, v0  }
0x148: {  	v1 =	vld [tilespmem:$0x148E0];
	_ =	sdelay $0x7  }
0x149: {  	[tilespmem:v1+s19+$0x0] =	vst.idx.add.f32.msk $0xffff, v0  }
0x14a: {  	v1 =	vld [tilespmem:$0x148F0];
	_ =	sdelay $0x7  }
0x14b: {  	s21 =	simm.s32 $0x14880;
	[tilespmem:v1+s19+$0x0] =	vst.idx.add.f32.msk $0xffff, v0  }
0x14c: {  	[spmem:s3] =	stream.indirect.scatter.add.f32 [tilespmem:s30], [sflag:$0x8], $0x80, s21, s26, $0xb8;
	[tilespmem:$0x1F380] =	vst v63  }
0x14d: {  	_ =	swait.ge [sflag:s8], $0x4000  }
0x14e: {  	[sflag:s8] =	ssyncset.done $0x0  }
0x14f: {  	s10 =	simm.s32 $0x14580;
	[sflag:s8] =	ssyncadd.s32 $0xFFFFC000  }
0x150: {  	[tilespmem:s30], [sflag:$0x6] =	stream.indirect.gather [hbm4b:s1+s26], $0x80, s10, s26, $0xb8;
	[tilespmem:$0x1F380] =	vst v63  }
0x151: {  	_ =	swait.ge [sflag:s31], $0x4000  }
0x152: {  	[sflag:s31] =	ssyncset.done $0x0  }
0x153: {  	[sflag:s31] =	ssyncadd.s32 $0xFFFFC000  }
0x154: {  	v1 =	vld [tilespmem:$0x14900];
	_ =	sdelay $0x7  }
0x155: {  	[tilespmem:v1+s19+$0x0] =	vst.idx.add.f32.msk $0xffff, v0  }
0x156: {  	v1 =	vld [tilespmem:$0x14910];
	_ =	sdelay $0x7  }
0x157: {  	[tilespmem:v1+s19+$0x0] =	vst.idx.add.f32.msk $0xffff, v0  }
0x158: {  	v1 =	vld [tilespmem:$0x14920];
	_ =	sdelay $0x7  }
0x159: {  	[tilespmem:v1+s19+$0x0] =	vst.idx.add.f32.msk $0xffff, v0  }
0x15a: {  	v1 =	vld [tilespmem:$0x14930];
	_ =	sdelay $0x7  }
0x15b: {  	[tilespmem:v1+s19+$0x0] =	vst.idx.add.f32.msk $0xffff, v0  }
0x15c: {  	v1 =	vld [tilespmem:$0x14940];
	_ =	sdelay $0x7  }
0x15d: {  	[tilespmem:v1+s19+$0x0] =	vst.idx.add.f32.msk $0xffff, v0  }
0x15e: {  	v1 =	vld [tilespmem:$0x14950];
	_ =	sdelay $0x7  }
0x15f: {  	[tilespmem:v1+s19+$0x0] =	vst.idx.add.f32.msk $0xffff, v0  }
0x160: {  	v1 =	vld [tilespmem:$0x14960];
	_ =	sdelay $0x7  }
0x161: {  	[tilespmem:v1+s19+$0x0] =	vst.idx.add.f32.msk $0xffff, v0  }
0x162: {  	v1 =	vld [tilespmem:$0x14970];
	_ =	sdelay $0x7  }
0x163: {  	s21 =	simm.s32 $0x14900;
	[tilespmem:v1+s19+$0x0] =	vst.idx.add.f32.msk $0xffff, v0  }
0x164: {  	[spmem:s3] =	stream.indirect.scatter.add.f32 [tilespmem:s28], [sflag:$0x7], $0x80, s21, s26, $0xb8;
	[tilespmem:$0x1F380] =	vst v63  }
0x165: {  	_ =	swait.ge [sflag:s0], $0x4000  }
0x166: {  	[sflag:s0] =	ssyncset.done $0x0  }
0x167: {  	[sflag:s0] =	ssyncadd.s32 $0xFFFFC000  }
0x168: {  	[tilespmem:s28], [sflag:$0x5] =	stream.indirect.gather [hbm4b:s1+s26], $0x80, s11, s26, $0xb8;
	[tilespmem:$0x1F380] =	vst v63  }
0x169: {  	_ =	swait.ge [sflag:s5], $0x4000  }
0x16a: {  	[sflag:s5] =	ssyncset.done $0x0  }
0x16b: {  	[sflag:s5] =	ssyncadd.s32 $0xFFFFC000  }
0x16c: {  	v1 =	vld [tilespmem:$0x14980];
	_ =	sdelay $0x7  }
0x16d: {  	[tilespmem:v1+s19+$0x0] =	vst.idx.add.f32.msk $0xffff, v0  }
0x16e: {  	v1 =	vld [tilespmem:$0x14990];
	_ =	sdelay $0x7  }
0x16f: {  	[tilespmem:v1+s19+$0x0] =	vst.idx.add.f32.msk $0xffff, v0  }
0x170: {  	v1 =	vld [tilespmem:$0x149A0];
	_ =	sdelay $0x7  }
0x171: {  	[tilespmem:v1+s19+$0x0] =	vst.idx.add.f32.msk $0xffff, v0  }
0x172: {  	v1 =	vld [tilespmem:$0x149B0];
	_ =	sdelay $0x7  }
0x173: {  	[tilespmem:v1+s19+$0x0] =	vst.idx.add.f32.msk $0xffff, v0  }
0x174: {  	v1 =	vld [tilespmem:$0x149C0];
	_ =	sdelay $0x7  }
0x175: {  	[tilespmem:v1+s19+$0x0] =	vst.idx.add.f32.msk $0xffff, v0  }
0x176: {  	v1 =	vld [tilespmem:$0x149D0];
	_ =	sdelay $0x7  }
0x177: {  	[tilespmem:v1+s19+$0x0] =	vst.idx.add.f32.msk $0xffff, v0  }
0x178: {  	v1 =	vld [tilespmem:$0x149E0];
	_ =	sdelay $0x7  }
0x179: {  	[tilespmem:v1+s19+$0x0] =	vst.idx.add.f32.msk $0xffff, v0  }
0x17a: {  	v1 =	vld [tilespmem:$0x149F0];
	_ =	sdelay $0x7  }
0x17b: {  	[tilespmem:v1+s19+$0x0] =	vst.idx.add.f32.msk $0xffff, v0  }
0x17c: {  	[spmem:s3] =	stream.indirect.scatter.add.f32 [tilespmem:s30], [sflag:$0x8], $0x80, s12, s26, $0xb8;
	[tilespmem:$0x1F380] =	vst v63  }
0x17d: {  	_ =	swait.ge [sflag:s8], $0x4000  }
0x17e: {  	[sflag:s8] =	ssyncset.done $0x0  }
0x17f: {  	[sflag:s8] =	ssyncadd.s32 $0xFFFFC000  }
0x180: {  	[tilespmem:s30], [sflag:$0x6] =	stream.indirect.gather [hbm4b:s1+s26], $0x80, s13, s26, $0xb8;
	[tilespmem:$0x1F380] =	vst v63  }
0x181: {  	_ =	swait.ge [sflag:s31], $0x4000  }
0x182: {  	[sflag:s31] =	ssyncset.done $0x0  }
0x183: {  	[sflag:s31] =	ssyncadd.s32 $0xFFFFC000  }
0x184: {  	v1 =	vld [tilespmem:$0x14A00];
	_ =	sdelay $0x7  }
0x185: {  	[tilespmem:v1+s19+$0x0] =	vst.idx.add.f32.msk $0xffff, v0  }
0x186: {  	v1 =	vld [tilespmem:$0x14A10];
	_ =	sdelay $0x7  }
0x187: {  	[tilespmem:v1+s19+$0x0] =	vst.idx.add.f32.msk $0xffff, v0  }
0x188: {  	v1 =	vld [tilespmem:$0x14A20];
	_ =	sdelay $0x7  }
0x189: {  	[tilespmem:v1+s19+$0x0] =	vst.idx.add.f32.msk $0xffff, v0  }
0x18a: {  	v1 =	vld [tilespmem:$0x14A30];
	_ =	sdelay $0x7  }
0x18b: {  	[tilespmem:v1+s19+$0x0] =	vst.idx.add.f32.msk $0xffff, v0  }
0x18c: {  	v1 =	vld [tilespmem:$0x14A40];
	_ =	sdelay $0x7  }
0x18d: {  	[tilespmem:v1+s19+$0x0] =	vst.idx.add.f32.msk $0xffff, v0  }
0x18e: {  	v1 =	vld [tilespmem:$0x14A50];
	_ =	sdelay $0x7  }
0x18f: {  	[tilespmem:v1+s19+$0x0] =	vst.idx.add.f32.msk $0xffff, v0  }
0x190: {  	v1 =	vld [tilespmem:$0x14A60];
	_ =	sdelay $0x7  }
0x191: {  	[tilespmem:v1+s19+$0x0] =	vst.idx.add.f32.msk $0xffff, v0  }
0x192: {  	v1 =	vld [tilespmem:$0x14A70];
	_ =	sdelay $0x7  }
0x193: {  	[tilespmem:v1+s19+$0x0] =	vst.idx.add.f32.msk $0xffff, v0  }
0x194: {  	[spmem:s3] =	stream.indirect.scatter.add.f32 [tilespmem:s28], [sflag:$0x7], $0x80, s20, s26, $0xb8;
	[tilespmem:$0x1F380] =	vst v63  }
0x195: {  	_ =	swait.ge [sflag:s0], $0x4000  }
0x196: {  	[sflag:s0] =	ssyncset.done $0x0  }
0x197: {  	[sflag:s0] =	ssyncadd.s32 $0xFFFFC000  }
0x198: {  	[tilespmem:s28], [sflag:$0x5] =	stream.indirect.gather [hbm4b:s1+s26], $0x80, s14, s26, $0xb8;
	[tilespmem:$0x1F380] =	vst v63  }
0x199: {  	_ =	swait.ge [sflag:s5], $0x4000  }
0x19a: {  	[sflag:s5] =	ssyncset.done $0x0  }
0x19b: {  	[sflag:s5] =	ssyncadd.s32 $0xFFFFC000  }
0x19c: {  	v1 =	vld [tilespmem:$0x14A80];
	_ =	sdelay $0x7  }
0x19d: {  	[tilespmem:v1+s19+$0x0] =	vst.idx.add.f32.msk $0xffff, v0  }
0x19e: {  	v1 =	vld [tilespmem:$0x14A90];
	_ =	sdelay $0x7  }
0x19f: {  	[tilespmem:v1+s19+$0x0] =	vst.idx.add.f32.msk $0xffff, v0  }
0x1a0: {  	v1 =	vld [tilespmem:$0x14AA0];
	_ =	sdelay $0x7  }
0x1a1: {  	[tilespmem:v1+s19+$0x0] =	vst.idx.add.f32.msk $0xffff, v0  }
0x1a2: {  	v1 =	vld [tilespmem:$0x14AB0];
	_ =	sdelay $0x7  }
0x1a3: {  	[tilespmem:v1+s19+$0x0] =	vst.idx.add.f32.msk $0xffff, v0  }
0x1a4: {  	v1 =	vld [tilespmem:$0x14AC0];
	_ =	sdelay $0x7  }
0x1a5: {  	[tilespmem:v1+s19+$0x0] =	vst.idx.add.f32.msk $0xffff, v0  }
0x1a6: {  	v1 =	vld [tilespmem:$0x14AD0];
	_ =	sdelay $0x7  }
0x1a7: {  	[tilespmem:v1+s19+$0x0] =	vst.idx.add.f32.msk $0xffff, v0  }
0x1a8: {  	v1 =	vld [tilespmem:$0x14AE0];
	_ =	sdelay $0x7  }
0x1a9: {  	[tilespmem:v1+s19+$0x0] =	vst.idx.add.f32.msk $0xffff, v0  }
0x1aa: {  	v1 =	vld [tilespmem:$0x14AF0];
	_ =	sdelay $0x7  }
0x1ab: {  	[tilespmem:v1+s19+$0x0] =	vst.idx.add.f32.msk $0xffff, v0  }
0x1ac: {  	[spmem:s3] =	stream.indirect.scatter.add.f32 [tilespmem:s30], [sflag:$0x8], $0x80, s22, s26, $0xb8;
	[tilespmem:$0x1F380] =	vst v63  }
0x1ad: {  	_ =	swait.ge [sflag:s8], $0x4000  }
0x1ae: {  	[sflag:s8] =	ssyncset.done $0x0  }
0x1af: {  	[sflag:s8] =	ssyncadd.s32 $0xFFFFC000  }
0x1b0: {  	[tilespmem:s30], [sflag:$0x6] =	stream.indirect.gather [hbm4b:s1+s26], $0x80, s23, s26, $0xb8;
	[tilespmem:$0x1F380] =	vst v63  }
0x1b1: {  	_ =	swait.ge [sflag:s31], $0x4000  }
0x1b2: {  	[sflag:s31] =	ssyncset.done $0x0  }
0x1b3: {  	[sflag:s31] =	ssyncadd.s32 $0xFFFFC000  }
0x1b4: {  	v1 =	vld [tilespmem:$0x14B00];
	_ =	sdelay $0x7  }
0x1b5: {  	[tilespmem:v1+s19+$0x0] =	vst.idx.add.f32.msk $0xffff, v0  }
0x1b6: {  	v1 =	vld [tilespmem:$0x14B10];
	_ =	sdelay $0x7  }
0x1b7: {  	[tilespmem:v1+s19+$0x0] =	vst.idx.add.f32.msk $0xffff, v0  }
0x1b8: {  	v1 =	vld [tilespmem:$0x14B20];
	_ =	sdelay $0x7  }
0x1b9: {  	[tilespmem:v1+s19+$0x0] =	vst.idx.add.f32.msk $0xffff, v0  }
0x1ba: {  	v1 =	vld [tilespmem:$0x14B30];
	_ =	sdelay $0x7  }
0x1bb: {  	[tilespmem:v1+s19+$0x0] =	vst.idx.add.f32.msk $0xffff, v0  }
0x1bc: {  	v1 =	vld [tilespmem:$0x14B40];
	_ =	sdelay $0x7  }
0x1bd: {  	[tilespmem:v1+s19+$0x0] =	vst.idx.add.f32.msk $0xffff, v0  }
0x1be: {  	v1 =	vld [tilespmem:$0x14B50];
	_ =	sdelay $0x7  }
0x1bf: {  	[tilespmem:v1+s19+$0x0] =	vst.idx.add.f32.msk $0xffff, v0  }
0x1c0: {  	v1 =	vld [tilespmem:$0x14B60];
	_ =	sdelay $0x7  }
0x1c1: {  	[tilespmem:v1+s19+$0x0] =	vst.idx.add.f32.msk $0xffff, v0  }
0x1c2: {  	v1 =	vld [tilespmem:$0x14B70];
	_ =	sdelay $0x7  }
0x1c3: {  	[tilespmem:v1+s19+$0x0] =	vst.idx.add.f32.msk $0xffff, v0  }
0x1c4: {  	[spmem:s3] =	stream.indirect.scatter.add.f32 [tilespmem:s28], [sflag:$0x7], $0x80, s7, s26, $0xb8;
	[tilespmem:$0x1F380] =	vst v63  }
0x1c5: {  	_ =	swait.ge [sflag:s0], $0x4000  }
0x1c6: {  	[sflag:s0] =	ssyncset.done $0x0  }
0x1c7: {  	s9 =	simm.s32 @!p0 $0x1;
	[sflag:s0] =	ssyncadd.s32 $0xFFFFC000  }
0x1c8: {  	_ =	swait.ge @!p0 [sflag:s9], $0x400  }
0x1c9: {  	[sflag:s9] =	ssyncset.done @!p0 $0x0  }
0x1ca: {  	[sflag:s9] =	ssyncadd.s32 @!p0 $0xFFFFFC00;
	s9 =	simm.s32 @!p0 $0x2  }
0x1cb: {  	_ =	swait.ge @!p0 [sflag:s9], $0x400  }
0x1cc: {  	[sflag:s9] =	ssyncset.done @!p0 $0x0  }
0x1cd: {  	s10 =	simm.s32 @!p0 $0x14C00;
	[sflag:s9] =	ssyncadd.s32 @!p0 $0xFFFFFC00;
	s9 =	simm.s32 @!p0 $0x80  }
0x1ce: {  	[tilespmem:s10], [sflag:$0x5] =	stream.indirect.gather @!p0 [hbm4b:s1+s9], $0x80, s6, s9, $0xb8;
	[tilespmem:$0x1F380] =	vst v63  }
0x1cf: {  	_ =	swait.ge [sflag:s5], $0x4000  }
0x1d0: {  	[sflag:s5] =	ssyncset.done $0x0  }
0x1d1: {  	[sflag:s5] =	ssyncadd.s32 $0xFFFFC000  }
0x1d2: {  	v1 =	vld [tilespmem:$0x14B80];
	_ =	sdelay $0x7  }
0x1d3: {  	[tilespmem:v1+s19+$0x0] =	vst.idx.add.f32.msk $0xffff, v0  }
0x1d4: {  	v1 =	vld [tilespmem:$0x14B90];
	_ =	sdelay $0x7  }
0x1d5: {  	[tilespmem:v1+s19+$0x0] =	vst.idx.add.f32.msk $0xffff, v0  }
0x1d6: {  	v1 =	vld [tilespmem:$0x14BA0];
	_ =	sdelay $0x7  }
0x1d7: {  	[tilespmem:v1+s19+$0x0] =	vst.idx.add.f32.msk $0xffff, v0  }
0x1d8: {  	v1 =	vld [tilespmem:$0x14BB0];
	_ =	sdelay $0x7  }
0x1d9: {  	[tilespmem:v1+s19+$0x0] =	vst.idx.add.f32.msk $0xffff, v0  }
0x1da: {  	v1 =	vld [tilespmem:$0x14BC0];
	_ =	sdelay $0x7  }
0x1db: {  	[tilespmem:v1+s19+$0x0] =	vst.idx.add.f32.msk $0xffff, v0  }
0x1dc: {  	v1 =	vld [tilespmem:$0x14BD0];
	_ =	sdelay $0x7  }
0x1dd: {  	[tilespmem:v1+s19+$0x0] =	vst.idx.add.f32.msk $0xffff, v0  }
0x1de: {  	v1 =	vld [tilespmem:$0x14BE0];
	_ =	sdelay $0x7  }
0x1df: {  	[tilespmem:v1+s19+$0x0] =	vst.idx.add.f32.msk $0xffff, v0  }
0x1e0: {  	v1 =	vld [tilespmem:$0x14BF0];
	_ =	sdelay $0x4  }
.Ltmp2:
0x1e1: {  	_ = 	snop;
	(pc) =	sbr.rel @p0 .LBB2_4-.Ltmp2, $3  }
0x1e2: {  	_ =	sdelay $0x1  }
0x1e3: {  	[tilespmem:v1+s19+$0x0] =	vst.idx.add.f32.msk $0xffff, v0  }
0x1e4: {  	[spmem:s3] =	stream.indirect.scatter.add.f32 [tilespmem:s30], [sflag:$0x8], $0x80, s29, s26, $0xb8;
	[tilespmem:$0x1F380] =	vst v63  }
.Ltmp3:
0x1e5: {  	s6 =	sadd.s32 s2, s15;
	(pc) =	sbr.rel .LBB2_2-.Ltmp3, $4  }
0x1e6: {  	s21 =	sadd.s32 s2, s16;
	s6 =	sadd.s32 $0x180, s6  }
0x1e7: {  	[tilespmem:s24], [sflag:$0x3] =	stream.linear.gather [hbm4b:s6+s4], $0x400, $0x38;
	[tilespmem:$0x1F380] =	vst v63  }
0x1e8: {  	s2 =	sadd.s32 $0x100, s2;
	s6 =	sadd.s32 $0x180, s21  }
0x1e9: {  	[tilespmem:s25], [sflag:$0x4] =	stream.linear.gather [hbm4b:s6+s4], $0x400, $0x38;
	[tilespmem:$0x1F380] =	vst v63  }
.LBB2_5:
0x1ea: {  	_ =	sfence.sel $0x180000  }
0x1eb: {  	[bflag:$0x0] =	sbarrier.arrive $0xFFFF  }
0x1ec: {  	_ =	strace $0x90000047  }
0x1ed: {  	s0 =	stileid.u32;
	[bflag:$0x2] =	sbarrier.arrive $0xFFFF  }
0x1ee: {  	p0 =	sne.s32 s0, $0x0;
	s0 =	rddreg [dreg:$0x4]  }
0x1ef: {  	s0 =	sadd.s32 @!p0 $0x100000, s0  }
0x1f0: {  	[sflag:s0] =	ssyncadd.tile.s32 @!p0 $0x1;
	_ =	shalt  }
.Lfunc_end2:
_tile_overlayer_lowered:
.L_overlay_start_2:
0x1f1: {  	(tag) =	ssettag $0x2  }
0x1f2: {  	s0 =	rddreg [dreg:$0x0];
	s2 =	stileid.u32  }
0x1f3: {  	s1 =	rddreg [dreg:$0x1];
	p0 =	sne.s32 s2, $0x0  }
0x1f4: {  	s3 =	rddreg [dreg:$0x2];
	[bflag:$0x3] =	sbarrier.arrive $0xFFFF;
	s2 =	simm.s32 @!p0 $0x1C09  }
0x1f5: {  	[timem:s3], [sflag:s2] =	dma.local @!p0 [hbm:s0], s1  }
0x1f6: {  	s0 =	simm.s32 @!p0 $0x9  }
0x1f7: {  	_ =	swait.ge @!p0 [sflag:s0], s1  }
0x1f8: {  	s1 =	ssub.s32 @!p0 $0x0, s1;
	[sflag:s0] =	ssyncset.done @!p0 $0x0  }
0x1f9: {  	[sflag:s0] =	ssyncadd.s32 @!p0 s1  }
0x1fa: {  	[bflag:$0x3] =	sbarrier.arrive $0xFFFF  }
0x1fb: {  	_ =	shalt  }

// kernel: kernel.9.cloned.1.call-start
scs
__scs_entry_jumppad:
0x0: {  	(pc) =	sbr.rel $0x88, $3  }
0x1: {  	(tag) =	ssettag $0x0;
	lr =	simm.s32 $0x1  }
0x2: {  	[smem:$0x3F99] =	sst lr;
	_ =	strace $0xD0000000  }
0x3: {  	_ = 	snop  }
0x4: {  	_ = 	snop  }
0x5: {  	_ = 	snop  }
0x6: {  	_ = 	snop  }
0x7: {  	_ = 	snop  }
__scs_overlays_trampoline_lowered:
0x8: {  	[smem:$0x3FA8] =	sst s0  }
0x9: {  	[smem:$0x3FA9] =	sst s1  }
0xa: {  	[smem:$0x3FAA] =	sst s2  }
0xb: {  	[smem:$0x3FAB] =	sst s3  }
0xc: {  	[smem:$0x3FAC] =	sst s4  }
0xd: {  	[smem:$0x3FAD] =	sst s5  }
0xe: {  	[smem:$0x3FAE] =	sst s6  }
0xf: {  	[smem:$0x3FAF] =	sst s7  }
0x10: {  	[smem:$0x3FB0] =	sst s8  }
0x11: {  	[smem:$0x3FB1] =	sst s9;
	s0 =	simm.s32 @!p0 $0x0  }
0x12: {  	s1 =	sld [smem:$0x3F97];
	s0 =	simm.s32 @p0 $0x1  }
0x13: {  	[smem:$0x3FB2] =	sst s0;
	s0 =	simm.s32 @!p1 $0x0  }
0x14: {  	s2 =	sld [smem:$0x3F96];
	s0 =	simm.s32 @p1 $0x1  }
0x15: {  	[smem:$0x3FB3] =	sst s0;
	s0 =	simm.s32 @!p2 $0x0  }
0x16: {  	s3 =	sld [smem:$0x3FDB];
	s0 =	simm.s32 @p2 $0x1  }
0x17: {  	s4 =	simm.s32 $0x1BF5;
	[smem:$0x3FB5] =	sst s0  }
0x18: {  	s0 =	sld [smem:$0x3F98];
	_ =	swait.ge [sflag:s4], $0x0  }
0x19: {  	s7 =	sld [smem:$0x3F99]  }
0x1a: {  	s8 =	sadd.s32 $0xFFFFE003, lr  }
0x1b: {  	s9 =	sadd.s32 $0xFFFFFEF7, lr;
	s5 =	simm.s32 $0xFFFFFFFF;
	p2 =	slt.u32 s8, $0xFFFFF086  }
0x1c: {  	p1 =	slt.u32 s9, $0xF7A;
	s5 =	simm.s32 @!p2 $0x0  }
0x1d: {  	s5 =	simm.s32 @p1 $0x1;
	p0 =	seq.s32 s7, s2  }
0x1e: {  	s7 =	smul.u32 @!p0 $0xF7A, s2;
	p2 =	seq.s32 @!p0 s5, $0x0  }
0x1f: {  	s9 =	smul.u32 $0xF7A, s1;
	s8 =	simm.s32 @!p0 $0x1BF5;
	p2 =	por !p2, p0  }
0x20: {  	[sflag:s8] =	ssyncset.s32 @!p0 $0xFFFFF086;
	s6 =	sadd.s32 @!p0 s3, s7;
	s7 =	simm.s32 @!p0 $0x108  }
0x21: {  	s3 =	sadd.s32 s3, s9;
	s6 =	sadd.s32 @!p0 $0x88, s6;
	s7 =	simm.s32 @p2 $0x1082  }
0x22: {  	[simem:s7], [sflag:s8] =	dma.local @!p0 [hbm:s6], $0xF7A  }
0x23: {  	s9 =	sor.u32 $0xD0000000, s2;
	s6 =	simm.s32 $0x108;
	_ =	swait.ge @!p0 [sflag:s8], $0x0  }
0x24: {  	s3 =	sadd.s32 $0x88, s3;
	s6 =	simm.s32 @!p1 $0x1082;
	[sflag:s4] =	ssyncset.s32 $0xFFFFF086  }
0x25: {  	[simem:s6], [sflag:s4] =	dma.local [hbm:s3], $0xF7A  }
0x26: {  	[smem:$0x3F99] =	sst s1;
	(tag) =	ssettag s2;
	_ =	strace s9  }
0x27: {  	s1 =	sld [smem:$0x3FA9]  }
0x28: {  	s2 =	sld [smem:$0x3FAA]  }
0x29: {  	s4 =	sld [smem:$0x3FAC]  }
0x2a: {  	p0 =	seq.s32 s5, $0x0;
	s5 =	sld [smem:$0x3FAD]  }
0x2b: {  	s6 =	sld [smem:$0x3FAE]  }
0x2c: {  	s7 =	sld [smem:$0x3FAF]  }
0x2d: {  	s3 =	simm.s32 $0x108;
	s8 =	sld [smem:$0x3FB0]  }
0x2e: {  	s3 =	simm.s32 @!p0 $0x1082;
	s9 =	sld [smem:$0x3FB1]  }
0x2f: {  	lr =	sadd.s32 s0, s3;
	s0 =	sld [smem:$0x3FA8]  }
0x30: {  	s3 =	sld [smem:$0x3FAB]  }
0x31: {  	[smem:$0x3FB4] =	sst s10  }
0x32: {  	s10 =	sld [smem:$0x3FB2];
	_ =	sdelay $0x3  }
0x33: {  	p0 =	seq.s32 s10, $0x1;
	s10 =	sld [smem:$0x3FB4];
	_ =	sdelay $0x3  }
0x34: {  	[smem:$0x3FB4] =	sst s10  }
0x35: {  	s10 =	sld [smem:$0x3FB3];
	_ =	sdelay $0x3  }
0x36: {  	p1 =	seq.s32 s10, $0x1;
	s10 =	sld [smem:$0x3FB4];
	_ =	sdelay $0x3  }
0x37: {  	[smem:$0x3FB4] =	sst s10  }
0x38: {  	s10 =	sld [smem:$0x3FB5]  }
0x39: {  	_ = 	snop;
	(pc) =	sbr.ind lr, $3  }
0x3a: {  	_ = 	snop  }
0x3b: {  	_ = 	snop  }
0x3c: {  	p2 =	seq.s32 s10, $0x1;
	s10 =	sld [smem:$0x3FB4]  }
0x3d: {  	_ =	shalt  }
0x3e: {  	_ =	shalt  }
0x3f: {  	_ =	shalt  }
0x40: {  	_ =	shalt  }
0x41: {  	_ =	shalt  }
0x42: {  	_ =	shalt  }
0x43: {  	_ =	shalt  }
0x44: {  	_ =	shalt  }
0x45: {  	_ =	shalt  }
0x46: {  	_ =	shalt  }
0x47: {  	_ =	shalt  }
0x48: {  	_ =	shalt  }
0x49: {  	_ =	shalt  }
0x4a: {  	_ =	shalt  }
0x4b: {  	_ =	shalt  }
0x4c: {  	_ =	shalt  }
0x4d: {  	_ =	shalt  }
0x4e: {  	_ =	shalt  }
0x4f: {  	_ =	shalt  }
0x50: {  	_ =	shalt  }
0x51: {  	_ =	shalt  }
0x52: {  	_ =	shalt  }
0x53: {  	_ =	shalt  }
0x54: {  	_ =	shalt  }
0x55: {  	_ =	shalt  }
0x56: {  	_ =	shalt  }
0x57: {  	_ =	shalt  }
0x58: {  	_ =	shalt  }
0x59: {  	_ =	shalt  }
0x5a: {  	_ =	shalt  }
0x5b: {  	_ =	shalt  }
0x5c: {  	_ =	shalt  }
0x5d: {  	_ =	shalt  }
0x5e: {  	_ =	shalt  }
0x5f: {  	_ =	shalt  }
0x60: {  	_ =	shalt  }
0x61: {  	_ =	shalt  }
0x62: {  	_ =	shalt  }
0x63: {  	_ =	shalt  }
0x64: {  	_ =	shalt  }
0x65: {  	_ =	shalt  }
0x66: {  	_ =	shalt  }
0x67: {  	_ =	shalt  }
0x68: {  	_ =	shalt  }
0x69: {  	_ =	shalt  }
0x6a: {  	_ =	shalt  }
0x6b: {  	_ =	shalt  }
0x6c: {  	_ =	shalt  }
0x6d: {  	_ =	shalt  }
0x6e: {  	_ =	shalt  }
0x6f: {  	_ =	shalt  }
0x70: {  	_ =	shalt  }
0x71: {  	_ =	shalt  }
0x72: {  	_ =	shalt  }
0x73: {  	_ =	shalt  }
0x74: {  	_ =	shalt  }
0x75: {  	_ =	shalt  }
0x76: {  	_ =	shalt  }
0x77: {  	_ =	shalt  }
0x78: {  	_ =	shalt  }
0x79: {  	_ =	shalt  }
0x7a: {  	_ =	shalt  }
0x7b: {  	_ =	shalt  }
0x7c: {  	_ =	shalt  }
0x7d: {  	_ =	shalt  }
0x7e: {  	_ =	shalt  }
0x7f: {  	_ =	shalt  }
0x80: {  	_ =	shalt  }
0x81: {  	_ =	shalt  }
0x82: {  	_ =	shalt  }
0x83: {  	_ =	shalt  }
0x84: {  	_ =	shalt  }
0x85: {  	_ =	shalt  }
0x86: {  	_ =	shalt  }
0x87: {  	_ =	shalt  }
.Lfunc_end0:
.L_simem_size_0:
called_computation.1_lowered:
.L_overlay_start_0:
0x88: {  	s2 =	sld [smem:$0x3FD9]  }
0x89: {  	s3 =	sld [smem:$0x3FFE];
	_ =	sdelay $0x1  }
0x8a: {  	s1 =	srdreg.scid  }
0x8b: {  	s0 =	sand.u32 $0x1, s1  }
0x8c: {  	s17 =	sshll.u32 s0, $0xA;
	s2 =	sadd.s32 s3, s2  }
0x8d: {  	s2 =	sadd.s32 s2, s17  }
0x8e: {  	[smem:$0x3FC0] =	sst s2  }
0x8f: {  	_ = 	snop  }
0x90: {  	s2 =	sld [smem:$0x3FD0];
	(tm) =	ssettm $0x1  }
0x91: {  	s18 =	sld [smem:$0x3FFB];
	_ =	sdelay $0x3  }
0x92: {  	_ =	strace s18  }
0x93: {  	s3 =	sld [smem:$0x3FFC];
	_ =	sdelay $0x3  }
0x94: {  	_ =	strace s3  }
0x95: {  	s3 =	sld [smem:$0x3FFD];
	_ =	sdelay $0x3  }
0x96: {  	_ =	strace s3  }
0x97: {  	_ =	strace $0x8FFFFFFF  }
0x98: {  	s19 =	sld [smem:$0x3FDB];
	_ =	sdelay $0x1  }
0x99: {  	s4 =	simm.s32 $_scs_section_size  }
0x9a: {  	s5 =	simm.s32 $_size__tile_overlayer_lowered;
	s6 =	simm.s32 $_tile_overlayer_lowered  }
0x9b: {  	s22 =	simm.s32 $0x1BFF;
	s21 =	sshll.u32 s6, $0x1;
	s3 =	sadd.s32 s4, s19  }
0x9c: {  	s7 =	simm.s32 $0x0;
	s20 =	sshll.u32 s5, $0x1;
	s5 =	sadd.s32 s21, s3  }
0x9d: {  	[timem:s7], [sflag:s22] =	dma.local [hbm:s5], s20  }
0x9e: {  	_ =	swait.ge [sflag:s22], s20  }
0x9f: {  	s4 =	ssub.s32 $0x0, s20;
	[sflag:s22] =	ssyncset.done $0x0  }
0xa0: {  	[sflag:s22] =	ssyncadd.s32 s4;
	_ =	sdelay $0x1  }
0xa1: {  	s23 =	simm.s32 $0x1B8B  }
0xa2: {  	_ =	swait.ge [sflag:s23], $0x1  }
0xa3: {  	[sflag:s23] =	ssyncset.done $0x0  }
0xa4: {  	s25 =	simm.s32 $0x1B8E;
	s24 =	sld [smem:$0x3FFE];
	[sflag:s23] =	ssyncadd.s32 $0xFFFFFFFF  }
0xa5: {  	s26 =	simm.s32 $execute0_lowered;
	[smem:$0x3FD2] =	sst s25  }
0xa6: {  	s5 =	sshll.u32 s26, $0x1;
	_ =	strace $0x80000049;
	[dreg:$0x1] =	wrdreg $0xFFFFFFFF  }
0xa7: {  	s28 =	simm.s32 $_size_execute0_lowered;
	s3 =	sadd.s32 s3, s5;
	[dreg:$0x0] =	wrdreg $0x0  }
0xa8: {  	s5 =	sshll.u32 s28, $0x1;
	[dreg:$0x2] =	wrdreg s3  }
0xa9: {  	[dreg:$0x3] =	wrdreg s5  }
0xaa: {  	[dreg:$0x4] =	wrdreg $0xC0  }
0xab: {  	_ =	task [dreg:s7], $0x5FFFF  }
0xac: {  	[dreg:$0x1] =	wrdreg $0xFFFFFFFF  }
0xad: {  	[dreg:$0x0] =	wrdreg $0x60  }
0xae: {  	[dreg:$0x2] =	wrdreg s2  }
0xaf: {  	[dreg:$0x3] =	wrdreg s24  }
0xb0: {  	[dreg:$0x4] =	wrdreg $0x0  }
0xb1: {  	[dreg:$0x5] =	wrdreg $0x9  }
0xb2: {  	_ =	task.clear_ibuf [dreg:s7], $0x6FFFF;
	_ =	strace $0x90000049  }
0xb3: {  	s29 =	simm.s32 $0x9;
	_ =	strace $0x8000004B  }
0xb4: {  	_ =	swait.ge [sflag:s29], $0x1  }
0xb5: {  	[sflag:s29] =	ssyncadd.s32 $0xFFFFFFFF  }
0xb6: {  	_ =	strace $0x9000004B  }
0xb7: {  	_ =	sfence  }
0xb8: {  	s30 =	sld [smem:$0x0];
	_ =	sdelay $0x2  }
0xb9: {  	s31 =	sshll.u32 s1, $0xD;
	s1 =	sshrl.u32 s1, $0x2  }
0xba: {  	s3 =	sand.u32 $0x4000, s31;
	s1 =	sadd.s32 s1, s30  }
0xbb: {  	s0 =	sor.u32 s3, s0;
	s1 =	sshll.u32 s1, $0x11  }
0xbc: {  	s0 =	sor.u32 s1, s0  }
0xbd: {  	s0 =	sadd.s32 $0x8F2B, s0  }
0xbe: {  	[sflag:s0] =	ssyncadd.remote.s32 $0x1  }
0xbf: {  	_ =	sfence.sel $0xFFFF  }
0xc0: {  	[dreg:$0x0] =	wrdreg $0xFFFFFFFF;
	(pc) =	sbr.abs _section_cstart, $3  }
0xc1: {  	[dreg:$0x1] =	wrdreg $0xFFFFFFFF  }
0xc2: {  	_ =	task.clear_ibuf [dreg:s7], $0x2FFFF;
	_ =	strace $0x9FFFFFFF  }
0xc3: {  	(tm) =	ssettm $0x7FFFFFFF  }
tec
execute0_lowered:
.L_overlay_start_1:
0x0: {  	(tag) =	ssettag $0x1  }
0x1: {  	s2 =	rddreg [dreg:$0x0]  }
0x2: {  	s0 =	rddreg [dreg:$0x1]  }
0x3: {  	s3 =	rddreg [dreg:$0x2]  }
0x4: {  	s12 =	stileid.u32;
	s1 =	srdreg.scid;
	s4 =	simm.s32 $0x0  }
0x5: {  	s28 =	simm.s32 $0x5;
	s29 =	simm.s32 $0x7;
	s31 =	simm.s32 $0x6  }
0x6: {  	s30 =	simm.s32 $0x14B80;
	s5 =	smul.u32 $0x13C00, s12;
	s1 =	sand.u32 $0x1, s1  }
0x7: {  	[smem:$0x7FF] =	sst s4;
	s7 =	sadd.s32 $0x2000, s0;
	s11 =	smul.u32 $0x4F000, s12  }
0x8: {  	s14 =	sadd.s32 $0xC000, s0;
	s10 =	sshll.u32 s12, $0x1;
	s22 =	smul.u32 $0xA00, s12  }
0x9: {  	s17 =	sshll.u32 s12, $0x6;
	s12 =	simm.s32 $0x14A00;
	s6 =	smul.u32 $0x13C000, s1  }
0xa: {  	_ =	strace $0x8000004A;
	s9 =	ssub.s32 $0x2, s1;
	s10 =	sor.u32 s1, s10  }
0xb: {  	s18 =	sor.u32 $0x1C09, s17;
	s23 =	smul.u32 $0x500, s1;
	s1 =	simm.s32 $0x8  }
0xc: {  	s17 =	simm.s32 $0x4;
	s8 =	sshrl.u32 s5, $0x3;
	s15 =	sshrl.u32 s9, $0x1  }
0xd: {  	s16 =	sshrl.u32 s11, $0x2;
	s10 =	smul.u32 $0x500, s10;
	s25 =	sadd.s32 s22, s7  }
0xe: {  	s26 =	sadd.s32 s22, s14;
	s22 =	simm.s32 $0x14800;
	s11 =	simm.s32 $0x14680  }
0xf: {  	s5 =	sadd.s32 s5, s6;
	s8 =	sadd.s32 s8, s0;
	s13 =	sadd.s32 s23, s25  }
0x10: {  	s25 =	simm.s32 $0x3;
	s6 =	simm.s32 $0x14700;
	s5 =	sshrl.u32 s5, $0x3  }
0x11: {  	s8 =	sadd.s32 $0x16600, s8;
	s19 =	sadd.s32 s7, s10;
	s20 =	sor.u32 $0x80, s10  }
0x12: {  	s10 =	sadd.s32 s14, s10;
	s0 =	sadd.s32 s5, s0;
	[dreg:$0x4] =	wrdreg s8  }
0x13: {  	s5 =	ssub.s32 s9, s15;
	s9 =	sadd.s32 s16, s3;
	[dreg:$0x6] =	wrdreg s19  }
0x14: {  	[dreg:$0x7] =	wrdreg s10;
	s21 =	sadd.s32 s7, s20;
	s8 =	sadd.s32 s14, s20  }
0x15: {  	s14 =	sadd.s32 s23, s26;
	s19 =	simm.s32 $0x1;
	s20 =	simm.s32 $0x2  }
0x16: {  	s23 =	simm.s32 $0x80;
	s26 =	simm.s32 $0x18C00;
	s10 =	simm.s32 $0x14980  }
0x17: {  	s15 =	simm.s32 $0x14A80;
	s16 =	simm.s32 $0x14780;
	[dreg:$0x8] =	wrdreg s21  }
.Ltmp0:
0x18: {  	[dreg:$0x9] =	wrdreg s8;
	s0 =	sadd.s32 $0x3DE00, s0;
	(pc) =	sbr.rel .LBB2_1-.Ltmp0, $4  }
0x19: {  	s24 =	smax.u32 s5, $0x1;
	s5 =	smov.u32 s18;
	[dreg:$0xa] =	wrdreg s0  }
0x1a: {  	s7 =	sshrl.u32 s9, $0x3;
	s8 =	simm.s32 $0x9;
	[dreg:$0xb] =	wrdreg s24  }
0x1b: {  	s21 =	simm.s32 $0x14400;
	s18 =	simm.s32 $0x14B00;
	[dreg:$0x5] =	wrdreg s5  }
0x1c: {  	s9 =	simm.s32 $0x0;
	s24 =	simm.s32 $0x14C00;
	[dreg:$0xc] =	wrdreg s7  }
.LBB2_4:
0x1d: {  	_ =	swait.ge [sflag:s31], $0x4000  }
0x1e: {  	[sflag:s31] =	ssyncset.done $0x0  }
0x1f: {  	[sflag:s31] =	ssyncadd.s32 $0xFFFFC000  }
0x20: {  	[spmem:s3] =	stream.indirect.scatter.add.f32 [tilespmem:s26], [sflag:$0x8], $0x80, s30, s23, $0xb8;
	[tilespmem:$0x1CC00] =	vst v63  }
0x21: {  	_ =	swait.ge [sflag:s1], $0x4000  }
0x22: {  	[sflag:s1] =	ssyncset.done $0x0  }
0x23: {  	[sflag:s1] =	ssyncadd.s32 $0xFFFFC000  }
0x24: {  	[bflag:$0x0] =	sbarrier.arrive $0xFFFF  }
0x25: {  	s5 =	rddreg [dreg:$0x5]  }
0x26: {  	s0 =	rddreg [dreg:$0xa]  }
0x27: {  	s8 =	simm.s32 $0x9;
	s7 =	rddreg [dreg:$0xc]  }
0x28: {  	[hbm:s0], [sflag:s5] =	dma.local [spmem:s7], $0x2780  }
0x29: {  	_ =	swait.ge [sflag:s8], $0x2780  }
0x2a: {  	s9 =	rddreg [dreg:$0xd]  }
0x2b: {  	s0 =	rddreg [dreg:$0xb];
	s9 =	sadd.s32 $0x1, s9  }
0x2c: {  	p0 =	sne.s32 s9, s0  }
.Ltmp1:
0x2d: {  	_ = 	snop;
	(pc) =	sbr.rel @!p0 .LBB2_5-.Ltmp1, $3  }
0x2e: {  	_ =	sdelay $0x1  }
0x2f: {  	[sflag:s8] =	ssyncset.done $0x0  }
0x30: {  	[sflag:s8] =	ssyncadd.s32 $0xFFFFD880  }
.LBB2_1:
0x31: {  	[dreg:$0xd] =	wrdreg s9  }
0x32: {  	s0 =	rddreg [dreg:$0x4]  }
0x33: {  	[spmem:s7], [sflag:s5] =	dma.local [hbm:s0], $0x2780  }
0x34: {  	_ =	swait.ge [sflag:s8], $0x2780  }
0x35: {  	[sflag:s8] =	ssyncset.done $0x0  }
0x36: {  	[sflag:s8] =	ssyncadd.s32 $0xFFFFD880  }
0x37: {  	[bflag:$0x0] =	sbarrier.arrive $0xFFFF  }
0x38: {  	s5 =	simm.s32 $0x13C00;
	s7 =	rddreg [dreg:$0x6]  }
0x39: {  	[tilespmem:s5], [sflag:$0x1] =	stream.linear.gather [hbm4b:s7+s4], $0x400, $0x38;
	[tilespmem:$0x1CC00] =	vst v63  }
0x3a: {  	s9 =	simm.s32 $0x14000;
	s8 =	rddreg [dreg:$0x7]  }
0x3b: {  	[tilespmem:s9], [sflag:$0x2] =	stream.linear.gather [hbm4b:s8+s4], $0x400, $0x38;
	[tilespmem:$0x1CC00] =	vst v63  }
0x3c: {  	_ =	swait.ge [sflag:s19], $0x400  }
0x3d: {  	[sflag:s19] =	ssyncset.done $0x0  }
0x3e: {  	[sflag:s19] =	ssyncadd.s32 $0xFFFFFC00  }
0x3f: {  	_ =	swait.ge [sflag:s20], $0x400  }
0x40: {  	[sflag:s20] =	ssyncset.done $0x0  }
0x41: {  	s8 =	rddreg [dreg:$0x8];
	[sflag:s20] =	ssyncadd.s32 $0xFFFFFC00  }
0x42: {  	[tilespmem:s21], [sflag:$0x3] =	stream.linear.gather [hbm4b:s8+s4], $0x400, $0x38;
	[tilespmem:$0x1CC00] =	vst v63  }
0x43: {  	s9 =	rddreg [dreg:$0x9]  }
0x44: {  	[tilespmem:s22], [sflag:$0x4] =	stream.linear.gather [hbm4b:s9+s4], $0x400, $0x38;
	[tilespmem:$0x1CC00] =	vst v63  }
0x45: {  	s0 =	simm.s32 $0x0;
	s9 =	simm.s32 $0x13C00  }
0x46: {  	[tilespmem:s24], [sflag:$0x5] =	stream.indirect.gather [hbm4b:s2+s23], $0x80, s5, s23, $0xb8;
	[tilespmem:$0x1CC00] =	vst v63  }
.LBB2_2:
0x47: {  	p0 =	seq.s32 s0, $0x0  }
0x48: {  	s5 =	simm.s32 @!p0 $0x8  }
0x49: {  	_ =	swait.ge @!p0 [sflag:s5], $0x4000  }
0x4a: {  	[sflag:s5] =	ssyncset.done @!p0 $0x0  }
0x4b: {  	s8 =	simm.s32 $0x13C80;
	[sflag:s5] =	ssyncadd.s32 @!p0 $0xFFFFC000  }
0x4c: {  	[tilespmem:s26], [sflag:$0x6] =	stream.indirect.gather [hbm4b:s2+s23], $0x80, s8, s23, $0xb8;
	[tilespmem:$0x1CC00] =	vst v63  }
0x4d: {  	_ =	swait.ge [sflag:s28], $0x4000  }
0x4e: {  	[sflag:s28] =	ssyncset.done $0x0  }
0x4f: {  	s7 =	simm.s32 $0x14000;
	[sflag:s28] =	ssyncadd.s32 $0xFFFFC000  }
0x50: {  	[spmem:s3] =	stream.indirect.scatter.add.f32 [tilespmem:s24], [sflag:$0x7], $0x80, s7, s23, $0xb8;
	[tilespmem:$0x1CC00] =	vst v63  }
0x51: {  	_ =	swait.ge [sflag:s29], $0x4000  }
0x52: {  	[sflag:s29] =	ssyncset.done $0x0  }
0x53: {  	s8 =	simm.s32 $0x13D00;
	[sflag:s29] =	ssyncadd.s32 $0xFFFFC000  }
0x54: {  	[tilespmem:s24], [sflag:$0x5] =	stream.indirect.gather [hbm4b:s2+s23], $0x80, s8, s23, $0xb8;
	[tilespmem:$0x1CC00] =	vst v63  }
0x55: {  	_ =	swait.ge [sflag:s31], $0x4000  }
0x56: {  	[sflag:s31] =	ssyncset.done $0x0  }
0x57: {  	s7 =	simm.s32 $0x14080;
	[sflag:s31] =	ssyncadd.s32 $0xFFFFC000  }
0x58: {  	[spmem:s3] =	stream.indirect.scatter.add.f32 [tilespmem:s26], [sflag:$0x8], $0x80, s7, s23, $0xb8;
	[tilespmem:$0x1CC00] =	vst v63  }
0x59: {  	_ =	swait.ge [sflag:s1], $0x4000  }
0x5a: {  	[sflag:s1] =	ssyncset.done $0x0  }
0x5b: {  	s8 =	simm.s32 $0x13D80;
	[sflag:s1] =	ssyncadd.s32 $0xFFFFC000  }
0x5c: {  	[tilespmem:s26], [sflag:$0x6] =	stream.indirect.gather [hbm4b:s2+s23], $0x80, s8, s23, $0xb8;
	[tilespmem:$0x1CC00] =	vst v63  }
0x5d: {  	_ =	swait.ge [sflag:s28], $0x4000  }
0x5e: {  	[sflag:s28] =	ssyncset.done $0x0  }
0x5f: {  	s7 =	simm.s32 $0x14100;
	[sflag:s28] =	ssyncadd.s32 $0xFFFFC000  }
0x60: {  	[spmem:s3] =	stream.indirect.scatter.add.f32 [tilespmem:s24], [sflag:$0x7], $0x80, s7, s23, $0xb8;
	[tilespmem:$0x1CC00] =	vst v63  }
0x61: {  	_ =	swait.ge [sflag:s29], $0x4000  }
0x62: {  	[sflag:s29] =	ssyncset.done $0x0  }
0x63: {  	s8 =	simm.s32 $0x13E00;
	[sflag:s29] =	ssyncadd.s32 $0xFFFFC000  }
0x64: {  	[tilespmem:s24], [sflag:$0x5] =	stream.indirect.gather [hbm4b:s2+s23], $0x80, s8, s23, $0xb8;
	[tilespmem:$0x1CC00] =	vst v63  }
0x65: {  	_ =	swait.ge [sflag:s31], $0x4000  }
0x66: {  	[sflag:s31] =	ssyncset.done $0x0  }
0x67: {  	s7 =	simm.s32 $0x14180;
	[sflag:s31] =	ssyncadd.s32 $0xFFFFC000  }
0x68: {  	[spmem:s3] =	stream.indirect.scatter.add.f32 [tilespmem:s26], [sflag:$0x8], $0x80, s7, s23, $0xb8;
	[tilespmem:$0x1CC00] =	vst v63  }
0x69: {  	_ =	swait.ge [sflag:s1], $0x4000  }
0x6a: {  	[sflag:s1] =	ssyncset.done $0x0  }
0x6b: {  	s8 =	simm.s32 $0x13E80;
	[sflag:s1] =	ssyncadd.s32 $0xFFFFC000  }
0x6c: {  	[tilespmem:s26], [sflag:$0x6] =	stream.indirect.gather [hbm4b:s2+s23], $0x80, s8, s23, $0xb8;
	[tilespmem:$0x1CC00] =	vst v63  }
0x6d: {  	_ =	swait.ge [sflag:s28], $0x4000  }
0x6e: {  	[sflag:s28] =	ssyncset.done $0x0  }
0x6f: {  	s7 =	simm.s32 $0x14200;
	[sflag:s28] =	ssyncadd.s32 $0xFFFFC000  }
0x70: {  	[spmem:s3] =	stream.indirect.scatter.add.f32 [tilespmem:s24], [sflag:$0x7], $0x80, s7, s23, $0xb8;
	[tilespmem:$0x1CC00] =	vst v63  }
0x71: {  	_ =	swait.ge [sflag:s29], $0x4000  }
0x72: {  	[sflag:s29] =	ssyncset.done $0x0  }
0x73: {  	s8 =	simm.s32 $0x13F00;
	[sflag:s29] =	ssyncadd.s32 $0xFFFFC000  }
0x74: {  	[tilespmem:s24], [sflag:$0x5] =	stream.indirect.gather [hbm4b:s2+s23], $0x80, s8, s23, $0xb8;
	[tilespmem:$0x1CC00] =	vst v63  }
0x75: {  	_ =	swait.ge [sflag:s31], $0x4000  }
0x76: {  	[sflag:s31] =	ssyncset.done $0x0  }
0x77: {  	s7 =	simm.s32 $0x14280;
	[sflag:s31] =	ssyncadd.s32 $0xFFFFC000  }
0x78: {  	[spmem:s3] =	stream.indirect.scatter.add.f32 [tilespmem:s26], [sflag:$0x8], $0x80, s7, s23, $0xb8;
	[tilespmem:$0x1CC00] =	vst v63  }
0x79: {  	_ =	swait.ge [sflag:s1], $0x4000  }
0x7a: {  	[sflag:s1] =	ssyncset.done $0x0  }
0x7b: {  	s8 =	simm.s32 $0x13F80;
	[sflag:s1] =	ssyncadd.s32 $0xFFFFC000  }
0x7c: {  	[tilespmem:s26], [sflag:$0x6] =	stream.indirect.gather [hbm4b:s2+s23], $0x80, s8, s23, $0xb8;
	[tilespmem:$0x1CC00] =	vst v63  }
0x7d: {  	_ =	swait.ge [sflag:s28], $0x4000  }
0x7e: {  	[sflag:s28] =	ssyncset.done $0x0  }
0x7f: {  	s7 =	simm.s32 $0x14300;
	[sflag:s28] =	ssyncadd.s32 $0xFFFFC000  }
0x80: {  	[spmem:s3] =	stream.indirect.scatter.add.f32 [tilespmem:s24], [sflag:$0x7], $0x80, s7, s23, $0xb8;
	[tilespmem:$0x1CC00] =	vst v63  }
0x81: {  	_ =	swait.ge [sflag:s29], $0x4000  }
0x82: {  	[sflag:s29] =	ssyncset.done $0x0  }
0x83: {  	[sflag:s29] =	ssyncadd.s32 $0xFFFFC000  }
0x84: {  	_ =	swait.ge [sflag:s25], $0x400  }
0x85: {  	[sflag:s25] =	ssyncset.done $0x0  }
0x86: {  	[sflag:s25] =	ssyncadd.s32 $0xFFFFFC00  }
0x87: {  	_ =	swait.ge [sflag:s17], $0x400  }
0x88: {  	[sflag:s17] =	ssyncset.done $0x0  }
0x89: {  	[sflag:s17] =	ssyncadd.s32 $0xFFFFFC00  }
0x8a: {  	[tilespmem:s24], [sflag:$0x5] =	stream.indirect.gather [hbm4b:s2+s23], $0x80, s21, s23, $0xb8;
	[tilespmem:$0x1CC00] =	vst v63  }
0x8b: {  	_ =	swait.ge [sflag:s31], $0x4000  }
0x8c: {  	p0 =	seq.s32 s0, $0x400;
	[sflag:s31] =	ssyncset.done $0x0  }
0x8d: {  	s5 =	sadd.s32 @!p0 s0, s13;
	s8 =	simm.s32 $0x14380;
	[sflag:s31] =	ssyncadd.s32 $0xFFFFC000  }
0x8e: {  	[spmem:s3] =	stream.indirect.scatter.add.f32 [tilespmem:s26], [sflag:$0x8], $0x80, s8, s23, $0xb8;
	[tilespmem:$0x1CC00] =	vst v63  }
0x8f: {  	s5 =	sadd.s32 @!p0 $0x100, s5;
	s7 =	simm.s32 @!p0 $0x0;
	s8 =	simm.s32 @!p0 $0x13C00  }
0x90: {  	[tilespmem:s8], [sflag:$0x1] =	stream.linear.gather @!p0 [hbm4b:s5+s7], $0x400, $0x38;
	[tilespmem:$0x1CC00] =	vst v63  }
0x91: {  	s5 =	sadd.s32 @!p0 s0, s14  }
0x92: {  	s8 =	simm.s32 @!p0 $0x14000;
	s5 =	sadd.s32 @!p0 $0x100, s5  }
0x93: {  	[tilespmem:s8], [sflag:$0x2] =	stream.linear.gather @!p0 [hbm4b:s5+s7], $0x400, $0x38;
	[tilespmem:$0x1CC00] =	vst v63  }
0x94: {  	_ =	swait.ge [sflag:s1], $0x4000  }
0x95: {  	[sflag:s1] =	ssyncset.done $0x0  }
0x96: {  	s7 =	simm.s32 $0x14480;
	[sflag:s1] =	ssyncadd.s32 $0xFFFFC000  }
0x97: {  	[tilespmem:s26], [sflag:$0x6] =	stream.indirect.gather [hbm4b:s2+s23], $0x80, s7, s23, $0xb8;
	[tilespmem:$0x1CC00] =	vst v63  }
0x98: {  	_ =	swait.ge [sflag:s28], $0x4000  }
0x99: {  	[sflag:s28] =	ssyncset.done $0x0  }
0x9a: {  	[sflag:s28] =	ssyncadd.s32 $0xFFFFC000  }
0x9b: {  	[spmem:s3] =	stream.indirect.scatter.add.f32 [tilespmem:s24], [sflag:$0x7], $0x80, s22, s23, $0xb8;
	[tilespmem:$0x1CC00] =	vst v63  }
0x9c: {  	_ =	swait.ge [sflag:s29], $0x4000  }
0x9d: {  	[sflag:s29] =	ssyncset.done $0x0  }
0x9e: {  	s8 =	simm.s32 $0x14500;
	[sflag:s29] =	ssyncadd.s32 $0xFFFFC000  }
0x9f: {  	[tilespmem:s24], [sflag:$0x5] =	stream.indirect.gather [hbm4b:s2+s23], $0x80, s8, s23, $0xb8;
	[tilespmem:$0x1CC00] =	vst v63  }
0xa0: {  	_ =	swait.ge [sflag:s31], $0x4000  }
0xa1: {  	[sflag:s31] =	ssyncset.done $0x0  }
0xa2: {  	s7 =	simm.s32 $0x14880;
	[sflag:s31] =	ssyncadd.s32 $0xFFFFC000  }
0xa3: {  	[spmem:s3] =	stream.indirect.scatter.add.f32 [tilespmem:s26], [sflag:$0x8], $0x80, s7, s23, $0xb8;
	[tilespmem:$0x1CC00] =	vst v63  }
0xa4: {  	_ =	swait.ge [sflag:s1], $0x4000  }
0xa5: {  	[sflag:s1] =	ssyncset.done $0x0  }
0xa6: {  	s8 =	simm.s32 $0x14580;
	[sflag:s1] =	ssyncadd.s32 $0xFFFFC000  }
0xa7: {  	[tilespmem:s26], [sflag:$0x6] =	stream.indirect.gather [hbm4b:s2+s23], $0x80, s8, s23, $0xb8;
	[tilespmem:$0x1CC00] =	vst v63  }
0xa8: {  	_ =	swait.ge [sflag:s28], $0x4000  }
0xa9: {  	[sflag:s28] =	ssyncset.done $0x0  }
0xaa: {  	s7 =	simm.s32 $0x14900;
	[sflag:s28] =	ssyncadd.s32 $0xFFFFC000  }
0xab: {  	[spmem:s3] =	stream.indirect.scatter.add.f32 [tilespmem:s24], [sflag:$0x7], $0x80, s7, s23, $0xb8;
	[tilespmem:$0x1CC00] =	vst v63  }
0xac: {  	_ =	swait.ge [sflag:s29], $0x4000  }
0xad: {  	[sflag:s29] =	ssyncset.done $0x0  }
0xae: {  	s8 =	simm.s32 $0x14600;
	[sflag:s29] =	ssyncadd.s32 $0xFFFFC000  }
0xaf: {  	[tilespmem:s24], [sflag:$0x5] =	stream.indirect.gather [hbm4b:s2+s23], $0x80, s8, s23, $0xb8;
	[tilespmem:$0x1CC00] =	vst v63  }
0xb0: {  	_ =	swait.ge [sflag:s31], $0x4000  }
0xb1: {  	[sflag:s31] =	ssyncset.done $0x0  }
0xb2: {  	[sflag:s31] =	ssyncadd.s32 $0xFFFFC000  }
0xb3: {  	[spmem:s3] =	stream.indirect.scatter.add.f32 [tilespmem:s26], [sflag:$0x8], $0x80, s10, s23, $0xb8;
	[tilespmem:$0x1CC00] =	vst v63  }
0xb4: {  	_ =	swait.ge [sflag:s1], $0x4000  }
0xb5: {  	[sflag:s1] =	ssyncset.done $0x0  }
0xb6: {  	[sflag:s1] =	ssyncadd.s32 $0xFFFFC000  }
0xb7: {  	[tilespmem:s26], [sflag:$0x6] =	stream.indirect.gather [hbm4b:s2+s23], $0x80, s11, s23, $0xb8;
	[tilespmem:$0x1CC00] =	vst v63  }
0xb8: {  	_ =	swait.ge [sflag:s28], $0x4000  }
0xb9: {  	[sflag:s28] =	ssyncset.done $0x0  }
0xba: {  	[sflag:s28] =	ssyncadd.s32 $0xFFFFC000  }
0xbb: {  	[spmem:s3] =	stream.indirect.scatter.add.f32 [tilespmem:s24], [sflag:$0x7], $0x80, s12, s23, $0xb8;
	[tilespmem:$0x1CC00] =	vst v63  }
0xbc: {  	_ =	swait.ge [sflag:s29], $0x4000  }
0xbd: {  	[sflag:s29] =	ssyncset.done $0x0  }
0xbe: {  	[sflag:s29] =	ssyncadd.s32 $0xFFFFC000  }
0xbf: {  	[tilespmem:s24], [sflag:$0x5] =	stream.indirect.gather [hbm4b:s2+s23], $0x80, s6, s23, $0xb8;
	[tilespmem:$0x1CC00] =	vst v63  }
0xc0: {  	_ =	swait.ge [sflag:s31], $0x4000  }
0xc1: {  	[sflag:s31] =	ssyncset.done $0x0  }
0xc2: {  	[sflag:s31] =	ssyncadd.s32 $0xFFFFC000  }
0xc3: {  	[spmem:s3] =	stream.indirect.scatter.add.f32 [tilespmem:s26], [sflag:$0x8], $0x80, s15, s23, $0xb8;
	[tilespmem:$0x1CC00] =	vst v63  }
0xc4: {  	_ =	swait.ge [sflag:s1], $0x4000  }
0xc5: {  	[sflag:s1] =	ssyncset.done $0x0  }
0xc6: {  	[sflag:s1] =	ssyncadd.s32 $0xFFFFC000  }
0xc7: {  	[tilespmem:s26], [sflag:$0x6] =	stream.indirect.gather [hbm4b:s2+s23], $0x80, s16, s23, $0xb8;
	[tilespmem:$0x1CC00] =	vst v63  }
0xc8: {  	_ =	swait.ge [sflag:s28], $0x4000  }
0xc9: {  	[sflag:s28] =	ssyncset.done $0x0  }
.Ltmp2:
0xca: {  	[sflag:s28] =	ssyncadd.s32 $0xFFFFC000;
	(pc) =	sbr.rel @p0 .LBB2_4-.Ltmp2, $4  }
0xcb: {  	[spmem:s3] =	stream.indirect.scatter.add.f32 [tilespmem:s24], [sflag:$0x7], $0x80, s18, s23, $0xb8;
	[tilespmem:$0x1CC00] =	vst v63  }
0xcc: {  	_ =	swait.ge [sflag:s29], $0x4000  }
0xcd: {  	[sflag:s29] =	ssyncset.done $0x0  }
0xce: {  	[sflag:s29] =	ssyncadd.s32 $0xFFFFC000  }
0xcf: {  	_ =	swait.ge [sflag:s19], $0x400  }
0xd0: {  	[sflag:s19] =	ssyncset.done $0x0  }
0xd1: {  	[sflag:s19] =	ssyncadd.s32 $0xFFFFFC00  }
0xd2: {  	_ =	swait.ge [sflag:s20], $0x400  }
0xd3: {  	[sflag:s20] =	ssyncset.done $0x0  }
0xd4: {  	[sflag:s20] =	ssyncadd.s32 $0xFFFFFC00  }
0xd5: {  	[tilespmem:s24], [sflag:$0x5] =	stream.indirect.gather [hbm4b:s2+s23], $0x80, s9, s23, $0xb8;
	[tilespmem:$0x1CC00] =	vst v63  }
0xd6: {  	_ =	swait.ge [sflag:s31], $0x4000  }
0xd7: {  	[sflag:s31] =	ssyncset.done $0x0  }
0xd8: {  	[sflag:s31] =	ssyncadd.s32 $0xFFFFC000  }
0xd9: {  	[spmem:s3] =	stream.indirect.scatter.add.f32 [tilespmem:s26], [sflag:$0x8], $0x80, s30, s23, $0xb8;
	[tilespmem:$0x1CC00] =	vst v63  }
.Ltmp3:
0xda: {  	s5 =	sadd.s32 s0, s13;
	(pc) =	sbr.rel .LBB2_2-.Ltmp3, $4  }
0xdb: {  	s8 =	sadd.s32 s0, s14;
	s5 =	sadd.s32 $0x180, s5  }
0xdc: {  	[tilespmem:s21], [sflag:$0x3] =	stream.linear.gather [hbm4b:s5+s4], $0x400, $0x38;
	[tilespmem:$0x1CC00] =	vst v63  }
0xdd: {  	s0 =	sadd.s32 $0x100, s0;
	s5 =	sadd.s32 $0x180, s8  }
0xde: {  	[tilespmem:s22], [sflag:$0x4] =	stream.linear.gather [hbm4b:s5+s4], $0x400, $0x38;
	[tilespmem:$0x1CC00] =	vst v63  }
.LBB2_5:
0xdf: {  	_ =	sfence.sel $0x180000  }
0xe0: {  	[bflag:$0x0] =	sbarrier.arrive $0xFFFF  }
0xe1: {  	_ =	strace $0x9000004A  }
0xe2: {  	s0 =	stileid.u32;
	[bflag:$0x2] =	sbarrier.arrive $0xFFFF  }
0xe3: {  	p0 =	sne.s32 s0, $0x0;
	s0 =	rddreg [dreg:$0x3]  }
0xe4: {  	s0 =	sadd.s32 @!p0 $0x100000, s0  }
0xe5: {  	[sflag:s0] =	ssyncadd.tile.s32 @!p0 $0x1;
	_ =	shalt  }
.Lfunc_end2:
_tile_overlayer_lowered:
.L_overlay_start_2:
0xe6: {  	(tag) =	ssettag $0x2  }
0xe7: {  	s0 =	rddreg [dreg:$0x0];
	s2 =	stileid.u32  }
0xe8: {  	s1 =	rddreg [dreg:$0x1];
	p0 =	sne.s32 s2, $0x0  }
0xe9: {  	s3 =	rddreg [dreg:$0x2];
	[bflag:$0x3] =	sbarrier.arrive $0xFFFF;
	s2 =	simm.s32 @!p0 $0x1C09  }
0xea: {  	[timem:s3], [sflag:s2] =	dma.local @!p0 [hbm:s0], s1  }
0xeb: {  	s0 =	simm.s32 @!p0 $0x9  }
0xec: {  	_ =	swait.ge @!p0 [sflag:s0], s1  }
0xed: {  	s1 =	ssub.s32 @!p0 $0x0, s1;
	[sflag:s0] =	ssyncset.done @!p0 $0x0  }
0xee: {  	[sflag:s0] =	ssyncadd.s32 @!p0 s1  }
0xef: {  	[bflag:$0x3] =	sbarrier.arrive $0xFFFF  }
0xf0: {  	_ =	shalt  }

</sc_bundles>
